<compile_context>
chip_gen: v7x
topology: tpu7x:2x2x1
jax: 0.10.2.dev20260603
libtpu: 0.0.44.dev20260713+nightly
codegen_flags: <defaults>
</compile_context>

<pallas_src>
import functools

import jax
import jax.numpy as jnp
from jax import lax
from jax.experimental import pallas as pl
from jax.experimental.pallas import tpu as pltpu
from jax.experimental.pallas import tpu_sc as plsc

B, T, D = 4096, 50, 128
NC, NS = 2, 16
NW = NC * NS
BPW = B // NW

C = 128
NCH = B // C
K = 4


def _sc_gather_body(idx_hbm, table_hbm, emb_hbm, idx_v, rows_v, sem):
    wid = lax.axis_index("s") * NC + lax.axis_index("c")
    base = wid * BPW
    pltpu.sync_copy(idx_hbm.at[pl.ds(base, BPW)], idx_v)
    pltpu.async_copy(table_hbm.at[idx_v], rows_v, sem).wait()
    pltpu.sync_copy(rows_v, emb_hbm.at[pl.ds(base, BPW)])


def _tc_concat_body(emb_hbm, feat_hbm, out_hbm,
                    feat_buf, emb_buf, out_buf,
                    in_sems, emb_sems, out_sems):
    def in_copies(g, slot):
        return (
            pltpu.make_async_copy(
                feat_hbm.at[pl.ds(g * C, C)], feat_buf.at[slot],
                in_sems.at[slot]),
            pltpu.make_async_copy(
                emb_hbm.at[pl.ds(g * C, C)], emb_buf.at[slot],
                emb_sems.at[slot]),
        )

    def out_copy(g, slot):
        return pltpu.make_async_copy(
            out_buf.at[slot], out_hbm.at[pl.ds(g * C, C)],
            out_sems.at[slot])

    for g in range(K):
        for c in in_copies(g, g):
            c.start()

    for g in range(NCH):
        slot = g % K
        for c in in_copies(g, slot):
            c.wait()
        if g >= K:
            out_copy(g - K, slot).wait()
        out_buf[slot, :, 0, :] = emb_buf[slot]
        out_buf[slot, :, 1:, :] = feat_buf[slot]
        out_copy(g, slot).start()
        if g + K < NCH:
            for c in in_copies(g + K, slot):
                c.start()

    for t in range(NCH - K, NCH):
        out_copy(t, t % K).wait()


@jax.jit
def _run(feature, idx, table):
    mesh = plsc.VectorSubcoreMesh(core_axis_name="c", subcore_axis_name="s")
    emb = functools.partial(
        pl.kernel,
        out_type=jax.ShapeDtypeStruct((B, D), jnp.float32),
        mesh=mesh,
        scratch_types=[
            pltpu.VMEM((BPW,), jnp.int32),
            pltpu.VMEM((BPW, D), jnp.float32),
            pltpu.SemaphoreType.DMA,
        ],
    )(_sc_gather_body)(idx, table)

    return pl.pallas_call(
        _tc_concat_body,
        in_specs=[
            pl.BlockSpec(memory_space=pl.ANY),
            pl.BlockSpec(memory_space=pl.ANY),
        ],
        out_specs=pl.BlockSpec(memory_space=pl.ANY),
        out_shape=jax.ShapeDtypeStruct((B, T + 1, D), jnp.float32),
        scratch_shapes=[
            pltpu.VMEM((K, C, T, D), jnp.float32),
            pltpu.VMEM((K, C, D), jnp.float32),
            pltpu.VMEM((K, C, T + 1, D), jnp.float32),
            pltpu.SemaphoreType.DMA((K,)),
            pltpu.SemaphoreType.DMA((K,)),
            pltpu.SemaphoreType.DMA((K,)),
        ],
    )(emb, feature)


def kernel(feature, index_value, embedding_table):
    idx = index_value.astype(jnp.int32)
    return _run(feature, idx, embedding_table)

# --- scband reference (transcript-rebuilt; emitter-appended) ---
"""Pipeline reference for scband-concat-embedding-to-mel-638 (READ-ONLY COPY).

The authoritative reference and input builder live on the scoring server;
editing this copy changes nothing except your own understanding.
"""

import jax, jax.numpy as jnp
import numpy as np

N_VOCAB = 100000
N_DIM = 128
EMBEDDING_OFFSET = 0


def setup_inputs(seed: int = 0) -> dict:
    key = jax.random.key(seed)
    k1, k2, k3 = jax.random.split(key, 3)
    feature = jax.random.normal(k1, (4096, 50, N_DIM), dtype=jnp.float32)
    index_value = jax.random.randint(k2, (4096,), 0, N_VOCAB, dtype=jnp.int64)
    embedding_table = jax.random.normal(k3, (N_VOCAB, N_DIM), dtype=jnp.float32) * 0.02
    return {"feature": feature, "index_value": index_value, "embedding_table": embedding_table}


def reference(feature, index_value, embedding_table):
    # index_value: (batch,), feature: (batch, time, feature_dim)
    index_shifted = index_value - EMBEDDING_OFFSET
    composer_embedding = jnp.take(embedding_table, index_shifted, axis=0)  # (batch, n_dim)
    composer_embedding = composer_embedding[:, None, :]  # unsqueeze(1)
    inputs_embeds = jnp.concatenate([composer_embedding, feature], axis=1)
    return inputs_embeds

if __name__ == "__main__":
    import jax
    _d = setup_inputs()
    print(jax.jit(kernel)(*tuple(_d.values())))

</pallas_src>

<mosaic_0001>
#map = affine_map<(d0, d1) -> (0)>
#map1 = affine_map<(d0, d1) -> (0, 0)>
module attributes {stable_mosaic.version = 14 : i64} {
  func.func @_sc_gather_body(%arg0: i32, %arg1: i32, %arg2: memref<4096xi32, #tpu.memory_space<hbm>>, %arg3: memref<100000x128xf32, #tpu.memory_space<hbm>>, %arg4: memref<4096x128xf32, #tpu.memory_space<hbm>>, %arg5: memref<128xi32, #tpu.memory_space<vmem>>, %arg6: memref<128x128xf32, #tpu.memory_space<vmem>>, %arg7: memref<!tpu.dma_semaphore, #tpu.memory_space<semaphore_mem>>) attributes {dimension_semantics = [#tpu.dimension_semantics<core_parallel>, #tpu.dimension_semantics<subcore_parallel>], iteration_bounds = array<i64: 2, 16>, scalar_prefetch = 0 : i64, scratch_operands = 3 : i64, tpu.core_type = #tpu.core_type<sc_vector_subcore>, window_params = [{transform_indices = #map}, {transform_indices = #map1}, {transform_indices = #map1}]} {
    %mul3A = arith.constant 2 : i32
    %mul3A_0 = arith.muli %arg1, %mul3A : i32
    %add3A = arith.addi %mul3A_0, %arg0 : i32
    %mul3A_1 = arith.constant 128 : i32
    %mul3A_2 = arith.muli %add3A, %mul3A_1 : i32
    "tpu.region"() ({
      %run_scoped3A = tpu.sem_alloc : memref<!tpu.dma_semaphore, #tpu.memory_space<semaphore_mem>>
      %dma_start3A_7 = tpu.memref_slice %arg2[%mul3A_2] : memref<4096xi32, #tpu.memory_space<hbm>> -> memref<128xi32, #tpu.memory_space<hbm>>
      %dma_start3A_8 = tpu.memref_slice %arg2[%mul3A_2] : memref<4096xi32, #tpu.memory_space<hbm>> -> memref<128xi32, #tpu.memory_space<hbm>>
      tpu.enqueue_dma source(%dma_start3A_8 : memref<128xi32, #tpu.memory_space<hbm>>) target(%arg5 : memref<128xi32, #tpu.memory_space<vmem>>) target_semaphore(%run_scoped3A : memref<!tpu.dma_semaphore, #tpu.memory_space<semaphore_mem>>)
      %dma_wait3A_9 = tpu.memref_slice %arg2[%mul3A_2] : memref<4096xi32, #tpu.memory_space<hbm>> -> memref<128xi32, #tpu.memory_space<hbm>>
      %dma_wait3A_10 = tpu.memref_slice %arg2[%mul3A_2] : memref<4096xi32, #tpu.memory_space<hbm>> -> memref<128xi32, #tpu.memory_space<hbm>>
      tpu.wait_dma2 semaphore(%run_scoped3A : memref<!tpu.dma_semaphore, #tpu.memory_space<semaphore_mem>>) src(%dma_wait3A_10 : memref<128xi32, #tpu.memory_space<hbm>>) dst(%arg5 : memref<128xi32, #tpu.memory_space<vmem>>)
      tpu.yield
    }) : () -> ()
    %dma_start3A = arith.constant 0 : i32
    %dma_start3A_3 = arith.constant 0 : i32
    %dma_start3A_4 = tpu.memref_slice %arg3[%dma_start3A, %dma_start3A_3] : memref<100000x128xf32, #tpu.memory_space<hbm>> -> memref<100000x128xf32, #tpu.memory_space<hbm>>
    tpu.enqueue_indirect_dma source(%dma_start3A_4 : memref<100000x128xf32, #tpu.memory_space<hbm>>) target(%arg6 : memref<128x128xf32, #tpu.memory_space<vmem>>) offsets(%arg5 : memref<128xi32, #tpu.memory_space<vmem>>) semaphore(%arg7 : memref<!tpu.dma_semaphore, #tpu.memory_space<semaphore_mem>>)
    %dma_wait3A = arith.constant 0 : i32
    %dma_wait3A_5 = arith.constant 0 : i32
    %dma_wait3A_6 = tpu.memref_slice %arg3[%dma_wait3A, %dma_wait3A_5] : memref<100000x128xf32, #tpu.memory_space<hbm>> -> memref<100000x128xf32, #tpu.memory_space<hbm>>
    tpu.wait_indirect_dma semaphore(%arg7 : memref<!tpu.dma_semaphore, #tpu.memory_space<semaphore_mem>>) src(%dma_wait3A_6 : memref<100000x128xf32, #tpu.memory_space<hbm>>) dst(%arg6 : memref<128x128xf32, #tpu.memory_space<vmem>>)
    "tpu.region"() ({
      %run_scoped3A = tpu.sem_alloc : memref<!tpu.dma_semaphore, #tpu.memory_space<semaphore_mem>>
      %dma_start3A_7 = arith.constant 0 : i32
      %dma_start3A_8 = tpu.memref_slice %arg4[%mul3A_2, %dma_start3A_7] : memref<4096x128xf32, #tpu.memory_space<hbm>> -> memref<128x128xf32, #tpu.memory_space<hbm>>
      %dma_start3A_9 = arith.constant 0 : i32
      %dma_start3A_10 = tpu.memref_slice %arg4[%mul3A_2, %dma_start3A_9] : memref<4096x128xf32, #tpu.memory_space<hbm>> -> memref<128x128xf32, #tpu.memory_space<hbm>>
      tpu.enqueue_dma source(%arg6 : memref<128x128xf32, #tpu.memory_space<vmem>>) target(%dma_start3A_10 : memref<128x128xf32, #tpu.memory_space<hbm>>) target_semaphore(%run_scoped3A : memref<!tpu.dma_semaphore, #tpu.memory_space<semaphore_mem>>)
      %dma_wait3A_11 = arith.constant 0 : i32
      %dma_wait3A_12 = tpu.memref_slice %arg4[%mul3A_2, %dma_wait3A_11] : memref<4096x128xf32, #tpu.memory_space<hbm>> -> memref<128x128xf32, #tpu.memory_space<hbm>>
      %dma_wait3A_13 = arith.constant 0 : i32
      %dma_wait3A_14 = tpu.memref_slice %arg4[%mul3A_2, %dma_wait3A_13] : memref<4096x128xf32, #tpu.memory_space<hbm>> -> memref<128x128xf32, #tpu.memory_space<hbm>>
      tpu.wait_dma2 semaphore(%run_scoped3A : memref<!tpu.dma_semaphore, #tpu.memory_space<semaphore_mem>>) src(%arg6 : memref<128x128xf32, #tpu.memory_space<vmem>>) dst(%dma_wait3A_14 : memref<128x128xf32, #tpu.memory_space<hbm>>)
      tpu.yield
    }) : () -> ()
    return
  }
}

module attributes {stable_mosaic.version = 14 : i64} {
  func.func @_tc_concat_body(%arg0: memref<4096x128xf32, #tpu.memory_space<any>>, %arg1: memref<4096x50x128xf32, #tpu.memory_space<any>>, %arg2: memref<4096x51x128xf32, #tpu.memory_space<any>>, %arg3: memref<4x128x50x128xf32, #tpu.memory_space<vmem>>, %arg4: memref<4x128x128xf32, #tpu.memory_space<vmem>>, %arg5: memref<4x128x51x128xf32, #tpu.memory_space<vmem>>, %arg6: memref<4x!tpu.dma_semaphore, #tpu.memory_space<semaphore_mem>>, %arg7: memref<4x!tpu.dma_semaphore, #tpu.memory_space<semaphore_mem>>, %arg8: memref<4x!tpu.dma_semaphore, #tpu.memory_space<semaphore_mem>>) attributes {dimension_semantics = [], scalar_prefetch = 0 : i64, scratch_operands = 6 : i64, tpu.core_type = #tpu.core_type<tc>} {
    %dma_start3A = arith.constant 0 : i32
    %dma_start3A_0 = arith.constant 0 : i32
    %dma_start3A_1 = tpu.memref_slice %arg6[%dma_start3A_0] : memref<4x!tpu.dma_semaphore, #tpu.memory_space<semaphore_mem>> -> memref<1x!tpu.dma_semaphore, #tpu.memory_space<semaphore_mem>>
    %dma_start3A_2 = tpu.memref_squeeze %dma_start3A_1 : memref<1x!tpu.dma_semaphore, #tpu.memory_space<semaphore_mem>> -> memref<!tpu.dma_semaphore, #tpu.memory_space<semaphore_mem>>
    %dma_start3A_3 = arith.constant 0 : i32
    %dma_start3A_4 = arith.constant 0 : i32
    %dma_start3A_5 = arith.constant 0 : i32
    %dma_start3A_6 = tpu.memref_slice %arg3[%dma_start3A, %dma_start3A_3, %dma_start3A_4, %dma_start3A_5] : memref<4x128x50x128xf32, #tpu.memory_space<vmem>> -> memref<1x128x50x128xf32, #tpu.memory_space<vmem>>
    %dma_start3A_7 = tpu.memref_squeeze %dma_start3A_6 : memref<1x128x50x128xf32, #tpu.memory_space<vmem>> -> memref<128x50x128xf32, #tpu.memory_space<vmem>>
    %dma_start3A_8 = arith.constant 0 : i32
    %dma_start3A_9 = arith.constant 0 : i32
    %dma_start3A_10 = arith.constant 0 : i32
    %dma_start3A_11 = tpu.memref_slice %arg1[%dma_start3A_8, %dma_start3A_9, %dma_start3A_10] : memref<4096x50x128xf32, #tpu.memory_space<any>> -> memref<128x50x128xf32, #tpu.memory_space<any>>
    tpu.enqueue_dma source(%dma_start3A_11 : memref<128x50x128xf32, #tpu.memory_space<any>>) target(%dma_start3A_7 : memref<128x50x128xf32, #tpu.memory_space<vmem>>) target_semaphore(%dma_start3A_2 : memref<!tpu.dma_semaphore, #tpu.memory_space<semaphore_mem>>)
    %dma_start3A_12 = arith.constant 0 : i32
    %dma_start3A_13 = arith.constant 0 : i32
    %dma_start3A_14 = tpu.memref_slice %arg7[%dma_start3A_13] : memref<4x!tpu.dma_semaphore, #tpu.memory_space<semaphore_mem>> -> memref<1x!tpu.dma_semaphore, #tpu.memory_space<semaphore_mem>>
    %dma_start3A_15 = tpu.memref_squeeze %dma_start3A_14 : memref<1x!tpu.dma_semaphore, #tpu.memory_space<semaphore_mem>> -> memref<!tpu.dma_semaphore, #tpu.memory_space<semaphore_mem>>
    %dma_start3A_16 = arith.constant 0 : i32
    %dma_start3A_17 = arith.constant 0 : i32
    %dma_start3A_18 = tpu.memref_slice %arg4[%dma_start3A_12, %dma_start3A_16, %dma_start3A_17] : memref<4x128x128xf32, #tpu.memory_space<vmem>> -> memref<1x128x128xf32, #tpu.memory_space<vmem>>
    %dma_start3A_19 = tpu.memref_squeeze %dma_start3A_18 : memref<1x128x128xf32, #tpu.memory_space<vmem>> -> memref<128x128xf32, #tpu.memory_space<vmem>>
    %dma_start3A_20 = arith.constant 0 : i32
    %dma_start3A_21 = arith.constant 0 : i32
    %dma_start3A_22 = tpu.memref_slice %arg0[%dma_start3A_20, %dma_start3A_21] : memref<4096x128xf32, #tpu.memory_space<any>> -> memref<128x128xf32, #tpu.memory_space<any>>
    tpu.enqueue_dma source(%dma_start3A_22 : memref<128x128xf32, #tpu.memory_space<any>>) target(%dma_start3A_19 : memref<128x128xf32, #tpu.memory_space<vmem>>) target_semaphore(%dma_start3A_15 : memref<!tpu.dma_semaphore, #tpu.memory_space<semaphore_mem>>)
    %dma_start3A_23 = arith.constant 1 : i32
    %dma_start3A_24 = arith.constant 1 : i32
    %dma_start3A_25 = tpu.memref_slice %arg6[%dma_start3A_24] : memref<4x!tpu.dma_semaphore, #tpu.memory_space<semaphore_mem>> -> memref<1x!tpu.dma_semaphore, #tpu.memory_space<semaphore_mem>>
    %dma_start3A_26 = tpu.memref_squeeze %dma_start3A_25 : memref<1x!tpu.dma_semaphore, #tpu.memory_space<semaphore_mem>> -> memref<!tpu.dma_semaphore, #tpu.memory_space<semaphore_mem>>
    %dma_start3A_27 = arith.constant 0 : i32
    %dma_start3A_28 = arith.constant 0 : i32
    %dma_start3A_29 = arith.constant 0 : i32
    %dma_start3A_30 = tpu.memref_slice %arg3[%dma_start3A_23, %dma_start3A_27, %dma_start3A_28, %dma_start3A_29] : memref<4x128x50x128xf32, #tpu.memory_space<vmem>> -> memref<1x128x50x128xf32, #tpu.memory_space<vmem>>
    %dma_start3A_31 = tpu.memref_squeeze %dma_start3A_30 : memref<1x128x50x128xf32, #tpu.memory_space<vmem>> -> memref<128x50x128xf32, #tpu.memory_space<vmem>>
    %dma_start3A_32 = arith.constant 128 : i32
    %dma_start3A_33 = arith.constant 0 : i32
    %dma_start3A_34 = arith.constant 0 : i32
    %dma_start3A_35 = tpu.memref_slice %arg1[%dma_start3A_32, %dma_start3A_33, %dma_start3A_34] : memref<4096x50x128xf32, #tpu.memory_space<any>> -> memref<128x50x128xf32, #tpu.memory_space<any>>
    tpu.enqueue_dma source(%dma_start3A_35 : memref<128x50x128xf32, #tpu.memory_space<any>>) target(%dma_start3A_31 : memref<128x50x128xf32, #tpu.memory_space<vmem>>) target_semaphore(%dma_start3A_26 : memref<!tpu.dma_semaphore, #tpu.memory_space<semaphore_mem>>)
    %dma_start3A_36 = arith.constant 1 : i32
    %dma_start3A_37 = arith.constant 1 : i32
    %dma_start3A_38 = tpu.memref_slice %arg7[%dma_start3A_37] : memref<4x!tpu.dma_semaphore, #tpu.memory_space<semaphore_mem>> -> memref<1x!tpu.dma_semaphore, #tpu.memory_space<semaphore_mem>>
    %dma_start3A_39 = tpu.memref_squeeze %dma_start3A_38 : memref<1x!tpu.dma_semaphore, #tpu.memory_space<semaphore_mem>> -> memref<!tpu.dma_semaphore, #tpu.memory_space<semaphore_mem>>
    %dma_start3A_40 = arith.constant 0 : i32
    %dma_start3A_41 = arith.constant 0 : i32
    %dma_start3A_42 = tpu.memref_slice %arg4[%dma_start3A_36, %dma_start3A_40, %dma_start3A_41] : memref<4x128x128xf32, #tpu.memory_space<vmem>> -> memref<1x128x128xf32, #tpu.memory_space<vmem>>
    %dma_start3A_43 = tpu.memref_squeeze %dma_start3A_42 : memref<1x128x128xf32, #tpu.memory_space<vmem>> -> memref<128x128xf32, #tpu.memory_space<vmem>>
    %dma_start3A_44 = arith.constant 128 : i32
    %dma_start3A_45 = arith.constant 0 : i32
    %dma_start3A_46 = tpu.memref_slice %arg0[%dma_start3A_44, %dma_start3A_45] : memref<4096x128xf32, #tpu.memory_space<any>> -> memref<128x128xf32, #tpu.memory_space<any>>
    tpu.enqueue_dma source(%dma_start3A_46 : memref<128x128xf32, #tpu.memory_space<any>>) target(%dma_start3A_43 : memref<128x128xf32, #tpu.memory_space<vmem>>) target_semaphore(%dma_start3A_39 : memref<!tpu.dma_semaphore, #tpu.memory_space<semaphore_mem>>)
    %dma_start3A_47 = arith.constant 2 : i32
    %dma_start3A_48 = arith.constant 2 : i32
    %dma_start3A_49 = tpu.memref_slice %arg6[%dma_start3A_48] : memref<4x!tpu.dma_semaphore, #tpu.memory_space<semaphore_mem>> -> memref<1x!tpu.dma_semaphore, #tpu.memory_space<semaphore_mem>>
    %dma_start3A_50 = tpu.memref_squeeze %dma_start3A_49 : memref<1x!tpu.dma_semaphore, #tpu.memory_space<semaphore_mem>> -> memref<!tpu.dma_semaphore, #tpu.memory_space<semaphore_mem>>
    %dma_start3A_51 = arith.constant 0 : i32
    %dma_start3A_52 = arith.constant 0 : i32
    %dma_start3A_53 = arith.constant 0 : i32
    %dma_start3A_54 = tpu.memref_slice %arg3[%dma_start3A_47, %dma_start3A_51, %dma_start3A_52, %dma_start3A_53] : memref<4x128x50x128xf32, #tpu.memory_space<vmem>> -> memref<1x128x50x128xf32, #tpu.memory_space<vmem>>
    %dma_start3A_55 = tpu.memref_squeeze %dma_start3A_54 : memref<1x128x50x128xf32, #tpu.memory_space<vmem>> -> memref<128x50x128xf32, #tpu.memory_space<vmem>>
    %dma_start3A_56 = arith.constant 256 : i32
    %dma_start3A_57 = arith.constant 0 : i32
    %dma_start3A_58 = arith.constant 0 : i32
    %dma_start3A_59 = tpu.memref_slice %arg1[%dma_start3A_56, %dma_start3A_57, %dma_start3A_58] : memref<4096x50x128xf32, #tpu.memory_space<any>> -> memref<128x50x128xf32, #tpu.memory_space<any>>
    tpu.enqueue_dma source(%dma_start3A_59 : memref<128x50x128xf32, #tpu.memory_space<any>>) target(%dma_start3A_55 : memref<128x50x128xf32, #tpu.memory_space<vmem>>) target_semaphore(%dma_start3A_50 : memref<!tpu.dma_semaphore, #tpu.memory_space<semaphore_mem>>)
    %dma_start3A_60 = arith.constant 2 : i32
    %dma_start3A_61 = arith.constant 2 : i32
    %dma_start3A_62 = tpu.memref_slice %arg7[%dma_start3A_61] : memref<4x!tpu.dma_semaphore, #tpu.memory_space<semaphore_mem>> -> memref<1x!tpu.dma_semaphore, #tpu.memory_space<semaphore_mem>>
    %dma_start3A_63 = tpu.memref_squeeze %dma_start3A_62 : memref<1x!tpu.dma_semaphore, #tpu.memory_space<semaphore_mem>> -> memref<!tpu.dma_semaphore, #tpu.memory_space<semaphore_mem>>
    %dma_start3A_64 = arith.constant 0 : i32
    %dma_start3A_65 = arith.constant 0 : i32
    %dma_start3A_66 = tpu.memref_slice %arg4[%dma_start3A_60, %dma_start3A_64, %dma_start3A_65] : memref<4x128x128xf32, #tpu.memory_space<vmem>> -> memref<1x128x128xf32, #tpu.memory_space<vmem>>
    %dma_start3A_67 = tpu.memref_squeeze %dma_start3A_66 : memref<1x128x128xf32, #tpu.memory_space<vmem>> -> memref<128x128xf32, #tpu.memory_space<vmem>>
    %dma_start3A_68 = arith.constant 256 : i32
    %dma_start3A_69 = arith.constant 0 : i32
    %dma_start3A_70 = tpu.memref_slice %arg0[%dma_start3A_68, %dma_start3A_69] : memref<4096x128xf32, #tpu.memory_space<any>> -> memref<128x128xf32, #tpu.memory_space<any>>
    tpu.enqueue_dma source(%dma_start3A_70 : memref<128x128xf32, #tpu.memory_space<any>>) target(%dma_start3A_67 : memref<128x128xf32, #tpu.memory_space<vmem>>) target_semaphore(%dma_start3A_63 : memref<!tpu.dma_semaphore, #tpu.memory_space<semaphore_mem>>)
    %dma_start3A_71 = arith.constant 3 : i32
    %dma_start3A_72 = arith.constant 3 : i32
    %dma_start3A_73 = tpu.memref_slice %arg6[%dma_start3A_72] : memref<4x!tpu.dma_semaphore, #tpu.memory_space<semaphore_mem>> -> memref<1x!tpu.dma_semaphore, #tpu.memory_space<semaphore_mem>>
    %dma_start3A_74 = tpu.memref_squeeze %dma_start3A_73 : memref<1x!tpu.dma_semaphore, #tpu.memory_space<semaphore_mem>> -> memref<!tpu.dma_semaphore, #tpu.memory_space<semaphore_mem>>
    %dma_start3A_75 = arith.constant 0 : i32
    %dma_start3A_76 = arith.constant 0 : i32
    %dma_start3A_77 = arith.constant 0 : i32
    %dma_start3A_78 = tpu.memref_slice %arg3[%dma_start3A_71, %dma_start3A_75, %dma_start3A_76, %dma_start3A_77] : memref<4x128x50x128xf32, #tpu.memory_space<vmem>> -> memref<1x128x50x128xf32, #tpu.memory_space<vmem>>
    %dma_start3A_79 = tpu.memref_squeeze %dma_start3A_78 : memref<1x128x50x128xf32, #tpu.memory_space<vmem>> -> memref<128x50x128xf32, #tpu.memory_space<vmem>>
    %dma_start3A_80 = arith.constant 384 : i32
    %dma_start3A_81 = arith.constant 0 : i32
    %dma_start3A_82 = arith.constant 0 : i32
    %dma_start3A_83 = tpu.memref_slice %arg1[%dma_start3A_80, %dma_start3A_81, %dma_start3A_82] : memref<4096x50x128xf32, #tpu.memory_space<any>> -> memref<128x50x128xf32, #tpu.memory_space<any>>
    tpu.enqueue_dma source(%dma_start3A_83 : memref<128x50x128xf32, #tpu.memory_space<any>>) target(%dma_start3A_79 : memref<128x50x128xf32, #tpu.memory_space<vmem>>) target_semaphore(%dma_start3A_74 : memref<!tpu.dma_semaphore, #tpu.memory_space<semaphore_mem>>)
    %dma_start3A_84 = arith.constant 3 : i32
    %dma_start3A_85 = arith.constant 3 : i32
    %dma_start3A_86 = tpu.memref_slice %arg7[%dma_start3A_85] : memref<4x!tpu.dma_semaphore, #tpu.memory_space<semaphore_mem>> -> memref<1x!tpu.dma_semaphore, #tpu.memory_space<semaphore_mem>>
    %dma_start3A_87 = tpu.memref_squeeze %dma_start3A_86 : memref<1x!tpu.dma_semaphore, #tpu.memory_space<semaphore_mem>> -> memref<!tpu.dma_semaphore, #tpu.memory_space<semaphore_mem>>
    %dma_start3A_88 = arith.constant 0 : i32
    %dma_start3A_89 = arith.constant 0 : i32
    %dma_start3A_90 = tpu.memref_slice %arg4[%dma_start3A_84, %dma_start3A_88, %dma_start3A_89] : memref<4x128x128xf32, #tpu.memory_space<vmem>> -> memref<1x128x128xf32, #tpu.memory_space<vmem>>
    %dma_start3A_91 = tpu.memref_squeeze %dma_start3A_90 : memref<1x128x128xf32, #tpu.memory_space<vmem>> -> memref<128x128xf32, #tpu.memory_space<vmem>>
    %dma_start3A_92 = arith.constant 384 : i32
    %dma_start3A_93 = arith.constant 0 : i32
    %dma_start3A_94 = tpu.memref_slice %arg0[%dma_start3A_92, %dma_start3A_93] : memref<4096x128xf32, #tpu.memory_space<any>> -> memref<128x128xf32, #tpu.memory_space<any>>
    tpu.enqueue_dma source(%dma_start3A_94 : memref<128x128xf32, #tpu.memory_space<any>>) target(%dma_start3A_91 : memref<128x128xf32, #tpu.memory_space<vmem>>) target_semaphore(%dma_start3A_87 : memref<!tpu.dma_semaphore, #tpu.memory_space<semaphore_mem>>)
    %dma_wait3A = arith.constant 0 : i32
    %dma_wait3A_95 = arith.constant 0 : i32
    %dma_wait3A_96 = tpu.memref_slice %arg6[%dma_wait3A_95] : memref<4x!tpu.dma_semaphore, #tpu.memory_space<semaphore_mem>> -> memref<1x!tpu.dma_semaphore, #tpu.memory_space<semaphore_mem>>
    %dma_wait3A_97 = tpu.memref_squeeze %dma_wait3A_96 : memref<1x!tpu.dma_semaphore, #tpu.memory_space<semaphore_mem>> -> memref<!tpu.dma_semaphore, #tpu.memory_space<semaphore_mem>>
    %dma_wait3A_98 = arith.constant 0 : i32
    %dma_wait3A_99 = arith.constant 0 : i32
    %dma_wait3A_100 = arith.constant 0 : i32
    %dma_wait3A_101 = tpu.memref_slice %arg3[%dma_wait3A, %dma_wait3A_98, %dma_wait3A_99, %dma_wait3A_100] : memref<4x128x50x128xf32, #tpu.memory_space<vmem>> -> memref<1x128x50x128xf32, #tpu.memory_space<vmem>>
    %dma_wait3A_102 = tpu.memref_squeeze %dma_wait3A_101 : memref<1x128x50x128xf32, #tpu.memory_space<vmem>> -> memref<128x50x128xf32, #tpu.memory_space<vmem>>
    %dma_wait3A_103 = arith.constant 0 : i32
    %dma_wait3A_104 = arith.constant 0 : i32
    %dma_wait3A_105 = arith.constant 0 : i32
    %dma_wait3A_106 = tpu.memref_slice %arg1[%dma_wait3A_103, %dma_wait3A_104, %dma_wait3A_105] : memref<4096x50x128xf32, #tpu.memory_space<any>> -> memref<128x50x128xf32, #tpu.memory_space<any>>
    tpu.wait_dma2 semaphore(%dma_wait3A_97 : memref<!tpu.dma_semaphore, #tpu.memory_space<semaphore_mem>>) src(%dma_wait3A_106 : memref<128x50x128xf32, #tpu.memory_space<any>>) dst(%dma_wait3A_102 : memref<128x50x128xf32, #tpu.memory_space<vmem>>)
    %dma_wait3A_107 = arith.constant 0 : i32
    %dma_wait3A_108 = arith.constant 0 : i32
    %dma_wait3A_109 = tpu.memref_slice %arg7[%dma_wait3A_108] : memref<4x!tpu.dma_semaphore, #tpu.memory_space<semaphore_mem>> -> memref<1x!tpu.dma_semaphore, #tpu.memory_space<semaphore_mem>>
    %dma_wait3A_110 = tpu.memref_squeeze %dma_wait3A_109 : memref<1x!tpu.dma_semaphore, #tpu.memory_space<semaphore_mem>> -> memref<!tpu.dma_semaphore, #tpu.memory_space<semaphore_mem>>
    %dma_wait3A_111 = arith.constant 0 : i32
    %dma_wait3A_112 = arith.constant 0 : i32
    %dma_wait3A_113 = tpu.memref_slice %arg4[%dma_wait3A_107, %dma_wait3A_111, %dma_wait3A_112] : memref<4x128x128xf32, #tpu.memory_space<vmem>> -> memref<1x128x128xf32, #tpu.memory_space<vmem>>
    %dma_wait3A_114 = tpu.memref_squeeze %dma_wait3A_113 : memref<1x128x128xf32, #tpu.memory_space<vmem>> -> memref<128x128xf32, #tpu.memory_space<vmem>>
    %dma_wait3A_115 = arith.constant 0 : i32
    %dma_wait3A_116 = arith.constant 0 : i32
    %dma_wait3A_117 = tpu.memref_slice %arg0[%dma_wait3A_115, %dma_wait3A_116] : memref<4096x128xf32, #tpu.memory_space<any>> -> memref<128x128xf32, #tpu.memory_space<any>>
    tpu.wait_dma2 semaphore(%dma_wait3A_110 : memref<!tpu.dma_semaphore, #tpu.memory_space<semaphore_mem>>) src(%dma_wait3A_117 : memref<128x128xf32, #tpu.memory_space<any>>) dst(%dma_wait3A_114 : memref<128x128xf32, #tpu.memory_space<vmem>>)
    %get3A = arith.constant 0 : index
    %get3A_118 = arith.constant 0 : index
    %get3A_119 = arith.constant 0 : index
    %get3A_120 = vector.load %arg4[%get3A, %get3A_118, %get3A_119] : memref<4x128x128xf32, #tpu.memory_space<vmem>>, vector<1x128x128xf32>
    %get3A_121 = vector.shape_cast %get3A_120 : vector<1x128x128xf32> to vector<128x128xf32>
    %swap3A = arith.constant 0 : index
    %swap3A_122 = arith.constant 0 : index
    %swap3A_123 = arith.constant 0 : index
    %swap3A_124 = arith.constant 0 : index
    %swap3A_125 = vector.load %arg5[%swap3A, %swap3A_122, %swap3A_123, %swap3A_124] : memref<4x128x51x128xf32, #tpu.memory_space<vmem>>, vector<1x128x1x128xf32>
    %swap3A_126 = vector.shape_cast %swap3A_125 : vector<1x128x1x128xf32> to vector<128x128xf32>
    %swap3A_127 = vector.shape_cast %get3A_121 : vector<128x128xf32> to vector<1x128x1x128xf32>
    tpu.vector_store %arg5[%swap3A, %swap3A_122, %swap3A_123, %swap3A_124], %swap3A_127 {strides = array<i32>} : memref<4x128x51x128xf32, #tpu.memory_space<vmem>>, vector<1x128x1x128xf32>,
    %get3A_128 = arith.constant 0 : index
    %get3A_129 = arith.constant 0 : index
    %get3A_130 = arith.constant 0 : index
    %get3A_131 = arith.constant 0 : index
    %get3A_132 = vector.load %arg3[%get3A_128, %get3A_129, %get3A_130, %get3A_131] : memref<4x128x50x128xf32, #tpu.memory_space<vmem>>, vector<1x128x50x128xf32>
    %get3A_133 = vector.shape_cast %get3A_132 : vector<1x128x50x128xf32> to vector<128x50x128xf32>
    %swap3A_134 = arith.constant 0 : index
    %swap3A_135 = arith.constant 0 : index
    %swap3A_136 = arith.constant 1 : index
    %swap3A_137 = arith.constant 0 : index
    %swap3A_138 = vector.load %arg5[%swap3A_134, %swap3A_135, %swap3A_136, %swap3A_137] : memref<4x128x51x128xf32, #tpu.memory_space<vmem>>, vector<1x128x50x128xf32>
    %swap3A_139 = vector.shape_cast %swap3A_138 : vector<1x128x50x128xf32> to vector<128x50x128xf32>
    %swap3A_140 = vector.shape_cast %get3A_133 : vector<128x50x128xf32> to vector<1x128x50x128xf32>
    tpu.vector_store %arg5[%swap3A_134, %swap3A_135, %swap3A_136, %swap3A_137], %swap3A_140 {strides = array<i32>} : memref<4x128x51x128xf32, #tpu.memory_space<vmem>>, vector<1x128x50x128xf32>,
    %dma_start3A_141 = arith.constant 0 : i32
    %dma_start3A_142 = arith.constant 0 : i32
    %dma_start3A_143 = tpu.memref_slice %arg8[%dma_start3A_142] : memref<4x!tpu.dma_semaphore, #tpu.memory_space<semaphore_mem>> -> memref<1x!tpu.dma_semaphore, #tpu.memory_space<semaphore_mem>>
    %dma_start3A_144 = tpu.memref_squeeze %dma_start3A_143 : memref<1x!tpu.dma_semaphore, #tpu.memory_space<semaphore_mem>> -> memref<!tpu.dma_semaphore, #tpu.memory_space<semaphore_mem>>
    %dma_start3A_145 = arith.constant 0 : i32
    %dma_start3A_146 = arith.constant 0 : i32
    %dma_start3A_147 = arith.constant 0 : i32
    %dma_start3A_148 = tpu.memref_slice %arg2[%dma_start3A_145, %dma_start3A_146, %dma_start3A_147] : memref<4096x51x128xf32, #tpu.memory_space<any>> -> memref<128x51x128xf32, #tpu.memory_space<any>>
    %dma_start3A_149 = arith.constant 0 : i32
    %dma_start3A_150 = arith.constant 0 : i32
    %dma_start3A_151 = arith.constant 0 : i32
    %dma_start3A_152 = tpu.memref_slice %arg5[%dma_start3A_141, %dma_start3A_149, %dma_start3A_150, %dma_start3A_151] : memref<4x128x51x128xf32, #tpu.memory_space<vmem>> -> memref<1x128x51x128xf32, #tpu.memory_space<vmem>>
    %dma_start3A_153 = tpu.memref_squeeze %dma_start3A_152 : memref<1x128x51x128xf32, #tpu.memory_space<vmem>> -> memref<128x51x128xf32, #tpu.memory_space<vmem>>
    tpu.enqueue_dma source(%dma_start3A_153 : memref<128x51x128xf32, #tpu.memory_space<vmem>>) target(%dma_start3A_148 : memref<128x51x128xf32, #tpu.memory_space<any>>) target_semaphore(%dma_start3A_144 : memref<!tpu.dma_semaphore, #tpu.memory_space<semaphore_mem>>)
    %dma_start3A_154 = arith.constant 0 : i32
    %dma_start3A_155 = arith.constant 0 : i32
    %dma_start3A_156 = tpu.memref_slice %arg6[%dma_start3A_155] : memref<4x!tpu.dma_semaphore, #tpu.memory_space<semaphore_mem>> -> memref<1x!tpu.dma_semaphore, #tpu.memory_space<semaphore_mem>>
    %dma_start3A_157 = tpu.memref_squeeze %dma_start3A_156 : memref<1x!tpu.dma_semaphore, #tpu.memory_space<semaphore_mem>> -> memref<!tpu.dma_semaphore, #tpu.memory_space<semaphore_mem>>
    %dma_start3A_158 = arith.constant 0 : i32
    %dma_start3A_159 = arith.constant 0 : i32
    %dma_start3A_160 = arith.constant 0 : i32
    %dma_start3A_161 = tpu.memref_slice %arg3[%dma_start3A_154, %dma_start3A_158, %dma_start3A_159, %dma_start3A_160] : memref<4x128x50x128xf32, #tpu.memory_space<vmem>> -> memref<1x128x50x128xf32, #tpu.memory_space<vmem>>
    %dma_start3A_162 = tpu.memref_squeeze %dma_start3A_161 : memref<1x128x50x128xf32, #tpu.memory_space<vmem>> -> memref<128x50x128xf32, #tpu.memory_space<vmem>>
    %dma_start3A_163 = arith.constant 512 : i32
    %dma_start3A_164 = arith.constant 0 : i32
    %dma_start3A_165 = arith.constant 0 : i32
    %dma_start3A_166 = tpu.memref_slice %arg1[%dma_start3A_163, %dma_start3A_164, %dma_start3A_165] : memref<4096x50x128xf32, #tpu.memory_space<any>> -> memref<128x50x128xf32, #tpu.memory_space<any>>
    tpu.enqueue_dma source(%dma_start3A_166 : memref<128x50x128xf32, #tpu.memory_space<any>>) target(%dma_start3A_162 : memref<128x50x128xf32, #tpu.memory_space<vmem>>) target_semaphore(%dma_start3A_157 : memref<!tpu.dma_semaphore, #tpu.memory_space<semaphore_mem>>)
    %dma_start3A_167 = arith.constant 0 : i32
    %dma_start3A_168 = arith.constant 0 : i32
    %dma_start3A_169 = tpu.memref_slice %arg7[%dma_start3A_168] : memref<4x!tpu.dma_semaphore, #tpu.memory_space<semaphore_mem>> -> memref<1x!tpu.dma_semaphore, #tpu.memory_space<semaphore_mem>>
    %dma_start3A_170 = tpu.memref_squeeze %dma_start3A_169 : memref<1x!tpu.dma_semaphore, #tpu.memory_space<semaphore_mem>> -> memref<!tpu.dma_semaphore, #tpu.memory_space<semaphore_mem>>
    %dma_start3A_171 = arith.constant 0 : i32
    %dma_start3A_172 = arith.constant 0 : i32
    %dma_start3A_173 = tpu.memref_slice %arg4[%dma_start3A_167, %dma_start3A_171, %dma_start3A_172] : memref<4x128x128xf32, #tpu.memory_space<vmem>> -> memref<1x128x128xf32, #tpu.memory_space<vmem>>
    %dma_start3A_174 = tpu.memref_squeeze %dma_start3A_173 : memref<1x128x128xf32, #tpu.memory_space<vmem>> -> memref<128x128xf32, #tpu.memory_space<vmem>>
    %dma_start3A_175 = arith.constant 512 : i32
    %dma_start3A_176 = arith.constant 0 : i32
    %dma_start3A_177 = tpu.memref_slice %arg0[%dma_start3A_175, %dma_start3A_176] : memref<4096x128xf32, #tpu.memory_space<any>> -> memref<128x128xf32, #tpu.memory_space<any>>
    tpu.enqueue_dma source(%dma_start3A_177 : memref<128x128xf32, #tpu.memory_space<any>>) target(%dma_start3A_174 : memref<128x128xf32, #tpu.memory_space<vmem>>) target_semaphore(%dma_start3A_170 : memref<!tpu.dma_semaphore, #tpu.memory_space<semaphore_mem>>)
    %dma_wait3A_178 = arith.constant 1 : i32
    %dma_wait3A_179 = arith.constant 1 : i32
    %dma_wait3A_180 = tpu.memref_slice %arg6[%dma_wait3A_179] : memref<4x!tpu.dma_semaphore, #tpu.memory_space<semaphore_mem>> -> memref<1x!tpu.dma_semaphore, #tpu.memory_space<semaphore_mem>>
    %dma_wait3A_181 = tpu.memref_squeeze %dma_wait3A_180 : memref<1x!tpu.dma_semaphore, #tpu.memory_space<semaphore_mem>> -> memref<!tpu.dma_semaphore, #tpu.memory_space<semaphore_mem>>
    %dma_wait3A_182 = arith.constant 0 : i32
    %dma_wait3A_183 = arith.constant 0 : i32
    %dma_wait3A_184 = arith.constant 0 : i32
    %dma_wait3A_185 = tpu.memref_slice %arg3[%dma_wait3A_178, %dma_wait3A_182, %dma_wait3A_183, %dma_wait3A_184] : memref<4x128x50x128xf32, #tpu.memory_space<vmem>> -> memref<1x128x50x128xf32, #tpu.memory_space<vmem>>
    %dma_wait3A_186 = tpu.memref_squeeze %dma_wait3A_185 : memref<1x128x50x128xf32, #tpu.memory_space<vmem>> -> memref<128x50x128xf32, #tpu.memory_space<vmem>>
    %dma_wait3A_187 = arith.constant 128 : i32
    %dma_wait3A_188 = arith.constant 0 : i32
    %dma_wait3A_189 = arith.constant 0 : i32
    %dma_wait3A_190 = tpu.memref_slice %arg1[%dma_wait3A_187, %dma_wait3A_188, %dma_wait3A_189] : memref<4096x50x128xf32, #tpu.memory_space<any>> -> memref<128x50x128xf32, #tpu.memory_space<any>>
    tpu.wait_dma2 semaphore(%dma_wait3A_181 : memref<!tpu.dma_semaphore, #tpu.memory_space<semaphore_mem>>) src(%dma_wait3A_190 : memref<128x50x128xf32, #tpu.memory_space<any>>) dst(%dma_wait3A_186 : memref<128x50x128xf32, #tpu.memory_space<vmem>>)
    %dma_wait3A_191 = arith.constant 1 : i32
    %dma_wait3A_192 = arith.constant 1 : i32
    %dma_wait3A_193 = tpu.memref_slice %arg7[%dma_wait3A_192] : memref<4x!tpu.dma_semaphore, #tpu.memory_space<semaphore_mem>> -> memref<1x!tpu.dma_semaphore, #tpu.memory_space<semaphore_mem>>
    %dma_wait3A_194 = tpu.memref_squeeze %dma_wait3A_193 : memref<1x!tpu.dma_semaphore, #tpu.memory_space<semaphore_mem>> -> memref<!tpu.dma_semaphore, #tpu.memory_space<semaphore_mem>>
    %dma_wait3A_195 = arith.constant 0 : i32
    %dma_wait3A_196 = arith.constant 0 : i32
    %dma_wait3A_197 = tpu.memref_slice %arg4[%dma_wait3A_191, %dma_wait3A_195, %dma_wait3A_196] : memref<4x128x128xf32, #tpu.memory_space<vmem>> -> memref<1x128x128xf32, #tpu.memory_space<vmem>>
    %dma_wait3A_198 = tpu.memref_squeeze %dma_wait3A_197 : memref<1x128x128xf32, #tpu.memory_space<vmem>> -> memref<128x128xf32, #tpu.memory_space<vmem>>
    %dma_wait3A_199 = arith.constant 128 : i32
    %dma_wait3A_200 = arith.constant 0 : i32
    %dma_wait3A_201 = tpu.memref_slice %arg0[%dma_wait3A_199, %dma_wait3A_200] : memref<4096x128xf32, #tpu.memory_space<any>> -> memref<128x128xf32, #tpu.memory_space<any>>
    tpu.wait_dma2 semaphore(%dma_wait3A_194 : memref<!tpu.dma_semaphore, #tpu.memory_space<semaphore_mem>>) src(%dma_wait3A_201 : memref<128x128xf32, #tpu.memory_space<any>>) dst(%dma_wait3A_198 : memref<128x128xf32, #tpu.memory_space<vmem>>)
    %get3A_202 = arith.constant 1 : index
    %get3A_203 = arith.constant 0 : index
    %get3A_204 = arith.constant 0 : index
    %get3A_205 = vector.load %arg4[%get3A_202, %get3A_203, %get3A_204] : memref<4x128x128xf32, #tpu.memory_space<vmem>>, vector<1x128x128xf32>
    %get3A_206 = vector.shape_cast %get3A_205 : vector<1x128x128xf32> to vector<128x128xf32>
    %swap3A_207 = arith.constant 1 : index
    %swap3A_208 = arith.constant 0 : index
    %swap3A_209 = arith.constant 0 : index
    %swap3A_210 = arith.constant 0 : index
    %swap3A_211 = vector.load %arg5[%swap3A_207, %swap3A_208, %swap3A_209, %swap3A_210] : memref<4x128x51x128xf32, #tpu.memory_space<vmem>>, vector<1x128x1x128xf32>
    %swap3A_212 = vector.shape_cast %swap3A_211 : vector<1x128x1x128xf32> to vector<128x128xf32>
    %swap3A_213 = vector.shape_cast %get3A_206 : vector<128x128xf32> to vector<1x128x1x128xf32>
    tpu.vector_store %arg5[%swap3A_207, %swap3A_208, %swap3A_209, %swap3A_210], %swap3A_213 {strides = array<i32>} : memref<4x128x51x128xf32, #tpu.memory_space<vmem>>, vector<1x128x1x128xf32>,
    %get3A_214 = arith.constant 1 : index
    %get3A_215 = arith.constant 0 : index
    %get3A_216 = arith.constant 0 : index
    %get3A_217 = arith.constant 0 : index
    %get3A_218 = vector.load %arg3[%get3A_214, %get3A_215, %get3A_216, %get3A_217] : memref<4x128x50x128xf32, #tpu.memory_space<vmem>>, vector<1x128x50x128xf32>
    %get3A_219 = vector.shape_cast %get3A_218 : vector<1x128x50x128xf32> to vector<128x50x128xf32>
    %swap3A_220 = arith.constant 1 : index
    %swap3A_221 = arith.constant 0 : index
    %swap3A_222 = arith.constant 1 : index
    %swap3A_223 = arith.constant 0 : index
    %swap3A_224 = vector.load %arg5[%swap3A_220, %swap3A_221, %swap3A_222, %swap3A_223] : memref<4x128x51x128xf32, #tpu.memory_space<vmem>>, vector<1x128x50x128xf32>
    %swap3A_225 = vector.shape_cast %swap3A_224 : vector<1x128x50x128xf32> to vector<128x50x128xf32>
    %swap3A_226 = vector.shape_cast %get3A_219 : vector<128x50x128xf32> to vector<1x128x50x128xf32>
    tpu.vector_store %arg5[%swap3A_220, %swap3A_221, %swap3A_222, %swap3A_223], %swap3A_226 {strides = array<i32>} : memref<4x128x51x128xf32, #tpu.memory_space<vmem>>, vector<1x128x50x128xf32>,
    %dma_start3A_227 = arith.constant 1 : i32
    %dma_start3A_228 = arith.constant 1 : i32
    %dma_start3A_229 = tpu.memref_slice %arg8[%dma_start3A_228] : memref<4x!tpu.dma_semaphore, #tpu.memory_space<semaphore_mem>> -> memref<1x!tpu.dma_semaphore, #tpu.memory_space<semaphore_mem>>
    %dma_start3A_230 = tpu.memref_squeeze %dma_start3A_229 : memref<1x!tpu.dma_semaphore, #tpu.memory_space<semaphore_mem>> -> memref<!tpu.dma_semaphore, #tpu.memory_space<semaphore_mem>>
    %dma_start3A_231 = arith.constant 128 : i32
    %dma_start3A_232 = arith.constant 0 : i32
    %dma_start3A_233 = arith.constant 0 : i32
    %dma_start3A_234 = tpu.memref_slice %arg2[%dma_start3A_231, %dma_start3A_232, %dma_start3A_233] : memref<4096x51x128xf32, #tpu.memory_space<any>> -> memref<128x51x128xf32, #tpu.memory_space<any>>
    %dma_start3A_235 = arith.constant 0 : i32
    %dma_start3A_236 = arith.constant 0 : i32
    %dma_start3A_237 = arith.constant 0 : i32
    %dma_start3A_238 = tpu.memref_slice %arg5[%dma_start3A_227, %dma_start3A_235, %dma_start3A_236, %dma_start3A_237] : memref<4x128x51x128xf32, #tpu.memory_space<vmem>> -> memref<1x128x51x128xf32, #tpu.memory_space<vmem>>
    %dma_start3A_239 = tpu.memref_squeeze %dma_start3A_238 : memref<1x128x51x128xf32, #tpu.memory_space<vmem>> -> memref<128x51x128xf32, #tpu.memory_space<vmem>>
    tpu.enqueue_dma source(%dma_start3A_239 : memref<128x51x128xf32, #tpu.memory_space<vmem>>) target(%dma_start3A_234 : memref<128x51x128xf32, #tpu.memory_space<any>>) target_semaphore(%dma_start3A_230 : memref<!tpu.dma_semaphore, #tpu.memory_space<semaphore_mem>>)
    %dma_start3A_240 = arith.constant 1 : i32
    %dma_start3A_241 = arith.constant 1 : i32
    %dma_start3A_242 = tpu.memref_slice %arg6[%dma_start3A_241] : memref<4x!tpu.dma_semaphore, #tpu.memory_space<semaphore_mem>> -> memref<1x!tpu.dma_semaphore, #tpu.memory_space<semaphore_mem>>
    %dma_start3A_243 = tpu.memref_squeeze %dma_start3A_242 : memref<1x!tpu.dma_semaphore, #tpu.memory_space<semaphore_mem>> -> memref<!tpu.dma_semaphore, #tpu.memory_space<semaphore_mem>>
    %dma_start3A_244 = arith.constant 0 : i32
    %dma_start3A_245 = arith.constant 0 : i32
    %dma_start3A_246 = arith.constant 0 : i32
    %dma_start3A_247 = tpu.memref_slice %arg3[%dma_start3A_240, %dma_start3A_244, %dma_start3A_245, %dma_start3A_246] : memref<4x128x50x128xf32, #tpu.memory_space<vmem>> -> memref<1x128x50x128xf32, #tpu.memory_space<vmem>>
    %dma_start3A_248 = tpu.memref_squeeze %dma_start3A_247 : memref<1x128x50x128xf32, #tpu.memory_space<vmem>> -> memref<128x50x128xf32, #tpu.memory_space<vmem>>
    %dma_start3A_249 = arith.constant 640 : i32
    %dma_start3A_250 = arith.constant 0 : i32
    %dma_start3A_251 = arith.constant 0 : i32
    %dma_start3A_252 = tpu.memref_slice %arg1[%dma_start3A_249, %dma_start3A_250, %dma_start3A_251] : memref<4096x50x128xf32, #tpu.memory_space<any>> -> memref<128x50x128xf32, #tpu.memory_space<any>>
    tpu.enqueue_dma source(%dma_start3A_252 : memref<128x50x128xf32, #tpu.memory_space<any>>) target(%dma_start3A_248 : memref<128x50x128xf32, #tpu.memory_space<vmem>>) target_semaphore(%dma_start3A_243 : memref<!tpu.dma_semaphore, #tpu.memory_space<semaphore_mem>>)
    %dma_start3A_253 = arith.constant 1 : i32
    %dma_start3A_254 = arith.constant 1 : i32
    %dma_start3A_255 = tpu.memref_slice %arg7[%dma_start3A_254] : memref<4x!tpu.dma_semaphore, #tpu.memory_space<semaphore_mem>> -> memref<1x!tpu.dma_semaphore, #tpu.memory_space<semaphore_mem>>
    %dma_start3A_256 = tpu.memref_squeeze %dma_start3A_255 : memref<1x!tpu.dma_semaphore, #tpu.memory_space<semaphore_mem>> -> memref<!tpu.dma_semaphore, #tpu.memory_space<semaphore_mem>>
    %dma_start3A_257 = arith.constant 0 : i32
    %dma_start3A_258 = arith.constant 0 : i32
    %dma_start3A_259 = tpu.memref_slice %arg4[%dma_start3A_253, %dma_start3A_257, %dma_start3A_258] : memref<4x128x128xf32, #tpu.memory_space<vmem>> -> memref<1x128x128xf32, #tpu.memory_space<vmem>>
    %dma_start3A_260 = tpu.memref_squeeze %dma_start3A_259 : memref<1x128x128xf32, #tpu.memory_space<vmem>> -> memref<128x128xf32, #tpu.memory_space<vmem>>
    %dma_start3A_261 = arith.constant 640 : i32
    %dma_start3A_262 = arith.constant 0 : i32
    %dma_start3A_263 = tpu.memref_slice %arg0[%dma_start3A_261, %dma_start3A_262] : memref<4096x128xf32, #tpu.memory_space<any>> -> memref<128x128xf32, #tpu.memory_space<any>>
    tpu.enqueue_dma source(%dma_start3A_263 : memref<128x128xf32, #tpu.memory_space<any>>) target(%dma_start3A_260 : memref<128x128xf32, #tpu.memory_space<vmem>>) target_semaphore(%dma_start3A_256 : memref<!tpu.dma_semaphore, #tpu.memory_space<semaphore_mem>>)
    %dma_wait3A_264 = arith.constant 2 : i32
    %dma_wait3A_265 = arith.constant 2 : i32
    %dma_wait3A_266 = tpu.memref_slice %arg6[%dma_wait3A_265] : memref<4x!tpu.dma_semaphore, #tpu.memory_space<semaphore_mem>> -> memref<1x!tpu.dma_semaphore, #tpu.memory_space<semaphore_mem>>
    %dma_wait3A_267 = tpu.memref_squeeze %dma_wait3A_266 : memref<1x!tpu.dma_semaphore, #tpu.memory_space<semaphore_mem>> -> memref<!tpu.dma_semaphore, #tpu.memory_space<semaphore_mem>>
    %dma_wait3A_268 = arith.constant 0 : i32
    %dma_wait3A_269 = arith.constant 0 : i32
    %dma_wait3A_270 = arith.constant 0 : i32
    %dma_wait3A_271 = tpu.memref_slice %arg3[%dma_wait3A_264, %dma_wait3A_268, %dma_wait3A_269, %dma_wait3A_270] : memref<4x128x50x128xf32, #tpu.memory_space<vmem>> -> memref<1x128x50x128xf32, #tpu.memory_space<vmem>>
    %dma_wait3A_272 = tpu.memref_squeeze %dma_wait3A_271 : memref<1x128x50x128xf32, #tpu.memory_space<vmem>> -> memref<128x50x128xf32, #tpu.memory_space<vmem>>
    %dma_wait3A_273 = arith.constant 256 : i32
    %dma_wait3A_274 = arith.constant 0 : i32
    %dma_wait3A_275 = arith.constant 0 : i32
    %dma_wait3A_276 = tpu.memref_slice %arg1[%dma_wait3A_273, %dma_wait3A_274, %dma_wait3A_275] : memref<4096x50x128xf32, #tpu.memory_space<any>> -> memref<128x50x128xf32, #tpu.memory_space<any>>
    tpu.wait_dma2 semaphore(%dma_wait3A_267 : memref<!tpu.dma_semaphore, #tpu.memory_space<semaphore_mem>>) src(%dma_wait3A_276 : memref<128x50x128xf32, #tpu.memory_space<any>>) dst(%dma_wait3A_272 : memref<128x50x128xf32, #tpu.memory_space<vmem>>)
    %dma_wait3A_277 = arith.constant 2 : i32
    %dma_wait3A_278 = arith.constant 2 : i32
    %dma_wait3A_279 = tpu.memref_slice %arg7[%dma_wait3A_278] : memref<4x!tpu.dma_semaphore, #tpu.memory_space<semaphore_mem>> -> memref<1x!tpu.dma_semaphore, #tpu.memory_space<semaphore_mem>>
    %dma_wait3A_280 = tpu.memref_squeeze %dma_wait3A_279 : memref<1x!tpu.dma_semaphore, #tpu.memory_space<semaphore_mem>> -> memref<!tpu.dma_semaphore, #tpu.memory_space<semaphore_mem>>
    %dma_wait3A_281 = arith.constant 0 : i32
    %dma_wait3A_282 = arith.constant 0 : i32
    %dma_wait3A_283 = tpu.memref_slice %arg4[%dma_wait3A_277, %dma_wait3A_281, %dma_wait3A_282] : memref<4x128x128xf32, #tpu.memory_space<vmem>> -> memref<1x128x128xf32, #tpu.memory_space<vmem>>
    %dma_wait3A_284 = tpu.memref_squeeze %dma_wait3A_283 : memref<1x128x128xf32, #tpu.memory_space<vmem>> -> memref<128x128xf32, #tpu.memory_space<vmem>>
    %dma_wait3A_285 = arith.constant 256 : i32
    %dma_wait3A_286 = arith.constant 0 : i32
    %dma_wait3A_287 = tpu.memref_slice %arg0[%dma_wait3A_285, %dma_wait3A_286] : memref<4096x128xf32, #tpu.memory_space<any>> -> memref<128x128xf32, #tpu.memory_space<any>>
    tpu.wait_dma2 semaphore(%dma_wait3A_280 : memref<!tpu.dma_semaphore, #tpu.memory_space<semaphore_mem>>) src(%dma_wait3A_287 : memref<128x128xf32, #tpu.memory_space<any>>) dst(%dma_wait3A_284 : memref<128x128xf32, #tpu.memory_space<vmem>>)
    %get3A_288 = arith.constant 2 : index
    %get3A_289 = arith.constant 0 : index
    %get3A_290 = arith.constant 0 : index
    %get3A_291 = vector.load %arg4[%get3A_288, %get3A_289, %get3A_290] : memref<4x128x128xf32, #tpu.memory_space<vmem>>, vector<1x128x128xf32>
    %get3A_292 = vector.shape_cast %get3A_291 : vector<1x128x128xf32> to vector<128x128xf32>
    %swap3A_293 = arith.constant 2 : index
    %swap3A_294 = arith.constant 0 : index
    %swap3A_295 = arith.constant 0 : index
    %swap3A_296 = arith.constant 0 : index
    %swap3A_297 = vector.load %arg5[%swap3A_293, %swap3A_294, %swap3A_295, %swap3A_296] : memref<4x128x51x128xf32, #tpu.memory_space<vmem>>, vector<1x128x1x128xf32>
    %swap3A_298 = vector.shape_cast %swap3A_297 : vector<1x128x1x128xf32> to vector<128x128xf32>
    %swap3A_299 = vector.shape_cast %get3A_292 : vector<128x128xf32> to vector<1x128x1x128xf32>
    tpu.vector_store %arg5[%swap3A_293, %swap3A_294, %swap3A_295, %swap3A_296], %swap3A_299 {strides = array<i32>} : memref<4x128x51x128xf32, #tpu.memory_space<vmem>>, vector<1x128x1x128xf32>,
    %get3A_300 = arith.constant 2 : index
    %get3A_301 = arith.constant 0 : index
    %get3A_302 = arith.constant 0 : index
    %get3A_303 = arith.constant 0 : index
    %get3A_304 = vector.load %arg3[%get3A_300, %get3A_301, %get3A_302, %get3A_303] : memref<4x128x50x128xf32, #tpu.memory_space<vmem>>, vector<1x128x50x128xf32>
    %get3A_305 = vector.shape_cast %get3A_304 : vector<1x128x50x128xf32> to vector<128x50x128xf32>
    %swap3A_306 = arith.constant 2 : index
    %swap3A_307 = arith.constant 0 : index
    %swap3A_308 = arith.constant 1 : index
    %swap3A_309 = arith.constant 0 : index
    %swap3A_310 = vector.load %arg5[%swap3A_306, %swap3A_307, %swap3A_308, %swap3A_309] : memref<4x128x51x128xf32, #tpu.memory_space<vmem>>, vector<1x128x50x128xf32>
    %swap3A_311 = vector.shape_cast %swap3A_310 : vector<1x128x50x128xf32> to vector<128x50x128xf32>
    %swap3A_312 = vector.shape_cast %get3A_305 : vector<128x50x128xf32> to vector<1x128x50x128xf32>
    tpu.vector_store %arg5[%swap3A_306, %swap3A_307, %swap3A_308, %swap3A_309], %swap3A_312 {strides = array<i32>} : memref<4x128x51x128xf32, #tpu.memory_space<vmem>>, vector<1x128x50x128xf32>,
    %dma_start3A_313 = arith.constant 2 : i32
    %dma_start3A_314 = arith.constant 2 : i32
    %dma_start3A_315 = tpu.memref_slice %arg8[%dma_start3A_314] : memref<4x!tpu.dma_semaphore, #tpu.memory_space<semaphore_mem>> -> memref<1x!tpu.dma_semaphore, #tpu.memory_space<semaphore_mem>>
    %dma_start3A_316 = tpu.memref_squeeze %dma_start3A_315 : memref<1x!tpu.dma_semaphore, #tpu.memory_space<semaphore_mem>> -> memref<!tpu.dma_semaphore, #tpu.memory_space<semaphore_mem>>
    %dma_start3A_317 = arith.constant 256 : i32
    %dma_start3A_318 = arith.constant 0 : i32
    %dma_start3A_319 = arith.constant 0 : i32
    %dma_start3A_320 = tpu.memref_slice %arg2[%dma_start3A_317, %dma_start3A_318, %dma_start3A_319] : memref<4096x51x128xf32, #tpu.memory_space<any>> -> memref<128x51x128xf32, #tpu.memory_space<any>>
    %dma_start3A_321 = arith.constant 0 : i32
    %dma_start3A_322 = arith.constant 0 : i32
    %dma_start3A_323 = arith.constant 0 : i32
    %dma_start3A_324 = tpu.memref_slice %arg5[%dma_start3A_313, %dma_start3A_321, %dma_start3A_322, %dma_start3A_323] : memref<4x128x51x128xf32, #tpu.memory_space<vmem>> -> memref<1x128x51x128xf32, #tpu.memory_space<vmem>>
    %dma_start3A_325 = tpu.memref_squeeze %dma_start3A_324 : memref<1x128x51x128xf32, #tpu.memory_space<vmem>> -> memref<128x51x128xf32, #tpu.memory_space<vmem>>
    tpu.enqueue_dma source(%dma_start3A_325 : memref<128x51x128xf32, #tpu.memory_space<vmem>>) target(%dma_start3A_320 : memref<128x51x128xf32, #tpu.memory_space<any>>) target_semaphore(%dma_start3A_316 : memref<!tpu.dma_semaphore, #tpu.memory_space<semaphore_mem>>)
    %dma_start3A_326 = arith.constant 2 : i32
    %dma_start3A_327 = arith.constant 2 : i32
    %dma_start3A_328 = tpu.memref_slice %arg6[%dma_start3A_327] : memref<4x!tpu.dma_semaphore, #tpu.memory_space<semaphore_mem>> -> memref<1x!tpu.dma_semaphore, #tpu.memory_space<semaphore_mem>>
    %dma_start3A_329 = tpu.memref_squeeze %dma_start3A_328 : memref<1x!tpu.dma_semaphore, #tpu.memory_space<semaphore_mem>> -> memref<!tpu.dma_semaphore, #tpu.memory_space<semaphore_mem>>
    %dma_start3A_330 = arith.constant 0 : i32
    %dma_start3A_331 = arith.constant 0 : i32
    %dma_start3A_332 = arith.constant 0 : i32
    %dma_start3A_333 = tpu.memref_slice %arg3[%dma_start3A_326, %dma_start3A_330, %dma_start3A_331, %dma_start3A_332] : memref<4x128x50x128xf32, #tpu.memory_space<vmem>> -> memref<1x128x50x128xf32, #tpu.memory_space<vmem>>
    %dma_start3A_334 = tpu.memref_squeeze %dma_start3A_333 : memref<1x128x50x128xf32, #tpu.memory_space<vmem>> -> memref<128x50x128xf32, #tpu.memory_space<vmem>>
    %dma_start3A_335 = arith.constant 768 : i32
    %dma_start3A_336 = arith.constant 0 : i32
    %dma_start3A_337 = arith.constant 0 : i32
    %dma_start3A_338 = tpu.memref_slice %arg1[%dma_start3A_335, %dma_start3A_336, %dma_start3A_337] : memref<4096x50x128xf32, #tpu.memory_space<any>> -> memref<128x50x128xf32, #tpu.memory_space<any>>
    tpu.enqueue_dma source(%dma_start3A_338 : memref<128x50x128xf32, #tpu.memory_space<any>>) target(%dma_start3A_334 : memref<128x50x128xf32, #tpu.memory_space<vmem>>) target_semaphore(%dma_start3A_329 : memref<!tpu.dma_semaphore, #tpu.memory_space<semaphore_mem>>)
    %dma_start3A_339 = arith.constant 2 : i32
    %dma_start3A_340 = arith.constant 2 : i32
    %dma_start3A_341 = tpu.memref_slice %arg7[%dma_start3A_340] : memref<4x!tpu.dma_semaphore, #tpu.memory_space<semaphore_mem>> -> memref<1x!tpu.dma_semaphore, #tpu.memory_space<semaphore_mem>>
    %dma_start3A_342 = tpu.memref_squeeze %dma_start3A_341 : memref<1x!tpu.dma_semaphore, #tpu.memory_space<semaphore_mem>> -> memref<!tpu.dma_semaphore, #tpu.memory_space<semaphore_mem>>
    %dma_start3A_343 = arith.constant 0 : i32
    %dma_start3A_344 = arith.constant 0 : i32
    %dma_start3A_345 = tpu.memref_slice %arg4[%dma_start3A_339, %dma_start3A_343, %dma_start3A_344] : memref<4x128x128xf32, #tpu.memory_space<vmem>> -> memref<1x128x128xf32, #tpu.memory_space<vmem>>
    %dma_start3A_346 = tpu.memref_squeeze %dma_start3A_345 : memref<1x128x128xf32, #tpu.memory_space<vmem>> -> memref<128x128xf32, #tpu.memory_space<vmem>>
    %dma_start3A_347 = arith.constant 768 : i32
    %dma_start3A_348 = arith.constant 0 : i32
    %dma_start3A_349 = tpu.memref_slice %arg0[%dma_start3A_347, %dma_start3A_348] : memref<4096x128xf32, #tpu.memory_space<any>> -> memref<128x128xf32, #tpu.memory_space<any>>
    tpu.enqueue_dma source(%dma_start3A_349 : memref<128x128xf32, #tpu.memory_space<any>>) target(%dma_start3A_346 : memref<128x128xf32, #tpu.memory_space<vmem>>) target_semaphore(%dma_start3A_342 : memref<!tpu.dma_semaphore, #tpu.memory_space<semaphore_mem>>)
    %dma_wait3A_350 = arith.constant 3 : i32
    %dma_wait3A_351 = arith.constant 3 : i32
    %dma_wait3A_352 = tpu.memref_slice %arg6[%dma_wait3A_351] : memref<4x!tpu.dma_semaphore, #tpu.memory_space<semaphore_mem>> -> memref<1x!tpu.dma_semaphore, #tpu.memory_space<semaphore_mem>>
    %dma_wait3A_353 = tpu.memref_squeeze %dma_wait3A_352 : memref<1x!tpu.dma_semaphore, #tpu.memory_space<semaphore_mem>> -> memref<!tpu.dma_semaphore, #tpu.memory_space<semaphore_mem>>
    %dma_wait3A_354 = arith.constant 0 : i32
    %dma_wait3A_355 = arith.constant 0 : i32
    %dma_wait3A_356 = arith.constant 0 : i32
    %dma_wait3A_357 = tpu.memref_slice %arg3[%dma_wait3A_350, %dma_wait3A_354, %dma_wait3A_355, %dma_wait3A_356] : memref<4x128x50x128xf32, #tpu.memory_space<vmem>> -> memref<1x128x50x128xf32, #tpu.memory_space<vmem>>
    %dma_wait3A_358 = tpu.memref_squeeze %dma_wait3A_357 : memref<1x128x50x128xf32, #tpu.memory_space<vmem>> -> memref<128x50x128xf32, #tpu.memory_space<vmem>>
    %dma_wait3A_359 = arith.constant 384 : i32
    %dma_wait3A_360 = arith.constant 0 : i32
    %dma_wait3A_361 = arith.constant 0 : i32
    %dma_wait3A_362 = tpu.memref_slice %arg1[%dma_wait3A_359, %dma_wait3A_360, %dma_wait3A_361] : memref<4096x50x128xf32, #tpu.memory_space<any>> -> memref<128x50x128xf32, #tpu.memory_space<any>>
    tpu.wait_dma2 semaphore(%dma_wait3A_353 : memref<!tpu.dma_semaphore, #tpu.memory_space<semaphore_mem>>) src(%dma_wait3A_362 : memref<128x50x128xf32, #tpu.memory_space<any>>) dst(%dma_wait3A_358 : memref<128x50x128xf32, #tpu.memory_space<vmem>>)
    %dma_wait3A_363 = arith.constant 3 : i32
    %dma_wait3A_364 = arith.constant 3 : i32
    %dma_wait3A_365 = tpu.memref_slice %arg7[%dma_wait3A_364] : memref<4x!tpu.dma_semaphore, #tpu.memory_space<semaphore_mem>> -> memref<1x!tpu.dma_semaphore, #tpu.memory_space<semaphore_mem>>
    %dma_wait3A_366 = tpu.memref_squeeze %dma_wait3A_365 : memref<1x!tpu.dma_semaphore, #tpu.memory_space<semaphore_mem>> -> memref<!tpu.dma_semaphore, #tpu.memory_space<semaphore_mem>>
    %dma_wait3A_367 = arith.constant 0 : i32
    %dma_wait3A_368 = arith.constant 0 : i32
    %dma_wait3A_369 = tpu.memref_slice %arg4[%dma_wait3A_363, %dma_wait3A_367, %dma_wait3A_368] : memref<4x128x128xf32, #tpu.memory_space<vmem>> -> memref<1x128x128xf32, #tpu.memory_space<vmem>>
    %dma_wait3A_370 = tpu.memref_squeeze %dma_wait3A_369 : memref<1x128x128xf32, #tpu.memory_space<vmem>> -> memref<128x128xf32, #tpu.memory_space<vmem>>
    %dma_wait3A_371 = arith.constant 384 : i32
    %dma_wait3A_372 = arith.constant 0 : i32
    %dma_wait3A_373 = tpu.memref_slice %arg0[%dma_wait3A_371, %dma_wait3A_372] : memref<4096x128xf32, #tpu.memory_space<any>> -> memref<128x128xf32, #tpu.memory_space<any>>
    tpu.wait_dma2 semaphore(%dma_wait3A_366 : memref<!tpu.dma_semaphore, #tpu.memory_space<semaphore_mem>>) src(%dma_wait3A_373 : memref<128x128xf32, #tpu.memory_space<any>>) dst(%dma_wait3A_370 : memref<128x128xf32, #tpu.memory_space<vmem>>)
    %get3A_374 = arith.constant 3 : index
    %get3A_375 = arith.constant 0 : index
    %get3A_376 = arith.constant 0 : index
    %get3A_377 = vector.load %arg4[%get3A_374, %get3A_375, %get3A_376] : memref<4x128x128xf32, #tpu.memory_space<vmem>>, vector<1x128x128xf32>
    %get3A_378 = vector.shape_cast %get3A_377 : vector<1x128x128xf32> to vector<128x128xf32>
    %swap3A_379 = arith.constant 3 : index
    %swap3A_380 = arith.constant 0 : index
    %swap3A_381 = arith.constant 0 : index
    %swap3A_382 = arith.constant 0 : index
    %swap3A_383 = vector.load %arg5[%swap3A_379, %swap3A_380, %swap3A_381, %swap3A_382] : memref<4x128x51x128xf32, #tpu.memory_space<vmem>>, vector<1x128x1x128xf32>
    %swap3A_384 = vector.shape_cast %swap3A_383 : vector<1x128x1x128xf32> to vector<128x128xf32>
    %swap3A_385 = vector.shape_cast %get3A_378 : vector<128x128xf32> to vector<1x128x1x128xf32>
    tpu.vector_store %arg5[%swap3A_379, %swap3A_380, %swap3A_381, %swap3A_382], %swap3A_385 {strides = array<i32>} : memref<4x128x51x128xf32, #tpu.memory_space<vmem>>, vector<1x128x1x128xf32>,
    %get3A_386 = arith.constant 3 : index
    %get3A_387 = arith.constant 0 : index
    %get3A_388 = arith.constant 0 : index
    %get3A_389 = arith.constant 0 : index
    %get3A_390 = vector.load %arg3[%get3A_386, %get3A_387, %get3A_388, %get3A_389] : memref<4x128x50x128xf32, #tpu.memory_space<vmem>>, vector<1x128x50x128xf32>
    %get3A_391 = vector.shape_cast %get3A_390 : vector<1x128x50x128xf32> to vector<128x50x128xf32>
    %swap3A_392 = arith.constant 3 : index
    %swap3A_393 = arith.constant 0 : index
    %swap3A_394 = arith.constant 1 : index
    %swap3A_395 = arith.constant 0 : index
    %swap3A_396 = vector.load %arg5[%swap3A_392, %swap3A_393, %swap3A_394, %swap3A_395] : memref<4x128x51x128xf32, #tpu.memory_space<vmem>>, vector<1x128x50x128xf32>
    %swap3A_397 = vector.shape_cast %swap3A_396 : vector<1x128x50x128xf32> to vector<128x50x128xf32>
    %swap3A_398 = vector.shape_cast %get3A_391 : vector<128x50x128xf32> to vector<1x128x50x128xf32>
    tpu.vector_store %arg5[%swap3A_392, %swap3A_393, %swap3A_394, %swap3A_395], %swap3A_398 {strides = array<i32>} : memref<4x128x51x128xf32, #tpu.memory_space<vmem>>, vector<1x128x50x128xf32>,
    %dma_start3A_399 = arith.constant 3 : i32
    %dma_start3A_400 = arith.constant 3 : i32
    %dma_start3A_401 = tpu.memref_slice %arg8[%dma_start3A_400] : memref<4x!tpu.dma_semaphore, #tpu.memory_space<semaphore_mem>> -> memref<1x!tpu.dma_semaphore, #tpu.memory_space<semaphore_mem>>
    %dma_start3A_402 = tpu.memref_squeeze %dma_start3A_401 : memref<1x!tpu.dma_semaphore, #tpu.memory_space<semaphore_mem>> -> memref<!tpu.dma_semaphore, #tpu.memory_space<semaphore_mem>>
    %dma_start3A_403 = arith.constant 384 : i32
    %dma_start3A_404 = arith.constant 0 : i32
    %dma_start3A_405 = arith.constant 0 : i32
    %dma_start3A_406 = tpu.memref_slice %arg2[%dma_start3A_403, %dma_start3A_404, %dma_start3A_405] : memref<4096x51x128xf32, #tpu.memory_space<any>> -> memref<128x51x128xf32, #tpu.memory_space<any>>
    %dma_start3A_407 = arith.constant 0 : i32
    %dma_start3A_408 = arith.constant 0 : i32
    %dma_start3A_409 = arith.constant 0 : i32
    %dma_start3A_410 = tpu.memref_slice %arg5[%dma_start3A_399, %dma_start3A_407, %dma_start3A_408, %dma_start3A_409] : memref<4x128x51x128xf32, #tpu.memory_space<vmem>> -> memref<1x128x51x128xf32, #tpu.memory_space<vmem>>
    %dma_start3A_411 = tpu.memref_squeeze %dma_start3A_410 : memref<1x128x51x128xf32, #tpu.memory_space<vmem>> -> memref<128x51x128xf32, #tpu.memory_space<vmem>>
    tpu.enqueue_dma source(%dma_start3A_411 : memref<128x51x128xf32, #tpu.memory_space<vmem>>) target(%dma_start3A_406 : memref<128x51x128xf32, #tpu.memory_space<any>>) target_semaphore(%dma_start3A_402 : memref<!tpu.dma_semaphore, #tpu.memory_space<semaphore_mem>>)
    %dma_start3A_412 = arith.constant 3 : i32
    %dma_start3A_413 = arith.constant 3 : i32
    %dma_start3A_414 = tpu.memref_slice %arg6[%dma_start3A_413] : memref<4x!tpu.dma_semaphore, #tpu.memory_space<semaphore_mem>> -> memref<1x!tpu.dma_semaphore, #tpu.memory_space<semaphore_mem>>
    %dma_start3A_415 = tpu.memref_squeeze %dma_start3A_414 : memref<1x!tpu.dma_semaphore, #tpu.memory_space<semaphore_mem>> -> memref<!tpu.dma_semaphore, #tpu.memory_space<semaphore_mem>>
    %dma_start3A_416 = arith.constant 0 : i32
    %dma_start3A_417 = arith.constant 0 : i32
    %dma_start3A_418 = arith.constant 0 : i32
    %dma_start3A_419 = tpu.memref_slice %arg3[%dma_start3A_412, %dma_start3A_416, %dma_start3A_417, %dma_start3A_418] : memref<4x128x50x128xf32, #tpu.memory_space<vmem>> -> memref<1x128x50x128xf32, #tpu.memory_space<vmem>>
    %dma_start3A_420 = tpu.memref_squeeze %dma_start3A_419 : memref<1x128x50x128xf32, #tpu.memory_space<vmem>> -> memref<128x50x128xf32, #tpu.memory_space<vmem>>
    %dma_start3A_421 = arith.constant 896 : i32
    %dma_start3A_422 = arith.constant 0 : i32
    %dma_start3A_423 = arith.constant 0 : i32
    %dma_start3A_424 = tpu.memref_slice %arg1[%dma_start3A_421, %dma_start3A_422, %dma_start3A_423] : memref<4096x50x128xf32, #tpu.memory_space<any>> -> memref<128x50x128xf32, #tpu.memory_space<any>>
    tpu.enqueue_dma source(%dma_start3A_424 : memref<128x50x128xf32, #tpu.memory_space<any>>) target(%dma_start3A_420 : memref<128x50x128xf32, #tpu.memory_space<vmem>>) target_semaphore(%dma_start3A_415 : memref<!tpu.dma_semaphore, #tpu.memory_space<semaphore_mem>>)
    %dma_start3A_425 = arith.constant 3 : i32
    %dma_start3A_426 = arith.constant 3 : i32
    %dma_start3A_427 = tpu.memref_slice %arg7[%dma_start3A_426] : memref<4x!tpu.dma_semaphore, #tpu.memory_space<semaphore_mem>> -> memref<1x!tpu.dma_semaphore, #tpu.memory_space<semaphore_mem>>
    %dma_start3A_428 = tpu.memref_squeeze %dma_start3A_427 : memref<1x!tpu.dma_semaphore, #tpu.memory_space<semaphore_mem>> -> memref<!tpu.dma_semaphore, #tpu.memory_space<semaphore_mem>>
    %dma_start3A_429 = arith.constant 0 : i32
    %dma_start3A_430 = arith.constant 0 : i32
    %dma_start3A_431 = tpu.memref_slice %arg4[%dma_start3A_425, %dma_start3A_429, %dma_start3A_430] : memref<4x128x128xf32, #tpu.memory_space<vmem>> -> memref<1x128x128xf32, #tpu.memory_space<vmem>>
    %dma_start3A_432 = tpu.memref_squeeze %dma_start3A_431 : memref<1x128x128xf32, #tpu.memory_space<vmem>> -> memref<128x128xf32, #tpu.memory_space<vmem>>
    %dma_start3A_433 = arith.constant 896 : i32
    %dma_start3A_434 = arith.constant 0 : i32
    %dma_start3A_435 = tpu.memref_slice %arg0[%dma_start3A_433, %dma_start3A_434] : memref<4096x128xf32, #tpu.memory_space<any>> -> memref<128x128xf32, #tpu.memory_space<any>>
    tpu.enqueue_dma source(%dma_start3A_435 : memref<128x128xf32, #tpu.memory_space<any>>) target(%dma_start3A_432 : memref<128x128xf32, #tpu.memory_space<vmem>>) target_semaphore(%dma_start3A_428 : memref<!tpu.dma_semaphore, #tpu.memory_space<semaphore_mem>>)
    %dma_wait3A_436 = arith.constant 0 : i32
    %dma_wait3A_437 = arith.constant 0 : i32
    %dma_wait3A_438 = tpu.memref_slice %arg6[%dma_wait3A_437] : memref<4x!tpu.dma_semaphore, #tpu.memory_space<semaphore_mem>> -> memref<1x!tpu.dma_semaphore, #tpu.memory_space<semaphore_mem>>
    %dma_wait3A_439 = tpu.memref_squeeze %dma_wait3A_438 : memref<1x!tpu.dma_semaphore, #tpu.memory_space<semaphore_mem>> -> memref<!tpu.dma_semaphore, #tpu.memory_space<semaphore_mem>>
    %dma_wait3A_440 = arith.constant 0 : i32
    %dma_wait3A_441 = arith.constant 0 : i32
    %dma_wait3A_442 = arith.constant 0 : i32
    %dma_wait3A_443 = tpu.memref_slice %arg3[%dma_wait3A_436, %dma_wait3A_440, %dma_wait3A_441, %dma_wait3A_442] : memref<4x128x50x128xf32, #tpu.memory_space<vmem>> -> memref<1x128x50x128xf32, #tpu.memory_space<vmem>>
    %dma_wait3A_444 = tpu.memref_squeeze %dma_wait3A_443 : memref<1x128x50x128xf32, #tpu.memory_space<vmem>> -> memref<128x50x128xf32, #tpu.memory_space<vmem>>
    %dma_wait3A_445 = arith.constant 512 : i32
    %dma_wait3A_446 = arith.constant 0 : i32
    %dma_wait3A_447 = arith.constant 0 : i32
    %dma_wait3A_448 = tpu.memref_slice %arg1[%dma_wait3A_445, %dma_wait3A_446, %dma_wait3A_447] : memref<4096x50x128xf32, #tpu.memory_space<any>> -> memref<128x50x128xf32, #tpu.memory_space<any>>
    tpu.wait_dma2 semaphore(%dma_wait3A_439 : memref<!tpu.dma_semaphore, #tpu.memory_space<semaphore_mem>>) src(%dma_wait3A_448 : memref<128x50x128xf32, #tpu.memory_space<any>>) dst(%dma_wait3A_444 : memref<128x50x128xf32, #tpu.memory_space<vmem>>)
    %dma_wait3A_449 = arith.constant 0 : i32
    %dma_wait3A_450 = arith.constant 0 : i32
    %dma_wait3A_451 = tpu.memref_slice %arg7[%dma_wait3A_450] : memref<4x!tpu.dma_semaphore, #tpu.memory_space<semaphore_mem>> -> memref<1x!tpu.dma_semaphore, #tpu.memory_space<semaphore_mem>>
    %dma_wait3A_452 = tpu.memref_squeeze %dma_wait3A_451 : memref<1x!tpu.dma_semaphore, #tpu.memory_space<semaphore_mem>> -> memref<!tpu.dma_semaphore, #tpu.memory_space<semaphore_mem>>
    %dma_wait3A_453 = arith.constant 0 : i32
    %dma_wait3A_454 = arith.constant 0 : i32
    %dma_wait3A_455 = tpu.memref_slice %arg4[%dma_wait3A_449, %dma_wait3A_453, %dma_wait3A_454] : memref<4x128x128xf32, #tpu.memory_space<vmem>> -> memref<1x128x128xf32, #tpu.memory_space<vmem>>
    %dma_wait3A_456 = tpu.memref_squeeze %dma_wait3A_455 : memref<1x128x128xf32, #tpu.memory_space<vmem>> -> memref<128x128xf32, #tpu.memory_space<vmem>>
    %dma_wait3A_457 = arith.constant 512 : i32
    %dma_wait3A_458 = arith.constant 0 : i32
    %dma_wait3A_459 = tpu.memref_slice %arg0[%dma_wait3A_457, %dma_wait3A_458] : memref<4096x128xf32, #tpu.memory_space<any>> -> memref<128x128xf32, #tpu.memory_space<any>>
    tpu.wait_dma2 semaphore(%dma_wait3A_452 : memref<!tpu.dma_semaphore, #tpu.memory_space<semaphore_mem>>) src(%dma_wait3A_459 : memref<128x128xf32, #tpu.memory_space<any>>) dst(%dma_wait3A_456 : memref<128x128xf32, #tpu.memory_space<vmem>>)
    %dma_wait3A_460 = arith.constant 0 : i32
    %dma_wait3A_461 = arith.constant 0 : i32
    %dma_wait3A_462 = tpu.memref_slice %arg8[%dma_wait3A_461] : memref<4x!tpu.dma_semaphore, #tpu.memory_space<semaphore_mem>> -> memref<1x!tpu.dma_semaphore, #tpu.memory_space<semaphore_mem>>
    %dma_wait3A_463 = tpu.memref_squeeze %dma_wait3A_462 : memref<1x!tpu.dma_semaphore, #tpu.memory_space<semaphore_mem>> -> memref<!tpu.dma_semaphore, #tpu.memory_space<semaphore_mem>>
    %dma_wait3A_464 = arith.constant 0 : i32
    %dma_wait3A_465 = arith.constant 0 : i32
    %dma_wait3A_466 = arith.constant 0 : i32
    %dma_wait3A_467 = tpu.memref_slice %arg2[%dma_wait3A_464, %dma_wait3A_465, %dma_wait3A_466] : memref<4096x51x128xf32, #tpu.memory_space<any>> -> memref<128x51x128xf32, #tpu.memory_space<any>>
    %dma_wait3A_468 = arith.constant 0 : i32
    %dma_wait3A_469 = arith.constant 0 : i32
    %dma_wait3A_470 = arith.constant 0 : i32
    %dma_wait3A_471 = tpu.memref_slice %arg5[%dma_wait3A_460, %dma_wait3A_468, %dma_wait3A_469, %dma_wait3A_470] : memref<4x128x51x128xf32, #tpu.memory_space<vmem>> -> memref<1x128x51x128xf32, #tpu.memory_space<vmem>>
    %dma_wait3A_472 = tpu.memref_squeeze %dma_wait3A_471 : memref<1x128x51x128xf32, #tpu.memory_space<vmem>> -> memref<128x51x128xf32, #tpu.memory_space<vmem>>
    tpu.wait_dma2 semaphore(%dma_wait3A_463 : memref<!tpu.dma_semaphore, #tpu.memory_space<semaphore_mem>>) src(%dma_wait3A_472 : memref<128x51x128xf32, #tpu.memory_space<vmem>>) dst(%dma_wait3A_467 : memref<128x51x128xf32, #tpu.memory_space<any>>)
    %get3A_473 = arith.constant 0 : index
    %get3A_474 = arith.constant 0 : index
    %get3A_475 = arith.constant 0 : index
    %get3A_476 = vector.load %arg4[%get3A_473, %get3A_474, %get3A_475] : memref<4x128x128xf32, #tpu.memory_space<vmem>>, vector<1x128x128xf32>
    %get3A_477 = vector.shape_cast %get3A_476 : vector<1x128x128xf32> to vector<128x128xf32>
    %swap3A_478 = arith.constant 0 : index
    %swap3A_479 = arith.constant 0 : index
    %swap3A_480 = arith.constant 0 : index
    %swap3A_481 = arith.constant 0 : index
    %swap3A_482 = vector.load %arg5[%swap3A_478, %swap3A_479, %swap3A_480, %swap3A_481] : memref<4x128x51x128xf32, #tpu.memory_space<vmem>>, vector<1x128x1x128xf32>
    %swap3A_483 = vector.shape_cast %swap3A_482 : vector<1x128x1x128xf32> to vector<128x128xf32>
    %swap3A_484 = vector.shape_cast %get3A_477 : vector<128x128xf32> to vector<1x128x1x128xf32>
    tpu.vector_store %arg5[%swap3A_478, %swap3A_479, %swap3A_480, %swap3A_481], %swap3A_484 {strides = array<i32>} : memref<4x128x51x128xf32, #tpu.memory_space<vmem>>, vector<1x128x1x128xf32>,
    %get3A_485 = arith.constant 0 : index
    %get3A_486 = arith.constant 0 : index
    %get3A_487 = arith.constant 0 : index
    %get3A_488 = arith.constant 0 : index
    %get3A_489 = vector.load %arg3[%get3A_485, %get3A_486, %get3A_487, %get3A_488] : memref<4x128x50x128xf32, #tpu.memory_space<vmem>>, vector<1x128x50x128xf32>
    %get3A_490 = vector.shape_cast %get3A_489 : vector<1x128x50x128xf32> to vector<128x50x128xf32>
    %swap3A_491 = arith.constant 0 : index
    %swap3A_492 = arith.constant 0 : index
    %swap3A_493 = arith.constant 1 : index
    %swap3A_494 = arith.constant 0 : index
    %swap3A_495 = vector.load %arg5[%swap3A_491, %swap3A_492, %swap3A_493, %swap3A_494] : memref<4x128x51x128xf32, #tpu.memory_space<vmem>>, vector<1x128x50x128xf32>
    %swap3A_496 = vector.shape_cast %swap3A_495 : vector<1x128x50x128xf32> to vector<128x50x128xf32>
    %swap3A_497 = vector.shape_cast %get3A_490 : vector<128x50x128xf32> to vector<1x128x50x128xf32>
    tpu.vector_store %arg5[%swap3A_491, %swap3A_492, %swap3A_493, %swap3A_494], %swap3A_497 {strides = array<i32>} : memref<4x128x51x128xf32, #tpu.memory_space<vmem>>, vector<1x128x50x128xf32>,
    %dma_start3A_498 = arith.constant 0 : i32
    %dma_start3A_499 = arith.constant 0 : i32
    %dma_start3A_500 = tpu.memref_slice %arg8[%dma_start3A_499] : memref<4x!tpu.dma_semaphore, #tpu.memory_space<semaphore_mem>> -> memref<1x!tpu.dma_semaphore, #tpu.memory_space<semaphore_mem>>
    %dma_start3A_501 = tpu.memref_squeeze %dma_start3A_500 : memref<1x!tpu.dma_semaphore, #tpu.memory_space<semaphore_mem>> -> memref<!tpu.dma_semaphore, #tpu.memory_space<semaphore_mem>>
    %dma_start3A_502 = arith.constant 512 : i32
    %dma_start3A_503 = arith.constant 0 : i32
    %dma_start3A_504 = arith.constant 0 : i32
    %dma_start3A_505 = tpu.memref_slice %arg2[%dma_start3A_502, %dma_start3A_503, %dma_start3A_504] : memref<4096x51x128xf32, #tpu.memory_space<any>> -> memref<128x51x128xf32, #tpu.memory_space<any>>
    %dma_start3A_506 = arith.constant 0 : i32
    %dma_start3A_507 = arith.constant 0 : i32
    %dma_start3A_508 = arith.constant 0 : i32
    %dma_start3A_509 = tpu.memref_slice %arg5[%dma_start3A_498, %dma_start3A_506, %dma_start3A_507, %dma_start3A_508] : memref<4x128x51x128xf32, #tpu.memory_space<vmem>> -> memref<1x128x51x128xf32, #tpu.memory_space<vmem>>
    %dma_start3A_510 = tpu.memref_squeeze %dma_start3A_509 : memref<1x128x51x128xf32, #tpu.memory_space<vmem>> -> memref<128x51x128xf32, #tpu.memory_space<vmem>>
    tpu.enqueue_dma source(%dma_start3A_510 : memref<128x51x128xf32, #tpu.memory_space<vmem>>) target(%dma_start3A_505 : memref<128x51x128xf32, #tpu.memory_space<any>>) target_semaphore(%dma_start3A_501 : memref<!tpu.dma_semaphore, #tpu.memory_space<semaphore_mem>>)
    %dma_start3A_511 = arith.constant 0 : i32
    %dma_start3A_512 = arith.constant 0 : i32
    %dma_start3A_513 = tpu.memref_slice %arg6[%dma_start3A_512] : memref<4x!tpu.dma_semaphore, #tpu.memory_space<semaphore_mem>> -> memref<1x!tpu.dma_semaphore, #tpu.memory_space<semaphore_mem>>
    %dma_start3A_514 = tpu.memref_squeeze %dma_start3A_513 : memref<1x!tpu.dma_semaphore, #tpu.memory_space<semaphore_mem>> -> memref<!tpu.dma_semaphore, #tpu.memory_space<semaphore_mem>>
    %dma_start3A_515 = arith.constant 0 : i32
    %dma_start3A_516 = arith.constant 0 : i32
    %dma_start3A_517 = arith.constant 0 : i32
    %dma_start3A_518 = tpu.memref_slice %arg3[%dma_start3A_511, %dma_start3A_515, %dma_start3A_516, %dma_start3A_517] : memref<4x128x50x128xf32, #tpu.memory_space<vmem>> -> memref<1x128x50x128xf32, #tpu.memory_space<vmem>>
    %dma_start3A_519 = tpu.memref_squeeze %dma_start3A_518 : memref<1x128x50x128xf32, #tpu.memory_space<vmem>> -> memref<128x50x128xf32, #tpu.memory_space<vmem>>
    %dma_start3A_520 = arith.constant 1024 : i32
    %dma_start3A_521 = arith.constant 0 : i32
    %dma_start3A_522 = arith.constant 0 : i32
    %dma_start3A_523 = tpu.memref_slice %arg1[%dma_start3A_520, %dma_start3A_521, %dma_start3A_522] : memref<4096x50x128xf32, #tpu.memory_space<any>> -> memref<128x50x128xf32, #tpu.memory_space<any>>
    tpu.enqueue_dma source(%dma_start3A_523 : memref<128x50x128xf32, #tpu.memory_space<any>>) target(%dma_start3A_519 : memref<128x50x128xf32, #tpu.memory_space<vmem>>) target_semaphore(%dma_start3A_514 : memref<!tpu.dma_semaphore, #tpu.memory_space<semaphore_mem>>)
    %dma_start3A_524 = arith.constant 0 : i32
    %dma_start3A_525 = arith.constant 0 : i32
    %dma_start3A_526 = tpu.memref_slice %arg7[%dma_start3A_525] : memref<4x!tpu.dma_semaphore, #tpu.memory_space<semaphore_mem>> -> memref<1x!tpu.dma_semaphore, #tpu.memory_space<semaphore_mem>>
    %dma_start3A_527 = tpu.memref_squeeze %dma_start3A_526 : memref<1x!tpu.dma_semaphore, #tpu.memory_space<semaphore_mem>> -> memref<!tpu.dma_semaphore, #tpu.memory_space<semaphore_mem>>
    %dma_start3A_528 = arith.constant 0 : i32
    %dma_start3A_529 = arith.constant 0 : i32
    %dma_start3A_530 = tpu.memref_slice %arg4[%dma_start3A_524, %dma_start3A_528, %dma_start3A_529] : memref<4x128x128xf32, #tpu.memory_space<vmem>> -> memref<1x128x128xf32, #tpu.memory_space<vmem>>
    %dma_start3A_531 = tpu.memref_squeeze %dma_start3A_530 : memref<1x128x128xf32, #tpu.memory_space<vmem>> -> memref<128x128xf32, #tpu.memory_space<vmem>>
    %dma_start3A_532 = arith.constant 1024 : i32
    %dma_start3A_533 = arith.constant 0 : i32
    %dma_start3A_534 = tpu.memref_slice %arg0[%dma_start3A_532, %dma_start3A_533] : memref<4096x128xf32, #tpu.memory_space<any>> -> memref<128x128xf32, #tpu.memory_space<any>>
    tpu.enqueue_dma source(%dma_start3A_534 : memref<128x128xf32, #tpu.memory_space<any>>) target(%dma_start3A_531 : memref<128x128xf32, #tpu.memory_space<vmem>>) target_semaphore(%dma_start3A_527 : memref<!tpu.dma_semaphore, #tpu.memory_space<semaphore_mem>>)
    %dma_wait3A_535 = arith.constant 1 : i32
    %dma_wait3A_536 = arith.constant 1 : i32
    %dma_wait3A_537 = tpu.memref_slice %arg6[%dma_wait3A_536] : memref<4x!tpu.dma_semaphore, #tpu.memory_space<semaphore_mem>> -> memref<1x!tpu.dma_semaphore, #tpu.memory_space<semaphore_mem>>
    %dma_wait3A_538 = tpu.memref_squeeze %dma_wait3A_537 : memref<1x!tpu.dma_semaphore, #tpu.memory_space<semaphore_mem>> -> memref<!tpu.dma_semaphore, #tpu.memory_space<semaphore_mem>>
    %dma_wait3A_539 = arith.constant 0 : i32
    %dma_wait3A_540 = arith.constant 0 : i32
    %dma_wait3A_541 = arith.constant 0 : i32
    %dma_wait3A_542 = tpu.memref_slice %arg3[%dma_wait3A_535, %dma_wait3A_539, %dma_wait3A_540, %dma_wait3A_541] : memref<4x128x50x128xf32, #tpu.memory_space<vmem>> -> memref<1x128x50x128xf32, #tpu.memory_space<vmem>>
    %dma_wait3A_543 = tpu.memref_squeeze %dma_wait3A_542 : memref<1x128x50x128xf32, #tpu.memory_space<vmem>> -> memref<128x50x128xf32, #tpu.memory_space<vmem>>
    %dma_wait3A_544 = arith.constant 640 : i32
    %dma_wait3A_545 = arith.constant 0 : i32
    %dma_wait3A_546 = arith.constant 0 : i32
    %dma_wait3A_547 = tpu.memref_slice %arg1[%dma_wait3A_544, %dma_wait3A_545, %dma_wait3A_546] : memref<4096x50x128xf32, #tpu.memory_space<any>> -> memref<128x50x128xf32, #tpu.memory_space<any>>
    tpu.wait_dma2 semaphore(%dma_wait3A_538 : memref<!tpu.dma_semaphore, #tpu.memory_space<semaphore_mem>>) src(%dma_wait3A_547 : memref<128x50x128xf32, #tpu.memory_space<any>>) dst(%dma_wait3A_543 : memref<128x50x128xf32, #tpu.memory_space<vmem>>)
    %dma_wait3A_548 = arith.constant 1 : i32
    %dma_wait3A_549 = arith.constant 1 : i32
    %dma_wait3A_550 = tpu.memref_slice %arg7[%dma_wait3A_549] : memref<4x!tpu.dma_semaphore, #tpu.memory_space<semaphore_mem>> -> memref<1x!tpu.dma_semaphore, #tpu.memory_space<semaphore_mem>>
    %dma_wait3A_551 = tpu.memref_squeeze %dma_wait3A_550 : memref<1x!tpu.dma_semaphore, #tpu.memory_space<semaphore_mem>> -> memref<!tpu.dma_semaphore, #tpu.memory_space<semaphore_mem>>
    %dma_wait3A_552 = arith.constant 0 : i32
    %dma_wait3A_553 = arith.constant 0 : i32
    %dma_wait3A_554 = tpu.memref_slice %arg4[%dma_wait3A_548, %dma_wait3A_552, %dma_wait3A_553] : memref<4x128x128xf32, #tpu.memory_space<vmem>> -> memref<1x128x128xf32, #tpu.memory_space<vmem>>
    %dma_wait3A_555 = tpu.memref_squeeze %dma_wait3A_554 : memref<1x128x128xf32, #tpu.memory_space<vmem>> -> memref<128x128xf32, #tpu.memory_space<vmem>>
    %dma_wait3A_556 = arith.constant 640 : i32
    %dma_wait3A_557 = arith.constant 0 : i32
    %dma_wait3A_558 = tpu.memref_slice %arg0[%dma_wait3A_556, %dma_wait3A_557] : memref<4096x128xf32, #tpu.memory_space<any>> -> memref<128x128xf32, #tpu.memory_space<any>>
    tpu.wait_dma2 semaphore(%dma_wait3A_551 : memref<!tpu.dma_semaphore, #tpu.memory_space<semaphore_mem>>) src(%dma_wait3A_558 : memref<128x128xf32, #tpu.memory_space<any>>) dst(%dma_wait3A_555 : memref<128x128xf32, #tpu.memory_space<vmem>>)
    %dma_wait3A_559 = arith.constant 1 : i32
    %dma_wait3A_560 = arith.constant 1 : i32
    %dma_wait3A_561 = tpu.memref_slice %arg8[%dma_wait3A_560] : memref<4x!tpu.dma_semaphore, #tpu.memory_space<semaphore_mem>> -> memref<1x!tpu.dma_semaphore, #tpu.memory_space<semaphore_mem>>
    %dma_wait3A_562 = tpu.memref_squeeze %dma_wait3A_561 : memref<1x!tpu.dma_semaphore, #tpu.memory_space<semaphore_mem>> -> memref<!tpu.dma_semaphore, #tpu.memory_space<semaphore_mem>>
    %dma_wait3A_563 = arith.constant 128 : i32
    %dma_wait3A_564 = arith.constant 0 : i32
    %dma_wait3A_565 = arith.constant 0 : i32
    %dma_wait3A_566 = tpu.memref_slice %arg2[%dma_wait3A_563, %dma_wait3A_564, %dma_wait3A_565] : memref<4096x51x128xf32, #tpu.memory_space<any>> -> memref<128x51x128xf32, #tpu.memory_space<any>>
    %dma_wait3A_567 = arith.constant 0 : i32
    %dma_wait3A_568 = arith.constant 0 : i32
    %dma_wait3A_569 = arith.constant 0 : i32
    %dma_wait3A_570 = tpu.memref_slice %arg5[%dma_wait3A_559, %dma_wait3A_567, %dma_wait3A_568, %dma_wait3A_569] : memref<4x128x51x128xf32, #tpu.memory_space<vmem>> -> memref<1x128x51x128xf32, #tpu.memory_space<vmem>>
    %dma_wait3A_571 = tpu.memref_squeeze %dma_wait3A_570 : memref<1x128x51x128xf32, #tpu.memory_space<vmem>> -> memref<128x51x128xf32, #tpu.memory_space<vmem>>
    tpu.wait_dma2 semaphore(%dma_wait3A_562 : memref<!tpu.dma_semaphore, #tpu.memory_space<semaphore_mem>>) src(%dma_wait3A_571 : memref<128x51x128xf32, #tpu.memory_space<vmem>>) dst(%dma_wait3A_566 : memref<128x51x128xf32, #tpu.memory_space<any>>)
    %get3A_572 = arith.constant 1 : index
    %get3A_573 = arith.constant 0 : index
    %get3A_574 = arith.constant 0 : index
    %get3A_575 = vector.load %arg4[%get3A_572, %get3A_573, %get3A_574] : memref<4x128x128xf32, #tpu.memory_space<vmem>>, vector<1x128x128xf32>
    %get3A_576 = vector.shape_cast %get3A_575 : vector<1x128x128xf32> to vector<128x128xf32>
    %swap3A_577 = arith.constant 1 : index
    %swap3A_578 = arith.constant 0 : index
    %swap3A_579 = arith.constant 0 : index
    %swap3A_580 = arith.constant 0 : index
    %swap3A_581 = vector.load %arg5[%swap3A_577, %swap3A_578, %swap3A_579, %swap3A_580] : memref<4x128x51x128xf32, #tpu.memory_space<vmem>>, vector<1x128x1x128xf32>
    %swap3A_582 = vector.shape_cast %swap3A_581 : vector<1x128x1x128xf32> to vector<128x128xf32>
    %swap3A_583 = vector.shape_cast %get3A_576 : vector<128x128xf32> to vector<1x128x1x128xf32>
    tpu.vector_store %arg5[%swap3A_577, %swap3A_578, %swap3A_579, %swap3A_580], %swap3A_583 {strides = array<i32>} : memref<4x128x51x128xf32, #tpu.memory_space<vmem>>, vector<1x128x1x128xf32>,
    %get3A_584 = arith.constant 1 : index
    %get3A_585 = arith.constant 0 : index
    %get3A_586 = arith.constant 0 : index
    %get3A_587 = arith.constant 0 : index
    %get3A_588 = vector.load %arg3[%get3A_584, %get3A_585, %get3A_586, %get3A_587] : memref<4x128x50x128xf32, #tpu.memory_space<vmem>>, vector<1x128x50x128xf32>
    %get3A_589 = vector.shape_cast %get3A_588 : vector<1x128x50x128xf32> to vector<128x50x128xf32>
    %swap3A_590 = arith.constant 1 : index
    %swap3A_591 = arith.constant 0 : index
    %swap3A_592 = arith.constant 1 : index
    %swap3A_593 = arith.constant 0 : index
    %swap3A_594 = vector.load %arg5[%swap3A_590, %swap3A_591, %swap3A_592, %swap3A_593] : memref<4x128x51x128xf32, #tpu.memory_space<vmem>>, vector<1x128x50x128xf32>
    %swap3A_595 = vector.shape_cast %swap3A_594 : vector<1x128x50x128xf32> to vector<128x50x128xf32>
    %swap3A_596 = vector.shape_cast %get3A_589 : vector<128x50x128xf32> to vector<1x128x50x128xf32>
    tpu.vector_store %arg5[%swap3A_590, %swap3A_591, %swap3A_592, %swap3A_593], %swap3A_596 {strides = array<i32>} : memref<4x128x51x128xf32, #tpu.memory_space<vmem>>, vector<1x128x50x128xf32>,
    %dma_start3A_597 = arith.constant 1 : i32
    %dma_start3A_598 = arith.constant 1 : i32
    %dma_start3A_599 = tpu.memref_slice %arg8[%dma_start3A_598] : memref<4x!tpu.dma_semaphore, #tpu.memory_space<semaphore_mem>> -> memref<1x!tpu.dma_semaphore, #tpu.memory_space<semaphore_mem>>
    %dma_start3A_600 = tpu.memref_squeeze %dma_start3A_599 : memref<1x!tpu.dma_semaphore, #tpu.memory_space<semaphore_mem>> -> memref<!tpu.dma_semaphore, #tpu.memory_space<semaphore_mem>>
    %dma_start3A_601 = arith.constant 640 : i32
    %dma_start3A_602 = arith.constant 0 : i32
    %dma_start3A_603 = arith.constant 0 : i32
    %dma_start3A_604 = tpu.memref_slice %arg2[%dma_start3A_601, %dma_start3A_602, %dma_start3A_603] : memref<4096x51x128xf32, #tpu.memory_space<any>> -> memref<128x51x128xf32, #tpu.memory_space<any>>
    %dma_start3A_605 = arith.constant 0 : i32
    %dma_start3A_606 = arith.constant 0 : i32
    %dma_start3A_607 = arith.constant 0 : i32
    %dma_start3A_608 = tpu.memref_slice %arg5[%dma_start3A_597, %dma_start3A_605, %dma_start3A_606, %dma_start3A_607] : memref<4x128x51x128xf32, #tpu.memory_space<vmem>> -> memref<1x128x51x128xf32, #tpu.memory_space<vmem>>
    %dma_start3A_609 = tpu.memref_squeeze %dma_start3A_608 : memref<1x128x51x128xf32, #tpu.memory_space<vmem>> -> memref<128x51x128xf32, #tpu.memory_space<vmem>>
    tpu.enqueue_dma source(%dma_start3A_609 : memref<128x51x128xf32, #tpu.memory_space<vmem>>) target(%dma_start3A_604 : memref<128x51x128xf32, #tpu.memory_space<any>>) target_semaphore(%dma_start3A_600 : memref<!tpu.dma_semaphore, #tpu.memory_space<semaphore_mem>>)
    %dma_start3A_610 = arith.constant 1 : i32
    %dma_start3A_611 = arith.constant 1 : i32
    %dma_start3A_612 = tpu.memref_slice %arg6[%dma_start3A_611] : memref<4x!tpu.dma_semaphore, #tpu.memory_space<semaphore_mem>> -> memref<1x!tpu.dma_semaphore, #tpu.memory_space<semaphore_mem>>
    %dma_start3A_613 = tpu.memref_squeeze %dma_start3A_612 : memref<1x!tpu.dma_semaphore, #tpu.memory_space<semaphore_mem>> -> memref<!tpu.dma_semaphore, #tpu.memory_space<semaphore_mem>>
    %dma_start3A_614 = arith.constant 0 : i32
    %dma_start3A_615 = arith.constant 0 : i32
    %dma_start3A_616 = arith.constant 0 : i32
    %dma_start3A_617 = tpu.memref_slice %arg3[%dma_start3A_610, %dma_start3A_614, %dma_start3A_615, %dma_start3A_616] : memref<4x128x50x128xf32, #tpu.memory_space<vmem>> -> memref<1x128x50x128xf32, #tpu.memory_space<vmem>>
    %dma_start3A_618 = tpu.memref_squeeze %dma_start3A_617 : memref<1x128x50x128xf32, #tpu.memory_space<vmem>> -> memref<128x50x128xf32, #tpu.memory_space<vmem>>
    %dma_start3A_619 = arith.constant 1152 : i32
    %dma_start3A_620 = arith.constant 0 : i32
    %dma_start3A_621 = arith.constant 0 : i32
    %dma_start3A_622 = tpu.memref_slice %arg1[%dma_start3A_619, %dma_start3A_620, %dma_start3A_621] : memref<4096x50x128xf32, #tpu.memory_space<any>> -> memref<128x50x128xf32, #tpu.memory_space<any>>
    tpu.enqueue_dma source(%dma_start3A_622 : memref<128x50x128xf32, #tpu.memory_space<any>>) target(%dma_start3A_618 : memref<128x50x128xf32, #tpu.memory_space<vmem>>) target_semaphore(%dma_start3A_613 : memref<!tpu.dma_semaphore, #tpu.memory_space<semaphore_mem>>)
    %dma_start3A_623 = arith.constant 1 : i32
    %dma_start3A_624 = arith.constant 1 : i32
    %dma_start3A_625 = tpu.memref_slice %arg7[%dma_start3A_624] : memref<4x!tpu.dma_semaphore, #tpu.memory_space<semaphore_mem>> -> memref<1x!tpu.dma_semaphore, #tpu.memory_space<semaphore_mem>>
    %dma_start3A_626 = tpu.memref_squeeze %dma_start3A_625 : memref<1x!tpu.dma_semaphore, #tpu.memory_space<semaphore_mem>> -> memref<!tpu.dma_semaphore, #tpu.memory_space<semaphore_mem>>
    %dma_start3A_627 = arith.constant 0 : i32
    %dma_start3A_628 = arith.constant 0 : i32
    %dma_start3A_629 = tpu.memref_slice %arg4[%dma_start3A_623, %dma_start3A_627, %dma_start3A_628] : memref<4x128x128xf32, #tpu.memory_space<vmem>> -> memref<1x128x128xf32, #tpu.memory_space<vmem>>
    %dma_start3A_630 = tpu.memref_squeeze %dma_start3A_629 : memref<1x128x128xf32, #tpu.memory_space<vmem>> -> memref<128x128xf32, #tpu.memory_space<vmem>>
    %dma_start3A_631 = arith.constant 1152 : i32
    %dma_start3A_632 = arith.constant 0 : i32
    %dma_start3A_633 = tpu.memref_slice %arg0[%dma_start3A_631, %dma_start3A_632] : memref<4096x128xf32, #tpu.memory_space<any>> -> memref<128x128xf32, #tpu.memory_space<any>>
    tpu.enqueue_dma source(%dma_start3A_633 : memref<128x128xf32, #tpu.memory_space<any>>) target(%dma_start3A_630 : memref<128x128xf32, #tpu.memory_space<vmem>>) target_semaphore(%dma_start3A_626 : memref<!tpu.dma_semaphore, #tpu.memory_space<semaphore_mem>>)
    %dma_wait3A_634 = arith.constant 2 : i32
    %dma_wait3A_635 = arith.constant 2 : i32
    %dma_wait3A_636 = tpu.memref_slice %arg6[%dma_wait3A_635] : memref<4x!tpu.dma_semaphore, #tpu.memory_space<semaphore_mem>> -> memref<1x!tpu.dma_semaphore, #tpu.memory_space<semaphore_mem>>
    %dma_wait3A_637 = tpu.memref_squeeze %dma_wait3A_636 : memref<1x!tpu.dma_semaphore, #tpu.memory_space<semaphore_mem>> -> memref<!tpu.dma_semaphore, #tpu.memory_space<semaphore_mem>>
    %dma_wait3A_638 = arith.constant 0 : i32
    %dma_wait3A_639 = arith.constant 0 : i32
    %dma_wait3A_640 = arith.constant 0 : i32
    %dma_wait3A_641 = tpu.memref_slice %arg3[%dma_wait3A_634, %dma_wait3A_638, %dma_wait3A_639, %dma_wait3A_640] : memref<4x128x50x128xf32, #tpu.memory_space<vmem>> -> memref<1x128x50x128xf32, #tpu.memory_space<vmem>>
    %dma_wait3A_642 = tpu.memref_squeeze %dma_wait3A_641 : memref<1x128x50x128xf32, #tpu.memory_space<vmem>> -> memref<128x50x128xf32, #tpu.memory_space<vmem>>
    %dma_wait3A_643 = arith.constant 768 : i32
    %dma_wait3A_644 = arith.constant 0 : i32
    %dma_wait3A_645 = arith.constant 0 : i32
    %dma_wait3A_646 = tpu.memref_slice %arg1[%dma_wait3A_643, %dma_wait3A_644, %dma_wait3A_645] : memref<4096x50x128xf32, #tpu.memory_space<any>> -> memref<128x50x128xf32, #tpu.memory_space<any>>
    tpu.wait_dma2 semaphore(%dma_wait3A_637 : memref<!tpu.dma_semaphore, #tpu.memory_space<semaphore_mem>>) src(%dma_wait3A_646 : memref<128x50x128xf32, #tpu.memory_space<any>>) dst(%dma_wait3A_642 : memref<128x50x128xf32, #tpu.memory_space<vmem>>)
    %dma_wait3A_647 = arith.constant 2 : i32
    %dma_wait3A_648 = arith.constant 2 : i32
    %dma_wait3A_649 = tpu.memref_slice %arg7[%dma_wait3A_648] : memref<4x!tpu.dma_semaphore, #tpu.memory_space<semaphore_mem>> -> memref<1x!tpu.dma_semaphore, #tpu.memory_space<semaphore_mem>>
    %dma_wait3A_650 = tpu.memref_squeeze %dma_wait3A_649 : memref<1x!tpu.dma_semaphore, #tpu.memory_space<semaphore_mem>> -> memref<!tpu.dma_semaphore, #tpu.memory_space<semaphore_mem>>
    %dma_wait3A_651 = arith.constant 0 : i32
    %dma_wait3A_652 = arith.constant 0 : i32
    %dma_wait3A_653 = tpu.memref_slice %arg4[%dma_wait3A_647, %dma_wait3A_651, %dma_wait3A_652] : memref<4x128x128xf32, #tpu.memory_space<vmem>> -> memref<1x128x128xf32, #tpu.memory_space<vmem>>
    %dma_wait3A_654 = tpu.memref_squeeze %dma_wait3A_653 : memref<1x128x128xf32, #tpu.memory_space<vmem>> -> memref<128x128xf32, #tpu.memory_space<vmem>>
    %dma_wait3A_655 = arith.constant 768 : i32
    %dma_wait3A_656 = arith.constant 0 : i32
    %dma_wait3A_657 = tpu.memref_slice %arg0[%dma_wait3A_655, %dma_wait3A_656] : memref<4096x128xf32, #tpu.memory_space<any>> -> memref<128x128xf32, #tpu.memory_space<any>>
    tpu.wait_dma2 semaphore(%dma_wait3A_650 : memref<!tpu.dma_semaphore, #tpu.memory_space<semaphore_mem>>) src(%dma_wait3A_657 : memref<128x128xf32, #tpu.memory_space<any>>) dst(%dma_wait3A_654 : memref<128x128xf32, #tpu.memory_space<vmem>>)
    %dma_wait3A_658 = arith.constant 2 : i32
    %dma_wait3A_659 = arith.constant 2 : i32
    %dma_wait3A_660 = tpu.memref_slice %arg8[%dma_wait3A_659] : memref<4x!tpu.dma_semaphore, #tpu.memory_space<semaphore_mem>> -> memref<1x!tpu.dma_semaphore, #tpu.memory_space<semaphore_mem>>
    %dma_wait3A_661 = tpu.memref_squeeze %dma_wait3A_660 : memref<1x!tpu.dma_semaphore, #tpu.memory_space<semaphore_mem>> -> memref<!tpu.dma_semaphore, #tpu.memory_space<semaphore_mem>>
    %dma_wait3A_662 = arith.constant 256 : i32
    %dma_wait3A_663 = arith.constant 0 : i32
    %dma_wait3A_664 = arith.constant 0 : i32
    %dma_wait3A_665 = tpu.memref_slice %arg2[%dma_wait3A_662, %dma_wait3A_663, %dma_wait3A_664] : memref<4096x51x128xf32, #tpu.memory_space<any>> -> memref<128x51x128xf32, #tpu.memory_space<any>>
    %dma_wait3A_666 = arith.constant 0 : i32
    %dma_wait3A_667 = arith.constant 0 : i32
    %dma_wait3A_668 = arith.constant 0 : i32
    %dma_wait3A_669 = tpu.memref_slice %arg5[%dma_wait3A_658, %dma_wait3A_666, %dma_wait3A_667, %dma_wait3A_668] : memref<4x128x51x128xf32, #tpu.memory_space<vmem>> -> memref<1x128x51x128xf32, #tpu.memory_space<vmem>>
    %dma_wait3A_670 = tpu.memref_squeeze %dma_wait3A_669 : memref<1x128x51x128xf32, #tpu.memory_space<vmem>> -> memref<128x51x128xf32, #tpu.memory_space<vmem>>
    tpu.wait_dma2 semaphore(%dma_wait3A_661 : memref<!tpu.dma_semaphore, #tpu.memory_space<semaphore_mem>>) src(%dma_wait3A_670 : memref<128x51x128xf32, #tpu.memory_space<vmem>>) dst(%dma_wait3A_665 : memref<128x51x128xf32, #tpu.memory_space<any>>)
    %get3A_671 = arith.constant 2 : index
    %get3A_672 = arith.constant 0 : index
    %get3A_673 = arith.constant 0 : index
    %get3A_674 = vector.load %arg4[%get3A_671, %get3A_672, %get3A_673] : memref<4x128x128xf32, #tpu.memory_space<vmem>>, vector<1x128x128xf32>
    %get3A_675 = vector.shape_cast %get3A_674 : vector<1x128x128xf32> to vector<128x128xf32>
    %swap3A_676 = arith.constant 2 : index
    %swap3A_677 = arith.constant 0 : index
    %swap3A_678 = arith.constant 0 : index
    %swap3A_679 = arith.constant 0 : index
    %swap3A_680 = vector.load %arg5[%swap3A_676, %swap3A_677, %swap3A_678, %swap3A_679] : memref<4x128x51x128xf32, #tpu.memory_space<vmem>>, vector<1x128x1x128xf32>
    %swap3A_681 = vector.shape_cast %swap3A_680 : vector<1x128x1x128xf32> to vector<128x128xf32>
    %swap3A_682 = vector.shape_cast %get3A_675 : vector<128x128xf32> to vector<1x128x1x128xf32>
    tpu.vector_store %arg5[%swap3A_676, %swap3A_677, %swap3A_678, %swap3A_679], %swap3A_682 {strides = array<i32>} : memref<4x128x51x128xf32, #tpu.memory_space<vmem>>, vector<1x128x1x128xf32>,
    %get3A_683 = arith.constant 2 : index
    %get3A_684 = arith.constant 0 : index
    %get3A_685 = arith.constant 0 : index
    %get3A_686 = arith.constant 0 : index
    %get3A_687 = vector.load %arg3[%get3A_683, %get3A_684, %get3A_685, %get3A_686] : memref<4x128x50x128xf32, #tpu.memory_space<vmem>>, vector<1x128x50x128xf32>
    %get3A_688 = vector.shape_cast %get3A_687 : vector<1x128x50x128xf32> to vector<128x50x128xf32>
    %swap3A_689 = arith.constant 2 : index
    %swap3A_690 = arith.constant 0 : index
    %swap3A_691 = arith.constant 1 : index
    %swap3A_692 = arith.constant 0 : index
    %swap3A_693 = vector.load %arg5[%swap3A_689, %swap3A_690, %swap3A_691, %swap3A_692] : memref<4x128x51x128xf32, #tpu.memory_space<vmem>>, vector<1x128x50x128xf32>
    %swap3A_694 = vector.shape_cast %swap3A_693 : vector<1x128x50x128xf32> to vector<128x50x128xf32>
    %swap3A_695 = vector.shape_cast %get3A_688 : vector<128x50x128xf32> to vector<1x128x50x128xf32>
    tpu.vector_store %arg5[%swap3A_689, %swap3A_690, %swap3A_691, %swap3A_692], %swap3A_695 {strides = array<i32>} : memref<4x128x51x128xf32, #tpu.memory_space<vmem>>, vector<1x128x50x128xf32>,
    %dma_start3A_696 = arith.constant 2 : i32
    %dma_start3A_697 = arith.constant 2 : i32
    %dma_start3A_698 = tpu.memref_slice %arg8[%dma_start3A_697] : memref<4x!tpu.dma_semaphore, #tpu.memory_space<semaphore_mem>> -> memref<1x!tpu.dma_semaphore, #tpu.memory_space<semaphore_mem>>
    %dma_start3A_699 = tpu.memref_squeeze %dma_start3A_698 : memref<1x!tpu.dma_semaphore, #tpu.memory_space<semaphore_mem>> -> memref<!tpu.dma_semaphore, #tpu.memory_space<semaphore_mem>>
    %dma_start3A_700 = arith.constant 768 : i32
    %dma_start3A_701 = arith.constant 0 : i32
    %dma_start3A_702 = arith.constant 0 : i32
    %dma_start3A_703 = tpu.memref_slice %arg2[%dma_start3A_700, %dma_start3A_701, %dma_start3A_702] : memref<4096x51x128xf32, #tpu.memory_space<any>> -> memref<128x51x128xf32, #tpu.memory_space<any>>
    %dma_start3A_704 = arith.constant 0 : i32
    %dma_start3A_705 = arith.constant 0 : i32
    %dma_start3A_706 = arith.constant 0 : i32
    %dma_start3A_707 = tpu.memref_slice %arg5[%dma_start3A_696, %dma_start3A_704, %dma_start3A_705, %dma_start3A_706] : memref<4x128x51x128xf32, #tpu.memory_space<vmem>> -> memref<1x128x51x128xf32, #tpu.memory_space<vmem>>
    %dma_start3A_708 = tpu.memref_squeeze %dma_start3A_707 : memref<1x128x51x128xf32, #tpu.memory_space<vmem>> -> memref<128x51x128xf32, #tpu.memory_space<vmem>>
    tpu.enqueue_dma source(%dma_start3A_708 : memref<128x51x128xf32, #tpu.memory_space<vmem>>) target(%dma_start3A_703 : memref<128x51x128xf32, #tpu.memory_space<any>>) target_semaphore(%dma_start3A_699 : memref<!tpu.dma_semaphore, #tpu.memory_space<semaphore_mem>>)
    %dma_start3A_709 = arith.constant 2 : i32
    %dma_start3A_710 = arith.constant 2 : i32
    %dma_start3A_711 = tpu.memref_slice %arg6[%dma_start3A_710] : memref<4x!tpu.dma_semaphore, #tpu.memory_space<semaphore_mem>> -> memref<1x!tpu.dma_semaphore, #tpu.memory_space<semaphore_mem>>
    %dma_start3A_712 = tpu.memref_squeeze %dma_start3A_711 : memref<1x!tpu.dma_semaphore, #tpu.memory_space<semaphore_mem>> -> memref<!tpu.dma_semaphore, #tpu.memory_space<semaphore_mem>>
    %dma_start3A_713 = arith.constant 0 : i32
    %dma_start3A_714 = arith.constant 0 : i32
    %dma_start3A_715 = arith.constant 0 : i32
    %dma_start3A_716 = tpu.memref_slice %arg3[%dma_start3A_709, %dma_start3A_713, %dma_start3A_714, %dma_start3A_715] : memref<4x128x50x128xf32, #tpu.memory_space<vmem>> -> memref<1x128x50x128xf32, #tpu.memory_space<vmem>>
    %dma_start3A_717 = tpu.memref_squeeze %dma_start3A_716 : memref<1x128x50x128xf32, #tpu.memory_space<vmem>> -> memref<128x50x128xf32, #tpu.memory_space<vmem>>
    %dma_start3A_718 = arith.constant 1280 : i32
    %dma_start3A_719 = arith.constant 0 : i32
    %dma_start3A_720 = arith.constant 0 : i32
    %dma_start3A_721 = tpu.memref_slice %arg1[%dma_start3A_718, %dma_start3A_719, %dma_start3A_720] : memref<4096x50x128xf32, #tpu.memory_space<any>> -> memref<128x50x128xf32, #tpu.memory_space<any>>
    tpu.enqueue_dma source(%dma_start3A_721 : memref<128x50x128xf32, #tpu.memory_space<any>>) target(%dma_start3A_717 : memref<128x50x128xf32, #tpu.memory_space<vmem>>) target_semaphore(%dma_start3A_712 : memref<!tpu.dma_semaphore, #tpu.memory_space<semaphore_mem>>)
    %dma_start3A_722 = arith.constant 2 : i32
    %dma_start3A_723 = arith.constant 2 : i32
    %dma_start3A_724 = tpu.memref_slice %arg7[%dma_start3A_723] : memref<4x!tpu.dma_semaphore, #tpu.memory_space<semaphore_mem>> -> memref<1x!tpu.dma_semaphore, #tpu.memory_space<semaphore_mem>>
    %dma_start3A_725 = tpu.memref_squeeze %dma_start3A_724 : memref<1x!tpu.dma_semaphore, #tpu.memory_space<semaphore_mem>> -> memref<!tpu.dma_semaphore, #tpu.memory_space<semaphore_mem>>
    %dma_start3A_726 = arith.constant 0 : i32
    %dma_start3A_727 = arith.constant 0 : i32
    %dma_start3A_728 = tpu.memref_slice %arg4[%dma_start3A_722, %dma_start3A_726, %dma_start3A_727] : memref<4x128x128xf32, #tpu.memory_space<vmem>> -> memref<1x128x128xf32, #tpu.memory_space<vmem>>
    %dma_start3A_729 = tpu.memref_squeeze %dma_start3A_728 : memref<1x128x128xf32, #tpu.memory_space<vmem>> -> memref<128x128xf32, #tpu.memory_space<vmem>>
    %dma_start3A_730 = arith.constant 1280 : i32
    %dma_start3A_731 = arith.constant 0 : i32
    %dma_start3A_732 = tpu.memref_slice %arg0[%dma_start3A_730, %dma_start3A_731] : memref<4096x128xf32, #tpu.memory_space<any>> -> memref<128x128xf32, #tpu.memory_space<any>>
    tpu.enqueue_dma source(%dma_start3A_732 : memref<128x128xf32, #tpu.memory_space<any>>) target(%dma_start3A_729 : memref<128x128xf32, #tpu.memory_space<vmem>>) target_semaphore(%dma_start3A_725 : memref<!tpu.dma_semaphore, #tpu.memory_space<semaphore_mem>>)
    %dma_wait3A_733 = arith.constant 3 : i32
    %dma_wait3A_734 = arith.constant 3 : i32
    %dma_wait3A_735 = tpu.memref_slice %arg6[%dma_wait3A_734] : memref<4x!tpu.dma_semaphore, #tpu.memory_space<semaphore_mem>> -> memref<1x!tpu.dma_semaphore, #tpu.memory_space<semaphore_mem>>
    %dma_wait3A_736 = tpu.memref_squeeze %dma_wait3A_735 : memref<1x!tpu.dma_semaphore, #tpu.memory_space<semaphore_mem>> -> memref<!tpu.dma_semaphore, #tpu.memory_space<semaphore_mem>>
    %dma_wait3A_737 = arith.constant 0 : i32
    %dma_wait3A_738 = arith.constant 0 : i32
    %dma_wait3A_739 = arith.constant 0 : i32
    %dma_wait3A_740 = tpu.memref_slice %arg3[%dma_wait3A_733, %dma_wait3A_737, %dma_wait3A_738, %dma_wait3A_739] : memref<4x128x50x128xf32, #tpu.memory_space<vmem>> -> memref<1x128x50x128xf32, #tpu.memory_space<vmem>>
    %dma_wait3A_741 = tpu.memref_squeeze %dma_wait3A_740 : memref<1x128x50x128xf32, #tpu.memory_space<vmem>> -> memref<128x50x128xf32, #tpu.memory_space<vmem>>
    %dma_wait3A_742 = arith.constant 896 : i32
    %dma_wait3A_743 = arith.constant 0 : i32
    %dma_wait3A_744 = arith.constant 0 : i32
    %dma_wait3A_745 = tpu.memref_slice %arg1[%dma_wait3A_742, %dma_wait3A_743, %dma_wait3A_744] : memref<4096x50x128xf32, #tpu.memory_space<any>> -> memref<128x50x128xf32, #tpu.memory_space<any>>
    tpu.wait_dma2 semaphore(%dma_wait3A_736 : memref<!tpu.dma_semaphore, #tpu.memory_space<semaphore_mem>>) src(%dma_wait3A_745 : memref<128x50x128xf32, #tpu.memory_space<any>>) dst(%dma_wait3A_741 : memref<128x50x128xf32, #tpu.memory_space<vmem>>)
    %dma_wait3A_746 = arith.constant 3 : i32
    %dma_wait3A_747 = arith.constant 3 : i32
    %dma_wait3A_748 = tpu.memref_slice %arg7[%dma_wait3A_747] : memref<4x!tpu.dma_semaphore, #tpu.memory_space<semaphore_mem>> -> memref<1x!tpu.dma_semaphore, #tpu.memory_space<semaphore_mem>>
    %dma_wait3A_749 = tpu.memref_squeeze %dma_wait3A_748 : memref<1x!tpu.dma_semaphore, #tpu.memory_space<semaphore_mem>> -> memref<!tpu.dma_semaphore, #tpu.memory_space<semaphore_mem>>
    %dma_wait3A_750 = arith.constant 0 : i32
    %dma_wait3A_751 = arith.constant 0 : i32
    %dma_wait3A_752 = tpu.memref_slice %arg4[%dma_wait3A_746, %dma_wait3A_750, %dma_wait3A_751] : memref<4x128x128xf32, #tpu.memory_space<vmem>> -> memref<1x128x128xf32, #tpu.memory_space<vmem>>
    %dma_wait3A_753 = tpu.memref_squeeze %dma_wait3A_752 : memref<1x128x128xf32, #tpu.memory_space<vmem>> -> memref<128x128xf32, #tpu.memory_space<vmem>>
    %dma_wait3A_754 = arith.constant 896 : i32
    %dma_wait3A_755 = arith.constant 0 : i32
    %dma_wait3A_756 = tpu.memref_slice %arg0[%dma_wait3A_754, %dma_wait3A_755] : memref<4096x128xf32, #tpu.memory_space<any>> -> memref<128x128xf32, #tpu.memory_space<any>>
    tpu.wait_dma2 semaphore(%dma_wait3A_749 : memref<!tpu.dma_semaphore, #tpu.memory_space<semaphore_mem>>) src(%dma_wait3A_756 : memref<128x128xf32, #tpu.memory_space<any>>) dst(%dma_wait3A_753 : memref<128x128xf32, #tpu.memory_space<vmem>>)
    %dma_wait3A_757 = arith.constant 3 : i32
    %dma_wait3A_758 = arith.constant 3 : i32
    %dma_wait3A_759 = tpu.memref_slice %arg8[%dma_wait3A_758] : memref<4x!tpu.dma_semaphore, #tpu.memory_space<semaphore_mem>> -> memref<1x!tpu.dma_semaphore, #tpu.memory_space<semaphore_mem>>
    %dma_wait3A_760 = tpu.memref_squeeze %dma_wait3A_759 : memref<1x!tpu.dma_semaphore, #tpu.memory_space<semaphore_mem>> -> memref<!tpu.dma_semaphore, #tpu.memory_space<semaphore_mem>>
    %dma_wait3A_761 = arith.constant 384 : i32
    %dma_wait3A_762 = arith.constant 0 : i32
    %dma_wait3A_763 = arith.constant 0 : i32
    %dma_wait3A_764 = tpu.memref_slice %arg2[%dma_wait3A_761, %dma_wait3A_762, %dma_wait3A_763] : memref<4096x51x128xf32, #tpu.memory_space<any>> -> memref<128x51x128xf32, #tpu.memory_space<any>>
    %dma_wait3A_765 = arith.constant 0 : i32
    %dma_wait3A_766 = arith.constant 0 : i32
    %dma_wait3A_767 = arith.constant 0 : i32
    %dma_wait3A_768 = tpu.memref_slice %arg5[%dma_wait3A_757, %dma_wait3A_765, %dma_wait3A_766, %dma_wait3A_767] : memref<4x128x51x128xf32, #tpu.memory_space<vmem>> -> memref<1x128x51x128xf32, #tpu.memory_space<vmem>>
    %dma_wait3A_769 = tpu.memref_squeeze %dma_wait3A_768 : memref<1x128x51x128xf32, #tpu.memory_space<vmem>> -> memref<128x51x128xf32, #tpu.memory_space<vmem>>
    tpu.wait_dma2 semaphore(%dma_wait3A_760 : memref<!tpu.dma_semaphore, #tpu.memory_space<semaphore_mem>>) src(%dma_wait3A_769 : memref<128x51x128xf32, #tpu.memory_space<vmem>>) dst(%dma_wait3A_764 : memref<128x51x128xf32, #tpu.memory_space<any>>)
    %get3A_770 = arith.constant 3 : index
    %get3A_771 = arith.constant 0 : index
    %get3A_772 = arith.constant 0 : index
    %get3A_773 = vector.load %arg4[%get3A_770, %get3A_771, %get3A_772] : memref<4x128x128xf32, #tpu.memory_space<vmem>>, vector<1x128x128xf32>
    %get3A_774 = vector.shape_cast %get3A_773 : vector<1x128x128xf32> to vector<128x128xf32>
    %swap3A_775 = arith.constant 3 : index
    %swap3A_776 = arith.constant 0 : index
    %swap3A_777 = arith.constant 0 : index
    %swap3A_778 = arith.constant 0 : index
    %swap3A_779 = vector.load %arg5[%swap3A_775, %swap3A_776, %swap3A_777, %swap3A_778] : memref<4x128x51x128xf32, #tpu.memory_space<vmem>>, vector<1x128x1x128xf32>
    %swap3A_780 = vector.shape_cast %swap3A_779 : vector<1x128x1x128xf32> to vector<128x128xf32>
    %swap3A_781 = vector.shape_cast %get3A_774 : vector<128x128xf32> to vector<1x128x1x128xf32>
    tpu.vector_store %arg5[%swap3A_775, %swap3A_776, %swap3A_777, %swap3A_778], %swap3A_781 {strides = array<i32>} : memref<4x128x51x128xf32, #tpu.memory_space<vmem>>, vector<1x128x1x128xf32>,
    %get3A_782 = arith.constant 3 : index
    %get3A_783 = arith.constant 0 : index
    %get3A_784 = arith.constant 0 : index
    %get3A_785 = arith.constant 0 : index
    %get3A_786 = vector.load %arg3[%get3A_782, %get3A_783, %get3A_784, %get3A_785] : memref<4x128x50x128xf32, #tpu.memory_space<vmem>>, vector<1x128x50x128xf32>
    %get3A_787 = vector.shape_cast %get3A_786 : vector<1x128x50x128xf32> to vector<128x50x128xf32>
    %swap3A_788 = arith.constant 3 : index
    %swap3A_789 = arith.constant 0 : index
    %swap3A_790 = arith.constant 1 : index
    %swap3A_791 = arith.constant 0 : index
    %swap3A_792 = vector.load %arg5[%swap3A_788, %swap3A_789, %swap3A_790, %swap3A_791] : memref<4x128x51x128xf32, #tpu.memory_space<vmem>>, vector<1x128x50x128xf32>
    %swap3A_793 = vector.shape_cast %swap3A_792 : vector<1x128x50x128xf32> to vector<128x50x128xf32>
    %swap3A_794 = vector.shape_cast %get3A_787 : vector<128x50x128xf32> to vector<1x128x50x128xf32>
    tpu.vector_store %arg5[%swap3A_788, %swap3A_789, %swap3A_790, %swap3A_791], %swap3A_794 {strides = array<i32>} : memref<4x128x51x128xf32, #tpu.memory_space<vmem>>, vector<1x128x50x128xf32>,
    %dma_start3A_795 = arith.constant 3 : i32
    %dma_start3A_796 = arith.constant 3 : i32
    %dma_start3A_797 = tpu.memref_slice %arg8[%dma_start3A_796] : memref<4x!tpu.dma_semaphore, #tpu.memory_space<semaphore_mem>> -> memref<1x!tpu.dma_semaphore, #tpu.memory_space<semaphore_mem>>
    %dma_start3A_798 = tpu.memref_squeeze %dma_start3A_797 : memref<1x!tpu.dma_semaphore, #tpu.memory_space<semaphore_mem>> -> memref<!tpu.dma_semaphore, #tpu.memory_space<semaphore_mem>>
    %dma_start3A_799 = arith.constant 896 : i32
    %dma_start3A_800 = arith.constant 0 : i32
    %dma_start3A_801 = arith.constant 0 : i32
    %dma_start3A_802 = tpu.memref_slice %arg2[%dma_start3A_799, %dma_start3A_800, %dma_start3A_801] : memref<4096x51x128xf32, #tpu.memory_space<any>> -> memref<128x51x128xf32, #tpu.memory_space<any>>
    %dma_start3A_803 = arith.constant 0 : i32
    %dma_start3A_804 = arith.constant 0 : i32
    %dma_start3A_805 = arith.constant 0 : i32
    %dma_start3A_806 = tpu.memref_slice %arg5[%dma_start3A_795, %dma_start3A_803, %dma_start3A_804, %dma_start3A_805] : memref<4x128x51x128xf32, #tpu.memory_space<vmem>> -> memref<1x128x51x128xf32, #tpu.memory_space<vmem>>
    %dma_start3A_807 = tpu.memref_squeeze %dma_start3A_806 : memref<1x128x51x128xf32, #tpu.memory_space<vmem>> -> memref<128x51x128xf32, #tpu.memory_space<vmem>>
    tpu.enqueue_dma source(%dma_start3A_807 : memref<128x51x128xf32, #tpu.memory_space<vmem>>) target(%dma_start3A_802 : memref<128x51x128xf32, #tpu.memory_space<any>>) target_semaphore(%dma_start3A_798 : memref<!tpu.dma_semaphore, #tpu.memory_space<semaphore_mem>>)
    %dma_start3A_808 = arith.constant 3 : i32
    %dma_start3A_809 = arith.constant 3 : i32
    %dma_start3A_810 = tpu.memref_slice %arg6[%dma_start3A_809] : memref<4x!tpu.dma_semaphore, #tpu.memory_space<semaphore_mem>> -> memref<1x!tpu.dma_semaphore, #tpu.memory_space<semaphore_mem>>
    %dma_start3A_811 = tpu.memref_squeeze %dma_start3A_810 : memref<1x!tpu.dma_semaphore, #tpu.memory_space<semaphore_mem>> -> memref<!tpu.dma_semaphore, #tpu.memory_space<semaphore_mem>>
    %dma_start3A_812 = arith.constant 0 : i32
    %dma_start3A_813 = arith.constant 0 : i32
    %dma_start3A_814 = arith.constant 0 : i32
    %dma_start3A_815 = tpu.memref_slice %arg3[%dma_start3A_808, %dma_start3A_812, %dma_start3A_813, %dma_start3A_814] : memref<4x128x50x128xf32, #tpu.memory_space<vmem>> -> memref<1x128x50x128xf32, #tpu.memory_space<vmem>>
    %dma_start3A_816 = tpu.memref_squeeze %dma_start3A_815 : memref<1x128x50x128xf32, #tpu.memory_space<vmem>> -> memref<128x50x128xf32, #tpu.memory_space<vmem>>
    %dma_start3A_817 = arith.constant 1408 : i32
    %dma_start3A_818 = arith.constant 0 : i32
    %dma_start3A_819 = arith.constant 0 : i32
    %dma_start3A_820 = tpu.memref_slice %arg1[%dma_start3A_817, %dma_start3A_818, %dma_start3A_819] : memref<4096x50x128xf32, #tpu.memory_space<any>> -> memref<128x50x128xf32, #tpu.memory_space<any>>
    tpu.enqueue_dma source(%dma_start3A_820 : memref<128x50x128xf32, #tpu.memory_space<any>>) target(%dma_start3A_816 : memref<128x50x128xf32, #tpu.memory_space<vmem>>) target_semaphore(%dma_start3A_811 : memref<!tpu.dma_semaphore, #tpu.memory_space<semaphore_mem>>)
    %dma_start3A_821 = arith.constant 3 : i32
    %dma_start3A_822 = arith.constant 3 : i32
    %dma_start3A_823 = tpu.memref_slice %arg7[%dma_start3A_822] : memref<4x!tpu.dma_semaphore, #tpu.memory_space<semaphore_mem>> -> memref<1x!tpu.dma_semaphore, #tpu.memory_space<semaphore_mem>>
    %dma_start3A_824 = tpu.memref_squeeze %dma_start3A_823 : memref<1x!tpu.dma_semaphore, #tpu.memory_space<semaphore_mem>> -> memref<!tpu.dma_semaphore, #tpu.memory_space<semaphore_mem>>
    %dma_start3A_825 = arith.constant 0 : i32
    %dma_start3A_826 = arith.constant 0 : i32
    %dma_start3A_827 = tpu.memref_slice %arg4[%dma_start3A_821, %dma_start3A_825, %dma_start3A_826] : memref<4x128x128xf32, #tpu.memory_space<vmem>> -> memref<1x128x128xf32, #tpu.memory_space<vmem>>
    %dma_start3A_828 = tpu.memref_squeeze %dma_start3A_827 : memref<1x128x128xf32, #tpu.memory_space<vmem>> -> memref<128x128xf32, #tpu.memory_space<vmem>>
    %dma_start3A_829 = arith.constant 1408 : i32
    %dma_start3A_830 = arith.constant 0 : i32
    %dma_start3A_831 = tpu.memref_slice %arg0[%dma_start3A_829, %dma_start3A_830] : memref<4096x128xf32, #tpu.memory_space<any>> -> memref<128x128xf32, #tpu.memory_space<any>>
    tpu.enqueue_dma source(%dma_start3A_831 : memref<128x128xf32, #tpu.memory_space<any>>) target(%dma_start3A_828 : memref<128x128xf32, #tpu.memory_space<vmem>>) target_semaphore(%dma_start3A_824 : memref<!tpu.dma_semaphore, #tpu.memory_space<semaphore_mem>>)
    %dma_wait3A_832 = arith.constant 0 : i32
    %dma_wait3A_833 = arith.constant 0 : i32
    %dma_wait3A_834 = tpu.memref_slice %arg6[%dma_wait3A_833] : memref<4x!tpu.dma_semaphore, #tpu.memory_space<semaphore_mem>> -> memref<1x!tpu.dma_semaphore, #tpu.memory_space<semaphore_mem>>
    %dma_wait3A_835 = tpu.memref_squeeze %dma_wait3A_834 : memref<1x!tpu.dma_semaphore, #tpu.memory_space<semaphore_mem>> -> memref<!tpu.dma_semaphore, #tpu.memory_space<semaphore_mem>>
    %dma_wait3A_836 = arith.constant 0 : i32
    %dma_wait3A_837 = arith.constant 0 : i32
    %dma_wait3A_838 = arith.constant 0 : i32
    %dma_wait3A_839 = tpu.memref_slice %arg3[%dma_wait3A_832, %dma_wait3A_836, %dma_wait3A_837, %dma_wait3A_838] : memref<4x128x50x128xf32, #tpu.memory_space<vmem>> -> memref<1x128x50x128xf32, #tpu.memory_space<vmem>>
    %dma_wait3A_840 = tpu.memref_squeeze %dma_wait3A_839 : memref<1x128x50x128xf32, #tpu.memory_space<vmem>> -> memref<128x50x128xf32, #tpu.memory_space<vmem>>
    %dma_wait3A_841 = arith.constant 1024 : i32
    %dma_wait3A_842 = arith.constant 0 : i32
    %dma_wait3A_843 = arith.constant 0 : i32
    %dma_wait3A_844 = tpu.memref_slice %arg1[%dma_wait3A_841, %dma_wait3A_842, %dma_wait3A_843] : memref<4096x50x128xf32, #tpu.memory_space<any>> -> memref<128x50x128xf32, #tpu.memory_space<any>>
    tpu.wait_dma2 semaphore(%dma_wait3A_835 : memref<!tpu.dma_semaphore, #tpu.memory_space<semaphore_mem>>) src(%dma_wait3A_844 : memref<128x50x128xf32, #tpu.memory_space<any>>) dst(%dma_wait3A_840 : memref<128x50x128xf32, #tpu.memory_space<vmem>>)
    %dma_wait3A_845 = arith.constant 0 : i32
    %dma_wait3A_846 = arith.constant 0 : i32
    %dma_wait3A_847 = tpu.memref_slice %arg7[%dma_wait3A_846] : memref<4x!tpu.dma_semaphore, #tpu.memory_space<semaphore_mem>> -> memref<1x!tpu.dma_semaphore, #tpu.memory_space<semaphore_mem>>
    %dma_wait3A_848 = tpu.memref_squeeze %dma_wait3A_847 : memref<1x!tpu.dma_semaphore, #tpu.memory_space<semaphore_mem>> -> memref<!tpu.dma_semaphore, #tpu.memory_space<semaphore_mem>>
    %dma_wait3A_849 = arith.constant 0 : i32
    %dma_wait3A_850 = arith.constant 0 : i32
    %dma_wait3A_851 = tpu.memref_slice %arg4[%dma_wait3A_845, %dma_wait3A_849, %dma_wait3A_850] : memref<4x128x128xf32, #tpu.memory_space<vmem>> -> memref<1x128x128xf32, #tpu.memory_space<vmem>>
    %dma_wait3A_852 = tpu.memref_squeeze %dma_wait3A_851 : memref<1x128x128xf32, #tpu.memory_space<vmem>> -> memref<128x128xf32, #tpu.memory_space<vmem>>
    %dma_wait3A_853 = arith.constant 1024 : i32
    %dma_wait3A_854 = arith.constant 0 : i32
    %dma_wait3A_855 = tpu.memref_slice %arg0[%dma_wait3A_853, %dma_wait3A_854] : memref<4096x128xf32, #tpu.memory_space<any>> -> memref<128x128xf32, #tpu.memory_space<any>>
    tpu.wait_dma2 semaphore(%dma_wait3A_848 : memref<!tpu.dma_semaphore, #tpu.memory_space<semaphore_mem>>) src(%dma_wait3A_855 : memref<128x128xf32, #tpu.memory_space<any>>) dst(%dma_wait3A_852 : memref<128x128xf32, #tpu.memory_space<vmem>>)
    %dma_wait3A_856 = arith.constant 0 : i32
    %dma_wait3A_857 = arith.constant 0 : i32
    %dma_wait3A_858 = tpu.memref_slice %arg8[%dma_wait3A_857] : memref<4x!tpu.dma_semaphore, #tpu.memory_space<semaphore_mem>> -> memref<1x!tpu.dma_semaphore, #tpu.memory_space<semaphore_mem>>
    %dma_wait3A_859 = tpu.memref_squeeze %dma_wait3A_858 : memref<1x!tpu.dma_semaphore, #tpu.memory_space<semaphore_mem>> -> memref<!tpu.dma_semaphore, #tpu.memory_space<semaphore_mem>>
    %dma_wait3A_860 = arith.constant 512 : i32
    %dma_wait3A_861 = arith.constant 0 : i32
    %dma_wait3A_862 = arith.constant 0 : i32
    %dma_wait3A_863 = tpu.memref_slice %arg2[%dma_wait3A_860, %dma_wait3A_861, %dma_wait3A_862] : memref<4096x51x128xf32, #tpu.memory_space<any>> -> memref<128x51x128xf32, #tpu.memory_space<any>>
    %dma_wait3A_864 = arith.constant 0 : i32
    %dma_wait3A_865 = arith.constant 0 : i32
    %dma_wait3A_866 = arith.constant 0 : i32
    %dma_wait3A_867 = tpu.memref_slice %arg5[%dma_wait3A_856, %dma_wait3A_864, %dma_wait3A_865, %dma_wait3A_866] : memref<4x128x51x128xf32, #tpu.memory_space<vmem>> -> memref<1x128x51x128xf32, #tpu.memory_space<vmem>>
    %dma_wait3A_868 = tpu.memref_squeeze %dma_wait3A_867 : memref<1x128x51x128xf32, #tpu.memory_space<vmem>> -> memref<128x51x128xf32, #tpu.memory_space<vmem>>
    tpu.wait_dma2 semaphore(%dma_wait3A_859 : memref<!tpu.dma_semaphore, #tpu.memory_space<semaphore_mem>>) src(%dma_wait3A_868 : memref<128x51x128xf32, #tpu.memory_space<vmem>>) dst(%dma_wait3A_863 : memref<128x51x128xf32, #tpu.memory_space<any>>)
    %get3A_869 = arith.constant 0 : index
    %get3A_870 = arith.constant 0 : index
    %get3A_871 = arith.constant 0 : index
    %get3A_872 = vector.load %arg4[%get3A_869, %get3A_870, %get3A_871] : memref<4x128x128xf32, #tpu.memory_space<vmem>>, vector<1x128x128xf32>
    %get3A_873 = vector.shape_cast %get3A_872 : vector<1x128x128xf32> to vector<128x128xf32>
    %swap3A_874 = arith.constant 0 : index
    %swap3A_875 = arith.constant 0 : index
    %swap3A_876 = arith.constant 0 : index
    %swap3A_877 = arith.constant 0 : index
    %swap3A_878 = vector.load %arg5[%swap3A_874, %swap3A_875, %swap3A_876, %swap3A_877] : memref<4x128x51x128xf32, #tpu.memory_space<vmem>>, vector<1x128x1x128xf32>
    %swap3A_879 = vector.shape_cast %swap3A_878 : vector<1x128x1x128xf32> to vector<128x128xf32>
    %swap3A_880 = vector.shape_cast %get3A_873 : vector<128x128xf32> to vector<1x128x1x128xf32>
    tpu.vector_store %arg5[%swap3A_874, %swap3A_875, %swap3A_876, %swap3A_877], %swap3A_880 {strides = array<i32>} : memref<4x128x51x128xf32, #tpu.memory_space<vmem>>, vector<1x128x1x128xf32>,
    %get3A_881 = arith.constant 0 : index
    %get3A_882 = arith.constant 0 : index
    %get3A_883 = arith.constant 0 : index
    %get3A_884 = arith.constant 0 : index
    %get3A_885 = vector.load %arg3[%get3A_881, %get3A_882, %get3A_883, %get3A_884] : memref<4x128x50x128xf32, #tpu.memory_space<vmem>>, vector<1x128x50x128xf32>
    %get3A_886 = vector.shape_cast %get3A_885 : vector<1x128x50x128xf32> to vector<128x50x128xf32>
    %swap3A_887 = arith.constant 0 : index
    %swap3A_888 = arith.constant 0 : index
    %swap3A_889 = arith.constant 1 : index
    %swap3A_890 = arith.constant 0 : index
    %swap3A_891 = vector.load %arg5[%swap3A_887, %swap3A_888, %swap3A_889, %swap3A_890] : memref<4x128x51x128xf32, #tpu.memory_space<vmem>>, vector<1x128x50x128xf32>
    %swap3A_892 = vector.shape_cast %swap3A_891 : vector<1x128x50x128xf32> to vector<128x50x128xf32>
    %swap3A_893 = vector.shape_cast %get3A_886 : vector<128x50x128xf32> to vector<1x128x50x128xf32>
    tpu.vector_store %arg5[%swap3A_887, %swap3A_888, %swap3A_889, %swap3A_890], %swap3A_893 {strides = array<i32>} : memref<4x128x51x128xf32, #tpu.memory_space<vmem>>, vector<1x128x50x128xf32>,
    %dma_start3A_894 = arith.constant 0 : i32
    %dma_start3A_895 = arith.constant 0 : i32
    %dma_start3A_896 = tpu.memref_slice %arg8[%dma_start3A_895] : memref<4x!tpu.dma_semaphore, #tpu.memory_space<semaphore_mem>> -> memref<1x!tpu.dma_semaphore, #tpu.memory_space<semaphore_mem>>
    %dma_start3A_897 = tpu.memref_squeeze %dma_start3A_896 : memref<1x!tpu.dma_semaphore, #tpu.memory_space<semaphore_mem>> -> memref<!tpu.dma_semaphore, #tpu.memory_space<semaphore_mem>>
    %dma_start3A_898 = arith.constant 1024 : i32
    %dma_start3A_899 = arith.constant 0 : i32
    %dma_start3A_900 = arith.constant 0 : i32
    %dma_start3A_901 = tpu.memref_slice %arg2[%dma_start3A_898, %dma_start3A_899, %dma_start3A_900] : memref<4096x51x128xf32, #tpu.memory_space<any>> -> memref<128x51x128xf32, #tpu.memory_space<any>>
    %dma_start3A_902 = arith.constant 0 : i32
    %dma_start3A_903 = arith.constant 0 : i32
    %dma_start3A_904 = arith.constant 0 : i32
    %dma_start3A_905 = tpu.memref_slice %arg5[%dma_start3A_894, %dma_start3A_902, %dma_start3A_903, %dma_start3A_904] : memref<4x128x51x128xf32, #tpu.memory_space<vmem>> -> memref<1x128x51x128xf32, #tpu.memory_space<vmem>>
    %dma_start3A_906 = tpu.memref_squeeze %dma_start3A_905 : memref<1x128x51x128xf32, #tpu.memory_space<vmem>> -> memref<128x51x128xf32, #tpu.memory_space<vmem>>
    tpu.enqueue_dma source(%dma_start3A_906 : memref<128x51x128xf32, #tpu.memory_space<vmem>>) target(%dma_start3A_901 : memref<128x51x128xf32, #tpu.memory_space<any>>) target_semaphore(%dma_start3A_897 : memref<!tpu.dma_semaphore, #tpu.memory_space<semaphore_mem>>)
    %dma_start3A_907 = arith.constant 0 : i32
    %dma_start3A_908 = arith.constant 0 : i32
    %dma_start3A_909 = tpu.memref_slice %arg6[%dma_start3A_908] : memref<4x!tpu.dma_semaphore, #tpu.memory_space<semaphore_mem>> -> memref<1x!tpu.dma_semaphore, #tpu.memory_space<semaphore_mem>>
    %dma_start3A_910 = tpu.memref_squeeze %dma_start3A_909 : memref<1x!tpu.dma_semaphore, #tpu.memory_space<semaphore_mem>> -> memref<!tpu.dma_semaphore, #tpu.memory_space<semaphore_mem>>
    %dma_start3A_911 = arith.constant 0 : i32
    %dma_start3A_912 = arith.constant 0 : i32
    %dma_start3A_913 = arith.constant 0 : i32
    %dma_start3A_914 = tpu.memref_slice %arg3[%dma_start3A_907, %dma_start3A_911, %dma_start3A_912, %dma_start3A_913] : memref<4x128x50x128xf32, #tpu.memory_space<vmem>> -> memref<1x128x50x128xf32, #tpu.memory_space<vmem>>
    %dma_start3A_915 = tpu.memref_squeeze %dma_start3A_914 : memref<1x128x50x128xf32, #tpu.memory_space<vmem>> -> memref<128x50x128xf32, #tpu.memory_space<vmem>>
    %dma_start3A_916 = arith.constant 1536 : i32
    %dma_start3A_917 = arith.constant 0 : i32
    %dma_start3A_918 = arith.constant 0 : i32
    %dma_start3A_919 = tpu.memref_slice %arg1[%dma_start3A_916, %dma_start3A_917, %dma_start3A_918] : memref<4096x50x128xf32, #tpu.memory_space<any>> -> memref<128x50x128xf32, #tpu.memory_space<any>>
    tpu.enqueue_dma source(%dma_start3A_919 : memref<128x50x128xf32, #tpu.memory_space<any>>) target(%dma_start3A_915 : memref<128x50x128xf32, #tpu.memory_space<vmem>>) target_semaphore(%dma_start3A_910 : memref<!tpu.dma_semaphore, #tpu.memory_space<semaphore_mem>>)
    %dma_start3A_920 = arith.constant 0 : i32
    %dma_start3A_921 = arith.constant 0 : i32
    %dma_start3A_922 = tpu.memref_slice %arg7[%dma_start3A_921] : memref<4x!tpu.dma_semaphore, #tpu.memory_space<semaphore_mem>> -> memref<1x!tpu.dma_semaphore, #tpu.memory_space<semaphore_mem>>
    %dma_start3A_923 = tpu.memref_squeeze %dma_start3A_922 : memref<1x!tpu.dma_semaphore, #tpu.memory_space<semaphore_mem>> -> memref<!tpu.dma_semaphore, #tpu.memory_space<semaphore_mem>>
    %dma_start3A_924 = arith.constant 0 : i32
    %dma_start3A_925 = arith.constant 0 : i32
    %dma_start3A_926 = tpu.memref_slice %arg4[%dma_start3A_920, %dma_start3A_924, %dma_start3A_925] : memref<4x128x128xf32, #tpu.memory_space<vmem>> -> memref<1x128x128xf32, #tpu.memory_space<vmem>>
    %dma_start3A_927 = tpu.memref_squeeze %dma_start3A_926 : memref<1x128x128xf32, #tpu.memory_space<vmem>> -> memref<128x128xf32, #tpu.memory_space<vmem>>
    %dma_start3A_928 = arith.constant 1536 : i32
    %dma_start3A_929 = arith.constant 0 : i32
    %dma_start3A_930 = tpu.memref_slice %arg0[%dma_start3A_928, %dma_start3A_929] : memref<4096x128xf32, #tpu.memory_space<any>> -> memref<128x128xf32, #tpu.memory_space<any>>
    tpu.enqueue_dma source(%dma_start3A_930 : memref<128x128xf32, #tpu.memory_space<any>>) target(%dma_start3A_927 : memref<128x128xf32, #tpu.memory_space<vmem>>) target_semaphore(%dma_start3A_923 : memref<!tpu.dma_semaphore, #tpu.memory_space<semaphore_mem>>)
    %dma_wait3A_931 = arith.constant 1 : i32
    %dma_wait3A_932 = arith.constant 1 : i32
    %dma_wait3A_933 = tpu.memref_slice %arg6[%dma_wait3A_932] : memref<4x!tpu.dma_semaphore, #tpu.memory_space<semaphore_mem>> -> memref<1x!tpu.dma_semaphore, #tpu.memory_space<semaphore_mem>>
    %dma_wait3A_934 = tpu.memref_squeeze %dma_wait3A_933 : memref<1x!tpu.dma_semaphore, #tpu.memory_space<semaphore_mem>> -> memref<!tpu.dma_semaphore, #tpu.memory_space<semaphore_mem>>
    %dma_wait3A_935 = arith.constant 0 : i32
    %dma_wait3A_936 = arith.constant 0 : i32
    %dma_wait3A_937 = arith.constant 0 : i32
    %dma_wait3A_938 = tpu.memref_slice %arg3[%dma_wait3A_931, %dma_wait3A_935, %dma_wait3A_936, %dma_wait3A_937] : memref<4x128x50x128xf32, #tpu.memory_space<vmem>> -> memref<1x128x50x128xf32, #tpu.memory_space<vmem>>
    %dma_wait3A_939 = tpu.memref_squeeze %dma_wait3A_938 : memref<1x128x50x128xf32, #tpu.memory_space<vmem>> -> memref<128x50x128xf32, #tpu.memory_space<vmem>>
    %dma_wait3A_940 = arith.constant 1152 : i32
    %dma_wait3A_941 = arith.constant 0 : i32
    %dma_wait3A_942 = arith.constant 0 : i32
    %dma_wait3A_943 = tpu.memref_slice %arg1[%dma_wait3A_940, %dma_wait3A_941, %dma_wait3A_942] : memref<4096x50x128xf32, #tpu.memory_space<any>> -> memref<128x50x128xf32, #tpu.memory_space<any>>
    tpu.wait_dma2 semaphore(%dma_wait3A_934 : memref<!tpu.dma_semaphore, #tpu.memory_space<semaphore_mem>>) src(%dma_wait3A_943 : memref<128x50x128xf32, #tpu.memory_space<any>>) dst(%dma_wait3A_939 : memref<128x50x128xf32, #tpu.memory_space<vmem>>)
    %dma_wait3A_944 = arith.constant 1 : i32
    %dma_wait3A_945 = arith.constant 1 : i32
    %dma_wait3A_946 = tpu.memref_slice %arg7[%dma_wait3A_945] : memref<4x!tpu.dma_semaphore, #tpu.memory_space<semaphore_mem>> -> memref<1x!tpu.dma_semaphore, #tpu.memory_space<semaphore_mem>>
    %dma_wait3A_947 = tpu.memref_squeeze %dma_wait3A_946 : memref<1x!tpu.dma_semaphore, #tpu.memory_space<semaphore_mem>> -> memref<!tpu.dma_semaphore, #tpu.memory_space<semaphore_mem>>
    %dma_wait3A_948 = arith.constant 0 : i32
    %dma_wait3A_949 = arith.constant 0 : i32
    %dma_wait3A_950 = tpu.memref_slice %arg4[%dma_wait3A_944, %dma_wait3A_948, %dma_wait3A_949] : memref<4x128x128xf32, #tpu.memory_space<vmem>> -> memref<1x128x128xf32, #tpu.memory_space<vmem>>
    %dma_wait3A_951 = tpu.memref_squeeze %dma_wait3A_950 : memref<1x128x128xf32, #tpu.memory_space<vmem>> -> memref<128x128xf32, #tpu.memory_space<vmem>>
    %dma_wait3A_952 = arith.constant 1152 : i32
    %dma_wait3A_953 = arith.constant 0 : i32
    %dma_wait3A_954 = tpu.memref_slice %arg0[%dma_wait3A_952, %dma_wait3A_953] : memref<4096x128xf32, #tpu.memory_space<any>> -> memref<128x128xf32, #tpu.memory_space<any>>
    tpu.wait_dma2 semaphore(%dma_wait3A_947 : memref<!tpu.dma_semaphore, #tpu.memory_space<semaphore_mem>>) src(%dma_wait3A_954 : memref<128x128xf32, #tpu.memory_space<any>>) dst(%dma_wait3A_951 : memref<128x128xf32, #tpu.memory_space<vmem>>)
    %dma_wait3A_955 = arith.constant 1 : i32
    %dma_wait3A_956 = arith.constant 1 : i32
    %dma_wait3A_957 = tpu.memref_slice %arg8[%dma_wait3A_956] : memref<4x!tpu.dma_semaphore, #tpu.memory_space<semaphore_mem>> -> memref<1x!tpu.dma_semaphore, #tpu.memory_space<semaphore_mem>>
    %dma_wait3A_958 = tpu.memref_squeeze %dma_wait3A_957 : memref<1x!tpu.dma_semaphore, #tpu.memory_space<semaphore_mem>> -> memref<!tpu.dma_semaphore, #tpu.memory_space<semaphore_mem>>
    %dma_wait3A_959 = arith.constant 640 : i32
    %dma_wait3A_960 = arith.constant 0 : i32
    %dma_wait3A_961 = arith.constant 0 : i32
    %dma_wait3A_962 = tpu.memref_slice %arg2[%dma_wait3A_959, %dma_wait3A_960, %dma_wait3A_961] : memref<4096x51x128xf32, #tpu.memory_space<any>> -> memref<128x51x128xf32, #tpu.memory_space<any>>
    %dma_wait3A_963 = arith.constant 0 : i32
    %dma_wait3A_964 = arith.constant 0 : i32
    %dma_wait3A_965 = arith.constant 0 : i32
    %dma_wait3A_966 = tpu.memref_slice %arg5[%dma_wait3A_955, %dma_wait3A_963, %dma_wait3A_964, %dma_wait3A_965] : memref<4x128x51x128xf32, #tpu.memory_space<vmem>> -> memref<1x128x51x128xf32, #tpu.memory_space<vmem>>
    %dma_wait3A_967 = tpu.memref_squeeze %dma_wait3A_966 : memref<1x128x51x128xf32, #tpu.memory_space<vmem>> -> memref<128x51x128xf32, #tpu.memory_space<vmem>>
    tpu.wait_dma2 semaphore(%dma_wait3A_958 : memref<!tpu.dma_semaphore, #tpu.memory_space<semaphore_mem>>) src(%dma_wait3A_967 : memref<128x51x128xf32, #tpu.memory_space<vmem>>) dst(%dma_wait3A_962 : memref<128x51x128xf32, #tpu.memory_space<any>>)
    %get3A_968 = arith.constant 1 : index
    %get3A_969 = arith.constant 0 : index
    %get3A_970 = arith.constant 0 : index
    %get3A_971 = vector.load %arg4[%get3A_968, %get3A_969, %get3A_970] : memref<4x128x128xf32, #tpu.memory_space<vmem>>, vector<1x128x128xf32>
    %get3A_972 = vector.shape_cast %get3A_971 : vector<1x128x128xf32> to vector<128x128xf32>
    %swap3A_973 = arith.constant 1 : index
    %swap3A_974 = arith.constant 0 : index
    %swap3A_975 = arith.constant 0 : index
    %swap3A_976 = arith.constant 0 : index
    %swap3A_977 = vector.load %arg5[%swap3A_973, %swap3A_974, %swap3A_975, %swap3A_976] : memref<4x128x51x128xf32, #tpu.memory_space<vmem>>, vector<1x128x1x128xf32>
    %swap3A_978 = vector.shape_cast %swap3A_977 : vector<1x128x1x128xf32> to vector<128x128xf32>
    %swap3A_979 = vector.shape_cast %get3A_972 : vector<128x128xf32> to vector<1x128x1x128xf32>
    tpu.vector_store %arg5[%swap3A_973, %swap3A_974, %swap3A_975, %swap3A_976], %swap3A_979 {strides = array<i32>} : memref<4x128x51x128xf32, #tpu.memory_space<vmem>>, vector<1x128x1x128xf32>,
    %get3A_980 = arith.constant 1 : index
    %get3A_981 = arith.constant 0 : index
    %get3A_982 = arith.constant 0 : index
    %get3A_983 = arith.constant 0 : index
    %get3A_984 = vector.load %arg3[%get3A_980, %get3A_981, %get3A_982, %get3A_983] : memref<4x128x50x128xf32, #tpu.memory_space<vmem>>, vector<1x128x50x128xf32>
    %get3A_985 = vector.shape_cast %get3A_984 : vector<1x128x50x128xf32> to vector<128x50x128xf32>
    %swap3A_986 = arith.constant 1 : index
    %swap3A_987 = arith.constant 0 : index
    %swap3A_988 = arith.constant 1 : index
    %swap3A_989 = arith.constant 0 : index
    %swap3A_990 = vector.load %arg5[%swap3A_986, %swap3A_987, %swap3A_988, %swap3A_989] : memref<4x128x51x128xf32, #tpu.memory_space<vmem>>, vector<1x128x50x128xf32>
    %swap3A_991 = vector.shape_cast %swap3A_990 : vector<1x128x50x128xf32> to vector<128x50x128xf32>
    %swap3A_992 = vector.shape_cast %get3A_985 : vector<128x50x128xf32> to vector<1x128x50x128xf32>
    tpu.vector_store %arg5[%swap3A_986, %swap3A_987, %swap3A_988, %swap3A_989], %swap3A_992 {strides = array<i32>} : memref<4x128x51x128xf32, #tpu.memory_space<vmem>>, vector<1x128x50x128xf32>,
    %dma_start3A_993 = arith.constant 1 : i32
    %dma_start3A_994 = arith.constant 1 : i32
    %dma_start3A_995 = tpu.memref_slice %arg8[%dma_start3A_994] : memref<4x!tpu.dma_semaphore, #tpu.memory_space<semaphore_mem>> -> memref<1x!tpu.dma_semaphore, #tpu.memory_space<semaphore_mem>>
    %dma_start3A_996 = tpu.memref_squeeze %dma_start3A_995 : memref<1x!tpu.dma_semaphore, #tpu.memory_space<semaphore_mem>> -> memref<!tpu.dma_semaphore, #tpu.memory_space<semaphore_mem>>
    %dma_start3A_997 = arith.constant 1152 : i32
    %dma_start3A_998 = arith.constant 0 : i32
    %dma_start3A_999 = arith.constant 0 : i32
    %dma_start3A_1000 = tpu.memref_slice %arg2[%dma_start3A_997, %dma_start3A_998, %dma_start3A_999] : memref<4096x51x128xf32, #tpu.memory_space<any>> -> memref<128x51x128xf32, #tpu.memory_space<any>>
    %dma_start3A_1001 = arith.constant 0 : i32
    %dma_start3A_1002 = arith.constant 0 : i32
    %dma_start3A_1003 = arith.constant 0 : i32
    %dma_start3A_1004 = tpu.memref_slice %arg5[%dma_start3A_993, %dma_start3A_1001, %dma_start3A_1002, %dma_start3A_1003] : memref<4x128x51x128xf32, #tpu.memory_space<vmem>> -> memref<1x128x51x128xf32, #tpu.memory_space<vmem>>
    %dma_start3A_1005 = tpu.memref_squeeze %dma_start3A_1004 : memref<1x128x51x128xf32, #tpu.memory_space<vmem>> -> memref<128x51x128xf32, #tpu.memory_space<vmem>>
    tpu.enqueue_dma source(%dma_start3A_1005 : memref<128x51x128xf32, #tpu.memory_space<vmem>>) target(%dma_start3A_1000 : memref<128x51x128xf32, #tpu.memory_space<any>>) target_semaphore(%dma_start3A_996 : memref<!tpu.dma_semaphore, #tpu.memory_space<semaphore_mem>>)
    %dma_start3A_1006 = arith.constant 1 : i32
    %dma_start3A_1007 = arith.constant 1 : i32
    %dma_start3A_1008 = tpu.memref_slice %arg6[%dma_start3A_1007] : memref<4x!tpu.dma_semaphore, #tpu.memory_space<semaphore_mem>> -> memref<1x!tpu.dma_semaphore, #tpu.memory_space<semaphore_mem>>
    %dma_start3A_1009 = tpu.memref_squeeze %dma_start3A_1008 : memref<1x!tpu.dma_semaphore, #tpu.memory_space<semaphore_mem>> -> memref<!tpu.dma_semaphore, #tpu.memory_space<semaphore_mem>>
    %dma_start3A_1010 = arith.constant 0 : i32
    %dma_start3A_1011 = arith.constant 0 : i32
    %dma_start3A_1012 = arith.constant 0 : i32
    %dma_start3A_1013 = tpu.memref_slice %arg3[%dma_start3A_1006, %dma_start3A_1010, %dma_start3A_1011, %dma_start3A_1012] : memref<4x128x50x128xf32, #tpu.memory_space<vmem>> -> memref<1x128x50x128xf32, #tpu.memory_space<vmem>>
    %dma_start3A_1014 = tpu.memref_squeeze %dma_start3A_1013 : memref<1x128x50x128xf32, #tpu.memory_space<vmem>> -> memref<128x50x128xf32, #tpu.memory_space<vmem>>
    %dma_start3A_1015 = arith.constant 1664 : i32
    %dma_start3A_1016 = arith.constant 0 : i32
    %dma_start3A_1017 = arith.constant 0 : i32
    %dma_start3A_1018 = tpu.memref_slice %arg1[%dma_start3A_1015, %dma_start3A_1016, %dma_start3A_1017] : memref<4096x50x128xf32, #tpu.memory_space<any>> -> memref<128x50x128xf32, #tpu.memory_space<any>>
    tpu.enqueue_dma source(%dma_start3A_1018 : memref<128x50x128xf32, #tpu.memory_space<any>>) target(%dma_start3A_1014 : memref<128x50x128xf32, #tpu.memory_space<vmem>>) target_semaphore(%dma_start3A_1009 : memref<!tpu.dma_semaphore, #tpu.memory_space<semaphore_mem>>)
    %dma_start3A_1019 = arith.constant 1 : i32
    %dma_start3A_1020 = arith.constant 1 : i32
    %dma_start3A_1021 = tpu.memref_slice %arg7[%dma_start3A_1020] : memref<4x!tpu.dma_semaphore, #tpu.memory_space<semaphore_mem>> -> memref<1x!tpu.dma_semaphore, #tpu.memory_space<semaphore_mem>>
    %dma_start3A_1022 = tpu.memref_squeeze %dma_start3A_1021 : memref<1x!tpu.dma_semaphore, #tpu.memory_space<semaphore_mem>> -> memref<!tpu.dma_semaphore, #tpu.memory_space<semaphore_mem>>
    %dma_start3A_1023 = arith.constant 0 : i32
    %dma_start3A_1024 = arith.constant 0 : i32
    %dma_start3A_1025 = tpu.memref_slice %arg4[%dma_start3A_1019, %dma_start3A_1023, %dma_start3A_1024] : memref<4x128x128xf32, #tpu.memory_space<vmem>> -> memref<1x128x128xf32, #tpu.memory_space<vmem>>
    %dma_start3A_1026 = tpu.memref_squeeze %dma_start3A_1025 : memref<1x128x128xf32, #tpu.memory_space<vmem>> -> memref<128x128xf32, #tpu.memory_space<vmem>>
    %dma_start3A_1027 = arith.constant 1664 : i32
    %dma_start3A_1028 = arith.constant 0 : i32
    %dma_start3A_1029 = tpu.memref_slice %arg0[%dma_start3A_1027, %dma_start3A_1028] : memref<4096x128xf32, #tpu.memory_space<any>> -> memref<128x128xf32, #tpu.memory_space<any>>
    tpu.enqueue_dma source(%dma_start3A_1029 : memref<128x128xf32, #tpu.memory_space<any>>) target(%dma_start3A_1026 : memref<128x128xf32, #tpu.memory_space<vmem>>) target_semaphore(%dma_start3A_1022 : memref<!tpu.dma_semaphore, #tpu.memory_space<semaphore_mem>>)
    %dma_wait3A_1030 = arith.constant 2 : i32
    %dma_wait3A_1031 = arith.constant 2 : i32
    %dma_wait3A_1032 = tpu.memref_slice %arg6[%dma_wait3A_1031] : memref<4x!tpu.dma_semaphore, #tpu.memory_space<semaphore_mem>> -> memref<1x!tpu.dma_semaphore, #tpu.memory_space<semaphore_mem>>
    %dma_wait3A_1033 = tpu.memref_squeeze %dma_wait3A_1032 : memref<1x!tpu.dma_semaphore, #tpu.memory_space<semaphore_mem>> -> memref<!tpu.dma_semaphore, #tpu.memory_space<semaphore_mem>>
    %dma_wait3A_1034 = arith.constant 0 : i32
    %dma_wait3A_1035 = arith.constant 0 : i32
    %dma_wait3A_1036 = arith.constant 0 : i32
    %dma_wait3A_1037 = tpu.memref_slice %arg3[%dma_wait3A_1030, %dma_wait3A_1034, %dma_wait3A_1035, %dma_wait3A_1036] : memref<4x128x50x128xf32, #tpu.memory_space<vmem>> -> memref<1x128x50x128xf32, #tpu.memory_space<vmem>>
    %dma_wait3A_1038 = tpu.memref_squeeze %dma_wait3A_1037 : memref<1x128x50x128xf32, #tpu.memory_space<vmem>> -> memref<128x50x128xf32, #tpu.memory_space<vmem>>
    %dma_wait3A_1039 = arith.constant 1280 : i32
    %dma_wait3A_1040 = arith.constant 0 : i32
    %dma_wait3A_1041 = arith.constant 0 : i32
    %dma_wait3A_1042 = tpu.memref_slice %arg1[%dma_wait3A_1039, %dma_wait3A_1040, %dma_wait3A_1041] : memref<4096x50x128xf32, #tpu.memory_space<any>> -> memref<128x50x128xf32, #tpu.memory_space<any>>
    tpu.wait_dma2 semaphore(%dma_wait3A_1033 : memref<!tpu.dma_semaphore, #tpu.memory_space<semaphore_mem>>) src(%dma_wait3A_1042 : memref<128x50x128xf32, #tpu.memory_space<any>>) dst(%dma_wait3A_1038 : memref<128x50x128xf32, #tpu.memory_space<vmem>>)
    %dma_wait3A_1043 = arith.constant 2 : i32
    %dma_wait3A_1044 = arith.constant 2 : i32
    %dma_wait3A_1045 = tpu.memref_slice %arg7[%dma_wait3A_1044] : memref<4x!tpu.dma_semaphore, #tpu.memory_space<semaphore_mem>> -> memref<1x!tpu.dma_semaphore, #tpu.memory_space<semaphore_mem>>
    %dma_wait3A_1046 = tpu.memref_squeeze %dma_wait3A_1045 : memref<1x!tpu.dma_semaphore, #tpu.memory_space<semaphore_mem>> -> memref<!tpu.dma_semaphore, #tpu.memory_space<semaphore_mem>>
    %dma_wait3A_1047 = arith.constant 0 : i32
    %dma_wait3A_1048 = arith.constant 0 : i32
    %dma_wait3A_1049 = tpu.memref_slice %arg4[%dma_wait3A_1043, %dma_wait3A_1047, %dma_wait3A_1048] : memref<4x128x128xf32, #tpu.memory_space<vmem>> -> memref<1x128x128xf32, #tpu.memory_space<vmem>>
    %dma_wait3A_1050 = tpu.memref_squeeze %dma_wait3A_1049 : memref<1x128x128xf32, #tpu.memory_space<vmem>> -> memref<128x128xf32, #tpu.memory_space<vmem>>
    %dma_wait3A_1051 = arith.constant 1280 : i32
    %dma_wait3A_1052 = arith.constant 0 : i32
    %dma_wait3A_1053 = tpu.memref_slice %arg0[%dma_wait3A_1051, %dma_wait3A_1052] : memref<4096x128xf32, #tpu.memory_space<any>> -> memref<128x128xf32, #tpu.memory_space<any>>
    tpu.wait_dma2 semaphore(%dma_wait3A_1046 : memref<!tpu.dma_semaphore, #tpu.memory_space<semaphore_mem>>) src(%dma_wait3A_1053 : memref<128x128xf32, #tpu.memory_space<any>>) dst(%dma_wait3A_1050 : memref<128x128xf32, #tpu.memory_space<vmem>>)
    %dma_wait3A_1054 = arith.constant 2 : i32
    %dma_wait3A_1055 = arith.constant 2 : i32
    %dma_wait3A_1056 = tpu.memref_slice %arg8[%dma_wait3A_1055] : memref<4x!tpu.dma_semaphore, #tpu.memory_space<semaphore_mem>> -> memref<1x!tpu.dma_semaphore, #tpu.memory_space<semaphore_mem>>
    %dma_wait3A_1057 = tpu.memref_squeeze %dma_wait3A_1056 : memref<1x!tpu.dma_semaphore, #tpu.memory_space<semaphore_mem>> -> memref<!tpu.dma_semaphore, #tpu.memory_space<semaphore_mem>>
    %dma_wait3A_1058 = arith.constant 768 : i32
    %dma_wait3A_1059 = arith.constant 0 : i32
    %dma_wait3A_1060 = arith.constant 0 : i32
    %dma_wait3A_1061 = tpu.memref_slice %arg2[%dma_wait3A_1058, %dma_wait3A_1059, %dma_wait3A_1060] : memref<4096x51x128xf32, #tpu.memory_space<any>> -> memref<128x51x128xf32, #tpu.memory_space<any>>
    %dma_wait3A_1062 = arith.constant 0 : i32
    %dma_wait3A_1063 = arith.constant 0 : i32
    %dma_wait3A_1064 = arith.constant 0 : i32
    %dma_wait3A_1065 = tpu.memref_slice %arg5[%dma_wait3A_1054, %dma_wait3A_1062, %dma_wait3A_1063, %dma_wait3A_1064] : memref<4x128x51x128xf32, #tpu.memory_space<vmem>> -> memref<1x128x51x128xf32, #tpu.memory_space<vmem>>
    %dma_wait3A_1066 = tpu.memref_squeeze %dma_wait3A_1065 : memref<1x128x51x128xf32, #tpu.memory_space<vmem>> -> memref<128x51x128xf32, #tpu.memory_space<vmem>>
    tpu.wait_dma2 semaphore(%dma_wait3A_1057 : memref<!tpu.dma_semaphore, #tpu.memory_space<semaphore_mem>>) src(%dma_wait3A_1066 : memref<128x51x128xf32, #tpu.memory_space<vmem>>) dst(%dma_wait3A_1061 : memref<128x51x128xf32, #tpu.memory_space<any>>)
    %get3A_1067 = arith.constant 2 : index
    %get3A_1068 = arith.constant 0 : index
    %get3A_1069 = arith.constant 0 : index
    %get3A_1070 = vector.load %arg4[%get3A_1067, %get3A_1068, %get3A_1069] : memref<4x128x128xf32, #tpu.memory_space<vmem>>, vector<1x128x128xf32>
    %get3A_1071 = vector.shape_cast %get3A_1070 : vector<1x128x128xf32> to vector<128x128xf32>
    %swap3A_1072 = arith.constant 2 : index
    %swap3A_1073 = arith.constant 0 : index
    %swap3A_1074 = arith.constant 0 : index
    %swap3A_1075 = arith.constant 0 : index
    %swap3A_1076 = vector.load %arg5[%swap3A_1072, %swap3A_1073, %swap3A_1074, %swap3A_1075] : memref<4x128x51x128xf32, #tpu.memory_space<vmem>>, vector<1x128x1x128xf32>
    %swap3A_1077 = vector.shape_cast %swap3A_1076 : vector<1x128x1x128xf32> to vector<128x128xf32>
    %swap3A_1078 = vector.shape_cast %get3A_1071 : vector<128x128xf32> to vector<1x128x1x128xf32>
    tpu.vector_store %arg5[%swap3A_1072, %swap3A_1073, %swap3A_1074, %swap3A_1075], %swap3A_1078 {strides = array<i32>} : memref<4x128x51x128xf32, #tpu.memory_space<vmem>>, vector<1x128x1x128xf32>,
    %get3A_1079 = arith.constant 2 : index
    %get3A_1080 = arith.constant 0 : index
    %get3A_1081 = arith.constant 0 : index
    %get3A_1082 = arith.constant 0 : index
    %get3A_1083 = vector.load %arg3[%get3A_1079, %get3A_1080, %get3A_1081, %get3A_1082] : memref<4x128x50x128xf32, #tpu.memory_space<vmem>>, vector<1x128x50x128xf32>
    %get3A_1084 = vector.shape_cast %get3A_1083 : vector<1x128x50x128xf32> to vector<128x50x128xf32>
    %swap3A_1085 = arith.constant 2 : index
    %swap3A_1086 = arith.constant 0 : index
    %swap3A_1087 = arith.constant 1 : index
    %swap3A_1088 = arith.constant 0 : index
    %swap3A_1089 = vector.load %arg5[%swap3A_1085, %swap3A_1086, %swap3A_1087, %swap3A_1088] : memref<4x128x51x128xf32, #tpu.memory_space<vmem>>, vector<1x128x50x128xf32>
    %swap3A_1090 = vector.shape_cast %swap3A_1089 : vector<1x128x50x128xf32> to vector<128x50x128xf32>
    %swap3A_1091 = vector.shape_cast %get3A_1084 : vector<128x50x128xf32> to vector<1x128x50x128xf32>
    tpu.vector_store %arg5[%swap3A_1085, %swap3A_1086, %swap3A_1087, %swap3A_1088], %swap3A_1091 {strides = array<i32>} : memref<4x128x51x128xf32, #tpu.memory_space<vmem>>, vector<1x128x50x128xf32>,
    %dma_start3A_1092 = arith.constant 2 : i32
    %dma_start3A_1093 = arith.constant 2 : i32
    %dma_start3A_1094 = tpu.memref_slice %arg8[%dma_start3A_1093] : memref<4x!tpu.dma_semaphore, #tpu.memory_space<semaphore_mem>> -> memref<1x!tpu.dma_semaphore, #tpu.memory_space<semaphore_mem>>
    %dma_start3A_1095 = tpu.memref_squeeze %dma_start3A_1094 : memref<1x!tpu.dma_semaphore, #tpu.memory_space<semaphore_mem>> -> memref<!tpu.dma_semaphore, #tpu.memory_space<semaphore_mem>>
    %dma_start3A_1096 = arith.constant 1280 : i32
    %dma_start3A_1097 = arith.constant 0 : i32
    %dma_start3A_1098 = arith.constant 0 : i32
    %dma_start3A_1099 = tpu.memref_slice %arg2[%dma_start3A_1096, %dma_start3A_1097, %dma_start3A_1098] : memref<4096x51x128xf32, #tpu.memory_space<any>> -> memref<128x51x128xf32, #tpu.memory_space<any>>
    %dma_start3A_1100 = arith.constant 0 : i32
    %dma_start3A_1101 = arith.constant 0 : i32
    %dma_start3A_1102 = arith.constant 0 : i32
    %dma_start3A_1103 = tpu.memref_slice %arg5[%dma_start3A_1092, %dma_start3A_1100, %dma_start3A_1101, %dma_start3A_1102] : memref<4x128x51x128xf32, #tpu.memory_space<vmem>> -> memref<1x128x51x128xf32, #tpu.memory_space<vmem>>
    %dma_start3A_1104 = tpu.memref_squeeze %dma_start3A_1103 : memref<1x128x51x128xf32, #tpu.memory_space<vmem>> -> memref<128x51x128xf32, #tpu.memory_space<vmem>>
    tpu.enqueue_dma source(%dma_start3A_1104 : memref<128x51x128xf32, #tpu.memory_space<vmem>>) target(%dma_start3A_1099 : memref<128x51x128xf32, #tpu.memory_space<any>>) target_semaphore(%dma_start3A_1095 : memref<!tpu.dma_semaphore, #tpu.memory_space<semaphore_mem>>)
    %dma_start3A_1105 = arith.constant 2 : i32
    %dma_start3A_1106 = arith.constant 2 : i32
    %dma_start3A_1107 = tpu.memref_slice %arg6[%dma_start3A_1106] : memref<4x!tpu.dma_semaphore, #tpu.memory_space<semaphore_mem>> -> memref<1x!tpu.dma_semaphore, #tpu.memory_space<semaphore_mem>>
    %dma_start3A_1108 = tpu.memref_squeeze %dma_start3A_1107 : memref<1x!tpu.dma_semaphore, #tpu.memory_space<semaphore_mem>> -> memref<!tpu.dma_semaphore, #tpu.memory_space<semaphore_mem>>
    %dma_start3A_1109 = arith.constant 0 : i32
    %dma_start3A_1110 = arith.constant 0 : i32
    %dma_start3A_1111 = arith.constant 0 : i32
    %dma_start3A_1112 = tpu.memref_slice %arg3[%dma_start3A_1105, %dma_start3A_1109, %dma_start3A_1110, %dma_start3A_1111] : memref<4x128x50x128xf32, #tpu.memory_space<vmem>> -> memref<1x128x50x128xf32, #tpu.memory_space<vmem>>
    %dma_start3A_1113 = tpu.memref_squeeze %dma_start3A_1112 : memref<1x128x50x128xf32, #tpu.memory_space<vmem>> -> memref<128x50x128xf32, #tpu.memory_space<vmem>>
    %dma_start3A_1114 = arith.constant 1792 : i32
    %dma_start3A_1115 = arith.constant 0 : i32
    %dma_start3A_1116 = arith.constant 0 : i32
    %dma_start3A_1117 = tpu.memref_slice %arg1[%dma_start3A_1114, %dma_start3A_1115, %dma_start3A_1116] : memref<4096x50x128xf32, #tpu.memory_space<any>> -> memref<128x50x128xf32, #tpu.memory_space<any>>
    tpu.enqueue_dma source(%dma_start3A_1117 : memref<128x50x128xf32, #tpu.memory_space<any>>) target(%dma_start3A_1113 : memref<128x50x128xf32, #tpu.memory_space<vmem>>) target_semaphore(%dma_start3A_1108 : memref<!tpu.dma_semaphore, #tpu.memory_space<semaphore_mem>>)
    %dma_start3A_1118 = arith.constant 2 : i32
    %dma_start3A_1119 = arith.constant 2 : i32
    %dma_start3A_1120 = tpu.memref_slice %arg7[%dma_start3A_1119] : memref<4x!tpu.dma_semaphore, #tpu.memory_space<semaphore_mem>> -> memref<1x!tpu.dma_semaphore, #tpu.memory_space<semaphore_mem>>
    %dma_start3A_1121 = tpu.memref_squeeze %dma_start3A_1120 : memref<1x!tpu.dma_semaphore, #tpu.memory_space<semaphore_mem>> -> memref<!tpu.dma_semaphore, #tpu.memory_space<semaphore_mem>>
    %dma_start3A_1122 = arith.constant 0 : i32
    %dma_start3A_1123 = arith.constant 0 : i32
    %dma_start3A_1124 = tpu.memref_slice %arg4[%dma_start3A_1118, %dma_start3A_1122, %dma_start3A_1123] : memref<4x128x128xf32, #tpu.memory_space<vmem>> -> memref<1x128x128xf32, #tpu.memory_space<vmem>>
    %dma_start3A_1125 = tpu.memref_squeeze %dma_start3A_1124 : memref<1x128x128xf32, #tpu.memory_space<vmem>> -> memref<128x128xf32, #tpu.memory_space<vmem>>
    %dma_start3A_1126 = arith.constant 1792 : i32
    %dma_start3A_1127 = arith.constant 0 : i32
    %dma_start3A_1128 = tpu.memref_slice %arg0[%dma_start3A_1126, %dma_start3A_1127] : memref<4096x128xf32, #tpu.memory_space<any>> -> memref<128x128xf32, #tpu.memory_space<any>>
    tpu.enqueue_dma source(%dma_start3A_1128 : memref<128x128xf32, #tpu.memory_space<any>>) target(%dma_start3A_1125 : memref<128x128xf32, #tpu.memory_space<vmem>>) target_semaphore(%dma_start3A_1121 : memref<!tpu.dma_semaphore, #tpu.memory_space<semaphore_mem>>)
    %dma_wait3A_1129 = arith.constant 3 : i32
    %dma_wait3A_1130 = arith.constant 3 : i32
    %dma_wait3A_1131 = tpu.memref_slice %arg6[%dma_wait3A_1130] : memref<4x!tpu.dma_semaphore, #tpu.memory_space<semaphore_mem>> -> memref<1x!tpu.dma_semaphore, #tpu.memory_space<semaphore_mem>>
    %dma_wait3A_1132 = tpu.memref_squeeze %dma_wait3A_1131 : memref<1x!tpu.dma_semaphore, #tpu.memory_space<semaphore_mem>> -> memref<!tpu.dma_semaphore, #tpu.memory_space<semaphore_mem>>
    %dma_wait3A_1133 = arith.constant 0 : i32
    %dma_wait3A_1134 = arith.constant 0 : i32
    %dma_wait3A_1135 = arith.constant 0 : i32
    %dma_wait3A_1136 = tpu.memref_slice %arg3[%dma_wait3A_1129, %dma_wait3A_1133, %dma_wait3A_1134, %dma_wait3A_1135] : memref<4x128x50x128xf32, #tpu.memory_space<vmem>> -> memref<1x128x50x128xf32, #tpu.memory_space<vmem>>
    %dma_wait3A_1137 = tpu.memref_squeeze %dma_wait3A_1136 : memref<1x128x50x128xf32, #tpu.memory_space<vmem>> -> memref<128x50x128xf32, #tpu.memory_space<vmem>>
    %dma_wait3A_1138 = arith.constant 1408 : i32
    %dma_wait3A_1139 = arith.constant 0 : i32
    %dma_wait3A_1140 = arith.constant 0 : i32
    %dma_wait3A_1141 = tpu.memref_slice %arg1[%dma_wait3A_1138, %dma_wait3A_1139, %dma_wait3A_1140] : memref<4096x50x128xf32, #tpu.memory_space<any>> -> memref<128x50x128xf32, #tpu.memory_space<any>>
    tpu.wait_dma2 semaphore(%dma_wait3A_1132 : memref<!tpu.dma_semaphore, #tpu.memory_space<semaphore_mem>>) src(%dma_wait3A_1141 : memref<128x50x128xf32, #tpu.memory_space<any>>) dst(%dma_wait3A_1137 : memref<128x50x128xf32, #tpu.memory_space<vmem>>)
    %dma_wait3A_1142 = arith.constant 3 : i32
    %dma_wait3A_1143 = arith.constant 3 : i32
    %dma_wait3A_1144 = tpu.memref_slice %arg7[%dma_wait3A_1143] : memref<4x!tpu.dma_semaphore, #tpu.memory_space<semaphore_mem>> -> memref<1x!tpu.dma_semaphore, #tpu.memory_space<semaphore_mem>>
    %dma_wait3A_1145 = tpu.memref_squeeze %dma_wait3A_1144 : memref<1x!tpu.dma_semaphore, #tpu.memory_space<semaphore_mem>> -> memref<!tpu.dma_semaphore, #tpu.memory_space<semaphore_mem>>
    %dma_wait3A_1146 = arith.constant 0 : i32
    %dma_wait3A_1147 = arith.constant 0 : i32
    %dma_wait3A_1148 = tpu.memref_slice %arg4[%dma_wait3A_1142, %dma_wait3A_1146, %dma_wait3A_1147] : memref<4x128x128xf32, #tpu.memory_space<vmem>> -> memref<1x128x128xf32, #tpu.memory_space<vmem>>
    %dma_wait3A_1149 = tpu.memref_squeeze %dma_wait3A_1148 : memref<1x128x128xf32, #tpu.memory_space<vmem>> -> memref<128x128xf32, #tpu.memory_space<vmem>>
    %dma_wait3A_1150 = arith.constant 1408 : i32
    %dma_wait3A_1151 = arith.constant 0 : i32
    %dma_wait3A_1152 = tpu.memref_slice %arg0[%dma_wait3A_1150, %dma_wait3A_1151] : memref<4096x128xf32, #tpu.memory_space<any>> -> memref<128x128xf32, #tpu.memory_space<any>>
    tpu.wait_dma2 semaphore(%dma_wait3A_1145 : memref<!tpu.dma_semaphore, #tpu.memory_space<semaphore_mem>>) src(%dma_wait3A_1152 : memref<128x128xf32, #tpu.memory_space<any>>) dst(%dma_wait3A_1149 : memref<128x128xf32, #tpu.memory_space<vmem>>)
    %dma_wait3A_1153 = arith.constant 3 : i32
    %dma_wait3A_1154 = arith.constant 3 : i32
    %dma_wait3A_1155 = tpu.memref_slice %arg8[%dma_wait3A_1154] : memref<4x!tpu.dma_semaphore, #tpu.memory_space<semaphore_mem>> -> memref<1x!tpu.dma_semaphore, #tpu.memory_space<semaphore_mem>>
    %dma_wait3A_1156 = tpu.memref_squeeze %dma_wait3A_1155 : memref<1x!tpu.dma_semaphore, #tpu.memory_space<semaphore_mem>> -> memref<!tpu.dma_semaphore, #tpu.memory_space<semaphore_mem>>
    %dma_wait3A_1157 = arith.constant 896 : i32
    %dma_wait3A_1158 = arith.constant 0 : i32
    %dma_wait3A_1159 = arith.constant 0 : i32
    %dma_wait3A_1160 = tpu.memref_slice %arg2[%dma_wait3A_1157, %dma_wait3A_1158, %dma_wait3A_1159] : memref<4096x51x128xf32, #tpu.memory_space<any>> -> memref<128x51x128xf32, #tpu.memory_space<any>>
    %dma_wait3A_1161 = arith.constant 0 : i32
    %dma_wait3A_1162 = arith.constant 0 : i32
    %dma_wait3A_1163 = arith.constant 0 : i32
    %dma_wait3A_1164 = tpu.memref_slice %arg5[%dma_wait3A_1153, %dma_wait3A_1161, %dma_wait3A_1162, %dma_wait3A_1163] : memref<4x128x51x128xf32, #tpu.memory_space<vmem>> -> memref<1x128x51x128xf32, #tpu.memory_space<vmem>>
    %dma_wait3A_1165 = tpu.memref_squeeze %dma_wait3A_1164 : memref<1x128x51x128xf32, #tpu.memory_space<vmem>> -> memref<128x51x128xf32, #tpu.memory_space<vmem>>
    tpu.wait_dma2 semaphore(%dma_wait3A_1156 : memref<!tpu.dma_semaphore, #tpu.memory_space<semaphore_mem>>) src(%dma_wait3A_1165 : memref<128x51x128xf32, #tpu.memory_space<vmem>>) dst(%dma_wait3A_1160 : memref<128x51x128xf32, #tpu.memory_space<any>>)
    %get3A_1166 = arith.constant 3 : index
    %get3A_1167 = arith.constant 0 : index
    %get3A_1168 = arith.constant 0 : index
    %get3A_1169 = vector.load %arg4[%get3A_1166, %get3A_1167, %get3A_1168] : memref<4x128x128xf32, #tpu.memory_space<vmem>>, vector<1x128x128xf32>
    %get3A_1170 = vector.shape_cast %get3A_1169 : vector<1x128x128xf32> to vector<128x128xf32>
    %swap3A_1171 = arith.constant 3 : index
    %swap3A_1172 = arith.constant 0 : index
    %swap3A_1173 = arith.constant 0 : index
    %swap3A_1174 = arith.constant 0 : index
    %swap3A_1175 = vector.load %arg5[%swap3A_1171, %swap3A_1172, %swap3A_1173, %swap3A_1174] : memref<4x128x51x128xf32, #tpu.memory_space<vmem>>, vector<1x128x1x128xf32>
    %swap3A_1176 = vector.shape_cast %swap3A_1175 : vector<1x128x1x128xf32> to vector<128x128xf32>
    %swap3A_1177 = vector.shape_cast %get3A_1170 : vector<128x128xf32> to vector<1x128x1x128xf32>
    tpu.vector_store %arg5[%swap3A_1171, %swap3A_1172, %swap3A_1173, %swap3A_1174], %swap3A_1177 {strides = array<i32>} : memref<4x128x51x128xf32, #tpu.memory_space<vmem>>, vector<1x128x1x128xf32>,
    %get3A_1178 = arith.constant 3 : index
    %get3A_1179 = arith.constant 0 : index
    %get3A_1180 = arith.constant 0 : index
    %get3A_1181 = arith.constant 0 : index
    %get3A_1182 = vector.load %arg3[%get3A_1178, %get3A_1179, %get3A_1180, %get3A_1181] : memref<4x128x50x128xf32, #tpu.memory_space<vmem>>, vector<1x128x50x128xf32>
    %get3A_1183 = vector.shape_cast %get3A_1182 : vector<1x128x50x128xf32> to vector<128x50x128xf32>
    %swap3A_1184 = arith.constant 3 : index
    %swap3A_1185 = arith.constant 0 : index
    %swap3A_1186 = arith.constant 1 : index
    %swap3A_1187 = arith.constant 0 : index
    %swap3A_1188 = vector.load %arg5[%swap3A_1184, %swap3A_1185, %swap3A_1186, %swap3A_1187] : memref<4x128x51x128xf32, #tpu.memory_space<vmem>>, vector<1x128x50x128xf32>
    %swap3A_1189 = vector.shape_cast %swap3A_1188 : vector<1x128x50x128xf32> to vector<128x50x128xf32>
    %swap3A_1190 = vector.shape_cast %get3A_1183 : vector<128x50x128xf32> to vector<1x128x50x128xf32>
    tpu.vector_store %arg5[%swap3A_1184, %swap3A_1185, %swap3A_1186, %swap3A_1187], %swap3A_1190 {strides = array<i32>} : memref<4x128x51x128xf32, #tpu.memory_space<vmem>>, vector<1x128x50x128xf32>,
    %dma_start3A_1191 = arith.constant 3 : i32
    %dma_start3A_1192 = arith.constant 3 : i32
    %dma_start3A_1193 = tpu.memref_slice %arg8[%dma_start3A_1192] : memref<4x!tpu.dma_semaphore, #tpu.memory_space<semaphore_mem>> -> memref<1x!tpu.dma_semaphore, #tpu.memory_space<semaphore_mem>>
    %dma_start3A_1194 = tpu.memref_squeeze %dma_start3A_1193 : memref<1x!tpu.dma_semaphore, #tpu.memory_space<semaphore_mem>> -> memref<!tpu.dma_semaphore, #tpu.memory_space<semaphore_mem>>
    %dma_start3A_1195 = arith.constant 1408 : i32
    %dma_start3A_1196 = arith.constant 0 : i32
    %dma_start3A_1197 = arith.constant 0 : i32
    %dma_start3A_1198 = tpu.memref_slice %arg2[%dma_start3A_1195, %dma_start3A_1196, %dma_start3A_1197] : memref<4096x51x128xf32, #tpu.memory_space<any>> -> memref<128x51x128xf32, #tpu.memory_space<any>>
    %dma_start3A_1199 = arith.constant 0 : i32
    %dma_start3A_1200 = arith.constant 0 : i32
    %dma_start3A_1201 = arith.constant 0 : i32
    %dma_start3A_1202 = tpu.memref_slice %arg5[%dma_start3A_1191, %dma_start3A_1199, %dma_start3A_1200, %dma_start3A_1201] : memref<4x128x51x128xf32, #tpu.memory_space<vmem>> -> memref<1x128x51x128xf32, #tpu.memory_space<vmem>>
    %dma_start3A_1203 = tpu.memref_squeeze %dma_start3A_1202 : memref<1x128x51x128xf32, #tpu.memory_space<vmem>> -> memref<128x51x128xf32, #tpu.memory_space<vmem>>
    tpu.enqueue_dma source(%dma_start3A_1203 : memref<128x51x128xf32, #tpu.memory_space<vmem>>) target(%dma_start3A_1198 : memref<128x51x128xf32, #tpu.memory_space<any>>) target_semaphore(%dma_start3A_1194 : memref<!tpu.dma_semaphore, #tpu.memory_space<semaphore_mem>>)
    %dma_start3A_1204 = arith.constant 3 : i32
    %dma_start3A_1205 = arith.constant 3 : i32
    %dma_start3A_1206 = tpu.memref_slice %arg6[%dma_start3A_1205] : memref<4x!tpu.dma_semaphore, #tpu.memory_space<semaphore_mem>> -> memref<1x!tpu.dma_semaphore, #tpu.memory_space<semaphore_mem>>
    %dma_start3A_1207 = tpu.memref_squeeze %dma_start3A_1206 : memref<1x!tpu.dma_semaphore, #tpu.memory_space<semaphore_mem>> -> memref<!tpu.dma_semaphore, #tpu.memory_space<semaphore_mem>>
    %dma_start3A_1208 = arith.constant 0 : i32
    %dma_start3A_1209 = arith.constant 0 : i32
    %dma_start3A_1210 = arith.constant 0 : i32
    %dma_start3A_1211 = tpu.memref_slice %arg3[%dma_start3A_1204, %dma_start3A_1208, %dma_start3A_1209, %dma_start3A_1210] : memref<4x128x50x128xf32, #tpu.memory_space<vmem>> -> memref<1x128x50x128xf32, #tpu.memory_space<vmem>>
    %dma_start3A_1212 = tpu.memref_squeeze %dma_start3A_1211 : memref<1x128x50x128xf32, #tpu.memory_space<vmem>> -> memref<128x50x128xf32, #tpu.memory_space<vmem>>
    %dma_start3A_1213 = arith.constant 1920 : i32
    %dma_start3A_1214 = arith.constant 0 : i32
    %dma_start3A_1215 = arith.constant 0 : i32
    %dma_start3A_1216 = tpu.memref_slice %arg1[%dma_start3A_1213, %dma_start3A_1214, %dma_start3A_1215] : memref<4096x50x128xf32, #tpu.memory_space<any>> -> memref<128x50x128xf32, #tpu.memory_space<any>>
    tpu.enqueue_dma source(%dma_start3A_1216 : memref<128x50x128xf32, #tpu.memory_space<any>>) target(%dma_start3A_1212 : memref<128x50x128xf32, #tpu.memory_space<vmem>>) target_semaphore(%dma_start3A_1207 : memref<!tpu.dma_semaphore, #tpu.memory_space<semaphore_mem>>)
    %dma_start3A_1217 = arith.constant 3 : i32
    %dma_start3A_1218 = arith.constant 3 : i32
    %dma_start3A_1219 = tpu.memref_slice %arg7[%dma_start3A_1218] : memref<4x!tpu.dma_semaphore, #tpu.memory_space<semaphore_mem>> -> memref<1x!tpu.dma_semaphore, #tpu.memory_space<semaphore_mem>>
    %dma_start3A_1220 = tpu.memref_squeeze %dma_start3A_1219 : memref<1x!tpu.dma_semaphore, #tpu.memory_space<semaphore_mem>> -> memref<!tpu.dma_semaphore, #tpu.memory_space<semaphore_mem>>
    %dma_start3A_1221 = arith.constant 0 : i32
    %dma_start3A_1222 = arith.constant 0 : i32
    %dma_start3A_1223 = tpu.memref_slice %arg4[%dma_start3A_1217, %dma_start3A_1221, %dma_start3A_1222] : memref<4x128x128xf32, #tpu.memory_space<vmem>> -> memref<1x128x128xf32, #tpu.memory_space<vmem>>
    %dma_start3A_1224 = tpu.memref_squeeze %dma_start3A_1223 : memref<1x128x128xf32, #tpu.memory_space<vmem>> -> memref<128x128xf32, #tpu.memory_space<vmem>>
    %dma_start3A_1225 = arith.constant 1920 : i32
    %dma_start3A_1226 = arith.constant 0 : i32
    %dma_start3A_1227 = tpu.memref_slice %arg0[%dma_start3A_1225, %dma_start3A_1226] : memref<4096x128xf32, #tpu.memory_space<any>> -> memref<128x128xf32, #tpu.memory_space<any>>
    tpu.enqueue_dma source(%dma_start3A_1227 : memref<128x128xf32, #tpu.memory_space<any>>) target(%dma_start3A_1224 : memref<128x128xf32, #tpu.memory_space<vmem>>) target_semaphore(%dma_start3A_1220 : memref<!tpu.dma_semaphore, #tpu.memory_space<semaphore_mem>>)
    %dma_wait3A_1228 = arith.constant 0 : i32
    %dma_wait3A_1229 = arith.constant 0 : i32
    %dma_wait3A_1230 = tpu.memref_slice %arg6[%dma_wait3A_1229] : memref<4x!tpu.dma_semaphore, #tpu.memory_space<semaphore_mem>> -> memref<1x!tpu.dma_semaphore, #tpu.memory_space<semaphore_mem>>
    %dma_wait3A_1231 = tpu.memref_squeeze %dma_wait3A_1230 : memref<1x!tpu.dma_semaphore, #tpu.memory_space<semaphore_mem>> -> memref<!tpu.dma_semaphore, #tpu.memory_space<semaphore_mem>>
    %dma_wait3A_1232 = arith.constant 0 : i32
    %dma_wait3A_1233 = arith.constant 0 : i32
    %dma_wait3A_1234 = arith.constant 0 : i32
    %dma_wait3A_1235 = tpu.memref_slice %arg3[%dma_wait3A_1228, %dma_wait3A_1232, %dma_wait3A_1233, %dma_wait3A_1234] : memref<4x128x50x128xf32, #tpu.memory_space<vmem>> -> memref<1x128x50x128xf32, #tpu.memory_space<vmem>>
    %dma_wait3A_1236 = tpu.memref_squeeze %dma_wait3A_1235 : memref<1x128x50x128xf32, #tpu.memory_space<vmem>> -> memref<128x50x128xf32, #tpu.memory_space<vmem>>
    %dma_wait3A_1237 = arith.constant 1536 : i32
    %dma_wait3A_1238 = arith.constant 0 : i32
    %dma_wait3A_1239 = arith.constant 0 : i32
    %dma_wait3A_1240 = tpu.memref_slice %arg1[%dma_wait3A_1237, %dma_wait3A_1238, %dma_wait3A_1239] : memref<4096x50x128xf32, #tpu.memory_space<any>> -> memref<128x50x128xf32, #tpu.memory_space<any>>
    tpu.wait_dma2 semaphore(%dma_wait3A_1231 : memref<!tpu.dma_semaphore, #tpu.memory_space<semaphore_mem>>) src(%dma_wait3A_1240 : memref<128x50x128xf32, #tpu.memory_space<any>>) dst(%dma_wait3A_1236 : memref<128x50x128xf32, #tpu.memory_space<vmem>>)
    %dma_wait3A_1241 = arith.constant 0 : i32
    %dma_wait3A_1242 = arith.constant 0 : i32
    %dma_wait3A_1243 = tpu.memref_slice %arg7[%dma_wait3A_1242] : memref<4x!tpu.dma_semaphore, #tpu.memory_space<semaphore_mem>> -> memref<1x!tpu.dma_semaphore, #tpu.memory_space<semaphore_mem>>
    %dma_wait3A_1244 = tpu.memref_squeeze %dma_wait3A_1243 : memref<1x!tpu.dma_semaphore, #tpu.memory_space<semaphore_mem>> -> memref<!tpu.dma_semaphore, #tpu.memory_space<semaphore_mem>>
    %dma_wait3A_1245 = arith.constant 0 : i32
    %dma_wait3A_1246 = arith.constant 0 : i32
    %dma_wait3A_1247 = tpu.memref_slice %arg4[%dma_wait3A_1241, %dma_wait3A_1245, %dma_wait3A_1246] : memref<4x128x128xf32, #tpu.memory_space<vmem>> -> memref<1x128x128xf32, #tpu.memory_space<vmem>>
    %dma_wait3A_1248 = tpu.memref_squeeze %dma_wait3A_1247 : memref<1x128x128xf32, #tpu.memory_space<vmem>> -> memref<128x128xf32, #tpu.memory_space<vmem>>
    %dma_wait3A_1249 = arith.constant 1536 : i32
    %dma_wait3A_1250 = arith.constant 0 : i32
    %dma_wait3A_1251 = tpu.memref_slice %arg0[%dma_wait3A_1249, %dma_wait3A_1250] : memref<4096x128xf32, #tpu.memory_space<any>> -> memref<128x128xf32, #tpu.memory_space<any>>
    tpu.wait_dma2 semaphore(%dma_wait3A_1244 : memref<!tpu.dma_semaphore, #tpu.memory_space<semaphore_mem>>) src(%dma_wait3A_1251 : memref<128x128xf32, #tpu.memory_space<any>>) dst(%dma_wait3A_1248 : memref<128x128xf32, #tpu.memory_space<vmem>>)
    %dma_wait3A_1252 = arith.constant 0 : i32
    %dma_wait3A_1253 = arith.constant 0 : i32
    %dma_wait3A_1254 = tpu.memref_slice %arg8[%dma_wait3A_1253] : memref<4x!tpu.dma_semaphore, #tpu.memory_space<semaphore_mem>> -> memref<1x!tpu.dma_semaphore, #tpu.memory_space<semaphore_mem>>
    %dma_wait3A_1255 = tpu.memref_squeeze %dma_wait3A_1254 : memref<1x!tpu.dma_semaphore, #tpu.memory_space<semaphore_mem>> -> memref<!tpu.dma_semaphore, #tpu.memory_space<semaphore_mem>>
    %dma_wait3A_1256 = arith.constant 1024 : i32
    %dma_wait3A_1257 = arith.constant 0 : i32
    %dma_wait3A_1258 = arith.constant 0 : i32
    %dma_wait3A_1259 = tpu.memref_slice %arg2[%dma_wait3A_1256, %dma_wait3A_1257, %dma_wait3A_1258] : memref<4096x51x128xf32, #tpu.memory_space<any>> -> memref<128x51x128xf32, #tpu.memory_space<any>>
    %dma_wait3A_1260 = arith.constant 0 : i32
    %dma_wait3A_1261 = arith.constant 0 : i32
    %dma_wait3A_1262 = arith.constant 0 : i32
    %dma_wait3A_1263 = tpu.memref_slice %arg5[%dma_wait3A_1252, %dma_wait3A_1260, %dma_wait3A_1261, %dma_wait3A_1262] : memref<4x128x51x128xf32, #tpu.memory_space<vmem>> -> memref<1x128x51x128xf32, #tpu.memory_space<vmem>>
    %dma_wait3A_1264 = tpu.memref_squeeze %dma_wait3A_1263 : memref<1x128x51x128xf32, #tpu.memory_space<vmem>> -> memref<128x51x128xf32, #tpu.memory_space<vmem>>
    tpu.wait_dma2 semaphore(%dma_wait3A_1255 : memref<!tpu.dma_semaphore, #tpu.memory_space<semaphore_mem>>) src(%dma_wait3A_1264 : memref<128x51x128xf32, #tpu.memory_space<vmem>>) dst(%dma_wait3A_1259 : memref<128x51x128xf32, #tpu.memory_space<any>>)
    %get3A_1265 = arith.constant 0 : index
    %get3A_1266 = arith.constant 0 : index
    %get3A_1267 = arith.constant 0 : index
    %get3A_1268 = vector.load %arg4[%get3A_1265, %get3A_1266, %get3A_1267] : memref<4x128x128xf32, #tpu.memory_space<vmem>>, vector<1x128x128xf32>
    %get3A_1269 = vector.shape_cast %get3A_1268 : vector<1x128x128xf32> to vector<128x128xf32>
    %swap3A_1270 = arith.constant 0 : index
    %swap3A_1271 = arith.constant 0 : index
    %swap3A_1272 = arith.constant 0 : index
    %swap3A_1273 = arith.constant 0 : index
    %swap3A_1274 = vector.load %arg5[%swap3A_1270, %swap3A_1271, %swap3A_1272, %swap3A_1273] : memref<4x128x51x128xf32, #tpu.memory_space<vmem>>, vector<1x128x1x128xf32>
    %swap3A_1275 = vector.shape_cast %swap3A_1274 : vector<1x128x1x128xf32> to vector<128x128xf32>
    %swap3A_1276 = vector.shape_cast %get3A_1269 : vector<128x128xf32> to vector<1x128x1x128xf32>
    tpu.vector_store %arg5[%swap3A_1270, %swap3A_1271, %swap3A_1272, %swap3A_1273], %swap3A_1276 {strides = array<i32>} : memref<4x128x51x128xf32, #tpu.memory_space<vmem>>, vector<1x128x1x128xf32>,
    %get3A_1277 = arith.constant 0 : index
    %get3A_1278 = arith.constant 0 : index
    %get3A_1279 = arith.constant 0 : index
    %get3A_1280 = arith.constant 0 : index
    %get3A_1281 = vector.load %arg3[%get3A_1277, %get3A_1278, %get3A_1279, %get3A_1280] : memref<4x128x50x128xf32, #tpu.memory_space<vmem>>, vector<1x128x50x128xf32>
    %get3A_1282 = vector.shape_cast %get3A_1281 : vector<1x128x50x128xf32> to vector<128x50x128xf32>
    %swap3A_1283 = arith.constant 0 : index
    %swap3A_1284 = arith.constant 0 : index
    %swap3A_1285 = arith.constant 1 : index
    %swap3A_1286 = arith.constant 0 : index
    %swap3A_1287 = vector.load %arg5[%swap3A_1283, %swap3A_1284, %swap3A_1285, %swap3A_1286] : memref<4x128x51x128xf32, #tpu.memory_space<vmem>>, vector<1x128x50x128xf32>
    %swap3A_1288 = vector.shape_cast %swap3A_1287 : vector<1x128x50x128xf32> to vector<128x50x128xf32>
    %swap3A_1289 = vector.shape_cast %get3A_1282 : vector<128x50x128xf32> to vector<1x128x50x128xf32>
    tpu.vector_store %arg5[%swap3A_1283, %swap3A_1284, %swap3A_1285, %swap3A_1286], %swap3A_1289 {strides = array<i32>} : memref<4x128x51x128xf32, #tpu.memory_space<vmem>>, vector<1x128x50x128xf32>,
    %dma_start3A_1290 = arith.constant 0 : i32
    %dma_start3A_1291 = arith.constant 0 : i32
    %dma_start3A_1292 = tpu.memref_slice %arg8[%dma_start3A_1291] : memref<4x!tpu.dma_semaphore, #tpu.memory_space<semaphore_mem>> -> memref<1x!tpu.dma_semaphore, #tpu.memory_space<semaphore_mem>>
    %dma_start3A_1293 = tpu.memref_squeeze %dma_start3A_1292 : memref<1x!tpu.dma_semaphore, #tpu.memory_space<semaphore_mem>> -> memref<!tpu.dma_semaphore, #tpu.memory_space<semaphore_mem>>
    %dma_start3A_1294 = arith.constant 1536 : i32
    %dma_start3A_1295 = arith.constant 0 : i32
    %dma_start3A_1296 = arith.constant 0 : i32
    %dma_start3A_1297 = tpu.memref_slice %arg2[%dma_start3A_1294, %dma_start3A_1295, %dma_start3A_1296] : memref<4096x51x128xf32, #tpu.memory_space<any>> -> memref<128x51x128xf32, #tpu.memory_space<any>>
    %dma_start3A_1298 = arith.constant 0 : i32
    %dma_start3A_1299 = arith.constant 0 : i32
    %dma_start3A_1300 = arith.constant 0 : i32
    %dma_start3A_1301 = tpu.memref_slice %arg5[%dma_start3A_1290, %dma_start3A_1298, %dma_start3A_1299, %dma_start3A_1300] : memref<4x128x51x128xf32, #tpu.memory_space<vmem>> -> memref<1x128x51x128xf32, #tpu.memory_space<vmem>>
    %dma_start3A_1302 = tpu.memref_squeeze %dma_start3A_1301 : memref<1x128x51x128xf32, #tpu.memory_space<vmem>> -> memref<128x51x128xf32, #tpu.memory_space<vmem>>
    tpu.enqueue_dma source(%dma_start3A_1302 : memref<128x51x128xf32, #tpu.memory_space<vmem>>) target(%dma_start3A_1297 : memref<128x51x128xf32, #tpu.memory_space<any>>) target_semaphore(%dma_start3A_1293 : memref<!tpu.dma_semaphore, #tpu.memory_space<semaphore_mem>>)
    %dma_start3A_1303 = arith.constant 0 : i32
    %dma_start3A_1304 = arith.constant 0 : i32
    %dma_start3A_1305 = tpu.memref_slice %arg6[%dma_start3A_1304] : memref<4x!tpu.dma_semaphore, #tpu.memory_space<semaphore_mem>> -> memref<1x!tpu.dma_semaphore, #tpu.memory_space<semaphore_mem>>
    %dma_start3A_1306 = tpu.memref_squeeze %dma_start3A_1305 : memref<1x!tpu.dma_semaphore, #tpu.memory_space<semaphore_mem>> -> memref<!tpu.dma_semaphore, #tpu.memory_space<semaphore_mem>>
    %dma_start3A_1307 = arith.constant 0 : i32
    %dma_start3A_1308 = arith.constant 0 : i32
    %dma_start3A_1309 = arith.constant 0 : i32
    %dma_start3A_1310 = tpu.memref_slice %arg3[%dma_start3A_1303, %dma_start3A_1307, %dma_start3A_1308, %dma_start3A_1309] : memref<4x128x50x128xf32, #tpu.memory_space<vmem>> -> memref<1x128x50x128xf32, #tpu.memory_space<vmem>>
    %dma_start3A_1311 = tpu.memref_squeeze %dma_start3A_1310 : memref<1x128x50x128xf32, #tpu.memory_space<vmem>> -> memref<128x50x128xf32, #tpu.memory_space<vmem>>
    %dma_start3A_1312 = arith.constant 2048 : i32
    %dma_start3A_1313 = arith.constant 0 : i32
    %dma_start3A_1314 = arith.constant 0 : i32
    %dma_start3A_1315 = tpu.memref_slice %arg1[%dma_start3A_1312, %dma_start3A_1313, %dma_start3A_1314] : memref<4096x50x128xf32, #tpu.memory_space<any>> -> memref<128x50x128xf32, #tpu.memory_space<any>>
    tpu.enqueue_dma source(%dma_start3A_1315 : memref<128x50x128xf32, #tpu.memory_space<any>>) target(%dma_start3A_1311 : memref<128x50x128xf32, #tpu.memory_space<vmem>>) target_semaphore(%dma_start3A_1306 : memref<!tpu.dma_semaphore, #tpu.memory_space<semaphore_mem>>)
    %dma_start3A_1316 = arith.constant 0 : i32
    %dma_start3A_1317 = arith.constant 0 : i32
    %dma_start3A_1318 = tpu.memref_slice %arg7[%dma_start3A_1317] : memref<4x!tpu.dma_semaphore, #tpu.memory_space<semaphore_mem>> -> memref<1x!tpu.dma_semaphore, #tpu.memory_space<semaphore_mem>>
    %dma_start3A_1319 = tpu.memref_squeeze %dma_start3A_1318 : memref<1x!tpu.dma_semaphore, #tpu.memory_space<semaphore_mem>> -> memref<!tpu.dma_semaphore, #tpu.memory_space<semaphore_mem>>
    %dma_start3A_1320 = arith.constant 0 : i32
    %dma_start3A_1321 = arith.constant 0 : i32
    %dma_start3A_1322 = tpu.memref_slice %arg4[%dma_start3A_1316, %dma_start3A_1320, %dma_start3A_1321] : memref<4x128x128xf32, #tpu.memory_space<vmem>> -> memref<1x128x128xf32, #tpu.memory_space<vmem>>
    %dma_start3A_1323 = tpu.memref_squeeze %dma_start3A_1322 : memref<1x128x128xf32, #tpu.memory_space<vmem>> -> memref<128x128xf32, #tpu.memory_space<vmem>>
    %dma_start3A_1324 = arith.constant 2048 : i32
    %dma_start3A_1325 = arith.constant 0 : i32
    %dma_start3A_1326 = tpu.memref_slice %arg0[%dma_start3A_1324, %dma_start3A_1325] : memref<4096x128xf32, #tpu.memory_space<any>> -> memref<128x128xf32, #tpu.memory_space<any>>
    tpu.enqueue_dma source(%dma_start3A_1326 : memref<128x128xf32, #tpu.memory_space<any>>) target(%dma_start3A_1323 : memref<128x128xf32, #tpu.memory_space<vmem>>) target_semaphore(%dma_start3A_1319 : memref<!tpu.dma_semaphore, #tpu.memory_space<semaphore_mem>>)
    %dma_wait3A_1327 = arith.constant 1 : i32
    %dma_wait3A_1328 = arith.constant 1 : i32
    %dma_wait3A_1329 = tpu.memref_slice %arg6[%dma_wait3A_1328] : memref<4x!tpu.dma_semaphore, #tpu.memory_space<semaphore_mem>> -> memref<1x!tpu.dma_semaphore, #tpu.memory_space<semaphore_mem>>
    %dma_wait3A_1330 = tpu.memref_squeeze %dma_wait3A_1329 : memref<1x!tpu.dma_semaphore, #tpu.memory_space<semaphore_mem>> -> memref<!tpu.dma_semaphore, #tpu.memory_space<semaphore_mem>>
    %dma_wait3A_1331 = arith.constant 0 : i32
    %dma_wait3A_1332 = arith.constant 0 : i32
    %dma_wait3A_1333 = arith.constant 0 : i32
    %dma_wait3A_1334 = tpu.memref_slice %arg3[%dma_wait3A_1327, %dma_wait3A_1331, %dma_wait3A_1332, %dma_wait3A_1333] : memref<4x128x50x128xf32, #tpu.memory_space<vmem>> -> memref<1x128x50x128xf32, #tpu.memory_space<vmem>>
    %dma_wait3A_1335 = tpu.memref_squeeze %dma_wait3A_1334 : memref<1x128x50x128xf32, #tpu.memory_space<vmem>> -> memref<128x50x128xf32, #tpu.memory_space<vmem>>
    %dma_wait3A_1336 = arith.constant 1664 : i32
    %dma_wait3A_1337 = arith.constant 0 : i32
    %dma_wait3A_1338 = arith.constant 0 : i32
    %dma_wait3A_1339 = tpu.memref_slice %arg1[%dma_wait3A_1336, %dma_wait3A_1337, %dma_wait3A_1338] : memref<4096x50x128xf32, #tpu.memory_space<any>> -> memref<128x50x128xf32, #tpu.memory_space<any>>
    tpu.wait_dma2 semaphore(%dma_wait3A_1330 : memref<!tpu.dma_semaphore, #tpu.memory_space<semaphore_mem>>) src(%dma_wait3A_1339 : memref<128x50x128xf32, #tpu.memory_space<any>>) dst(%dma_wait3A_1335 : memref<128x50x128xf32, #tpu.memory_space<vmem>>)
    %dma_wait3A_1340 = arith.constant 1 : i32
    %dma_wait3A_1341 = arith.constant 1 : i32
    %dma_wait3A_1342 = tpu.memref_slice %arg7[%dma_wait3A_1341] : memref<4x!tpu.dma_semaphore, #tpu.memory_space<semaphore_mem>> -> memref<1x!tpu.dma_semaphore, #tpu.memory_space<semaphore_mem>>
    %dma_wait3A_1343 = tpu.memref_squeeze %dma_wait3A_1342 : memref<1x!tpu.dma_semaphore, #tpu.memory_space<semaphore_mem>> -> memref<!tpu.dma_semaphore, #tpu.memory_space<semaphore_mem>>
    %dma_wait3A_1344 = arith.constant 0 : i32
    %dma_wait3A_1345 = arith.constant 0 : i32
    %dma_wait3A_1346 = tpu.memref_slice %arg4[%dma_wait3A_1340, %dma_wait3A_1344, %dma_wait3A_1345] : memref<4x128x128xf32, #tpu.memory_space<vmem>> -> memref<1x128x128xf32, #tpu.memory_space<vmem>>
    %dma_wait3A_1347 = tpu.memref_squeeze %dma_wait3A_1346 : memref<1x128x128xf32, #tpu.memory_space<vmem>> -> memref<128x128xf32, #tpu.memory_space<vmem>>
    %dma_wait3A_1348 = arith.constant 1664 : i32
    %dma_wait3A_1349 = arith.constant 0 : i32
    %dma_wait3A_1350 = tpu.memref_slice %arg0[%dma_wait3A_1348, %dma_wait3A_1349] : memref<4096x128xf32, #tpu.memory_space<any>> -> memref<128x128xf32, #tpu.memory_space<any>>
    tpu.wait_dma2 semaphore(%dma_wait3A_1343 : memref<!tpu.dma_semaphore, #tpu.memory_space<semaphore_mem>>) src(%dma_wait3A_1350 : memref<128x128xf32, #tpu.memory_space<any>>) dst(%dma_wait3A_1347 : memref<128x128xf32, #tpu.memory_space<vmem>>)
    %dma_wait3A_1351 = arith.constant 1 : i32
    %dma_wait3A_1352 = arith.constant 1 : i32
    %dma_wait3A_1353 = tpu.memref_slice %arg8[%dma_wait3A_1352] : memref<4x!tpu.dma_semaphore, #tpu.memory_space<semaphore_mem>> -> memref<1x!tpu.dma_semaphore, #tpu.memory_space<semaphore_mem>>
    %dma_wait3A_1354 = tpu.memref_squeeze %dma_wait3A_1353 : memref<1x!tpu.dma_semaphore, #tpu.memory_space<semaphore_mem>> -> memref<!tpu.dma_semaphore, #tpu.memory_space<semaphore_mem>>
    %dma_wait3A_1355 = arith.constant 1152 : i32
    %dma_wait3A_1356 = arith.constant 0 : i32
    %dma_wait3A_1357 = arith.constant 0 : i32
    %dma_wait3A_1358 = tpu.memref_slice %arg2[%dma_wait3A_1355, %dma_wait3A_1356, %dma_wait3A_1357] : memref<4096x51x128xf32, #tpu.memory_space<any>> -> memref<128x51x128xf32, #tpu.memory_space<any>>
    %dma_wait3A_1359 = arith.constant 0 : i32
    %dma_wait3A_1360 = arith.constant 0 : i32
    %dma_wait3A_1361 = arith.constant 0 : i32
    %dma_wait3A_1362 = tpu.memref_slice %arg5[%dma_wait3A_1351, %dma_wait3A_1359, %dma_wait3A_1360, %dma_wait3A_1361] : memref<4x128x51x128xf32, #tpu.memory_space<vmem>> -> memref<1x128x51x128xf32, #tpu.memory_space<vmem>>
    %dma_wait3A_1363 = tpu.memref_squeeze %dma_wait3A_1362 : memref<1x128x51x128xf32, #tpu.memory_space<vmem>> -> memref<128x51x128xf32, #tpu.memory_space<vmem>>
    tpu.wait_dma2 semaphore(%dma_wait3A_1354 : memref<!tpu.dma_semaphore, #tpu.memory_space<semaphore_mem>>) src(%dma_wait3A_1363 : memref<128x51x128xf32, #tpu.memory_space<vmem>>) dst(%dma_wait3A_1358 : memref<128x51x128xf32, #tpu.memory_space<any>>)
    %get3A_1364 = arith.constant 1 : index
    %get3A_1365 = arith.constant 0 : index
    %get3A_1366 = arith.constant 0 : index
    %get3A_1367 = vector.load %arg4[%get3A_1364, %get3A_1365, %get3A_1366] : memref<4x128x128xf32, #tpu.memory_space<vmem>>, vector<1x128x128xf32>
    %get3A_1368 = vector.shape_cast %get3A_1367 : vector<1x128x128xf32> to vector<128x128xf32>
    %swap3A_1369 = arith.constant 1 : index
    %swap3A_1370 = arith.constant 0 : index
    %swap3A_1371 = arith.constant 0 : index
    %swap3A_1372 = arith.constant 0 : index
    %swap3A_1373 = vector.load %arg5[%swap3A_1369, %swap3A_1370, %swap3A_1371, %swap3A_1372] : memref<4x128x51x128xf32, #tpu.memory_space<vmem>>, vector<1x128x1x128xf32>
    %swap3A_1374 = vector.shape_cast %swap3A_1373 : vector<1x128x1x128xf32> to vector<128x128xf32>
    %swap3A_1375 = vector.shape_cast %get3A_1368 : vector<128x128xf32> to vector<1x128x1x128xf32>
    tpu.vector_store %arg5[%swap3A_1369, %swap3A_1370, %swap3A_1371, %swap3A_1372], %swap3A_1375 {strides = array<i32>} : memref<4x128x51x128xf32, #tpu.memory_space<vmem>>, vector<1x128x1x128xf32>,
    %get3A_1376 = arith.constant 1 : index
    %get3A_1377 = arith.constant 0 : index
    %get3A_1378 = arith.constant 0 : index
    %get3A_1379 = arith.constant 0 : index
    %get3A_1380 = vector.load %arg3[%get3A_1376, %get3A_1377, %get3A_1378, %get3A_1379] : memref<4x128x50x128xf32, #tpu.memory_space<vmem>>, vector<1x128x50x128xf32>
    %get3A_1381 = vector.shape_cast %get3A_1380 : vector<1x128x50x128xf32> to vector<128x50x128xf32>
    %swap3A_1382 = arith.constant 1 : index
    %swap3A_1383 = arith.constant 0 : index
    %swap3A_1384 = arith.constant 1 : index
    %swap3A_1385 = arith.constant 0 : index
    %swap3A_1386 = vector.load %arg5[%swap3A_1382, %swap3A_1383, %swap3A_1384, %swap3A_1385] : memref<4x128x51x128xf32, #tpu.memory_space<vmem>>, vector<1x128x50x128xf32>
    %swap3A_1387 = vector.shape_cast %swap3A_1386 : vector<1x128x50x128xf32> to vector<128x50x128xf32>
    %swap3A_1388 = vector.shape_cast %get3A_1381 : vector<128x50x128xf32> to vector<1x128x50x128xf32>
    tpu.vector_store %arg5[%swap3A_1382, %swap3A_1383, %swap3A_1384, %swap3A_1385], %swap3A_1388 {strides = array<i32>} : memref<4x128x51x128xf32, #tpu.memory_space<vmem>>, vector<1x128x50x128xf32>,
    %dma_start3A_1389 = arith.constant 1 : i32
    %dma_start3A_1390 = arith.constant 1 : i32
    %dma_start3A_1391 = tpu.memref_slice %arg8[%dma_start3A_1390] : memref<4x!tpu.dma_semaphore, #tpu.memory_space<semaphore_mem>> -> memref<1x!tpu.dma_semaphore, #tpu.memory_space<semaphore_mem>>
    %dma_start3A_1392 = tpu.memref_squeeze %dma_start3A_1391 : memref<1x!tpu.dma_semaphore, #tpu.memory_space<semaphore_mem>> -> memref<!tpu.dma_semaphore, #tpu.memory_space<semaphore_mem>>
    %dma_start3A_1393 = arith.constant 1664 : i32
    %dma_start3A_1394 = arith.constant 0 : i32
    %dma_start3A_1395 = arith.constant 0 : i32
    %dma_start3A_1396 = tpu.memref_slice %arg2[%dma_start3A_1393, %dma_start3A_1394, %dma_start3A_1395] : memref<4096x51x128xf32, #tpu.memory_space<any>> -> memref<128x51x128xf32, #tpu.memory_space<any>>
    %dma_start3A_1397 = arith.constant 0 : i32
    %dma_start3A_1398 = arith.constant 0 : i32
    %dma_start3A_1399 = arith.constant 0 : i32
    %dma_start3A_1400 = tpu.memref_slice %arg5[%dma_start3A_1389, %dma_start3A_1397, %dma_start3A_1398, %dma_start3A_1399] : memref<4x128x51x128xf32, #tpu.memory_space<vmem>> -> memref<1x128x51x128xf32, #tpu.memory_space<vmem>>
    %dma_start3A_1401 = tpu.memref_squeeze %dma_start3A_1400 : memref<1x128x51x128xf32, #tpu.memory_space<vmem>> -> memref<128x51x128xf32, #tpu.memory_space<vmem>>
    tpu.enqueue_dma source(%dma_start3A_1401 : memref<128x51x128xf32, #tpu.memory_space<vmem>>) target(%dma_start3A_1396 : memref<128x51x128xf32, #tpu.memory_space<any>>) target_semaphore(%dma_start3A_1392 : memref<!tpu.dma_semaphore, #tpu.memory_space<semaphore_mem>>)
    %dma_start3A_1402 = arith.constant 1 : i32
    %dma_start3A_1403 = arith.constant 1 : i32
    %dma_start3A_1404 = tpu.memref_slice %arg6[%dma_start3A_1403] : memref<4x!tpu.dma_semaphore, #tpu.memory_space<semaphore_mem>> -> memref<1x!tpu.dma_semaphore, #tpu.memory_space<semaphore_mem>>
    %dma_start3A_1405 = tpu.memref_squeeze %dma_start3A_1404 : memref<1x!tpu.dma_semaphore, #tpu.memory_space<semaphore_mem>> -> memref<!tpu.dma_semaphore, #tpu.memory_space<semaphore_mem>>
    %dma_start3A_1406 = arith.constant 0 : i32
    %dma_start3A_1407 = arith.constant 0 : i32
    %dma_start3A_1408 = arith.constant 0 : i32
    %dma_start3A_1409 = tpu.memref_slice %arg3[%dma_start3A_1402, %dma_start3A_1406, %dma_start3A_1407, %dma_start3A_1408] : memref<4x128x50x128xf32, #tpu.memory_space<vmem>> -> memref<1x128x50x128xf32, #tpu.memory_space<vmem>>
    %dma_start3A_1410 = tpu.memref_squeeze %dma_start3A_1409 : memref<1x128x50x128xf32, #tpu.memory_space<vmem>> -> memref<128x50x128xf32, #tpu.memory_space<vmem>>
    %dma_start3A_1411 = arith.constant 2176 : i32
    %dma_start3A_1412 = arith.constant 0 : i32
    %dma_start3A_1413 = arith.constant 0 : i32
    %dma_start3A_1414 = tpu.memref_slice %arg1[%dma_start3A_1411, %dma_start3A_1412, %dma_start3A_1413] : memref<4096x50x128xf32, #tpu.memory_space<any>> -> memref<128x50x128xf32, #tpu.memory_space<any>>
    tpu.enqueue_dma source(%dma_start3A_1414 : memref<128x50x128xf32, #tpu.memory_space<any>>) target(%dma_start3A_1410 : memref<128x50x128xf32, #tpu.memory_space<vmem>>) target_semaphore(%dma_start3A_1405 : memref<!tpu.dma_semaphore, #tpu.memory_space<semaphore_mem>>)
    %dma_start3A_1415 = arith.constant 1 : i32
    %dma_start3A_1416 = arith.constant 1 : i32
    %dma_start3A_1417 = tpu.memref_slice %arg7[%dma_start3A_1416] : memref<4x!tpu.dma_semaphore, #tpu.memory_space<semaphore_mem>> -> memref<1x!tpu.dma_semaphore, #tpu.memory_space<semaphore_mem>>
    %dma_start3A_1418 = tpu.memref_squeeze %dma_start3A_1417 : memref<1x!tpu.dma_semaphore, #tpu.memory_space<semaphore_mem>> -> memref<!tpu.dma_semaphore, #tpu.memory_space<semaphore_mem>>
    %dma_start3A_1419 = arith.constant 0 : i32
    %dma_start3A_1420 = arith.constant 0 : i32
    %dma_start3A_1421 = tpu.memref_slice %arg4[%dma_start3A_1415, %dma_start3A_1419, %dma_start3A_1420] : memref<4x128x128xf32, #tpu.memory_space<vmem>> -> memref<1x128x128xf32, #tpu.memory_space<vmem>>
    %dma_start3A_1422 = tpu.memref_squeeze %dma_start3A_1421 : memref<1x128x128xf32, #tpu.memory_space<vmem>> -> memref<128x128xf32, #tpu.memory_space<vmem>>
    %dma_start3A_1423 = arith.constant 2176 : i32
    %dma_start3A_1424 = arith.constant 0 : i32
    %dma_start3A_1425 = tpu.memref_slice %arg0[%dma_start3A_1423, %dma_start3A_1424] : memref<4096x128xf32, #tpu.memory_space<any>> -> memref<128x128xf32, #tpu.memory_space<any>>
    tpu.enqueue_dma source(%dma_start3A_1425 : memref<128x128xf32, #tpu.memory_space<any>>) target(%dma_start3A_1422 : memref<128x128xf32, #tpu.memory_space<vmem>>) target_semaphore(%dma_start3A_1418 : memref<!tpu.dma_semaphore, #tpu.memory_space<semaphore_mem>>)
    %dma_wait3A_1426 = arith.constant 2 : i32
    %dma_wait3A_1427 = arith.constant 2 : i32
    %dma_wait3A_1428 = tpu.memref_slice %arg6[%dma_wait3A_1427] : memref<4x!tpu.dma_semaphore, #tpu.memory_space<semaphore_mem>> -> memref<1x!tpu.dma_semaphore, #tpu.memory_space<semaphore_mem>>
    %dma_wait3A_1429 = tpu.memref_squeeze %dma_wait3A_1428 : memref<1x!tpu.dma_semaphore, #tpu.memory_space<semaphore_mem>> -> memref<!tpu.dma_semaphore, #tpu.memory_space<semaphore_mem>>
    %dma_wait3A_1430 = arith.constant 0 : i32
    %dma_wait3A_1431 = arith.constant 0 : i32
    %dma_wait3A_1432 = arith.constant 0 : i32
    %dma_wait3A_1433 = tpu.memref_slice %arg3[%dma_wait3A_1426, %dma_wait3A_1430, %dma_wait3A_1431, %dma_wait3A_1432] : memref<4x128x50x128xf32, #tpu.memory_space<vmem>> -> memref<1x128x50x128xf32, #tpu.memory_space<vmem>>
    %dma_wait3A_1434 = tpu.memref_squeeze %dma_wait3A_1433 : memref<1x128x50x128xf32, #tpu.memory_space<vmem>> -> memref<128x50x128xf32, #tpu.memory_space<vmem>>
    %dma_wait3A_1435 = arith.constant 1792 : i32
    %dma_wait3A_1436 = arith.constant 0 : i32
    %dma_wait3A_1437 = arith.constant 0 : i32
    %dma_wait3A_1438 = tpu.memref_slice %arg1[%dma_wait3A_1435, %dma_wait3A_1436, %dma_wait3A_1437] : memref<4096x50x128xf32, #tpu.memory_space<any>> -> memref<128x50x128xf32, #tpu.memory_space<any>>
    tpu.wait_dma2 semaphore(%dma_wait3A_1429 : memref<!tpu.dma_semaphore, #tpu.memory_space<semaphore_mem>>) src(%dma_wait3A_1438 : memref<128x50x128xf32, #tpu.memory_space<any>>) dst(%dma_wait3A_1434 : memref<128x50x128xf32, #tpu.memory_space<vmem>>)
    %dma_wait3A_1439 = arith.constant 2 : i32
    %dma_wait3A_1440 = arith.constant 2 : i32
    %dma_wait3A_1441 = tpu.memref_slice %arg7[%dma_wait3A_1440] : memref<4x!tpu.dma_semaphore, #tpu.memory_space<semaphore_mem>> -> memref<1x!tpu.dma_semaphore, #tpu.memory_space<semaphore_mem>>
    %dma_wait3A_1442 = tpu.memref_squeeze %dma_wait3A_1441 : memref<1x!tpu.dma_semaphore, #tpu.memory_space<semaphore_mem>> -> memref<!tpu.dma_semaphore, #tpu.memory_space<semaphore_mem>>
    %dma_wait3A_1443 = arith.constant 0 : i32
    %dma_wait3A_1444 = arith.constant 0 : i32
    %dma_wait3A_1445 = tpu.memref_slice %arg4[%dma_wait3A_1439, %dma_wait3A_1443, %dma_wait3A_1444] : memref<4x128x128xf32, #tpu.memory_space<vmem>> -> memref<1x128x128xf32, #tpu.memory_space<vmem>>
    %dma_wait3A_1446 = tpu.memref_squeeze %dma_wait3A_1445 : memref<1x128x128xf32, #tpu.memory_space<vmem>> -> memref<128x128xf32, #tpu.memory_space<vmem>>
    %dma_wait3A_1447 = arith.constant 1792 : i32
    %dma_wait3A_1448 = arith.constant 0 : i32
    %dma_wait3A_1449 = tpu.memref_slice %arg0[%dma_wait3A_1447, %dma_wait3A_1448] : memref<4096x128xf32, #tpu.memory_space<any>> -> memref<128x128xf32, #tpu.memory_space<any>>
    tpu.wait_dma2 semaphore(%dma_wait3A_1442 : memref<!tpu.dma_semaphore, #tpu.memory_space<semaphore_mem>>) src(%dma_wait3A_1449 : memref<128x128xf32, #tpu.memory_space<any>>) dst(%dma_wait3A_1446 : memref<128x128xf32, #tpu.memory_space<vmem>>)
    %dma_wait3A_1450 = arith.constant 2 : i32
    %dma_wait3A_1451 = arith.constant 2 : i32
    %dma_wait3A_1452 = tpu.memref_slice %arg8[%dma_wait3A_1451] : memref<4x!tpu.dma_semaphore, #tpu.memory_space<semaphore_mem>> -> memref<1x!tpu.dma_semaphore, #tpu.memory_space<semaphore_mem>>
    %dma_wait3A_1453 = tpu.memref_squeeze %dma_wait3A_1452 : memref<1x!tpu.dma_semaphore, #tpu.memory_space<semaphore_mem>> -> memref<!tpu.dma_semaphore, #tpu.memory_space<semaphore_mem>>
    %dma_wait3A_1454 = arith.constant 1280 : i32
    %dma_wait3A_1455 = arith.constant 0 : i32
    %dma_wait3A_1456 = arith.constant 0 : i32
    %dma_wait3A_1457 = tpu.memref_slice %arg2[%dma_wait3A_1454, %dma_wait3A_1455, %dma_wait3A_1456] : memref<4096x51x128xf32, #tpu.memory_space<any>> -> memref<128x51x128xf32, #tpu.memory_space<any>>
    %dma_wait3A_1458 = arith.constant 0 : i32
    %dma_wait3A_1459 = arith.constant 0 : i32
    %dma_wait3A_1460 = arith.constant 0 : i32
    %dma_wait3A_1461 = tpu.memref_slice %arg5[%dma_wait3A_1450, %dma_wait3A_1458, %dma_wait3A_1459, %dma_wait3A_1460] : memref<4x128x51x128xf32, #tpu.memory_space<vmem>> -> memref<1x128x51x128xf32, #tpu.memory_space<vmem>>
    %dma_wait3A_1462 = tpu.memref_squeeze %dma_wait3A_1461 : memref<1x128x51x128xf32, #tpu.memory_space<vmem>> -> memref<128x51x128xf32, #tpu.memory_space<vmem>>
    tpu.wait_dma2 semaphore(%dma_wait3A_1453 : memref<!tpu.dma_semaphore, #tpu.memory_space<semaphore_mem>>) src(%dma_wait3A_1462 : memref<128x51x128xf32, #tpu.memory_space<vmem>>) dst(%dma_wait3A_1457 : memref<128x51x128xf32, #tpu.memory_space<any>>)
    %get3A_1463 = arith.constant 2 : index
    %get3A_1464 = arith.constant 0 : index
    %get3A_1465 = arith.constant 0 : index
    %get3A_1466 = vector.load %arg4[%get3A_1463, %get3A_1464, %get3A_1465] : memref<4x128x128xf32, #tpu.memory_space<vmem>>, vector<1x128x128xf32>
    %get3A_1467 = vector.shape_cast %get3A_1466 : vector<1x128x128xf32> to vector<128x128xf32>
    %swap3A_1468 = arith.constant 2 : index
    %swap3A_1469 = arith.constant 0 : index
    %swap3A_1470 = arith.constant 0 : index
    %swap3A_1471 = arith.constant 0 : index
    %swap3A_1472 = vector.load %arg5[%swap3A_1468, %swap3A_1469, %swap3A_1470, %swap3A_1471] : memref<4x128x51x128xf32, #tpu.memory_space<vmem>>, vector<1x128x1x128xf32>
    %swap3A_1473 = vector.shape_cast %swap3A_1472 : vector<1x128x1x128xf32> to vector<128x128xf32>
    %swap3A_1474 = vector.shape_cast %get3A_1467 : vector<128x128xf32> to vector<1x128x1x128xf32>
    tpu.vector_store %arg5[%swap3A_1468, %swap3A_1469, %swap3A_1470, %swap3A_1471], %swap3A_1474 {strides = array<i32>} : memref<4x128x51x128xf32, #tpu.memory_space<vmem>>, vector<1x128x1x128xf32>,
    %get3A_1475 = arith.constant 2 : index
    %get3A_1476 = arith.constant 0 : index
    %get3A_1477 = arith.constant 0 : index
    %get3A_1478 = arith.constant 0 : index
    %get3A_1479 = vector.load %arg3[%get3A_1475, %get3A_1476, %get3A_1477, %get3A_1478] : memref<4x128x50x128xf32, #tpu.memory_space<vmem>>, vector<1x128x50x128xf32>
    %get3A_1480 = vector.shape_cast %get3A_1479 : vector<1x128x50x128xf32> to vector<128x50x128xf32>
    %swap3A_1481 = arith.constant 2 : index
    %swap3A_1482 = arith.constant 0 : index
    %swap3A_1483 = arith.constant 1 : index
    %swap3A_1484 = arith.constant 0 : index
    %swap3A_1485 = vector.load %arg5[%swap3A_1481, %swap3A_1482, %swap3A_1483, %swap3A_1484] : memref<4x128x51x128xf32, #tpu.memory_space<vmem>>, vector<1x128x50x128xf32>
    %swap3A_1486 = vector.shape_cast %swap3A_1485 : vector<1x128x50x128xf32> to vector<128x50x128xf32>
    %swap3A_1487 = vector.shape_cast %get3A_1480 : vector<128x50x128xf32> to vector<1x128x50x128xf32>
    tpu.vector_store %arg5[%swap3A_1481, %swap3A_1482, %swap3A_1483, %swap3A_1484], %swap3A_1487 {strides = array<i32>} : memref<4x128x51x128xf32, #tpu.memory_space<vmem>>, vector<1x128x50x128xf32>,
    %dma_start3A_1488 = arith.constant 2 : i32
    %dma_start3A_1489 = arith.constant 2 : i32
    %dma_start3A_1490 = tpu.memref_slice %arg8[%dma_start3A_1489] : memref<4x!tpu.dma_semaphore, #tpu.memory_space<semaphore_mem>> -> memref<1x!tpu.dma_semaphore, #tpu.memory_space<semaphore_mem>>
    %dma_start3A_1491 = tpu.memref_squeeze %dma_start3A_1490 : memref<1x!tpu.dma_semaphore, #tpu.memory_space<semaphore_mem>> -> memref<!tpu.dma_semaphore, #tpu.memory_space<semaphore_mem>>
    %dma_start3A_1492 = arith.constant 1792 : i32
    %dma_start3A_1493 = arith.constant 0 : i32
    %dma_start3A_1494 = arith.constant 0 : i32
    %dma_start3A_1495 = tpu.memref_slice %arg2[%dma_start3A_1492, %dma_start3A_1493, %dma_start3A_1494] : memref<4096x51x128xf32, #tpu.memory_space<any>> -> memref<128x51x128xf32, #tpu.memory_space<any>>
    %dma_start3A_1496 = arith.constant 0 : i32
    %dma_start3A_1497 = arith.constant 0 : i32
    %dma_start3A_1498 = arith.constant 0 : i32
    %dma_start3A_1499 = tpu.memref_slice %arg5[%dma_start3A_1488, %dma_start3A_1496, %dma_start3A_1497, %dma_start3A_1498] : memref<4x128x51x128xf32, #tpu.memory_space<vmem>> -> memref<1x128x51x128xf32, #tpu.memory_space<vmem>>
    %dma_start3A_1500 = tpu.memref_squeeze %dma_start3A_1499 : memref<1x128x51x128xf32, #tpu.memory_space<vmem>> -> memref<128x51x128xf32, #tpu.memory_space<vmem>>
    tpu.enqueue_dma source(%dma_start3A_1500 : memref<128x51x128xf32, #tpu.memory_space<vmem>>) target(%dma_start3A_1495 : memref<128x51x128xf32, #tpu.memory_space<any>>) target_semaphore(%dma_start3A_1491 : memref<!tpu.dma_semaphore, #tpu.memory_space<semaphore_mem>>)
    %dma_start3A_1501 = arith.constant 2 : i32
    %dma_start3A_1502 = arith.constant 2 : i32
    %dma_start3A_1503 = tpu.memref_slice %arg6[%dma_start3A_1502] : memref<4x!tpu.dma_semaphore, #tpu.memory_space<semaphore_mem>> -> memref<1x!tpu.dma_semaphore, #tpu.memory_space<semaphore_mem>>
    %dma_start3A_1504 = tpu.memref_squeeze %dma_start3A_1503 : memref<1x!tpu.dma_semaphore, #tpu.memory_space<semaphore_mem>> -> memref<!tpu.dma_semaphore, #tpu.memory_space<semaphore_mem>>
    %dma_start3A_1505 = arith.constant 0 : i32
    %dma_start3A_1506 = arith.constant 0 : i32
    %dma_start3A_1507 = arith.constant 0 : i32
    %dma_start3A_1508 = tpu.memref_slice %arg3[%dma_start3A_1501, %dma_start3A_1505, %dma_start3A_1506, %dma_start3A_1507] : memref<4x128x50x128xf32, #tpu.memory_space<vmem>> -> memref<1x128x50x128xf32, #tpu.memory_space<vmem>>
    %dma_start3A_1509 = tpu.memref_squeeze %dma_start3A_1508 : memref<1x128x50x128xf32, #tpu.memory_space<vmem>> -> memref<128x50x128xf32, #tpu.memory_space<vmem>>
    %dma_start3A_1510 = arith.constant 2304 : i32
    %dma_start3A_1511 = arith.constant 0 : i32
    %dma_start3A_1512 = arith.constant 0 : i32
    %dma_start3A_1513 = tpu.memref_slice %arg1[%dma_start3A_1510, %dma_start3A_1511, %dma_start3A_1512] : memref<4096x50x128xf32, #tpu.memory_space<any>> -> memref<128x50x128xf32, #tpu.memory_space<any>>
    tpu.enqueue_dma source(%dma_start3A_1513 : memref<128x50x128xf32, #tpu.memory_space<any>>) target(%dma_start3A_1509 : memref<128x50x128xf32, #tpu.memory_space<vmem>>) target_semaphore(%dma_start3A_1504 : memref<!tpu.dma_semaphore, #tpu.memory_space<semaphore_mem>>)
    %dma_start3A_1514 = arith.constant 2 : i32
    %dma_start3A_1515 = arith.constant 2 : i32
    %dma_start3A_1516 = tpu.memref_slice %arg7[%dma_start3A_1515] : memref<4x!tpu.dma_semaphore, #tpu.memory_space<semaphore_mem>> -> memref<1x!tpu.dma_semaphore, #tpu.memory_space<semaphore_mem>>
    %dma_start3A_1517 = tpu.memref_squeeze %dma_start3A_1516 : memref<1x!tpu.dma_semaphore, #tpu.memory_space<semaphore_mem>> -> memref<!tpu.dma_semaphore, #tpu.memory_space<semaphore_mem>>
    %dma_start3A_1518 = arith.constant 0 : i32
    %dma_start3A_1519 = arith.constant 0 : i32
    %dma_start3A_1520 = tpu.memref_slice %arg4[%dma_start3A_1514, %dma_start3A_1518, %dma_start3A_1519] : memref<4x128x128xf32, #tpu.memory_space<vmem>> -> memref<1x128x128xf32, #tpu.memory_space<vmem>>
    %dma_start3A_1521 = tpu.memref_squeeze %dma_start3A_1520 : memref<1x128x128xf32, #tpu.memory_space<vmem>> -> memref<128x128xf32, #tpu.memory_space<vmem>>
    %dma_start3A_1522 = arith.constant 2304 : i32
    %dma_start3A_1523 = arith.constant 0 : i32
    %dma_start3A_1524 = tpu.memref_slice %arg0[%dma_start3A_1522, %dma_start3A_1523] : memref<4096x128xf32, #tpu.memory_space<any>> -> memref<128x128xf32, #tpu.memory_space<any>>
    tpu.enqueue_dma source(%dma_start3A_1524 : memref<128x128xf32, #tpu.memory_space<any>>) target(%dma_start3A_1521 : memref<128x128xf32, #tpu.memory_space<vmem>>) target_semaphore(%dma_start3A_1517 : memref<!tpu.dma_semaphore, #tpu.memory_space<semaphore_mem>>)
    %dma_wait3A_1525 = arith.constant 3 : i32
    %dma_wait3A_1526 = arith.constant 3 : i32
    %dma_wait3A_1527 = tpu.memref_slice %arg6[%dma_wait3A_1526] : memref<4x!tpu.dma_semaphore, #tpu.memory_space<semaphore_mem>> -> memref<1x!tpu.dma_semaphore, #tpu.memory_space<semaphore_mem>>
    %dma_wait3A_1528 = tpu.memref_squeeze %dma_wait3A_1527 : memref<1x!tpu.dma_semaphore, #tpu.memory_space<semaphore_mem>> -> memref<!tpu.dma_semaphore, #tpu.memory_space<semaphore_mem>>
    %dma_wait3A_1529 = arith.constant 0 : i32
    %dma_wait3A_1530 = arith.constant 0 : i32
    %dma_wait3A_1531 = arith.constant 0 : i32
    %dma_wait3A_1532 = tpu.memref_slice %arg3[%dma_wait3A_1525, %dma_wait3A_1529, %dma_wait3A_1530, %dma_wait3A_1531] : memref<4x128x50x128xf32, #tpu.memory_space<vmem>> -> memref<1x128x50x128xf32, #tpu.memory_space<vmem>>
    %dma_wait3A_1533 = tpu.memref_squeeze %dma_wait3A_1532 : memref<1x128x50x128xf32, #tpu.memory_space<vmem>> -> memref<128x50x128xf32, #tpu.memory_space<vmem>>
    %dma_wait3A_1534 = arith.constant 1920 : i32
    %dma_wait3A_1535 = arith.constant 0 : i32
    %dma_wait3A_1536 = arith.constant 0 : i32
    %dma_wait3A_1537 = tpu.memref_slice %arg1[%dma_wait3A_1534, %dma_wait3A_1535, %dma_wait3A_1536] : memref<4096x50x128xf32, #tpu.memory_space<any>> -> memref<128x50x128xf32, #tpu.memory_space<any>>
    tpu.wait_dma2 semaphore(%dma_wait3A_1528 : memref<!tpu.dma_semaphore, #tpu.memory_space<semaphore_mem>>) src(%dma_wait3A_1537 : memref<128x50x128xf32, #tpu.memory_space<any>>) dst(%dma_wait3A_1533 : memref<128x50x128xf32, #tpu.memory_space<vmem>>)
    %dma_wait3A_1538 = arith.constant 3 : i32
    %dma_wait3A_1539 = arith.constant 3 : i32
    %dma_wait3A_1540 = tpu.memref_slice %arg7[%dma_wait3A_1539] : memref<4x!tpu.dma_semaphore, #tpu.memory_space<semaphore_mem>> -> memref<1x!tpu.dma_semaphore, #tpu.memory_space<semaphore_mem>>
    %dma_wait3A_1541 = tpu.memref_squeeze %dma_wait3A_1540 : memref<1x!tpu.dma_semaphore, #tpu.memory_space<semaphore_mem>> -> memref<!tpu.dma_semaphore, #tpu.memory_space<semaphore_mem>>
    %dma_wait3A_1542 = arith.constant 0 : i32
    %dma_wait3A_1543 = arith.constant 0 : i32
    %dma_wait3A_1544 = tpu.memref_slice %arg4[%dma_wait3A_1538, %dma_wait3A_1542, %dma_wait3A_1543] : memref<4x128x128xf32, #tpu.memory_space<vmem>> -> memref<1x128x128xf32, #tpu.memory_space<vmem>>
    %dma_wait3A_1545 = tpu.memref_squeeze %dma_wait3A_1544 : memref<1x128x128xf32, #tpu.memory_space<vmem>> -> memref<128x128xf32, #tpu.memory_space<vmem>>
    %dma_wait3A_1546 = arith.constant 1920 : i32
    %dma_wait3A_1547 = arith.constant 0 : i32
    %dma_wait3A_1548 = tpu.memref_slice %arg0[%dma_wait3A_1546, %dma_wait3A_1547] : memref<4096x128xf32, #tpu.memory_space<any>> -> memref<128x128xf32, #tpu.memory_space<any>>
    tpu.wait_dma2 semaphore(%dma_wait3A_1541 : memref<!tpu.dma_semaphore, #tpu.memory_space<semaphore_mem>>) src(%dma_wait3A_1548 : memref<128x128xf32, #tpu.memory_space<any>>) dst(%dma_wait3A_1545 : memref<128x128xf32, #tpu.memory_space<vmem>>)
    %dma_wait3A_1549 = arith.constant 3 : i32
    %dma_wait3A_1550 = arith.constant 3 : i32
    %dma_wait3A_1551 = tpu.memref_slice %arg8[%dma_wait3A_1550] : memref<4x!tpu.dma_semaphore, #tpu.memory_space<semaphore_mem>> -> memref<1x!tpu.dma_semaphore, #tpu.memory_space<semaphore_mem>>
    %dma_wait3A_1552 = tpu.memref_squeeze %dma_wait3A_1551 : memref<1x!tpu.dma_semaphore, #tpu.memory_space<semaphore_mem>> -> memref<!tpu.dma_semaphore, #tpu.memory_space<semaphore_mem>>
    %dma_wait3A_1553 = arith.constant 1408 : i32
    %dma_wait3A_1554 = arith.constant 0 : i32
    %dma_wait3A_1555 = arith.constant 0 : i32
    %dma_wait3A_1556 = tpu.memref_slice %arg2[%dma_wait3A_1553, %dma_wait3A_1554, %dma_wait3A_1555] : memref<4096x51x128xf32, #tpu.memory_space<any>> -> memref<128x51x128xf32, #tpu.memory_space<any>>
    %dma_wait3A_1557 = arith.constant 0 : i32
    %dma_wait3A_1558 = arith.constant 0 : i32
    %dma_wait3A_1559 = arith.constant 0 : i32
    %dma_wait3A_1560 = tpu.memref_slice %arg5[%dma_wait3A_1549, %dma_wait3A_1557, %dma_wait3A_1558, %dma_wait3A_1559] : memref<4x128x51x128xf32, #tpu.memory_space<vmem>> -> memref<1x128x51x128xf32, #tpu.memory_space<vmem>>
    %dma_wait3A_1561 = tpu.memref_squeeze %dma_wait3A_1560 : memref<1x128x51x128xf32, #tpu.memory_space<vmem>> -> memref<128x51x128xf32, #tpu.memory_space<vmem>>
    tpu.wait_dma2 semaphore(%dma_wait3A_1552 : memref<!tpu.dma_semaphore, #tpu.memory_space<semaphore_mem>>) src(%dma_wait3A_1561 : memref<128x51x128xf32, #tpu.memory_space<vmem>>) dst(%dma_wait3A_1556 : memref<128x51x128xf32, #tpu.memory_space<any>>)
    %get3A_1562 = arith.constant 3 : index
    %get3A_1563 = arith.constant 0 : index
    %get3A_1564 = arith.constant 0 : index
    %get3A_1565 = vector.load %arg4[%get3A_1562, %get3A_1563, %get3A_1564] : memref<4x128x128xf32, #tpu.memory_space<vmem>>, vector<1x128x128xf32>
    %get3A_1566 = vector.shape_cast %get3A_1565 : vector<1x128x128xf32> to vector<128x128xf32>
    %swap3A_1567 = arith.constant 3 : index
    %swap3A_1568 = arith.constant 0 : index
    %swap3A_1569 = arith.constant 0 : index
    %swap3A_1570 = arith.constant 0 : index
    %swap3A_1571 = vector.load %arg5[%swap3A_1567, %swap3A_1568, %swap3A_1569, %swap3A_1570] : memref<4x128x51x128xf32, #tpu.memory_space<vmem>>, vector<1x128x1x128xf32>
    %swap3A_1572 = vector.shape_cast %swap3A_1571 : vector<1x128x1x128xf32> to vector<128x128xf32>
    %swap3A_1573 = vector.shape_cast %get3A_1566 : vector<128x128xf32> to vector<1x128x1x128xf32>
    tpu.vector_store %arg5[%swap3A_1567, %swap3A_1568, %swap3A_1569, %swap3A_1570], %swap3A_1573 {strides = array<i32>} : memref<4x128x51x128xf32, #tpu.memory_space<vmem>>, vector<1x128x1x128xf32>,
    %get3A_1574 = arith.constant 3 : index
    %get3A_1575 = arith.constant 0 : index
    %get3A_1576 = arith.constant 0 : index
    %get3A_1577 = arith.constant 0 : index
    %get3A_1578 = vector.load %arg3[%get3A_1574, %get3A_1575, %get3A_1576, %get3A_1577] : memref<4x128x50x128xf32, #tpu.memory_space<vmem>>, vector<1x128x50x128xf32>
    %get3A_1579 = vector.shape_cast %get3A_1578 : vector<1x128x50x128xf32> to vector<128x50x128xf32>
    %swap3A_1580 = arith.constant 3 : index
    %swap3A_1581 = arith.constant 0 : index
    %swap3A_1582 = arith.constant 1 : index
    %swap3A_1583 = arith.constant 0 : index
    %swap3A_1584 = vector.load %arg5[%swap3A_1580, %swap3A_1581, %swap3A_1582, %swap3A_1583] : memref<4x128x51x128xf32, #tpu.memory_space<vmem>>, vector<1x128x50x128xf32>
    %swap3A_1585 = vector.shape_cast %swap3A_1584 : vector<1x128x50x128xf32> to vector<128x50x128xf32>
    %swap3A_1586 = vector.shape_cast %get3A_1579 : vector<128x50x128xf32> to vector<1x128x50x128xf32>
    tpu.vector_store %arg5[%swap3A_1580, %swap3A_1581, %swap3A_1582, %swap3A_1583], %swap3A_1586 {strides = array<i32>} : memref<4x128x51x128xf32, #tpu.memory_space<vmem>>, vector<1x128x50x128xf32>,
    %dma_start3A_1587 = arith.constant 3 : i32
    %dma_start3A_1588 = arith.constant 3 : i32
    %dma_start3A_1589 = tpu.memref_slice %arg8[%dma_start3A_1588] : memref<4x!tpu.dma_semaphore, #tpu.memory_space<semaphore_mem>> -> memref<1x!tpu.dma_semaphore, #tpu.memory_space<semaphore_mem>>
    %dma_start3A_1590 = tpu.memref_squeeze %dma_start3A_1589 : memref<1x!tpu.dma_semaphore, #tpu.memory_space<semaphore_mem>> -> memref<!tpu.dma_semaphore, #tpu.memory_space<semaphore_mem>>
    %dma_start3A_1591 = arith.constant 1920 : i32
    %dma_start3A_1592 = arith.constant 0 : i32
    %dma_start3A_1593 = arith.constant 0 : i32
    %dma_start3A_1594 = tpu.memref_slice %arg2[%dma_start3A_1591, %dma_start3A_1592, %dma_start3A_1593] : memref<4096x51x128xf32, #tpu.memory_space<any>> -> memref<128x51x128xf32, #tpu.memory_space<any>>
    %dma_start3A_1595 = arith.constant 0 : i32
    %dma_start3A_1596 = arith.constant 0 : i32
    %dma_start3A_1597 = arith.constant 0 : i32
    %dma_start3A_1598 = tpu.memref_slice %arg5[%dma_start3A_1587, %dma_start3A_1595, %dma_start3A_1596, %dma_start3A_1597] : memref<4x128x51x128xf32, #tpu.memory_space<vmem>> -> memref<1x128x51x128xf32, #tpu.memory_space<vmem>>
    %dma_start3A_1599 = tpu.memref_squeeze %dma_start3A_1598 : memref<1x128x51x128xf32, #tpu.memory_space<vmem>> -> memref<128x51x128xf32, #tpu.memory_space<vmem>>
    tpu.enqueue_dma source(%dma_start3A_1599 : memref<128x51x128xf32, #tpu.memory_space<vmem>>) target(%dma_start3A_1594 : memref<128x51x128xf32, #tpu.memory_space<any>>) target_semaphore(%dma_start3A_1590 : memref<!tpu.dma_semaphore, #tpu.memory_space<semaphore_mem>>)
    %dma_start3A_1600 = arith.constant 3 : i32
    %dma_start3A_1601 = arith.constant 3 : i32
    %dma_start3A_1602 = tpu.memref_slice %arg6[%dma_start3A_1601] : memref<4x!tpu.dma_semaphore, #tpu.memory_space<semaphore_mem>> -> memref<1x!tpu.dma_semaphore, #tpu.memory_space<semaphore_mem>>
    %dma_start3A_1603 = tpu.memref_squeeze %dma_start3A_1602 : memref<1x!tpu.dma_semaphore, #tpu.memory_space<semaphore_mem>> -> memref<!tpu.dma_semaphore, #tpu.memory_space<semaphore_mem>>
    %dma_start3A_1604 = arith.constant 0 : i32
    %dma_start3A_1605 = arith.constant 0 : i32
    %dma_start3A_1606 = arith.constant 0 : i32
    %dma_start3A_1607 = tpu.memref_slice %arg3[%dma_start3A_1600, %dma_start3A_1604, %dma_start3A_1605, %dma_start3A_1606] : memref<4x128x50x128xf32, #tpu.memory_space<vmem>> -> memref<1x128x50x128xf32, #tpu.memory_space<vmem>>
    %dma_start3A_1608 = tpu.memref_squeeze %dma_start3A_1607 : memref<1x128x50x128xf32, #tpu.memory_space<vmem>> -> memref<128x50x128xf32, #tpu.memory_space<vmem>>
    %dma_start3A_1609 = arith.constant 2432 : i32
    %dma_start3A_1610 = arith.constant 0 : i32
    %dma_start3A_1611 = arith.constant 0 : i32
    %dma_start3A_1612 = tpu.memref_slice %arg1[%dma_start3A_1609, %dma_start3A_1610, %dma_start3A_1611] : memref<4096x50x128xf32, #tpu.memory_space<any>> -> memref<128x50x128xf32, #tpu.memory_space<any>>
    tpu.enqueue_dma source(%dma_start3A_1612 : memref<128x50x128xf32, #tpu.memory_space<any>>) target(%dma_start3A_1608 : memref<128x50x128xf32, #tpu.memory_space<vmem>>) target_semaphore(%dma_start3A_1603 : memref<!tpu.dma_semaphore, #tpu.memory_space<semaphore_mem>>)
    %dma_start3A_1613 = arith.constant 3 : i32
    %dma_start3A_1614 = arith.constant 3 : i32
    %dma_start3A_1615 = tpu.memref_slice %arg7[%dma_start3A_1614] : memref<4x!tpu.dma_semaphore, #tpu.memory_space<semaphore_mem>> -> memref<1x!tpu.dma_semaphore, #tpu.memory_space<semaphore_mem>>
    %dma_start3A_1616 = tpu.memref_squeeze %dma_start3A_1615 : memref<1x!tpu.dma_semaphore, #tpu.memory_space<semaphore_mem>> -> memref<!tpu.dma_semaphore, #tpu.memory_space<semaphore_mem>>
    %dma_start3A_1617 = arith.constant 0 : i32
    %dma_start3A_1618 = arith.constant 0 : i32
    %dma_start3A_1619 = tpu.memref_slice %arg4[%dma_start3A_1613, %dma_start3A_1617, %dma_start3A_1618] : memref<4x128x128xf32, #tpu.memory_space<vmem>> -> memref<1x128x128xf32, #tpu.memory_space<vmem>>
    %dma_start3A_1620 = tpu.memref_squeeze %dma_start3A_1619 : memref<1x128x128xf32, #tpu.memory_space<vmem>> -> memref<128x128xf32, #tpu.memory_space<vmem>>
    %dma_start3A_1621 = arith.constant 2432 : i32
    %dma_start3A_1622 = arith.constant 0 : i32
    %dma_start3A_1623 = tpu.memref_slice %arg0[%dma_start3A_1621, %dma_start3A_1622] : memref<4096x128xf32, #tpu.memory_space<any>> -> memref<128x128xf32, #tpu.memory_space<any>>
    tpu.enqueue_dma source(%dma_start3A_1623 : memref<128x128xf32, #tpu.memory_space<any>>) target(%dma_start3A_1620 : memref<128x128xf32, #tpu.memory_space<vmem>>) target_semaphore(%dma_start3A_1616 : memref<!tpu.dma_semaphore, #tpu.memory_space<semaphore_mem>>)
    %dma_wait3A_1624 = arith.constant 0 : i32
    %dma_wait3A_1625 = arith.constant 0 : i32
    %dma_wait3A_1626 = tpu.memref_slice %arg6[%dma_wait3A_1625] : memref<4x!tpu.dma_semaphore, #tpu.memory_space<semaphore_mem>> -> memref<1x!tpu.dma_semaphore, #tpu.memory_space<semaphore_mem>>
    %dma_wait3A_1627 = tpu.memref_squeeze %dma_wait3A_1626 : memref<1x!tpu.dma_semaphore, #tpu.memory_space<semaphore_mem>> -> memref<!tpu.dma_semaphore, #tpu.memory_space<semaphore_mem>>
    %dma_wait3A_1628 = arith.constant 0 : i32
    %dma_wait3A_1629 = arith.constant 0 : i32
    %dma_wait3A_1630 = arith.constant 0 : i32
    %dma_wait3A_1631 = tpu.memref_slice %arg3[%dma_wait3A_1624, %dma_wait3A_1628, %dma_wait3A_1629, %dma_wait3A_1630] : memref<4x128x50x128xf32, #tpu.memory_space<vmem>> -> memref<1x128x50x128xf32, #tpu.memory_space<vmem>>
    %dma_wait3A_1632 = tpu.memref_squeeze %dma_wait3A_1631 : memref<1x128x50x128xf32, #tpu.memory_space<vmem>> -> memref<128x50x128xf32, #tpu.memory_space<vmem>>
    %dma_wait3A_1633 = arith.constant 2048 : i32
    %dma_wait3A_1634 = arith.constant 0 : i32
    %dma_wait3A_1635 = arith.constant 0 : i32
    %dma_wait3A_1636 = tpu.memref_slice %arg1[%dma_wait3A_1633, %dma_wait3A_1634, %dma_wait3A_1635] : memref<4096x50x128xf32, #tpu.memory_space<any>> -> memref<128x50x128xf32, #tpu.memory_space<any>>
    tpu.wait_dma2 semaphore(%dma_wait3A_1627 : memref<!tpu.dma_semaphore, #tpu.memory_space<semaphore_mem>>) src(%dma_wait3A_1636 : memref<128x50x128xf32, #tpu.memory_space<any>>) dst(%dma_wait3A_1632 : memref<128x50x128xf32, #tpu.memory_space<vmem>>)
    %dma_wait3A_1637 = arith.constant 0 : i32
    %dma_wait3A_1638 = arith.constant 0 : i32
    %dma_wait3A_1639 = tpu.memref_slice %arg7[%dma_wait3A_1638] : memref<4x!tpu.dma_semaphore, #tpu.memory_space<semaphore_mem>> -> memref<1x!tpu.dma_semaphore, #tpu.memory_space<semaphore_mem>>
    %dma_wait3A_1640 = tpu.memref_squeeze %dma_wait3A_1639 : memref<1x!tpu.dma_semaphore, #tpu.memory_space<semaphore_mem>> -> memref<!tpu.dma_semaphore, #tpu.memory_space<semaphore_mem>>
    %dma_wait3A_1641 = arith.constant 0 : i32
    %dma_wait3A_1642 = arith.constant 0 : i32
    %dma_wait3A_1643 = tpu.memref_slice %arg4[%dma_wait3A_1637, %dma_wait3A_1641, %dma_wait3A_1642] : memref<4x128x128xf32, #tpu.memory_space<vmem>> -> memref<1x128x128xf32, #tpu.memory_space<vmem>>
    %dma_wait3A_1644 = tpu.memref_squeeze %dma_wait3A_1643 : memref<1x128x128xf32, #tpu.memory_space<vmem>> -> memref<128x128xf32, #tpu.memory_space<vmem>>
    %dma_wait3A_1645 = arith.constant 2048 : i32
    %dma_wait3A_1646 = arith.constant 0 : i32
    %dma_wait3A_1647 = tpu.memref_slice %arg0[%dma_wait3A_1645, %dma_wait3A_1646] : memref<4096x128xf32, #tpu.memory_space<any>> -> memref<128x128xf32, #tpu.memory_space<any>>
    tpu.wait_dma2 semaphore(%dma_wait3A_1640 : memref<!tpu.dma_semaphore, #tpu.memory_space<semaphore_mem>>) src(%dma_wait3A_1647 : memref<128x128xf32, #tpu.memory_space<any>>) dst(%dma_wait3A_1644 : memref<128x128xf32, #tpu.memory_space<vmem>>)
    %dma_wait3A_1648 = arith.constant 0 : i32
    %dma_wait3A_1649 = arith.constant 0 : i32
    %dma_wait3A_1650 = tpu.memref_slice %arg8[%dma_wait3A_1649] : memref<4x!tpu.dma_semaphore, #tpu.memory_space<semaphore_mem>> -> memref<1x!tpu.dma_semaphore, #tpu.memory_space<semaphore_mem>>
    %dma_wait3A_1651 = tpu.memref_squeeze %dma_wait3A_1650 : memref<1x!tpu.dma_semaphore, #tpu.memory_space<semaphore_mem>> -> memref<!tpu.dma_semaphore, #tpu.memory_space<semaphore_mem>>
    %dma_wait3A_1652 = arith.constant 1536 : i32
    %dma_wait3A_1653 = arith.constant 0 : i32
    %dma_wait3A_1654 = arith.constant 0 : i32
    %dma_wait3A_1655 = tpu.memref_slice %arg2[%dma_wait3A_1652, %dma_wait3A_1653, %dma_wait3A_1654] : memref<4096x51x128xf32, #tpu.memory_space<any>> -> memref<128x51x128xf32, #tpu.memory_space<any>>
    %dma_wait3A_1656 = arith.constant 0 : i32
    %dma_wait3A_1657 = arith.constant 0 : i32
    %dma_wait3A_1658 = arith.constant 0 : i32
    %dma_wait3A_1659 = tpu.memref_slice %arg5[%dma_wait3A_1648, %dma_wait3A_1656, %dma_wait3A_1657, %dma_wait3A_1658] : memref<4x128x51x128xf32, #tpu.memory_space<vmem>> -> memref<1x128x51x128xf32, #tpu.memory_space<vmem>>
    %dma_wait3A_1660 = tpu.memref_squeeze %dma_wait3A_1659 : memref<1x128x51x128xf32, #tpu.memory_space<vmem>> -> memref<128x51x128xf32, #tpu.memory_space<vmem>>
    tpu.wait_dma2 semaphore(%dma_wait3A_1651 : memref<!tpu.dma_semaphore, #tpu.memory_space<semaphore_mem>>) src(%dma_wait3A_1660 : memref<128x51x128xf32, #tpu.memory_space<vmem>>) dst(%dma_wait3A_1655 : memref<128x51x128xf32, #tpu.memory_space<any>>)
    %get3A_1661 = arith.constant 0 : index
    %get3A_1662 = arith.constant 0 : index
    %get3A_1663 = arith.constant 0 : index
    %get3A_1664 = vector.load %arg4[%get3A_1661, %get3A_1662, %get3A_1663] : memref<4x128x128xf32, #tpu.memory_space<vmem>>, vector<1x128x128xf32>
    %get3A_1665 = vector.shape_cast %get3A_1664 : vector<1x128x128xf32> to vector<128x128xf32>
    %swap3A_1666 = arith.constant 0 : index
    %swap3A_1667 = arith.constant 0 : index
    %swap3A_1668 = arith.constant 0 : index
    %swap3A_1669 = arith.constant 0 : index
    %swap3A_1670 = vector.load %arg5[%swap3A_1666, %swap3A_1667, %swap3A_1668, %swap3A_1669] : memref<4x128x51x128xf32, #tpu.memory_space<vmem>>, vector<1x128x1x128xf32>
    %swap3A_1671 = vector.shape_cast %swap3A_1670 : vector<1x128x1x128xf32> to vector<128x128xf32>
    %swap3A_1672 = vector.shape_cast %get3A_1665 : vector<128x128xf32> to vector<1x128x1x128xf32>
    tpu.vector_store %arg5[%swap3A_1666, %swap3A_1667, %swap3A_1668, %swap3A_1669], %swap3A_1672 {strides = array<i32>} : memref<4x128x51x128xf32, #tpu.memory_space<vmem>>, vector<1x128x1x128xf32>,
    %get3A_1673 = arith.constant 0 : index
    %get3A_1674 = arith.constant 0 : index
    %get3A_1675 = arith.constant 0 : index
    %get3A_1676 = arith.constant 0 : index
    %get3A_1677 = vector.load %arg3[%get3A_1673, %get3A_1674, %get3A_1675, %get3A_1676] : memref<4x128x50x128xf32, #tpu.memory_space<vmem>>, vector<1x128x50x128xf32>
    %get3A_1678 = vector.shape_cast %get3A_1677 : vector<1x128x50x128xf32> to vector<128x50x128xf32>
    %swap3A_1679 = arith.constant 0 : index
    %swap3A_1680 = arith.constant 0 : index
    %swap3A_1681 = arith.constant 1 : index
    %swap3A_1682 = arith.constant 0 : index
    %swap3A_1683 = vector.load %arg5[%swap3A_1679, %swap3A_1680, %swap3A_1681, %swap3A_1682] : memref<4x128x51x128xf32, #tpu.memory_space<vmem>>, vector<1x128x50x128xf32>
    %swap3A_1684 = vector.shape_cast %swap3A_1683 : vector<1x128x50x128xf32> to vector<128x50x128xf32>
    %swap3A_1685 = vector.shape_cast %get3A_1678 : vector<128x50x128xf32> to vector<1x128x50x128xf32>
    tpu.vector_store %arg5[%swap3A_1679, %swap3A_1680, %swap3A_1681, %swap3A_1682], %swap3A_1685 {strides = array<i32>} : memref<4x128x51x128xf32, #tpu.memory_space<vmem>>, vector<1x128x50x128xf32>,
    %dma_start3A_1686 = arith.constant 0 : i32
    %dma_start3A_1687 = arith.constant 0 : i32
    %dma_start3A_1688 = tpu.memref_slice %arg8[%dma_start3A_1687] : memref<4x!tpu.dma_semaphore, #tpu.memory_space<semaphore_mem>> -> memref<1x!tpu.dma_semaphore, #tpu.memory_space<semaphore_mem>>
    %dma_start3A_1689 = tpu.memref_squeeze %dma_start3A_1688 : memref<1x!tpu.dma_semaphore, #tpu.memory_space<semaphore_mem>> -> memref<!tpu.dma_semaphore, #tpu.memory_space<semaphore_mem>>
    %dma_start3A_1690 = arith.constant 2048 : i32
    %dma_start3A_1691 = arith.constant 0 : i32
    %dma_start3A_1692 = arith.constant 0 : i32
    %dma_start3A_1693 = tpu.memref_slice %arg2[%dma_start3A_1690, %dma_start3A_1691, %dma_start3A_1692] : memref<4096x51x128xf32, #tpu.memory_space<any>> -> memref<128x51x128xf32, #tpu.memory_space<any>>
    %dma_start3A_1694 = arith.constant 0 : i32
    %dma_start3A_1695 = arith.constant 0 : i32
    %dma_start3A_1696 = arith.constant 0 : i32
    %dma_start3A_1697 = tpu.memref_slice %arg5[%dma_start3A_1686, %dma_start3A_1694, %dma_start3A_1695, %dma_start3A_1696] : memref<4x128x51x128xf32, #tpu.memory_space<vmem>> -> memref<1x128x51x128xf32, #tpu.memory_space<vmem>>
    %dma_start3A_1698 = tpu.memref_squeeze %dma_start3A_1697 : memref<1x128x51x128xf32, #tpu.memory_space<vmem>> -> memref<128x51x128xf32, #tpu.memory_space<vmem>>
    tpu.enqueue_dma source(%dma_start3A_1698 : memref<128x51x128xf32, #tpu.memory_space<vmem>>) target(%dma_start3A_1693 : memref<128x51x128xf32, #tpu.memory_space<any>>) target_semaphore(%dma_start3A_1689 : memref<!tpu.dma_semaphore, #tpu.memory_space<semaphore_mem>>)
    %dma_start3A_1699 = arith.constant 0 : i32
    %dma_start3A_1700 = arith.constant 0 : i32
    %dma_start3A_1701 = tpu.memref_slice %arg6[%dma_start3A_1700] : memref<4x!tpu.dma_semaphore, #tpu.memory_space<semaphore_mem>> -> memref<1x!tpu.dma_semaphore, #tpu.memory_space<semaphore_mem>>
    %dma_start3A_1702 = tpu.memref_squeeze %dma_start3A_1701 : memref<1x!tpu.dma_semaphore, #tpu.memory_space<semaphore_mem>> -> memref<!tpu.dma_semaphore, #tpu.memory_space<semaphore_mem>>
    %dma_start3A_1703 = arith.constant 0 : i32
    %dma_start3A_1704 = arith.constant 0 : i32
    %dma_start3A_1705 = arith.constant 0 : i32
    %dma_start3A_1706 = tpu.memref_slice %arg3[%dma_start3A_1699, %dma_start3A_1703, %dma_start3A_1704, %dma_start3A_1705] : memref<4x128x50x128xf32, #tpu.memory_space<vmem>> -> memref<1x128x50x128xf32, #tpu.memory_space<vmem>>
    %dma_start3A_1707 = tpu.memref_squeeze %dma_start3A_1706 : memref<1x128x50x128xf32, #tpu.memory_space<vmem>> -> memref<128x50x128xf32, #tpu.memory_space<vmem>>
    %dma_start3A_1708 = arith.constant 2560 : i32
    %dma_start3A_1709 = arith.constant 0 : i32
    %dma_start3A_1710 = arith.constant 0 : i32
    %dma_start3A_1711 = tpu.memref_slice %arg1[%dma_start3A_1708, %dma_start3A_1709, %dma_start3A_1710] : memref<4096x50x128xf32, #tpu.memory_space<any>> -> memref<128x50x128xf32, #tpu.memory_space<any>>
    tpu.enqueue_dma source(%dma_start3A_1711 : memref<128x50x128xf32, #tpu.memory_space<any>>) target(%dma_start3A_1707 : memref<128x50x128xf32, #tpu.memory_space<vmem>>) target_semaphore(%dma_start3A_1702 : memref<!tpu.dma_semaphore, #tpu.memory_space<semaphore_mem>>)
    %dma_start3A_1712 = arith.constant 0 : i32
    %dma_start3A_1713 = arith.constant 0 : i32
    %dma_start3A_1714 = tpu.memref_slice %arg7[%dma_start3A_1713] : memref<4x!tpu.dma_semaphore, #tpu.memory_space<semaphore_mem>> -> memref<1x!tpu.dma_semaphore, #tpu.memory_space<semaphore_mem>>
    %dma_start3A_1715 = tpu.memref_squeeze %dma_start3A_1714 : memref<1x!tpu.dma_semaphore, #tpu.memory_space<semaphore_mem>> -> memref<!tpu.dma_semaphore, #tpu.memory_space<semaphore_mem>>
    %dma_start3A_1716 = arith.constant 0 : i32
    %dma_start3A_1717 = arith.constant 0 : i32
    %dma_start3A_1718 = tpu.memref_slice %arg4[%dma_start3A_1712, %dma_start3A_1716, %dma_start3A_1717] : memref<4x128x128xf32, #tpu.memory_space<vmem>> -> memref<1x128x128xf32, #tpu.memory_space<vmem>>
    %dma_start3A_1719 = tpu.memref_squeeze %dma_start3A_1718 : memref<1x128x128xf32, #tpu.memory_space<vmem>> -> memref<128x128xf32, #tpu.memory_space<vmem>>
    %dma_start3A_1720 = arith.constant 2560 : i32
    %dma_start3A_1721 = arith.constant 0 : i32
    %dma_start3A_1722 = tpu.memref_slice %arg0[%dma_start3A_1720, %dma_start3A_1721] : memref<4096x128xf32, #tpu.memory_space<any>> -> memref<128x128xf32, #tpu.memory_space<any>>
    tpu.enqueue_dma source(%dma_start3A_1722 : memref<128x128xf32, #tpu.memory_space<any>>) target(%dma_start3A_1719 : memref<128x128xf32, #tpu.memory_space<vmem>>) target_semaphore(%dma_start3A_1715 : memref<!tpu.dma_semaphore, #tpu.memory_space<semaphore_mem>>)
    %dma_wait3A_1723 = arith.constant 1 : i32
    %dma_wait3A_1724 = arith.constant 1 : i32
    %dma_wait3A_1725 = tpu.memref_slice %arg6[%dma_wait3A_1724] : memref<4x!tpu.dma_semaphore, #tpu.memory_space<semaphore_mem>> -> memref<1x!tpu.dma_semaphore, #tpu.memory_space<semaphore_mem>>
    %dma_wait3A_1726 = tpu.memref_squeeze %dma_wait3A_1725 : memref<1x!tpu.dma_semaphore, #tpu.memory_space<semaphore_mem>> -> memref<!tpu.dma_semaphore, #tpu.memory_space<semaphore_mem>>
    %dma_wait3A_1727 = arith.constant 0 : i32
    %dma_wait3A_1728 = arith.constant 0 : i32
    %dma_wait3A_1729 = arith.constant 0 : i32
    %dma_wait3A_1730 = tpu.memref_slice %arg3[%dma_wait3A_1723, %dma_wait3A_1727, %dma_wait3A_1728, %dma_wait3A_1729] : memref<4x128x50x128xf32, #tpu.memory_space<vmem>> -> memref<1x128x50x128xf32, #tpu.memory_space<vmem>>
    %dma_wait3A_1731 = tpu.memref_squeeze %dma_wait3A_1730 : memref<1x128x50x128xf32, #tpu.memory_space<vmem>> -> memref<128x50x128xf32, #tpu.memory_space<vmem>>
    %dma_wait3A_1732 = arith.constant 2176 : i32
    %dma_wait3A_1733 = arith.constant 0 : i32
    %dma_wait3A_1734 = arith.constant 0 : i32
    %dma_wait3A_1735 = tpu.memref_slice %arg1[%dma_wait3A_1732, %dma_wait3A_1733, %dma_wait3A_1734] : memref<4096x50x128xf32, #tpu.memory_space<any>> -> memref<128x50x128xf32, #tpu.memory_space<any>>
    tpu.wait_dma2 semaphore(%dma_wait3A_1726 : memref<!tpu.dma_semaphore, #tpu.memory_space<semaphore_mem>>) src(%dma_wait3A_1735 : memref<128x50x128xf32, #tpu.memory_space<any>>) dst(%dma_wait3A_1731 : memref<128x50x128xf32, #tpu.memory_space<vmem>>)
    %dma_wait3A_1736 = arith.constant 1 : i32
    %dma_wait3A_1737 = arith.constant 1 : i32
    %dma_wait3A_1738 = tpu.memref_slice %arg7[%dma_wait3A_1737] : memref<4x!tpu.dma_semaphore, #tpu.memory_space<semaphore_mem>> -> memref<1x!tpu.dma_semaphore, #tpu.memory_space<semaphore_mem>>
    %dma_wait3A_1739 = tpu.memref_squeeze %dma_wait3A_1738 : memref<1x!tpu.dma_semaphore, #tpu.memory_space<semaphore_mem>> -> memref<!tpu.dma_semaphore, #tpu.memory_space<semaphore_mem>>
    %dma_wait3A_1740 = arith.constant 0 : i32
    %dma_wait3A_1741 = arith.constant 0 : i32
    %dma_wait3A_1742 = tpu.memref_slice %arg4[%dma_wait3A_1736, %dma_wait3A_1740, %dma_wait3A_1741] : memref<4x128x128xf32, #tpu.memory_space<vmem>> -> memref<1x128x128xf32, #tpu.memory_space<vmem>>
    %dma_wait3A_1743 = tpu.memref_squeeze %dma_wait3A_1742 : memref<1x128x128xf32, #tpu.memory_space<vmem>> -> memref<128x128xf32, #tpu.memory_space<vmem>>
    %dma_wait3A_1744 = arith.constant 2176 : i32
    %dma_wait3A_1745 = arith.constant 0 : i32
    %dma_wait3A_1746 = tpu.memref_slice %arg0[%dma_wait3A_1744, %dma_wait3A_1745] : memref<4096x128xf32, #tpu.memory_space<any>> -> memref<128x128xf32, #tpu.memory_space<any>>
    tpu.wait_dma2 semaphore(%dma_wait3A_1739 : memref<!tpu.dma_semaphore, #tpu.memory_space<semaphore_mem>>) src(%dma_wait3A_1746 : memref<128x128xf32, #tpu.memory_space<any>>) dst(%dma_wait3A_1743 : memref<128x128xf32, #tpu.memory_space<vmem>>)
    %dma_wait3A_1747 = arith.constant 1 : i32
    %dma_wait3A_1748 = arith.constant 1 : i32
    %dma_wait3A_1749 = tpu.memref_slice %arg8[%dma_wait3A_1748] : memref<4x!tpu.dma_semaphore, #tpu.memory_space<semaphore_mem>> -> memref<1x!tpu.dma_semaphore, #tpu.memory_space<semaphore_mem>>
    %dma_wait3A_1750 = tpu.memref_squeeze %dma_wait3A_1749 : memref<1x!tpu.dma_semaphore, #tpu.memory_space<semaphore_mem>> -> memref<!tpu.dma_semaphore, #tpu.memory_space<semaphore_mem>>
    %dma_wait3A_1751 = arith.constant 1664 : i32
    %dma_wait3A_1752 = arith.constant 0 : i32
    %dma_wait3A_1753 = arith.constant 0 : i32
    %dma_wait3A_1754 = tpu.memref_slice %arg2[%dma_wait3A_1751, %dma_wait3A_1752, %dma_wait3A_1753] : memref<4096x51x128xf32, #tpu.memory_space<any>> -> memref<128x51x128xf32, #tpu.memory_space<any>>
    %dma_wait3A_1755 = arith.constant 0 : i32
    %dma_wait3A_1756 = arith.constant 0 : i32
    %dma_wait3A_1757 = arith.constant 0 : i32
    %dma_wait3A_1758 = tpu.memref_slice %arg5[%dma_wait3A_1747, %dma_wait3A_1755, %dma_wait3A_1756, %dma_wait3A_1757] : memref<4x128x51x128xf32, #tpu.memory_space<vmem>> -> memref<1x128x51x128xf32, #tpu.memory_space<vmem>>
    %dma_wait3A_1759 = tpu.memref_squeeze %dma_wait3A_1758 : memref<1x128x51x128xf32, #tpu.memory_space<vmem>> -> memref<128x51x128xf32, #tpu.memory_space<vmem>>
    tpu.wait_dma2 semaphore(%dma_wait3A_1750 : memref<!tpu.dma_semaphore, #tpu.memory_space<semaphore_mem>>) src(%dma_wait3A_1759 : memref<128x51x128xf32, #tpu.memory_space<vmem>>) dst(%dma_wait3A_1754 : memref<128x51x128xf32, #tpu.memory_space<any>>)
    %get3A_1760 = arith.constant 1 : index
    %get3A_1761 = arith.constant 0 : index
    %get3A_1762 = arith.constant 0 : index
    %get3A_1763 = vector.load %arg4[%get3A_1760, %get3A_1761, %get3A_1762] : memref<4x128x128xf32, #tpu.memory_space<vmem>>, vector<1x128x128xf32>
    %get3A_1764 = vector.shape_cast %get3A_1763 : vector<1x128x128xf32> to vector<128x128xf32>
    %swap3A_1765 = arith.constant 1 : index
    %swap3A_1766 = arith.constant 0 : index
    %swap3A_1767 = arith.constant 0 : index
    %swap3A_1768 = arith.constant 0 : index
    %swap3A_1769 = vector.load %arg5[%swap3A_1765, %swap3A_1766, %swap3A_1767, %swap3A_1768] : memref<4x128x51x128xf32, #tpu.memory_space<vmem>>, vector<1x128x1x128xf32>
    %swap3A_1770 = vector.shape_cast %swap3A_1769 : vector<1x128x1x128xf32> to vector<128x128xf32>
    %swap3A_1771 = vector.shape_cast %get3A_1764 : vector<128x128xf32> to vector<1x128x1x128xf32>
    tpu.vector_store %arg5[%swap3A_1765, %swap3A_1766, %swap3A_1767, %swap3A_1768], %swap3A_1771 {strides = array<i32>} : memref<4x128x51x128xf32, #tpu.memory_space<vmem>>, vector<1x128x1x128xf32>,
    %get3A_1772 = arith.constant 1 : index
    %get3A_1773 = arith.constant 0 : index
    %get3A_1774 = arith.constant 0 : index
    %get3A_1775 = arith.constant 0 : index
    %get3A_1776 = vector.load %arg3[%get3A_1772, %get3A_1773, %get3A_1774, %get3A_1775] : memref<4x128x50x128xf32, #tpu.memory_space<vmem>>, vector<1x128x50x128xf32>
    %get3A_1777 = vector.shape_cast %get3A_1776 : vector<1x128x50x128xf32> to vector<128x50x128xf32>
    %swap3A_1778 = arith.constant 1 : index
    %swap3A_1779 = arith.constant 0 : index
    %swap3A_1780 = arith.constant 1 : index
    %swap3A_1781 = arith.constant 0 : index
    %swap3A_1782 = vector.load %arg5[%swap3A_1778, %swap3A_1779, %swap3A_1780, %swap3A_1781] : memref<4x128x51x128xf32, #tpu.memory_space<vmem>>, vector<1x128x50x128xf32>
    %swap3A_1783 = vector.shape_cast %swap3A_1782 : vector<1x128x50x128xf32> to vector<128x50x128xf32>
    %swap3A_1784 = vector.shape_cast %get3A_1777 : vector<128x50x128xf32> to vector<1x128x50x128xf32>
    tpu.vector_store %arg5[%swap3A_1778, %swap3A_1779, %swap3A_1780, %swap3A_1781], %swap3A_1784 {strides = array<i32>} : memref<4x128x51x128xf32, #tpu.memory_space<vmem>>, vector<1x128x50x128xf32>,
    %dma_start3A_1785 = arith.constant 1 : i32
    %dma_start3A_1786 = arith.constant 1 : i32
    %dma_start3A_1787 = tpu.memref_slice %arg8[%dma_start3A_1786] : memref<4x!tpu.dma_semaphore, #tpu.memory_space<semaphore_mem>> -> memref<1x!tpu.dma_semaphore, #tpu.memory_space<semaphore_mem>>
    %dma_start3A_1788 = tpu.memref_squeeze %dma_start3A_1787 : memref<1x!tpu.dma_semaphore, #tpu.memory_space<semaphore_mem>> -> memref<!tpu.dma_semaphore, #tpu.memory_space<semaphore_mem>>
    %dma_start3A_1789 = arith.constant 2176 : i32
    %dma_start3A_1790 = arith.constant 0 : i32
    %dma_start3A_1791 = arith.constant 0 : i32
    %dma_start3A_1792 = tpu.memref_slice %arg2[%dma_start3A_1789, %dma_start3A_1790, %dma_start3A_1791] : memref<4096x51x128xf32, #tpu.memory_space<any>> -> memref<128x51x128xf32, #tpu.memory_space<any>>
    %dma_start3A_1793 = arith.constant 0 : i32
    %dma_start3A_1794 = arith.constant 0 : i32
    %dma_start3A_1795 = arith.constant 0 : i32
    %dma_start3A_1796 = tpu.memref_slice %arg5[%dma_start3A_1785, %dma_start3A_1793, %dma_start3A_1794, %dma_start3A_1795] : memref<4x128x51x128xf32, #tpu.memory_space<vmem>> -> memref<1x128x51x128xf32, #tpu.memory_space<vmem>>
    %dma_start3A_1797 = tpu.memref_squeeze %dma_start3A_1796 : memref<1x128x51x128xf32, #tpu.memory_space<vmem>> -> memref<128x51x128xf32, #tpu.memory_space<vmem>>
    tpu.enqueue_dma source(%dma_start3A_1797 : memref<128x51x128xf32, #tpu.memory_space<vmem>>) target(%dma_start3A_1792 : memref<128x51x128xf32, #tpu.memory_space<any>>) target_semaphore(%dma_start3A_1788 : memref<!tpu.dma_semaphore, #tpu.memory_space<semaphore_mem>>)
    %dma_start3A_1798 = arith.constant 1 : i32
    %dma_start3A_1799 = arith.constant 1 : i32
    %dma_start3A_1800 = tpu.memref_slice %arg6[%dma_start3A_1799] : memref<4x!tpu.dma_semaphore, #tpu.memory_space<semaphore_mem>> -> memref<1x!tpu.dma_semaphore, #tpu.memory_space<semaphore_mem>>
    %dma_start3A_1801 = tpu.memref_squeeze %dma_start3A_1800 : memref<1x!tpu.dma_semaphore, #tpu.memory_space<semaphore_mem>> -> memref<!tpu.dma_semaphore, #tpu.memory_space<semaphore_mem>>
    %dma_start3A_1802 = arith.constant 0 : i32
    %dma_start3A_1803 = arith.constant 0 : i32
    %dma_start3A_1804 = arith.constant 0 : i32
    %dma_start3A_1805 = tpu.memref_slice %arg3[%dma_start3A_1798, %dma_start3A_1802, %dma_start3A_1803, %dma_start3A_1804] : memref<4x128x50x128xf32, #tpu.memory_space<vmem>> -> memref<1x128x50x128xf32, #tpu.memory_space<vmem>>
    %dma_start3A_1806 = tpu.memref_squeeze %dma_start3A_1805 : memref<1x128x50x128xf32, #tpu.memory_space<vmem>> -> memref<128x50x128xf32, #tpu.memory_space<vmem>>
    %dma_start3A_1807 = arith.constant 2688 : i32
    %dma_start3A_1808 = arith.constant 0 : i32
    %dma_start3A_1809 = arith.constant 0 : i32
    %dma_start3A_1810 = tpu.memref_slice %arg1[%dma_start3A_1807, %dma_start3A_1808, %dma_start3A_1809] : memref<4096x50x128xf32, #tpu.memory_space<any>> -> memref<128x50x128xf32, #tpu.memory_space<any>>
    tpu.enqueue_dma source(%dma_start3A_1810 : memref<128x50x128xf32, #tpu.memory_space<any>>) target(%dma_start3A_1806 : memref<128x50x128xf32, #tpu.memory_space<vmem>>) target_semaphore(%dma_start3A_1801 : memref<!tpu.dma_semaphore, #tpu.memory_space<semaphore_mem>>)
    %dma_start3A_1811 = arith.constant 1 : i32
    %dma_start3A_1812 = arith.constant 1 : i32
    %dma_start3A_1813 = tpu.memref_slice %arg7[%dma_start3A_1812] : memref<4x!tpu.dma_semaphore, #tpu.memory_space<semaphore_mem>> -> memref<1x!tpu.dma_semaphore, #tpu.memory_space<semaphore_mem>>
    %dma_start3A_1814 = tpu.memref_squeeze %dma_start3A_1813 : memref<1x!tpu.dma_semaphore, #tpu.memory_space<semaphore_mem>> -> memref<!tpu.dma_semaphore, #tpu.memory_space<semaphore_mem>>
    %dma_start3A_1815 = arith.constant 0 : i32
    %dma_start3A_1816 = arith.constant 0 : i32
    %dma_start3A_1817 = tpu.memref_slice %arg4[%dma_start3A_1811, %dma_start3A_1815, %dma_start3A_1816] : memref<4x128x128xf32, #tpu.memory_space<vmem>> -> memref<1x128x128xf32, #tpu.memory_space<vmem>>
    %dma_start3A_1818 = tpu.memref_squeeze %dma_start3A_1817 : memref<1x128x128xf32, #tpu.memory_space<vmem>> -> memref<128x128xf32, #tpu.memory_space<vmem>>
    %dma_start3A_1819 = arith.constant 2688 : i32
    %dma_start3A_1820 = arith.constant 0 : i32
    %dma_start3A_1821 = tpu.memref_slice %arg0[%dma_start3A_1819, %dma_start3A_1820] : memref<4096x128xf32, #tpu.memory_space<any>> -> memref<128x128xf32, #tpu.memory_space<any>>
    tpu.enqueue_dma source(%dma_start3A_1821 : memref<128x128xf32, #tpu.memory_space<any>>) target(%dma_start3A_1818 : memref<128x128xf32, #tpu.memory_space<vmem>>) target_semaphore(%dma_start3A_1814 : memref<!tpu.dma_semaphore, #tpu.memory_space<semaphore_mem>>)
    %dma_wait3A_1822 = arith.constant 2 : i32
    %dma_wait3A_1823 = arith.constant 2 : i32
    %dma_wait3A_1824 = tpu.memref_slice %arg6[%dma_wait3A_1823] : memref<4x!tpu.dma_semaphore, #tpu.memory_space<semaphore_mem>> -> memref<1x!tpu.dma_semaphore, #tpu.memory_space<semaphore_mem>>
    %dma_wait3A_1825 = tpu.memref_squeeze %dma_wait3A_1824 : memref<1x!tpu.dma_semaphore, #tpu.memory_space<semaphore_mem>> -> memref<!tpu.dma_semaphore, #tpu.memory_space<semaphore_mem>>
    %dma_wait3A_1826 = arith.constant 0 : i32
    %dma_wait3A_1827 = arith.constant 0 : i32
    %dma_wait3A_1828 = arith.constant 0 : i32
    %dma_wait3A_1829 = tpu.memref_slice %arg3[%dma_wait3A_1822, %dma_wait3A_1826, %dma_wait3A_1827, %dma_wait3A_1828] : memref<4x128x50x128xf32, #tpu.memory_space<vmem>> -> memref<1x128x50x128xf32, #tpu.memory_space<vmem>>
    %dma_wait3A_1830 = tpu.memref_squeeze %dma_wait3A_1829 : memref<1x128x50x128xf32, #tpu.memory_space<vmem>> -> memref<128x50x128xf32, #tpu.memory_space<vmem>>
    %dma_wait3A_1831 = arith.constant 2304 : i32
    %dma_wait3A_1832 = arith.constant 0 : i32
    %dma_wait3A_1833 = arith.constant 0 : i32
    %dma_wait3A_1834 = tpu.memref_slice %arg1[%dma_wait3A_1831, %dma_wait3A_1832, %dma_wait3A_1833] : memref<4096x50x128xf32, #tpu.memory_space<any>> -> memref<128x50x128xf32, #tpu.memory_space<any>>
    tpu.wait_dma2 semaphore(%dma_wait3A_1825 : memref<!tpu.dma_semaphore, #tpu.memory_space<semaphore_mem>>) src(%dma_wait3A_1834 : memref<128x50x128xf32, #tpu.memory_space<any>>) dst(%dma_wait3A_1830 : memref<128x50x128xf32, #tpu.memory_space<vmem>>)
    %dma_wait3A_1835 = arith.constant 2 : i32
    %dma_wait3A_1836 = arith.constant 2 : i32
    %dma_wait3A_1837 = tpu.memref_slice %arg7[%dma_wait3A_1836] : memref<4x!tpu.dma_semaphore, #tpu.memory_space<semaphore_mem>> -> memref<1x!tpu.dma_semaphore, #tpu.memory_space<semaphore_mem>>
    %dma_wait3A_1838 = tpu.memref_squeeze %dma_wait3A_1837 : memref<1x!tpu.dma_semaphore, #tpu.memory_space<semaphore_mem>> -> memref<!tpu.dma_semaphore, #tpu.memory_space<semaphore_mem>>
    %dma_wait3A_1839 = arith.constant 0 : i32
    %dma_wait3A_1840 = arith.constant 0 : i32
    %dma_wait3A_1841 = tpu.memref_slice %arg4[%dma_wait3A_1835, %dma_wait3A_1839, %dma_wait3A_1840] : memref<4x128x128xf32, #tpu.memory_space<vmem>> -> memref<1x128x128xf32, #tpu.memory_space<vmem>>
    %dma_wait3A_1842 = tpu.memref_squeeze %dma_wait3A_1841 : memref<1x128x128xf32, #tpu.memory_space<vmem>> -> memref<128x128xf32, #tpu.memory_space<vmem>>
    %dma_wait3A_1843 = arith.constant 2304 : i32
    %dma_wait3A_1844 = arith.constant 0 : i32
    %dma_wait3A_1845 = tpu.memref_slice %arg0[%dma_wait3A_1843, %dma_wait3A_1844] : memref<4096x128xf32, #tpu.memory_space<any>> -> memref<128x128xf32, #tpu.memory_space<any>>
    tpu.wait_dma2 semaphore(%dma_wait3A_1838 : memref<!tpu.dma_semaphore, #tpu.memory_space<semaphore_mem>>) src(%dma_wait3A_1845 : memref<128x128xf32, #tpu.memory_space<any>>) dst(%dma_wait3A_1842 : memref<128x128xf32, #tpu.memory_space<vmem>>)
    %dma_wait3A_1846 = arith.constant 2 : i32
    %dma_wait3A_1847 = arith.constant 2 : i32
    %dma_wait3A_1848 = tpu.memref_slice %arg8[%dma_wait3A_1847] : memref<4x!tpu.dma_semaphore, #tpu.memory_space<semaphore_mem>> -> memref<1x!tpu.dma_semaphore, #tpu.memory_space<semaphore_mem>>
    %dma_wait3A_1849 = tpu.memref_squeeze %dma_wait3A_1848 : memref<1x!tpu.dma_semaphore, #tpu.memory_space<semaphore_mem>> -> memref<!tpu.dma_semaphore, #tpu.memory_space<semaphore_mem>>
    %dma_wait3A_1850 = arith.constant 1792 : i32
    %dma_wait3A_1851 = arith.constant 0 : i32
    %dma_wait3A_1852 = arith.constant 0 : i32
    %dma_wait3A_1853 = tpu.memref_slice %arg2[%dma_wait3A_1850, %dma_wait3A_1851, %dma_wait3A_1852] : memref<4096x51x128xf32, #tpu.memory_space<any>> -> memref<128x51x128xf32, #tpu.memory_space<any>>
    %dma_wait3A_1854 = arith.constant 0 : i32
    %dma_wait3A_1855 = arith.constant 0 : i32
    %dma_wait3A_1856 = arith.constant 0 : i32
    %dma_wait3A_1857 = tpu.memref_slice %arg5[%dma_wait3A_1846, %dma_wait3A_1854, %dma_wait3A_1855, %dma_wait3A_1856] : memref<4x128x51x128xf32, #tpu.memory_space<vmem>> -> memref<1x128x51x128xf32, #tpu.memory_space<vmem>>
    %dma_wait3A_1858 = tpu.memref_squeeze %dma_wait3A_1857 : memref<1x128x51x128xf32, #tpu.memory_space<vmem>> -> memref<128x51x128xf32, #tpu.memory_space<vmem>>
    tpu.wait_dma2 semaphore(%dma_wait3A_1849 : memref<!tpu.dma_semaphore, #tpu.memory_space<semaphore_mem>>) src(%dma_wait3A_1858 : memref<128x51x128xf32, #tpu.memory_space<vmem>>) dst(%dma_wait3A_1853 : memref<128x51x128xf32, #tpu.memory_space<any>>)
    %get3A_1859 = arith.constant 2 : index
    %get3A_1860 = arith.constant 0 : index
    %get3A_1861 = arith.constant 0 : index
    %get3A_1862 = vector.load %arg4[%get3A_1859, %get3A_1860, %get3A_1861] : memref<4x128x128xf32, #tpu.memory_space<vmem>>, vector<1x128x128xf32>
    %get3A_1863 = vector.shape_cast %get3A_1862 : vector<1x128x128xf32> to vector<128x128xf32>
    %swap3A_1864 = arith.constant 2 : index
    %swap3A_1865 = arith.constant 0 : index
    %swap3A_1866 = arith.constant 0 : index
    %swap3A_1867 = arith.constant 0 : index
    %swap3A_1868 = vector.load %arg5[%swap3A_1864, %swap3A_1865, %swap3A_1866, %swap3A_1867] : memref<4x128x51x128xf32, #tpu.memory_space<vmem>>, vector<1x128x1x128xf32>
    %swap3A_1869 = vector.shape_cast %swap3A_1868 : vector<1x128x1x128xf32> to vector<128x128xf32>
    %swap3A_1870 = vector.shape_cast %get3A_1863 : vector<128x128xf32> to vector<1x128x1x128xf32>
    tpu.vector_store %arg5[%swap3A_1864, %swap3A_1865, %swap3A_1866, %swap3A_1867], %swap3A_1870 {strides = array<i32>} : memref<4x128x51x128xf32, #tpu.memory_space<vmem>>, vector<1x128x1x128xf32>,
    %get3A_1871 = arith.constant 2 : index
    %get3A_1872 = arith.constant 0 : index
    %get3A_1873 = arith.constant 0 : index
    %get3A_1874 = arith.constant 0 : index
    %get3A_1875 = vector.load %arg3[%get3A_1871, %get3A_1872, %get3A_1873, %get3A_1874] : memref<4x128x50x128xf32, #tpu.memory_space<vmem>>, vector<1x128x50x128xf32>
    %get3A_1876 = vector.shape_cast %get3A_1875 : vector<1x128x50x128xf32> to vector<128x50x128xf32>
    %swap3A_1877 = arith.constant 2 : index
    %swap3A_1878 = arith.constant 0 : index
    %swap3A_1879 = arith.constant 1 : index
    %swap3A_1880 = arith.constant 0 : index
    %swap3A_1881 = vector.load %arg5[%swap3A_1877, %swap3A_1878, %swap3A_1879, %swap3A_1880] : memref<4x128x51x128xf32, #tpu.memory_space<vmem>>, vector<1x128x50x128xf32>
    %swap3A_1882 = vector.shape_cast %swap3A_1881 : vector<1x128x50x128xf32> to vector<128x50x128xf32>
    %swap3A_1883 = vector.shape_cast %get3A_1876 : vector<128x50x128xf32> to vector<1x128x50x128xf32>
    tpu.vector_store %arg5[%swap3A_1877, %swap3A_1878, %swap3A_1879, %swap3A_1880], %swap3A_1883 {strides = array<i32>} : memref<4x128x51x128xf32, #tpu.memory_space<vmem>>, vector<1x128x50x128xf32>,
    %dma_start3A_1884 = arith.constant 2 : i32
    %dma_start3A_1885 = arith.constant 2 : i32
    %dma_start3A_1886 = tpu.memref_slice %arg8[%dma_start3A_1885] : memref<4x!tpu.dma_semaphore, #tpu.memory_space<semaphore_mem>> -> memref<1x!tpu.dma_semaphore, #tpu.memory_space<semaphore_mem>>
    %dma_start3A_1887 = tpu.memref_squeeze %dma_start3A_1886 : memref<1x!tpu.dma_semaphore, #tpu.memory_space<semaphore_mem>> -> memref<!tpu.dma_semaphore, #tpu.memory_space<semaphore_mem>>
    %dma_start3A_1888 = arith.constant 2304 : i32
    %dma_start3A_1889 = arith.constant 0 : i32
    %dma_start3A_1890 = arith.constant 0 : i32
    %dma_start3A_1891 = tpu.memref_slice %arg2[%dma_start3A_1888, %dma_start3A_1889, %dma_start3A_1890] : memref<4096x51x128xf32, #tpu.memory_space<any>> -> memref<128x51x128xf32, #tpu.memory_space<any>>
    %dma_start3A_1892 = arith.constant 0 : i32
    %dma_start3A_1893 = arith.constant 0 : i32
    %dma_start3A_1894 = arith.constant 0 : i32
    %dma_start3A_1895 = tpu.memref_slice %arg5[%dma_start3A_1884, %dma_start3A_1892, %dma_start3A_1893, %dma_start3A_1894] : memref<4x128x51x128xf32, #tpu.memory_space<vmem>> -> memref<1x128x51x128xf32, #tpu.memory_space<vmem>>
    %dma_start3A_1896 = tpu.memref_squeeze %dma_start3A_1895 : memref<1x128x51x128xf32, #tpu.memory_space<vmem>> -> memref<128x51x128xf32, #tpu.memory_space<vmem>>
    tpu.enqueue_dma source(%dma_start3A_1896 : memref<128x51x128xf32, #tpu.memory_space<vmem>>) target(%dma_start3A_1891 : memref<128x51x128xf32, #tpu.memory_space<any>>) target_semaphore(%dma_start3A_1887 : memref<!tpu.dma_semaphore, #tpu.memory_space<semaphore_mem>>)
    %dma_start3A_1897 = arith.constant 2 : i32
    %dma_start3A_1898 = arith.constant 2 : i32
    %dma_start3A_1899 = tpu.memref_slice %arg6[%dma_start3A_1898] : memref<4x!tpu.dma_semaphore, #tpu.memory_space<semaphore_mem>> -> memref<1x!tpu.dma_semaphore, #tpu.memory_space<semaphore_mem>>
    %dma_start3A_1900 = tpu.memref_squeeze %dma_start3A_1899 : memref<1x!tpu.dma_semaphore, #tpu.memory_space<semaphore_mem>> -> memref<!tpu.dma_semaphore, #tpu.memory_space<semaphore_mem>>
    %dma_start3A_1901 = arith.constant 0 : i32
    %dma_start3A_1902 = arith.constant 0 : i32
    %dma_start3A_1903 = arith.constant 0 : i32
    %dma_start3A_1904 = tpu.memref_slice %arg3[%dma_start3A_1897, %dma_start3A_1901, %dma_start3A_1902, %dma_start3A_1903] : memref<4x128x50x128xf32, #tpu.memory_space<vmem>> -> memref<1x128x50x128xf32, #tpu.memory_space<vmem>>
    %dma_start3A_1905 = tpu.memref_squeeze %dma_start3A_1904 : memref<1x128x50x128xf32, #tpu.memory_space<vmem>> -> memref<128x50x128xf32, #tpu.memory_space<vmem>>
    %dma_start3A_1906 = arith.constant 2816 : i32
    %dma_start3A_1907 = arith.constant 0 : i32
    %dma_start3A_1908 = arith.constant 0 : i32
    %dma_start3A_1909 = tpu.memref_slice %arg1[%dma_start3A_1906, %dma_start3A_1907, %dma_start3A_1908] : memref<4096x50x128xf32, #tpu.memory_space<any>> -> memref<128x50x128xf32, #tpu.memory_space<any>>
    tpu.enqueue_dma source(%dma_start3A_1909 : memref<128x50x128xf32, #tpu.memory_space<any>>) target(%dma_start3A_1905 : memref<128x50x128xf32, #tpu.memory_space<vmem>>) target_semaphore(%dma_start3A_1900 : memref<!tpu.dma_semaphore, #tpu.memory_space<semaphore_mem>>)
    %dma_start3A_1910 = arith.constant 2 : i32
    %dma_start3A_1911 = arith.constant 2 : i32
    %dma_start3A_1912 = tpu.memref_slice %arg7[%dma_start3A_1911] : memref<4x!tpu.dma_semaphore, #tpu.memory_space<semaphore_mem>> -> memref<1x!tpu.dma_semaphore, #tpu.memory_space<semaphore_mem>>
    %dma_start3A_1913 = tpu.memref_squeeze %dma_start3A_1912 : memref<1x!tpu.dma_semaphore, #tpu.memory_space<semaphore_mem>> -> memref<!tpu.dma_semaphore, #tpu.memory_space<semaphore_mem>>
    %dma_start3A_1914 = arith.constant 0 : i32
    %dma_start3A_1915 = arith.constant 0 : i32
    %dma_start3A_1916 = tpu.memref_slice %arg4[%dma_start3A_1910, %dma_start3A_1914, %dma_start3A_1915] : memref<4x128x128xf32, #tpu.memory_space<vmem>> -> memref<1x128x128xf32, #tpu.memory_space<vmem>>
    %dma_start3A_1917 = tpu.memref_squeeze %dma_start3A_1916 : memref<1x128x128xf32, #tpu.memory_space<vmem>> -> memref<128x128xf32, #tpu.memory_space<vmem>>
    %dma_start3A_1918 = arith.constant 2816 : i32
    %dma_start3A_1919 = arith.constant 0 : i32
    %dma_start3A_1920 = tpu.memref_slice %arg0[%dma_start3A_1918, %dma_start3A_1919] : memref<4096x128xf32, #tpu.memory_space<any>> -> memref<128x128xf32, #tpu.memory_space<any>>
    tpu.enqueue_dma source(%dma_start3A_1920 : memref<128x128xf32, #tpu.memory_space<any>>) target(%dma_start3A_1917 : memref<128x128xf32, #tpu.memory_space<vmem>>) target_semaphore(%dma_start3A_1913 : memref<!tpu.dma_semaphore, #tpu.memory_space<semaphore_mem>>)
    %dma_wait3A_1921 = arith.constant 3 : i32
    %dma_wait3A_1922 = arith.constant 3 : i32
    %dma_wait3A_1923 = tpu.memref_slice %arg6[%dma_wait3A_1922] : memref<4x!tpu.dma_semaphore, #tpu.memory_space<semaphore_mem>> -> memref<1x!tpu.dma_semaphore, #tpu.memory_space<semaphore_mem>>
    %dma_wait3A_1924 = tpu.memref_squeeze %dma_wait3A_1923 : memref<1x!tpu.dma_semaphore, #tpu.memory_space<semaphore_mem>> -> memref<!tpu.dma_semaphore, #tpu.memory_space<semaphore_mem>>
    %dma_wait3A_1925 = arith.constant 0 : i32
    %dma_wait3A_1926 = arith.constant 0 : i32
    %dma_wait3A_1927 = arith.constant 0 : i32
    %dma_wait3A_1928 = tpu.memref_slice %arg3[%dma_wait3A_1921, %dma_wait3A_1925, %dma_wait3A_1926, %dma_wait3A_1927] : memref<4x128x50x128xf32, #tpu.memory_space<vmem>> -> memref<1x128x50x128xf32, #tpu.memory_space<vmem>>
    %dma_wait3A_1929 = tpu.memref_squeeze %dma_wait3A_1928 : memref<1x128x50x128xf32, #tpu.memory_space<vmem>> -> memref<128x50x128xf32, #tpu.memory_space<vmem>>
    %dma_wait3A_1930 = arith.constant 2432 : i32
    %dma_wait3A_1931 = arith.constant 0 : i32
    %dma_wait3A_1932 = arith.constant 0 : i32
    %dma_wait3A_1933 = tpu.memref_slice %arg1[%dma_wait3A_1930, %dma_wait3A_1931, %dma_wait3A_1932] : memref<4096x50x128xf32, #tpu.memory_space<any>> -> memref<128x50x128xf32, #tpu.memory_space<any>>
    tpu.wait_dma2 semaphore(%dma_wait3A_1924 : memref<!tpu.dma_semaphore, #tpu.memory_space<semaphore_mem>>) src(%dma_wait3A_1933 : memref<128x50x128xf32, #tpu.memory_space<any>>) dst(%dma_wait3A_1929 : memref<128x50x128xf32, #tpu.memory_space<vmem>>)
    %dma_wait3A_1934 = arith.constant 3 : i32
    %dma_wait3A_1935 = arith.constant 3 : i32
    %dma_wait3A_1936 = tpu.memref_slice %arg7[%dma_wait3A_1935] : memref<4x!tpu.dma_semaphore, #tpu.memory_space<semaphore_mem>> -> memref<1x!tpu.dma_semaphore, #tpu.memory_space<semaphore_mem>>
    %dma_wait3A_1937 = tpu.memref_squeeze %dma_wait3A_1936 : memref<1x!tpu.dma_semaphore, #tpu.memory_space<semaphore_mem>> -> memref<!tpu.dma_semaphore, #tpu.memory_space<semaphore_mem>>
    %dma_wait3A_1938 = arith.constant 0 : i32
    %dma_wait3A_1939 = arith.constant 0 : i32
    %dma_wait3A_1940 = tpu.memref_slice %arg4[%dma_wait3A_1934, %dma_wait3A_1938, %dma_wait3A_1939] : memref<4x128x128xf32, #tpu.memory_space<vmem>> -> memref<1x128x128xf32, #tpu.memory_space<vmem>>
    %dma_wait3A_1941 = tpu.memref_squeeze %dma_wait3A_1940 : memref<1x128x128xf32, #tpu.memory_space<vmem>> -> memref<128x128xf32, #tpu.memory_space<vmem>>
    %dma_wait3A_1942 = arith.constant 2432 : i32
    %dma_wait3A_1943 = arith.constant 0 : i32
    %dma_wait3A_1944 = tpu.memref_slice %arg0[%dma_wait3A_1942, %dma_wait3A_1943] : memref<4096x128xf32, #tpu.memory_space<any>> -> memref<128x128xf32, #tpu.memory_space<any>>
    tpu.wait_dma2 semaphore(%dma_wait3A_1937 : memref<!tpu.dma_semaphore, #tpu.memory_space<semaphore_mem>>) src(%dma_wait3A_1944 : memref<128x128xf32, #tpu.memory_space<any>>) dst(%dma_wait3A_1941 : memref<128x128xf32, #tpu.memory_space<vmem>>)
    %dma_wait3A_1945 = arith.constant 3 : i32
    %dma_wait3A_1946 = arith.constant 3 : i32
    %dma_wait3A_1947 = tpu.memref_slice %arg8[%dma_wait3A_1946] : memref<4x!tpu.dma_semaphore, #tpu.memory_space<semaphore_mem>> -> memref<1x!tpu.dma_semaphore, #tpu.memory_space<semaphore_mem>>
    %dma_wait3A_1948 = tpu.memref_squeeze %dma_wait3A_1947 : memref<1x!tpu.dma_semaphore, #tpu.memory_space<semaphore_mem>> -> memref<!tpu.dma_semaphore, #tpu.memory_space<semaphore_mem>>
    %dma_wait3A_1949 = arith.constant 1920 : i32
    %dma_wait3A_1950 = arith.constant 0 : i32
    %dma_wait3A_1951 = arith.constant 0 : i32
    %dma_wait3A_1952 = tpu.memref_slice %arg2[%dma_wait3A_1949, %dma_wait3A_1950, %dma_wait3A_1951] : memref<4096x51x128xf32, #tpu.memory_space<any>> -> memref<128x51x128xf32, #tpu.memory_space<any>>
    %dma_wait3A_1953 = arith.constant 0 : i32
    %dma_wait3A_1954 = arith.constant 0 : i32
    %dma_wait3A_1955 = arith.constant 0 : i32
    %dma_wait3A_1956 = tpu.memref_slice %arg5[%dma_wait3A_1945, %dma_wait3A_1953, %dma_wait3A_1954, %dma_wait3A_1955] : memref<4x128x51x128xf32, #tpu.memory_space<vmem>> -> memref<1x128x51x128xf32, #tpu.memory_space<vmem>>
    %dma_wait3A_1957 = tpu.memref_squeeze %dma_wait3A_1956 : memref<1x128x51x128xf32, #tpu.memory_space<vmem>> -> memref<128x51x128xf32, #tpu.memory_space<vmem>>
    tpu.wait_dma2 semaphore(%dma_wait3A_1948 : memref<!tpu.dma_semaphore, #tpu.memory_space<semaphore_mem>>) src(%dma_wait3A_1957 : memref<128x51x128xf32, #tpu.memory_space<vmem>>) dst(%dma_wait3A_1952 : memref<128x51x128xf32, #tpu.memory_space<any>>)
    %get3A_1958 = arith.constant 3 : index
    %get3A_1959 = arith.constant 0 : index
    %get3A_1960 = arith.constant 0 : index
    %get3A_1961 = vector.load %arg4[%get3A_1958, %get3A_1959, %get3A_1960] : memref<4x128x128xf32, #tpu.memory_space<vmem>>, vector<1x128x128xf32>
    %get3A_1962 = vector.shape_cast %get3A_1961 : vector<1x128x128xf32> to vector<128x128xf32>
    %swap3A_1963 = arith.constant 3 : index
    %swap3A_1964 = arith.constant 0 : index
    %swap3A_1965 = arith.constant 0 : index
    %swap3A_1966 = arith.constant 0 : index
    %swap3A_1967 = vector.load %arg5[%swap3A_1963, %swap3A_1964, %swap3A_1965, %swap3A_1966] : memref<4x128x51x128xf32, #tpu.memory_space<vmem>>, vector<1x128x1x128xf32>
    %swap3A_1968 = vector.shape_cast %swap3A_1967 : vector<1x128x1x128xf32> to vector<128x128xf32>
    %swap3A_1969 = vector.shape_cast %get3A_1962 : vector<128x128xf32> to vector<1x128x1x128xf32>
    tpu.vector_store %arg5[%swap3A_1963, %swap3A_1964, %swap3A_1965, %swap3A_1966], %swap3A_1969 {strides = array<i32>} : memref<4x128x51x128xf32, #tpu.memory_space<vmem>>, vector<1x128x1x128xf32>,
    %get3A_1970 = arith.constant 3 : index
    %get3A_1971 = arith.constant 0 : index
    %get3A_1972 = arith.constant 0 : index
    %get3A_1973 = arith.constant 0 : index
    %get3A_1974 = vector.load %arg3[%get3A_1970, %get3A_1971, %get3A_1972, %get3A_1973] : memref<4x128x50x128xf32, #tpu.memory_space<vmem>>, vector<1x128x50x128xf32>
    %get3A_1975 = vector.shape_cast %get3A_1974 : vector<1x128x50x128xf32> to vector<128x50x128xf32>
    %swap3A_1976 = arith.constant 3 : index
    %swap3A_1977 = arith.constant 0 : index
    %swap3A_1978 = arith.constant 1 : index
    %swap3A_1979 = arith.constant 0 : index
    %swap3A_1980 = vector.load %arg5[%swap3A_1976, %swap3A_1977, %swap3A_1978, %swap3A_1979] : memref<4x128x51x128xf32, #tpu.memory_space<vmem>>, vector<1x128x50x128xf32>
    %swap3A_1981 = vector.shape_cast %swap3A_1980 : vector<1x128x50x128xf32> to vector<128x50x128xf32>
    %swap3A_1982 = vector.shape_cast %get3A_1975 : vector<128x50x128xf32> to vector<1x128x50x128xf32>
    tpu.vector_store %arg5[%swap3A_1976, %swap3A_1977, %swap3A_1978, %swap3A_1979], %swap3A_1982 {strides = array<i32>} : memref<4x128x51x128xf32, #tpu.memory_space<vmem>>, vector<1x128x50x128xf32>,
    %dma_start3A_1983 = arith.constant 3 : i32
    %dma_start3A_1984 = arith.constant 3 : i32
    %dma_start3A_1985 = tpu.memref_slice %arg8[%dma_start3A_1984] : memref<4x!tpu.dma_semaphore, #tpu.memory_space<semaphore_mem>> -> memref<1x!tpu.dma_semaphore, #tpu.memory_space<semaphore_mem>>
    %dma_start3A_1986 = tpu.memref_squeeze %dma_start3A_1985 : memref<1x!tpu.dma_semaphore, #tpu.memory_space<semaphore_mem>> -> memref<!tpu.dma_semaphore, #tpu.memory_space<semaphore_mem>>
    %dma_start3A_1987 = arith.constant 2432 : i32
    %dma_start3A_1988 = arith.constant 0 : i32
    %dma_start3A_1989 = arith.constant 0 : i32
    %dma_start3A_1990 = tpu.memref_slice %arg2[%dma_start3A_1987, %dma_start3A_1988, %dma_start3A_1989] : memref<4096x51x128xf32, #tpu.memory_space<any>> -> memref<128x51x128xf32, #tpu.memory_space<any>>
    %dma_start3A_1991 = arith.constant 0 : i32
    %dma_start3A_1992 = arith.constant 0 : i32
    %dma_start3A_1993 = arith.constant 0 : i32
    %dma_start3A_1994 = tpu.memref_slice %arg5[%dma_start3A_1983, %dma_start3A_1991, %dma_start3A_1992, %dma_start3A_1993] : memref<4x128x51x128xf32, #tpu.memory_space<vmem>> -> memref<1x128x51x128xf32, #tpu.memory_space<vmem>>
    %dma_start3A_1995 = tpu.memref_squeeze %dma_start3A_1994 : memref<1x128x51x128xf32, #tpu.memory_space<vmem>> -> memref<128x51x128xf32, #tpu.memory_space<vmem>>
    tpu.enqueue_dma source(%dma_start3A_1995 : memref<128x51x128xf32, #tpu.memory_space<vmem>>) target(%dma_start3A_1990 : memref<128x51x128xf32, #tpu.memory_space<any>>) target_semaphore(%dma_start3A_1986 : memref<!tpu.dma_semaphore, #tpu.memory_space<semaphore_mem>>)
    %dma_start3A_1996 = arith.constant 3 : i32
    %dma_start3A_1997 = arith.constant 3 : i32
    %dma_start3A_1998 = tpu.memref_slice %arg6[%dma_start3A_1997] : memref<4x!tpu.dma_semaphore, #tpu.memory_space<semaphore_mem>> -> memref<1x!tpu.dma_semaphore, #tpu.memory_space<semaphore_mem>>
    %dma_start3A_1999 = tpu.memref_squeeze %dma_start3A_1998 : memref<1x!tpu.dma_semaphore, #tpu.memory_space<semaphore_mem>> -> memref<!tpu.dma_semaphore, #tpu.memory_space<semaphore_mem>>
    %dma_start3A_2000 = arith.constant 0 : i32
    %dma_start3A_2001 = arith.constant 0 : i32
    %dma_start3A_2002 = arith.constant 0 : i32
    %dma_start3A_2003 = tpu.memref_slice %arg3[%dma_start3A_1996, %dma_start3A_2000, %dma_start3A_2001, %dma_start3A_2002] : memref<4x128x50x128xf32, #tpu.memory_space<vmem>> -> memref<1x128x50x128xf32, #tpu.memory_space<vmem>>
    %dma_start3A_2004 = tpu.memref_squeeze %dma_start3A_2003 : memref<1x128x50x128xf32, #tpu.memory_space<vmem>> -> memref<128x50x128xf32, #tpu.memory_space<vmem>>
    %dma_start3A_2005 = arith.constant 2944 : i32
    %dma_start3A_2006 = arith.constant 0 : i32
    %dma_start3A_2007 = arith.constant 0 : i32
    %dma_start3A_2008 = tpu.memref_slice %arg1[%dma_start3A_2005, %dma_start3A_2006, %dma_start3A_2007] : memref<4096x50x128xf32, #tpu.memory_space<any>> -> memref<128x50x128xf32, #tpu.memory_space<any>>
    tpu.enqueue_dma source(%dma_start3A_2008 : memref<128x50x128xf32, #tpu.memory_space<any>>) target(%dma_start3A_2004 : memref<128x50x128xf32, #tpu.memory_space<vmem>>) target_semaphore(%dma_start3A_1999 : memref<!tpu.dma_semaphore, #tpu.memory_space<semaphore_mem>>)
    %dma_start3A_2009 = arith.constant 3 : i32
    %dma_start3A_2010 = arith.constant 3 : i32
    %dma_start3A_2011 = tpu.memref_slice %arg7[%dma_start3A_2010] : memref<4x!tpu.dma_semaphore, #tpu.memory_space<semaphore_mem>> -> memref<1x!tpu.dma_semaphore, #tpu.memory_space<semaphore_mem>>
    %dma_start3A_2012 = tpu.memref_squeeze %dma_start3A_2011 : memref<1x!tpu.dma_semaphore, #tpu.memory_space<semaphore_mem>> -> memref<!tpu.dma_semaphore, #tpu.memory_space<semaphore_mem>>
    %dma_start3A_2013 = arith.constant 0 : i32
    %dma_start3A_2014 = arith.constant 0 : i32
    %dma_start3A_2015 = tpu.memref_slice %arg4[%dma_start3A_2009, %dma_start3A_2013, %dma_start3A_2014] : memref<4x128x128xf32, #tpu.memory_space<vmem>> -> memref<1x128x128xf32, #tpu.memory_space<vmem>>
    %dma_start3A_2016 = tpu.memref_squeeze %dma_start3A_2015 : memref<1x128x128xf32, #tpu.memory_space<vmem>> -> memref<128x128xf32, #tpu.memory_space<vmem>>
    %dma_start3A_2017 = arith.constant 2944 : i32
    %dma_start3A_2018 = arith.constant 0 : i32
    %dma_start3A_2019 = tpu.memref_slice %arg0[%dma_start3A_2017, %dma_start3A_2018] : memref<4096x128xf32, #tpu.memory_space<any>> -> memref<128x128xf32, #tpu.memory_space<any>>
    tpu.enqueue_dma source(%dma_start3A_2019 : memref<128x128xf32, #tpu.memory_space<any>>) target(%dma_start3A_2016 : memref<128x128xf32, #tpu.memory_space<vmem>>) target_semaphore(%dma_start3A_2012 : memref<!tpu.dma_semaphore, #tpu.memory_space<semaphore_mem>>)
    %dma_wait3A_2020 = arith.constant 0 : i32
    %dma_wait3A_2021 = arith.constant 0 : i32
    %dma_wait3A_2022 = tpu.memref_slice %arg6[%dma_wait3A_2021] : memref<4x!tpu.dma_semaphore, #tpu.memory_space<semaphore_mem>> -> memref<1x!tpu.dma_semaphore, #tpu.memory_space<semaphore_mem>>
    %dma_wait3A_2023 = tpu.memref_squeeze %dma_wait3A_2022 : memref<1x!tpu.dma_semaphore, #tpu.memory_space<semaphore_mem>> -> memref<!tpu.dma_semaphore, #tpu.memory_space<semaphore_mem>>
    %dma_wait3A_2024 = arith.constant 0 : i32
    %dma_wait3A_2025 = arith.constant 0 : i32
    %dma_wait3A_2026 = arith.constant 0 : i32
    %dma_wait3A_2027 = tpu.memref_slice %arg3[%dma_wait3A_2020, %dma_wait3A_2024, %dma_wait3A_2025, %dma_wait3A_2026] : memref<4x128x50x128xf32, #tpu.memory_space<vmem>> -> memref<1x128x50x128xf32, #tpu.memory_space<vmem>>
    %dma_wait3A_2028 = tpu.memref_squeeze %dma_wait3A_2027 : memref<1x128x50x128xf32, #tpu.memory_space<vmem>> -> memref<128x50x128xf32, #tpu.memory_space<vmem>>
    %dma_wait3A_2029 = arith.constant 2560 : i32
    %dma_wait3A_2030 = arith.constant 0 : i32
    %dma_wait3A_2031 = arith.constant 0 : i32
    %dma_wait3A_2032 = tpu.memref_slice %arg1[%dma_wait3A_2029, %dma_wait3A_2030, %dma_wait3A_2031] : memref<4096x50x128xf32, #tpu.memory_space<any>> -> memref<128x50x128xf32, #tpu.memory_space<any>>
    tpu.wait_dma2 semaphore(%dma_wait3A_2023 : memref<!tpu.dma_semaphore, #tpu.memory_space<semaphore_mem>>) src(%dma_wait3A_2032 : memref<128x50x128xf32, #tpu.memory_space<any>>) dst(%dma_wait3A_2028 : memref<128x50x128xf32, #tpu.memory_space<vmem>>)
    %dma_wait3A_2033 = arith.constant 0 : i32
    %dma_wait3A_2034 = arith.constant 0 : i32
    %dma_wait3A_2035 = tpu.memref_slice %arg7[%dma_wait3A_2034] : memref<4x!tpu.dma_semaphore, #tpu.memory_space<semaphore_mem>> -> memref<1x!tpu.dma_semaphore, #tpu.memory_space<semaphore_mem>>
    %dma_wait3A_2036 = tpu.memref_squeeze %dma_wait3A_2035 : memref<1x!tpu.dma_semaphore, #tpu.memory_space<semaphore_mem>> -> memref<!tpu.dma_semaphore, #tpu.memory_space<semaphore_mem>>
    %dma_wait3A_2037 = arith.constant 0 : i32
    %dma_wait3A_2038 = arith.constant 0 : i32
    %dma_wait3A_2039 = tpu.memref_slice %arg4[%dma_wait3A_2033, %dma_wait3A_2037, %dma_wait3A_2038] : memref<4x128x128xf32, #tpu.memory_space<vmem>> -> memref<1x128x128xf32, #tpu.memory_space<vmem>>
    %dma_wait3A_2040 = tpu.memref_squeeze %dma_wait3A_2039 : memref<1x128x128xf32, #tpu.memory_space<vmem>> -> memref<128x128xf32, #tpu.memory_space<vmem>>
    %dma_wait3A_2041 = arith.constant 2560 : i32
    %dma_wait3A_2042 = arith.constant 0 : i32
    %dma_wait3A_2043 = tpu.memref_slice %arg0[%dma_wait3A_2041, %dma_wait3A_2042] : memref<4096x128xf32, #tpu.memory_space<any>> -> memref<128x128xf32, #tpu.memory_space<any>>
    tpu.wait_dma2 semaphore(%dma_wait3A_2036 : memref<!tpu.dma_semaphore, #tpu.memory_space<semaphore_mem>>) src(%dma_wait3A_2043 : memref<128x128xf32, #tpu.memory_space<any>>) dst(%dma_wait3A_2040 : memref<128x128xf32, #tpu.memory_space<vmem>>)
    %dma_wait3A_2044 = arith.constant 0 : i32
    %dma_wait3A_2045 = arith.constant 0 : i32
    %dma_wait3A_2046 = tpu.memref_slice %arg8[%dma_wait3A_2045] : memref<4x!tpu.dma_semaphore, #tpu.memory_space<semaphore_mem>> -> memref<1x!tpu.dma_semaphore, #tpu.memory_space<semaphore_mem>>
    %dma_wait3A_2047 = tpu.memref_squeeze %dma_wait3A_2046 : memref<1x!tpu.dma_semaphore, #tpu.memory_space<semaphore_mem>> -> memref<!tpu.dma_semaphore, #tpu.memory_space<semaphore_mem>>
    %dma_wait3A_2048 = arith.constant 2048 : i32
    %dma_wait3A_2049 = arith.constant 0 : i32
    %dma_wait3A_2050 = arith.constant 0 : i32
    %dma_wait3A_2051 = tpu.memref_slice %arg2[%dma_wait3A_2048, %dma_wait3A_2049, %dma_wait3A_2050] : memref<4096x51x128xf32, #tpu.memory_space<any>> -> memref<128x51x128xf32, #tpu.memory_space<any>>
    %dma_wait3A_2052 = arith.constant 0 : i32
    %dma_wait3A_2053 = arith.constant 0 : i32
    %dma_wait3A_2054 = arith.constant 0 : i32
    %dma_wait3A_2055 = tpu.memref_slice %arg5[%dma_wait3A_2044, %dma_wait3A_2052, %dma_wait3A_2053, %dma_wait3A_2054] : memref<4x128x51x128xf32, #tpu.memory_space<vmem>> -> memref<1x128x51x128xf32, #tpu.memory_space<vmem>>
    %dma_wait3A_2056 = tpu.memref_squeeze %dma_wait3A_2055 : memref<1x128x51x128xf32, #tpu.memory_space<vmem>> -> memref<128x51x128xf32, #tpu.memory_space<vmem>>
    tpu.wait_dma2 semaphore(%dma_wait3A_2047 : memref<!tpu.dma_semaphore, #tpu.memory_space<semaphore_mem>>) src(%dma_wait3A_2056 : memref<128x51x128xf32, #tpu.memory_space<vmem>>) dst(%dma_wait3A_2051 : memref<128x51x128xf32, #tpu.memory_space<any>>)
    %get3A_2057 = arith.constant 0 : index
    %get3A_2058 = arith.constant 0 : index
    %get3A_2059 = arith.constant 0 : index
    %get3A_2060 = vector.load %arg4[%get3A_2057, %get3A_2058, %get3A_2059] : memref<4x128x128xf32, #tpu.memory_space<vmem>>, vector<1x128x128xf32>
    %get3A_2061 = vector.shape_cast %get3A_2060 : vector<1x128x128xf32> to vector<128x128xf32>
    %swap3A_2062 = arith.constant 0 : index
    %swap3A_2063 = arith.constant 0 : index
    %swap3A_2064 = arith.constant 0 : index
    %swap3A_2065 = arith.constant 0 : index
    %swap3A_2066 = vector.load %arg5[%swap3A_2062, %swap3A_2063, %swap3A_2064, %swap3A_2065] : memref<4x128x51x128xf32, #tpu.memory_space<vmem>>, vector<1x128x1x128xf32>
    %swap3A_2067 = vector.shape_cast %swap3A_2066 : vector<1x128x1x128xf32> to vector<128x128xf32>
    %swap3A_2068 = vector.shape_cast %get3A_2061 : vector<128x128xf32> to vector<1x128x1x128xf32>
    tpu.vector_store %arg5[%swap3A_2062, %swap3A_2063, %swap3A_2064, %swap3A_2065], %swap3A_2068 {strides = array<i32>} : memref<4x128x51x128xf32, #tpu.memory_space<vmem>>, vector<1x128x1x128xf32>,
    %get3A_2069 = arith.constant 0 : index
    %get3A_2070 = arith.constant 0 : index
    %get3A_2071 = arith.constant 0 : index
    %get3A_2072 = arith.constant 0 : index
    %get3A_2073 = vector.load %arg3[%get3A_2069, %get3A_2070, %get3A_2071, %get3A_2072] : memref<4x128x50x128xf32, #tpu.memory_space<vmem>>, vector<1x128x50x128xf32>
    %get3A_2074 = vector.shape_cast %get3A_2073 : vector<1x128x50x128xf32> to vector<128x50x128xf32>
    %swap3A_2075 = arith.constant 0 : index
    %swap3A_2076 = arith.constant 0 : index
    %swap3A_2077 = arith.constant 1 : index
    %swap3A_2078 = arith.constant 0 : index
    %swap3A_2079 = vector.load %arg5[%swap3A_2075, %swap3A_2076, %swap3A_2077, %swap3A_2078] : memref<4x128x51x128xf32, #tpu.memory_space<vmem>>, vector<1x128x50x128xf32>
    %swap3A_2080 = vector.shape_cast %swap3A_2079 : vector<1x128x50x128xf32> to vector<128x50x128xf32>
    %swap3A_2081 = vector.shape_cast %get3A_2074 : vector<128x50x128xf32> to vector<1x128x50x128xf32>
    tpu.vector_store %arg5[%swap3A_2075, %swap3A_2076, %swap3A_2077, %swap3A_2078], %swap3A_2081 {strides = array<i32>} : memref<4x128x51x128xf32, #tpu.memory_space<vmem>>, vector<1x128x50x128xf32>,
    %dma_start3A_2082 = arith.constant 0 : i32
    %dma_start3A_2083 = arith.constant 0 : i32
    %dma_start3A_2084 = tpu.memref_slice %arg8[%dma_start3A_2083] : memref<4x!tpu.dma_semaphore, #tpu.memory_space<semaphore_mem>> -> memref<1x!tpu.dma_semaphore, #tpu.memory_space<semaphore_mem>>
    %dma_start3A_2085 = tpu.memref_squeeze %dma_start3A_2084 : memref<1x!tpu.dma_semaphore, #tpu.memory_space<semaphore_mem>> -> memref<!tpu.dma_semaphore, #tpu.memory_space<semaphore_mem>>
    %dma_start3A_2086 = arith.constant 2560 : i32
    %dma_start3A_2087 = arith.constant 0 : i32
    %dma_start3A_2088 = arith.constant 0 : i32
    %dma_start3A_2089 = tpu.memref_slice %arg2[%dma_start3A_2086, %dma_start3A_2087, %dma_start3A_2088] : memref<4096x51x128xf32, #tpu.memory_space<any>> -> memref<128x51x128xf32, #tpu.memory_space<any>>
    %dma_start3A_2090 = arith.constant 0 : i32
    %dma_start3A_2091 = arith.constant 0 : i32
    %dma_start3A_2092 = arith.constant 0 : i32
    %dma_start3A_2093 = tpu.memref_slice %arg5[%dma_start3A_2082, %dma_start3A_2090, %dma_start3A_2091, %dma_start3A_2092] : memref<4x128x51x128xf32, #tpu.memory_space<vmem>> -> memref<1x128x51x128xf32, #tpu.memory_space<vmem>>
    %dma_start3A_2094 = tpu.memref_squeeze %dma_start3A_2093 : memref<1x128x51x128xf32, #tpu.memory_space<vmem>> -> memref<128x51x128xf32, #tpu.memory_space<vmem>>
    tpu.enqueue_dma source(%dma_start3A_2094 : memref<128x51x128xf32, #tpu.memory_space<vmem>>) target(%dma_start3A_2089 : memref<128x51x128xf32, #tpu.memory_space<any>>) target_semaphore(%dma_start3A_2085 : memref<!tpu.dma_semaphore, #tpu.memory_space<semaphore_mem>>)
    %dma_start3A_2095 = arith.constant 0 : i32
    %dma_start3A_2096 = arith.constant 0 : i32
    %dma_start3A_2097 = tpu.memref_slice %arg6[%dma_start3A_2096] : memref<4x!tpu.dma_semaphore, #tpu.memory_space<semaphore_mem>> -> memref<1x!tpu.dma_semaphore, #tpu.memory_space<semaphore_mem>>
    %dma_start3A_2098 = tpu.memref_squeeze %dma_start3A_2097 : memref<1x!tpu.dma_semaphore, #tpu.memory_space<semaphore_mem>> -> memref<!tpu.dma_semaphore, #tpu.memory_space<semaphore_mem>>
    %dma_start3A_2099 = arith.constant 0 : i32
    %dma_start3A_2100 = arith.constant 0 : i32
    %dma_start3A_2101 = arith.constant 0 : i32
    %dma_start3A_2102 = tpu.memref_slice %arg3[%dma_start3A_2095, %dma_start3A_2099, %dma_start3A_2100, %dma_start3A_2101] : memref<4x128x50x128xf32, #tpu.memory_space<vmem>> -> memref<1x128x50x128xf32, #tpu.memory_space<vmem>>
    %dma_start3A_2103 = tpu.memref_squeeze %dma_start3A_2102 : memref<1x128x50x128xf32, #tpu.memory_space<vmem>> -> memref<128x50x128xf32, #tpu.memory_space<vmem>>
    %dma_start3A_2104 = arith.constant 3072 : i32
    %dma_start3A_2105 = arith.constant 0 : i32
    %dma_start3A_2106 = arith.constant 0 : i32
    %dma_start3A_2107 = tpu.memref_slice %arg1[%dma_start3A_2104, %dma_start3A_2105, %dma_start3A_2106] : memref<4096x50x128xf32, #tpu.memory_space<any>> -> memref<128x50x128xf32, #tpu.memory_space<any>>
    tpu.enqueue_dma source(%dma_start3A_2107 : memref<128x50x128xf32, #tpu.memory_space<any>>) target(%dma_start3A_2103 : memref<128x50x128xf32, #tpu.memory_space<vmem>>) target_semaphore(%dma_start3A_2098 : memref<!tpu.dma_semaphore, #tpu.memory_space<semaphore_mem>>)
    %dma_start3A_2108 = arith.constant 0 : i32
    %dma_start3A_2109 = arith.constant 0 : i32
    %dma_start3A_2110 = tpu.memref_slice %arg7[%dma_start3A_2109] : memref<4x!tpu.dma_semaphore, #tpu.memory_space<semaphore_mem>> -> memref<1x!tpu.dma_semaphore, #tpu.memory_space<semaphore_mem>>
    %dma_start3A_2111 = tpu.memref_squeeze %dma_start3A_2110 : memref<1x!tpu.dma_semaphore, #tpu.memory_space<semaphore_mem>> -> memref<!tpu.dma_semaphore, #tpu.memory_space<semaphore_mem>>
    %dma_start3A_2112 = arith.constant 0 : i32
    %dma_start3A_2113 = arith.constant 0 : i32
    %dma_start3A_2114 = tpu.memref_slice %arg4[%dma_start3A_2108, %dma_start3A_2112, %dma_start3A_2113] : memref<4x128x128xf32, #tpu.memory_space<vmem>> -> memref<1x128x128xf32, #tpu.memory_space<vmem>>
    %dma_start3A_2115 = tpu.memref_squeeze %dma_start3A_2114 : memref<1x128x128xf32, #tpu.memory_space<vmem>> -> memref<128x128xf32, #tpu.memory_space<vmem>>
    %dma_start3A_2116 = arith.constant 3072 : i32
    %dma_start3A_2117 = arith.constant 0 : i32
    %dma_start3A_2118 = tpu.memref_slice %arg0[%dma_start3A_2116, %dma_start3A_2117] : memref<4096x128xf32, #tpu.memory_space<any>> -> memref<128x128xf32, #tpu.memory_space<any>>
    tpu.enqueue_dma source(%dma_start3A_2118 : memref<128x128xf32, #tpu.memory_space<any>>) target(%dma_start3A_2115 : memref<128x128xf32, #tpu.memory_space<vmem>>) target_semaphore(%dma_start3A_2111 : memref<!tpu.dma_semaphore, #tpu.memory_space<semaphore_mem>>)
    %dma_wait3A_2119 = arith.constant 1 : i32
    %dma_wait3A_2120 = arith.constant 1 : i32
    %dma_wait3A_2121 = tpu.memref_slice %arg6[%dma_wait3A_2120] : memref<4x!tpu.dma_semaphore, #tpu.memory_space<semaphore_mem>> -> memref<1x!tpu.dma_semaphore, #tpu.memory_space<semaphore_mem>>
    %dma_wait3A_2122 = tpu.memref_squeeze %dma_wait3A_2121 : memref<1x!tpu.dma_semaphore, #tpu.memory_space<semaphore_mem>> -> memref<!tpu.dma_semaphore, #tpu.memory_space<semaphore_mem>>
    %dma_wait3A_2123 = arith.constant 0 : i32
    %dma_wait3A_2124 = arith.constant 0 : i32
    %dma_wait3A_2125 = arith.constant 0 : i32
    %dma_wait3A_2126 = tpu.memref_slice %arg3[%dma_wait3A_2119, %dma_wait3A_2123, %dma_wait3A_2124, %dma_wait3A_2125] : memref<4x128x50x128xf32, #tpu.memory_space<vmem>> -> memref<1x128x50x128xf32, #tpu.memory_space<vmem>>
    %dma_wait3A_2127 = tpu.memref_squeeze %dma_wait3A_2126 : memref<1x128x50x128xf32, #tpu.memory_space<vmem>> -> memref<128x50x128xf32, #tpu.memory_space<vmem>>
    %dma_wait3A_2128 = arith.constant 2688 : i32
    %dma_wait3A_2129 = arith.constant 0 : i32
    %dma_wait3A_2130 = arith.constant 0 : i32
    %dma_wait3A_2131 = tpu.memref_slice %arg1[%dma_wait3A_2128, %dma_wait3A_2129, %dma_wait3A_2130] : memref<4096x50x128xf32, #tpu.memory_space<any>> -> memref<128x50x128xf32, #tpu.memory_space<any>>
    tpu.wait_dma2 semaphore(%dma_wait3A_2122 : memref<!tpu.dma_semaphore, #tpu.memory_space<semaphore_mem>>) src(%dma_wait3A_2131 : memref<128x50x128xf32, #tpu.memory_space<any>>) dst(%dma_wait3A_2127 : memref<128x50x128xf32, #tpu.memory_space<vmem>>)
    %dma_wait3A_2132 = arith.constant 1 : i32
    %dma_wait3A_2133 = arith.constant 1 : i32
    %dma_wait3A_2134 = tpu.memref_slice %arg7[%dma_wait3A_2133] : memref<4x!tpu.dma_semaphore, #tpu.memory_space<semaphore_mem>> -> memref<1x!tpu.dma_semaphore, #tpu.memory_space<semaphore_mem>>
    %dma_wait3A_2135 = tpu.memref_squeeze %dma_wait3A_2134 : memref<1x!tpu.dma_semaphore, #tpu.memory_space<semaphore_mem>> -> memref<!tpu.dma_semaphore, #tpu.memory_space<semaphore_mem>>
    %dma_wait3A_2136 = arith.constant 0 : i32
    %dma_wait3A_2137 = arith.constant 0 : i32
    %dma_wait3A_2138 = tpu.memref_slice %arg4[%dma_wait3A_2132, %dma_wait3A_2136, %dma_wait3A_2137] : memref<4x128x128xf32, #tpu.memory_space<vmem>> -> memref<1x128x128xf32, #tpu.memory_space<vmem>>
    %dma_wait3A_2139 = tpu.memref_squeeze %dma_wait3A_2138 : memref<1x128x128xf32, #tpu.memory_space<vmem>> -> memref<128x128xf32, #tpu.memory_space<vmem>>
    %dma_wait3A_2140 = arith.constant 2688 : i32
    %dma_wait3A_2141 = arith.constant 0 : i32
    %dma_wait3A_2142 = tpu.memref_slice %arg0[%dma_wait3A_2140, %dma_wait3A_2141] : memref<4096x128xf32, #tpu.memory_space<any>> -> memref<128x128xf32, #tpu.memory_space<any>>
    tpu.wait_dma2 semaphore(%dma_wait3A_2135 : memref<!tpu.dma_semaphore, #tpu.memory_space<semaphore_mem>>) src(%dma_wait3A_2142 : memref<128x128xf32, #tpu.memory_space<any>>) dst(%dma_wait3A_2139 : memref<128x128xf32, #tpu.memory_space<vmem>>)
    %dma_wait3A_2143 = arith.constant 1 : i32
    %dma_wait3A_2144 = arith.constant 1 : i32
    %dma_wait3A_2145 = tpu.memref_slice %arg8[%dma_wait3A_2144] : memref<4x!tpu.dma_semaphore, #tpu.memory_space<semaphore_mem>> -> memref<1x!tpu.dma_semaphore, #tpu.memory_space<semaphore_mem>>
    %dma_wait3A_2146 = tpu.memref_squeeze %dma_wait3A_2145 : memref<1x!tpu.dma_semaphore, #tpu.memory_space<semaphore_mem>> -> memref<!tpu.dma_semaphore, #tpu.memory_space<semaphore_mem>>
    %dma_wait3A_2147 = arith.constant 2176 : i32
    %dma_wait3A_2148 = arith.constant 0 : i32
    %dma_wait3A_2149 = arith.constant 0 : i32
    %dma_wait3A_2150 = tpu.memref_slice %arg2[%dma_wait3A_2147, %dma_wait3A_2148, %dma_wait3A_2149] : memref<4096x51x128xf32, #tpu.memory_space<any>> -> memref<128x51x128xf32, #tpu.memory_space<any>>
    %dma_wait3A_2151 = arith.constant 0 : i32
    %dma_wait3A_2152 = arith.constant 0 : i32
    %dma_wait3A_2153 = arith.constant 0 : i32
    %dma_wait3A_2154 = tpu.memref_slice %arg5[%dma_wait3A_2143, %dma_wait3A_2151, %dma_wait3A_2152, %dma_wait3A_2153] : memref<4x128x51x128xf32, #tpu.memory_space<vmem>> -> memref<1x128x51x128xf32, #tpu.memory_space<vmem>>
    %dma_wait3A_2155 = tpu.memref_squeeze %dma_wait3A_2154 : memref<1x128x51x128xf32, #tpu.memory_space<vmem>> -> memref<128x51x128xf32, #tpu.memory_space<vmem>>
    tpu.wait_dma2 semaphore(%dma_wait3A_2146 : memref<!tpu.dma_semaphore, #tpu.memory_space<semaphore_mem>>) src(%dma_wait3A_2155 : memref<128x51x128xf32, #tpu.memory_space<vmem>>) dst(%dma_wait3A_2150 : memref<128x51x128xf32, #tpu.memory_space<any>>)
    %get3A_2156 = arith.constant 1 : index
    %get3A_2157 = arith.constant 0 : index
    %get3A_2158 = arith.constant 0 : index
    %get3A_2159 = vector.load %arg4[%get3A_2156, %get3A_2157, %get3A_2158] : memref<4x128x128xf32, #tpu.memory_space<vmem>>, vector<1x128x128xf32>
    %get3A_2160 = vector.shape_cast %get3A_2159 : vector<1x128x128xf32> to vector<128x128xf32>
    %swap3A_2161 = arith.constant 1 : index
    %swap3A_2162 = arith.constant 0 : index
    %swap3A_2163 = arith.constant 0 : index
    %swap3A_2164 = arith.constant 0 : index
    %swap3A_2165 = vector.load %arg5[%swap3A_2161, %swap3A_2162, %swap3A_2163, %swap3A_2164] : memref<4x128x51x128xf32, #tpu.memory_space<vmem>>, vector<1x128x1x128xf32>
    %swap3A_2166 = vector.shape_cast %swap3A_2165 : vector<1x128x1x128xf32> to vector<128x128xf32>
    %swap3A_2167 = vector.shape_cast %get3A_2160 : vector<128x128xf32> to vector<1x128x1x128xf32>
    tpu.vector_store %arg5[%swap3A_2161, %swap3A_2162, %swap3A_2163, %swap3A_2164], %swap3A_2167 {strides = array<i32>} : memref<4x128x51x128xf32, #tpu.memory_space<vmem>>, vector<1x128x1x128xf32>,
    %get3A_2168 = arith.constant 1 : index
    %get3A_2169 = arith.constant 0 : index
    %get3A_2170 = arith.constant 0 : index
    %get3A_2171 = arith.constant 0 : index
    %get3A_2172 = vector.load %arg3[%get3A_2168, %get3A_2169, %get3A_2170, %get3A_2171] : memref<4x128x50x128xf32, #tpu.memory_space<vmem>>, vector<1x128x50x128xf32>
    %get3A_2173 = vector.shape_cast %get3A_2172 : vector<1x128x50x128xf32> to vector<128x50x128xf32>
    %swap3A_2174 = arith.constant 1 : index
    %swap3A_2175 = arith.constant 0 : index
    %swap3A_2176 = arith.constant 1 : index
    %swap3A_2177 = arith.constant 0 : index
    %swap3A_2178 = vector.load %arg5[%swap3A_2174, %swap3A_2175, %swap3A_2176, %swap3A_2177] : memref<4x128x51x128xf32, #tpu.memory_space<vmem>>, vector<1x128x50x128xf32>
    %swap3A_2179 = vector.shape_cast %swap3A_2178 : vector<1x128x50x128xf32> to vector<128x50x128xf32>
    %swap3A_2180 = vector.shape_cast %get3A_2173 : vector<128x50x128xf32> to vector<1x128x50x128xf32>
    tpu.vector_store %arg5[%swap3A_2174, %swap3A_2175, %swap3A_2176, %swap3A_2177], %swap3A_2180 {strides = array<i32>} : memref<4x128x51x128xf32, #tpu.memory_space<vmem>>, vector<1x128x50x128xf32>,
    %dma_start3A_2181 = arith.constant 1 : i32
    %dma_start3A_2182 = arith.constant 1 : i32
    %dma_start3A_2183 = tpu.memref_slice %arg8[%dma_start3A_2182] : memref<4x!tpu.dma_semaphore, #tpu.memory_space<semaphore_mem>> -> memref<1x!tpu.dma_semaphore, #tpu.memory_space<semaphore_mem>>
    %dma_start3A_2184 = tpu.memref_squeeze %dma_start3A_2183 : memref<1x!tpu.dma_semaphore, #tpu.memory_space<semaphore_mem>> -> memref<!tpu.dma_semaphore, #tpu.memory_space<semaphore_mem>>
    %dma_start3A_2185 = arith.constant 2688 : i32
    %dma_start3A_2186 = arith.constant 0 : i32
    %dma_start3A_2187 = arith.constant 0 : i32
    %dma_start3A_2188 = tpu.memref_slice %arg2[%dma_start3A_2185, %dma_start3A_2186, %dma_start3A_2187] : memref<4096x51x128xf32, #tpu.memory_space<any>> -> memref<128x51x128xf32, #tpu.memory_space<any>>
    %dma_start3A_2189 = arith.constant 0 : i32
    %dma_start3A_2190 = arith.constant 0 : i32
    %dma_start3A_2191 = arith.constant 0 : i32
    %dma_start3A_2192 = tpu.memref_slice %arg5[%dma_start3A_2181, %dma_start3A_2189, %dma_start3A_2190, %dma_start3A_2191] : memref<4x128x51x128xf32, #tpu.memory_space<vmem>> -> memref<1x128x51x128xf32, #tpu.memory_space<vmem>>
    %dma_start3A_2193 = tpu.memref_squeeze %dma_start3A_2192 : memref<1x128x51x128xf32, #tpu.memory_space<vmem>> -> memref<128x51x128xf32, #tpu.memory_space<vmem>>
    tpu.enqueue_dma source(%dma_start3A_2193 : memref<128x51x128xf32, #tpu.memory_space<vmem>>) target(%dma_start3A_2188 : memref<128x51x128xf32, #tpu.memory_space<any>>) target_semaphore(%dma_start3A_2184 : memref<!tpu.dma_semaphore, #tpu.memory_space<semaphore_mem>>)
    %dma_start3A_2194 = arith.constant 1 : i32
    %dma_start3A_2195 = arith.constant 1 : i32
    %dma_start3A_2196 = tpu.memref_slice %arg6[%dma_start3A_2195] : memref<4x!tpu.dma_semaphore, #tpu.memory_space<semaphore_mem>> -> memref<1x!tpu.dma_semaphore, #tpu.memory_space<semaphore_mem>>
    %dma_start3A_2197 = tpu.memref_squeeze %dma_start3A_2196 : memref<1x!tpu.dma_semaphore, #tpu.memory_space<semaphore_mem>> -> memref<!tpu.dma_semaphore, #tpu.memory_space<semaphore_mem>>
    %dma_start3A_2198 = arith.constant 0 : i32
    %dma_start3A_2199 = arith.constant 0 : i32
    %dma_start3A_2200 = arith.constant 0 : i32
    %dma_start3A_2201 = tpu.memref_slice %arg3[%dma_start3A_2194, %dma_start3A_2198, %dma_start3A_2199, %dma_start3A_2200] : memref<4x128x50x128xf32, #tpu.memory_space<vmem>> -> memref<1x128x50x128xf32, #tpu.memory_space<vmem>>
    %dma_start3A_2202 = tpu.memref_squeeze %dma_start3A_2201 : memref<1x128x50x128xf32, #tpu.memory_space<vmem>> -> memref<128x50x128xf32, #tpu.memory_space<vmem>>
    %dma_start3A_2203 = arith.constant 3200 : i32
    %dma_start3A_2204 = arith.constant 0 : i32
    %dma_start3A_2205 = arith.constant 0 : i32
    %dma_start3A_2206 = tpu.memref_slice %arg1[%dma_start3A_2203, %dma_start3A_2204, %dma_start3A_2205] : memref<4096x50x128xf32, #tpu.memory_space<any>> -> memref<128x50x128xf32, #tpu.memory_space<any>>
    tpu.enqueue_dma source(%dma_start3A_2206 : memref<128x50x128xf32, #tpu.memory_space<any>>) target(%dma_start3A_2202 : memref<128x50x128xf32, #tpu.memory_space<vmem>>) target_semaphore(%dma_start3A_2197 : memref<!tpu.dma_semaphore, #tpu.memory_space<semaphore_mem>>)
    %dma_start3A_2207 = arith.constant 1 : i32
    %dma_start3A_2208 = arith.constant 1 : i32
    %dma_start3A_2209 = tpu.memref_slice %arg7[%dma_start3A_2208] : memref<4x!tpu.dma_semaphore, #tpu.memory_space<semaphore_mem>> -> memref<1x!tpu.dma_semaphore, #tpu.memory_space<semaphore_mem>>
    %dma_start3A_2210 = tpu.memref_squeeze %dma_start3A_2209 : memref<1x!tpu.dma_semaphore, #tpu.memory_space<semaphore_mem>> -> memref<!tpu.dma_semaphore, #tpu.memory_space<semaphore_mem>>
    %dma_start3A_2211 = arith.constant 0 : i32
    %dma_start3A_2212 = arith.constant 0 : i32
    %dma_start3A_2213 = tpu.memref_slice %arg4[%dma_start3A_2207, %dma_start3A_2211, %dma_start3A_2212] : memref<4x128x128xf32, #tpu.memory_space<vmem>> -> memref<1x128x128xf32, #tpu.memory_space<vmem>>
    %dma_start3A_2214 = tpu.memref_squeeze %dma_start3A_2213 : memref<1x128x128xf32, #tpu.memory_space<vmem>> -> memref<128x128xf32, #tpu.memory_space<vmem>>
    %dma_start3A_2215 = arith.constant 3200 : i32
    %dma_start3A_2216 = arith.constant 0 : i32
    %dma_start3A_2217 = tpu.memref_slice %arg0[%dma_start3A_2215, %dma_start3A_2216] : memref<4096x128xf32, #tpu.memory_space<any>> -> memref<128x128xf32, #tpu.memory_space<any>>
    tpu.enqueue_dma source(%dma_start3A_2217 : memref<128x128xf32, #tpu.memory_space<any>>) target(%dma_start3A_2214 : memref<128x128xf32, #tpu.memory_space<vmem>>) target_semaphore(%dma_start3A_2210 : memref<!tpu.dma_semaphore, #tpu.memory_space<semaphore_mem>>)
    %dma_wait3A_2218 = arith.constant 2 : i32
    %dma_wait3A_2219 = arith.constant 2 : i32
    %dma_wait3A_2220 = tpu.memref_slice %arg6[%dma_wait3A_2219] : memref<4x!tpu.dma_semaphore, #tpu.memory_space<semaphore_mem>> -> memref<1x!tpu.dma_semaphore, #tpu.memory_space<semaphore_mem>>
    %dma_wait3A_2221 = tpu.memref_squeeze %dma_wait3A_2220 : memref<1x!tpu.dma_semaphore, #tpu.memory_space<semaphore_mem>> -> memref<!tpu.dma_semaphore, #tpu.memory_space<semaphore_mem>>
    %dma_wait3A_2222 = arith.constant 0 : i32
    %dma_wait3A_2223 = arith.constant 0 : i32
    %dma_wait3A_2224 = arith.constant 0 : i32
    %dma_wait3A_2225 = tpu.memref_slice %arg3[%dma_wait3A_2218, %dma_wait3A_2222, %dma_wait3A_2223, %dma_wait3A_2224] : memref<4x128x50x128xf32, #tpu.memory_space<vmem>> -> memref<1x128x50x128xf32, #tpu.memory_space<vmem>>
    %dma_wait3A_2226 = tpu.memref_squeeze %dma_wait3A_2225 : memref<1x128x50x128xf32, #tpu.memory_space<vmem>> -> memref<128x50x128xf32, #tpu.memory_space<vmem>>
    %dma_wait3A_2227 = arith.constant 2816 : i32
    %dma_wait3A_2228 = arith.constant 0 : i32
    %dma_wait3A_2229 = arith.constant 0 : i32
    %dma_wait3A_2230 = tpu.memref_slice %arg1[%dma_wait3A_2227, %dma_wait3A_2228, %dma_wait3A_2229] : memref<4096x50x128xf32, #tpu.memory_space<any>> -> memref<128x50x128xf32, #tpu.memory_space<any>>
    tpu.wait_dma2 semaphore(%dma_wait3A_2221 : memref<!tpu.dma_semaphore, #tpu.memory_space<semaphore_mem>>) src(%dma_wait3A_2230 : memref<128x50x128xf32, #tpu.memory_space<any>>) dst(%dma_wait3A_2226 : memref<128x50x128xf32, #tpu.memory_space<vmem>>)
    %dma_wait3A_2231 = arith.constant 2 : i32
    %dma_wait3A_2232 = arith.constant 2 : i32
    %dma_wait3A_2233 = tpu.memref_slice %arg7[%dma_wait3A_2232] : memref<4x!tpu.dma_semaphore, #tpu.memory_space<semaphore_mem>> -> memref<1x!tpu.dma_semaphore, #tpu.memory_space<semaphore_mem>>
    %dma_wait3A_2234 = tpu.memref_squeeze %dma_wait3A_2233 : memref<1x!tpu.dma_semaphore, #tpu.memory_space<semaphore_mem>> -> memref<!tpu.dma_semaphore, #tpu.memory_space<semaphore_mem>>
    %dma_wait3A_2235 = arith.constant 0 : i32
    %dma_wait3A_2236 = arith.constant 0 : i32
    %dma_wait3A_2237 = tpu.memref_slice %arg4[%dma_wait3A_2231, %dma_wait3A_2235, %dma_wait3A_2236] : memref<4x128x128xf32, #tpu.memory_space<vmem>> -> memref<1x128x128xf32, #tpu.memory_space<vmem>>
    %dma_wait3A_2238 = tpu.memref_squeeze %dma_wait3A_2237 : memref<1x128x128xf32, #tpu.memory_space<vmem>> -> memref<128x128xf32, #tpu.memory_space<vmem>>
    %dma_wait3A_2239 = arith.constant 2816 : i32
    %dma_wait3A_2240 = arith.constant 0 : i32
    %dma_wait3A_2241 = tpu.memref_slice %arg0[%dma_wait3A_2239, %dma_wait3A_2240] : memref<4096x128xf32, #tpu.memory_space<any>> -> memref<128x128xf32, #tpu.memory_space<any>>
    tpu.wait_dma2 semaphore(%dma_wait3A_2234 : memref<!tpu.dma_semaphore, #tpu.memory_space<semaphore_mem>>) src(%dma_wait3A_2241 : memref<128x128xf32, #tpu.memory_space<any>>) dst(%dma_wait3A_2238 : memref<128x128xf32, #tpu.memory_space<vmem>>)
    %dma_wait3A_2242 = arith.constant 2 : i32
    %dma_wait3A_2243 = arith.constant 2 : i32
    %dma_wait3A_2244 = tpu.memref_slice %arg8[%dma_wait3A_2243] : memref<4x!tpu.dma_semaphore, #tpu.memory_space<semaphore_mem>> -> memref<1x!tpu.dma_semaphore, #tpu.memory_space<semaphore_mem>>
    %dma_wait3A_2245 = tpu.memref_squeeze %dma_wait3A_2244 : memref<1x!tpu.dma_semaphore, #tpu.memory_space<semaphore_mem>> -> memref<!tpu.dma_semaphore, #tpu.memory_space<semaphore_mem>>
    %dma_wait3A_2246 = arith.constant 2304 : i32
    %dma_wait3A_2247 = arith.constant 0 : i32
    %dma_wait3A_2248 = arith.constant 0 : i32
    %dma_wait3A_2249 = tpu.memref_slice %arg2[%dma_wait3A_2246, %dma_wait3A_2247, %dma_wait3A_2248] : memref<4096x51x128xf32, #tpu.memory_space<any>> -> memref<128x51x128xf32, #tpu.memory_space<any>>
    %dma_wait3A_2250 = arith.constant 0 : i32
    %dma_wait3A_2251 = arith.constant 0 : i32
    %dma_wait3A_2252 = arith.constant 0 : i32
    %dma_wait3A_2253 = tpu.memref_slice %arg5[%dma_wait3A_2242, %dma_wait3A_2250, %dma_wait3A_2251, %dma_wait3A_2252] : memref<4x128x51x128xf32, #tpu.memory_space<vmem>> -> memref<1x128x51x128xf32, #tpu.memory_space<vmem>>
    %dma_wait3A_2254 = tpu.memref_squeeze %dma_wait3A_2253 : memref<1x128x51x128xf32, #tpu.memory_space<vmem>> -> memref<128x51x128xf32, #tpu.memory_space<vmem>>
    tpu.wait_dma2 semaphore(%dma_wait3A_2245 : memref<!tpu.dma_semaphore, #tpu.memory_space<semaphore_mem>>) src(%dma_wait3A_2254 : memref<128x51x128xf32, #tpu.memory_space<vmem>>) dst(%dma_wait3A_2249 : memref<128x51x128xf32, #tpu.memory_space<any>>)
    %get3A_2255 = arith.constant 2 : index
    %get3A_2256 = arith.constant 0 : index
    %get3A_2257 = arith.constant 0 : index
    %get3A_2258 = vector.load %arg4[%get3A_2255, %get3A_2256, %get3A_2257] : memref<4x128x128xf32, #tpu.memory_space<vmem>>, vector<1x128x128xf32>
    %get3A_2259 = vector.shape_cast %get3A_2258 : vector<1x128x128xf32> to vector<128x128xf32>
    %swap3A_2260 = arith.constant 2 : index
    %swap3A_2261 = arith.constant 0 : index
    %swap3A_2262 = arith.constant 0 : index
    %swap3A_2263 = arith.constant 0 : index
    %swap3A_2264 = vector.load %arg5[%swap3A_2260, %swap3A_2261, %swap3A_2262, %swap3A_2263] : memref<4x128x51x128xf32, #tpu.memory_space<vmem>>, vector<1x128x1x128xf32>
    %swap3A_2265 = vector.shape_cast %swap3A_2264 : vector<1x128x1x128xf32> to vector<128x128xf32>
    %swap3A_2266 = vector.shape_cast %get3A_2259 : vector<128x128xf32> to vector<1x128x1x128xf32>
    tpu.vector_store %arg5[%swap3A_2260, %swap3A_2261, %swap3A_2262, %swap3A_2263], %swap3A_2266 {strides = array<i32>} : memref<4x128x51x128xf32, #tpu.memory_space<vmem>>, vector<1x128x1x128xf32>,
    %get3A_2267 = arith.constant 2 : index
    %get3A_2268 = arith.constant 0 : index
    %get3A_2269 = arith.constant 0 : index
    %get3A_2270 = arith.constant 0 : index
    %get3A_2271 = vector.load %arg3[%get3A_2267, %get3A_2268, %get3A_2269, %get3A_2270] : memref<4x128x50x128xf32, #tpu.memory_space<vmem>>, vector<1x128x50x128xf32>
    %get3A_2272 = vector.shape_cast %get3A_2271 : vector<1x128x50x128xf32> to vector<128x50x128xf32>
    %swap3A_2273 = arith.constant 2 : index
    %swap3A_2274 = arith.constant 0 : index
    %swap3A_2275 = arith.constant 1 : index
    %swap3A_2276 = arith.constant 0 : index
    %swap3A_2277 = vector.load %arg5[%swap3A_2273, %swap3A_2274, %swap3A_2275, %swap3A_2276] : memref<4x128x51x128xf32, #tpu.memory_space<vmem>>, vector<1x128x50x128xf32>
    %swap3A_2278 = vector.shape_cast %swap3A_2277 : vector<1x128x50x128xf32> to vector<128x50x128xf32>
    %swap3A_2279 = vector.shape_cast %get3A_2272 : vector<128x50x128xf32> to vector<1x128x50x128xf32>
    tpu.vector_store %arg5[%swap3A_2273, %swap3A_2274, %swap3A_2275, %swap3A_2276], %swap3A_2279 {strides = array<i32>} : memref<4x128x51x128xf32, #tpu.memory_space<vmem>>, vector<1x128x50x128xf32>,
    %dma_start3A_2280 = arith.constant 2 : i32
    %dma_start3A_2281 = arith.constant 2 : i32
    %dma_start3A_2282 = tpu.memref_slice %arg8[%dma_start3A_2281] : memref<4x!tpu.dma_semaphore, #tpu.memory_space<semaphore_mem>> -> memref<1x!tpu.dma_semaphore, #tpu.memory_space<semaphore_mem>>
    %dma_start3A_2283 = tpu.memref_squeeze %dma_start3A_2282 : memref<1x!tpu.dma_semaphore, #tpu.memory_space<semaphore_mem>> -> memref<!tpu.dma_semaphore, #tpu.memory_space<semaphore_mem>>
    %dma_start3A_2284 = arith.constant 2816 : i32
    %dma_start3A_2285 = arith.constant 0 : i32
    %dma_start3A_2286 = arith.constant 0 : i32
    %dma_start3A_2287 = tpu.memref_slice %arg2[%dma_start3A_2284, %dma_start3A_2285, %dma_start3A_2286] : memref<4096x51x128xf32, #tpu.memory_space<any>> -> memref<128x51x128xf32, #tpu.memory_space<any>>
    %dma_start3A_2288 = arith.constant 0 : i32
    %dma_start3A_2289 = arith.constant 0 : i32
    %dma_start3A_2290 = arith.constant 0 : i32
    %dma_start3A_2291 = tpu.memref_slice %arg5[%dma_start3A_2280, %dma_start3A_2288, %dma_start3A_2289, %dma_start3A_2290] : memref<4x128x51x128xf32, #tpu.memory_space<vmem>> -> memref<1x128x51x128xf32, #tpu.memory_space<vmem>>
    %dma_start3A_2292 = tpu.memref_squeeze %dma_start3A_2291 : memref<1x128x51x128xf32, #tpu.memory_space<vmem>> -> memref<128x51x128xf32, #tpu.memory_space<vmem>>
    tpu.enqueue_dma source(%dma_start3A_2292 : memref<128x51x128xf32, #tpu.memory_space<vmem>>) target(%dma_start3A_2287 : memref<128x51x128xf32, #tpu.memory_space<any>>) target_semaphore(%dma_start3A_2283 : memref<!tpu.dma_semaphore, #tpu.memory_space<semaphore_mem>>)
    %dma_start3A_2293 = arith.constant 2 : i32
    %dma_start3A_2294 = arith.constant 2 : i32
    %dma_start3A_2295 = tpu.memref_slice %arg6[%dma_start3A_2294] : memref<4x!tpu.dma_semaphore, #tpu.memory_space<semaphore_mem>> -> memref<1x!tpu.dma_semaphore, #tpu.memory_space<semaphore_mem>>
    %dma_start3A_2296 = tpu.memref_squeeze %dma_start3A_2295 : memref<1x!tpu.dma_semaphore, #tpu.memory_space<semaphore_mem>> -> memref<!tpu.dma_semaphore, #tpu.memory_space<semaphore_mem>>
    %dma_start3A_2297 = arith.constant 0 : i32
    %dma_start3A_2298 = arith.constant 0 : i32
    %dma_start3A_2299 = arith.constant 0 : i32
    %dma_start3A_2300 = tpu.memref_slice %arg3[%dma_start3A_2293, %dma_start3A_2297, %dma_start3A_2298, %dma_start3A_2299] : memref<4x128x50x128xf32, #tpu.memory_space<vmem>> -> memref<1x128x50x128xf32, #tpu.memory_space<vmem>>
    %dma_start3A_2301 = tpu.memref_squeeze %dma_start3A_2300 : memref<1x128x50x128xf32, #tpu.memory_space<vmem>> -> memref<128x50x128xf32, #tpu.memory_space<vmem>>
    %dma_start3A_2302 = arith.constant 3328 : i32
    %dma_start3A_2303 = arith.constant 0 : i32
    %dma_start3A_2304 = arith.constant 0 : i32
    %dma_start3A_2305 = tpu.memref_slice %arg1[%dma_start3A_2302, %dma_start3A_2303, %dma_start3A_2304] : memref<4096x50x128xf32, #tpu.memory_space<any>> -> memref<128x50x128xf32, #tpu.memory_space<any>>
    tpu.enqueue_dma source(%dma_start3A_2305 : memref<128x50x128xf32, #tpu.memory_space<any>>) target(%dma_start3A_2301 : memref<128x50x128xf32, #tpu.memory_space<vmem>>) target_semaphore(%dma_start3A_2296 : memref<!tpu.dma_semaphore, #tpu.memory_space<semaphore_mem>>)
    %dma_start3A_2306 = arith.constant 2 : i32
    %dma_start3A_2307 = arith.constant 2 : i32
    %dma_start3A_2308 = tpu.memref_slice %arg7[%dma_start3A_2307] : memref<4x!tpu.dma_semaphore, #tpu.memory_space<semaphore_mem>> -> memref<1x!tpu.dma_semaphore, #tpu.memory_space<semaphore_mem>>
    %dma_start3A_2309 = tpu.memref_squeeze %dma_start3A_2308 : memref<1x!tpu.dma_semaphore, #tpu.memory_space<semaphore_mem>> -> memref<!tpu.dma_semaphore, #tpu.memory_space<semaphore_mem>>
    %dma_start3A_2310 = arith.constant 0 : i32
    %dma_start3A_2311 = arith.constant 0 : i32
    %dma_start3A_2312 = tpu.memref_slice %arg4[%dma_start3A_2306, %dma_start3A_2310, %dma_start3A_2311] : memref<4x128x128xf32, #tpu.memory_space<vmem>> -> memref<1x128x128xf32, #tpu.memory_space<vmem>>
    %dma_start3A_2313 = tpu.memref_squeeze %dma_start3A_2312 : memref<1x128x128xf32, #tpu.memory_space<vmem>> -> memref<128x128xf32, #tpu.memory_space<vmem>>
    %dma_start3A_2314 = arith.constant 3328 : i32
    %dma_start3A_2315 = arith.constant 0 : i32
    %dma_start3A_2316 = tpu.memref_slice %arg0[%dma_start3A_2314, %dma_start3A_2315] : memref<4096x128xf32, #tpu.memory_space<any>> -> memref<128x128xf32, #tpu.memory_space<any>>
    tpu.enqueue_dma source(%dma_start3A_2316 : memref<128x128xf32, #tpu.memory_space<any>>) target(%dma_start3A_2313 : memref<128x128xf32, #tpu.memory_space<vmem>>) target_semaphore(%dma_start3A_2309 : memref<!tpu.dma_semaphore, #tpu.memory_space<semaphore_mem>>)
    %dma_wait3A_2317 = arith.constant 3 : i32
    %dma_wait3A_2318 = arith.constant 3 : i32
    %dma_wait3A_2319 = tpu.memref_slice %arg6[%dma_wait3A_2318] : memref<4x!tpu.dma_semaphore, #tpu.memory_space<semaphore_mem>> -> memref<1x!tpu.dma_semaphore, #tpu.memory_space<semaphore_mem>>
    %dma_wait3A_2320 = tpu.memref_squeeze %dma_wait3A_2319 : memref<1x!tpu.dma_semaphore, #tpu.memory_space<semaphore_mem>> -> memref<!tpu.dma_semaphore, #tpu.memory_space<semaphore_mem>>
    %dma_wait3A_2321 = arith.constant 0 : i32
    %dma_wait3A_2322 = arith.constant 0 : i32
    %dma_wait3A_2323 = arith.constant 0 : i32
    %dma_wait3A_2324 = tpu.memref_slice %arg3[%dma_wait3A_2317, %dma_wait3A_2321, %dma_wait3A_2322, %dma_wait3A_2323] : memref<4x128x50x128xf32, #tpu.memory_space<vmem>> -> memref<1x128x50x128xf32, #tpu.memory_space<vmem>>
    %dma_wait3A_2325 = tpu.memref_squeeze %dma_wait3A_2324 : memref<1x128x50x128xf32, #tpu.memory_space<vmem>> -> memref<128x50x128xf32, #tpu.memory_space<vmem>>
    %dma_wait3A_2326 = arith.constant 2944 : i32
    %dma_wait3A_2327 = arith.constant 0 : i32
    %dma_wait3A_2328 = arith.constant 0 : i32
    %dma_wait3A_2329 = tpu.memref_slice %arg1[%dma_wait3A_2326, %dma_wait3A_2327, %dma_wait3A_2328] : memref<4096x50x128xf32, #tpu.memory_space<any>> -> memref<128x50x128xf32, #tpu.memory_space<any>>
    tpu.wait_dma2 semaphore(%dma_wait3A_2320 : memref<!tpu.dma_semaphore, #tpu.memory_space<semaphore_mem>>) src(%dma_wait3A_2329 : memref<128x50x128xf32, #tpu.memory_space<any>>) dst(%dma_wait3A_2325 : memref<128x50x128xf32, #tpu.memory_space<vmem>>)
    %dma_wait3A_2330 = arith.constant 3 : i32
    %dma_wait3A_2331 = arith.constant 3 : i32
    %dma_wait3A_2332 = tpu.memref_slice %arg7[%dma_wait3A_2331] : memref<4x!tpu.dma_semaphore, #tpu.memory_space<semaphore_mem>> -> memref<1x!tpu.dma_semaphore, #tpu.memory_space<semaphore_mem>>
    %dma_wait3A_2333 = tpu.memref_squeeze %dma_wait3A_2332 : memref<1x!tpu.dma_semaphore, #tpu.memory_space<semaphore_mem>> -> memref<!tpu.dma_semaphore, #tpu.memory_space<semaphore_mem>>
    %dma_wait3A_2334 = arith.constant 0 : i32
    %dma_wait3A_2335 = arith.constant 0 : i32
    %dma_wait3A_2336 = tpu.memref_slice %arg4[%dma_wait3A_2330, %dma_wait3A_2334, %dma_wait3A_2335] : memref<4x128x128xf32, #tpu.memory_space<vmem>> -> memref<1x128x128xf32, #tpu.memory_space<vmem>>
    %dma_wait3A_2337 = tpu.memref_squeeze %dma_wait3A_2336 : memref<1x128x128xf32, #tpu.memory_space<vmem>> -> memref<128x128xf32, #tpu.memory_space<vmem>>
    %dma_wait3A_2338 = arith.constant 2944 : i32
    %dma_wait3A_2339 = arith.constant 0 : i32
    %dma_wait3A_2340 = tpu.memref_slice %arg0[%dma_wait3A_2338, %dma_wait3A_2339] : memref<4096x128xf32, #tpu.memory_space<any>> -> memref<128x128xf32, #tpu.memory_space<any>>
    tpu.wait_dma2 semaphore(%dma_wait3A_2333 : memref<!tpu.dma_semaphore, #tpu.memory_space<semaphore_mem>>) src(%dma_wait3A_2340 : memref<128x128xf32, #tpu.memory_space<any>>) dst(%dma_wait3A_2337 : memref<128x128xf32, #tpu.memory_space<vmem>>)
    %dma_wait3A_2341 = arith.constant 3 : i32
    %dma_wait3A_2342 = arith.constant 3 : i32
    %dma_wait3A_2343 = tpu.memref_slice %arg8[%dma_wait3A_2342] : memref<4x!tpu.dma_semaphore, #tpu.memory_space<semaphore_mem>> -> memref<1x!tpu.dma_semaphore, #tpu.memory_space<semaphore_mem>>
    %dma_wait3A_2344 = tpu.memref_squeeze %dma_wait3A_2343 : memref<1x!tpu.dma_semaphore, #tpu.memory_space<semaphore_mem>> -> memref<!tpu.dma_semaphore, #tpu.memory_space<semaphore_mem>>
    %dma_wait3A_2345 = arith.constant 2432 : i32
    %dma_wait3A_2346 = arith.constant 0 : i32
    %dma_wait3A_2347 = arith.constant 0 : i32
    %dma_wait3A_2348 = tpu.memref_slice %arg2[%dma_wait3A_2345, %dma_wait3A_2346, %dma_wait3A_2347] : memref<4096x51x128xf32, #tpu.memory_space<any>> -> memref<128x51x128xf32, #tpu.memory_space<any>>
    %dma_wait3A_2349 = arith.constant 0 : i32
    %dma_wait3A_2350 = arith.constant 0 : i32
    %dma_wait3A_2351 = arith.constant 0 : i32
    %dma_wait3A_2352 = tpu.memref_slice %arg5[%dma_wait3A_2341, %dma_wait3A_2349, %dma_wait3A_2350, %dma_wait3A_2351] : memref<4x128x51x128xf32, #tpu.memory_space<vmem>> -> memref<1x128x51x128xf32, #tpu.memory_space<vmem>>
    %dma_wait3A_2353 = tpu.memref_squeeze %dma_wait3A_2352 : memref<1x128x51x128xf32, #tpu.memory_space<vmem>> -> memref<128x51x128xf32, #tpu.memory_space<vmem>>
    tpu.wait_dma2 semaphore(%dma_wait3A_2344 : memref<!tpu.dma_semaphore, #tpu.memory_space<semaphore_mem>>) src(%dma_wait3A_2353 : memref<128x51x128xf32, #tpu.memory_space<vmem>>) dst(%dma_wait3A_2348 : memref<128x51x128xf32, #tpu.memory_space<any>>)
    %get3A_2354 = arith.constant 3 : index
    %get3A_2355 = arith.constant 0 : index
    %get3A_2356 = arith.constant 0 : index
    %get3A_2357 = vector.load %arg4[%get3A_2354, %get3A_2355, %get3A_2356] : memref<4x128x128xf32, #tpu.memory_space<vmem>>, vector<1x128x128xf32>
    %get3A_2358 = vector.shape_cast %get3A_2357 : vector<1x128x128xf32> to vector<128x128xf32>
    %swap3A_2359 = arith.constant 3 : index
    %swap3A_2360 = arith.constant 0 : index
    %swap3A_2361 = arith.constant 0 : index
    %swap3A_2362 = arith.constant 0 : index
    %swap3A_2363 = vector.load %arg5[%swap3A_2359, %swap3A_2360, %swap3A_2361, %swap3A_2362] : memref<4x128x51x128xf32, #tpu.memory_space<vmem>>, vector<1x128x1x128xf32>
    %swap3A_2364 = vector.shape_cast %swap3A_2363 : vector<1x128x1x128xf32> to vector<128x128xf32>
    %swap3A_2365 = vector.shape_cast %get3A_2358 : vector<128x128xf32> to vector<1x128x1x128xf32>
    tpu.vector_store %arg5[%swap3A_2359, %swap3A_2360, %swap3A_2361, %swap3A_2362], %swap3A_2365 {strides = array<i32>} : memref<4x128x51x128xf32, #tpu.memory_space<vmem>>, vector<1x128x1x128xf32>,
    %get3A_2366 = arith.constant 3 : index
    %get3A_2367 = arith.constant 0 : index
    %get3A_2368 = arith.constant 0 : index
    %get3A_2369 = arith.constant 0 : index
    %get3A_2370 = vector.load %arg3[%get3A_2366, %get3A_2367, %get3A_2368, %get3A_2369] : memref<4x128x50x128xf32, #tpu.memory_space<vmem>>, vector<1x128x50x128xf32>
    %get3A_2371 = vector.shape_cast %get3A_2370 : vector<1x128x50x128xf32> to vector<128x50x128xf32>
    %swap3A_2372 = arith.constant 3 : index
    %swap3A_2373 = arith.constant 0 : index
    %swap3A_2374 = arith.constant 1 : index
    %swap3A_2375 = arith.constant 0 : index
    %swap3A_2376 = vector.load %arg5[%swap3A_2372, %swap3A_2373, %swap3A_2374, %swap3A_2375] : memref<4x128x51x128xf32, #tpu.memory_space<vmem>>, vector<1x128x50x128xf32>
    %swap3A_2377 = vector.shape_cast %swap3A_2376 : vector<1x128x50x128xf32> to vector<128x50x128xf32>
    %swap3A_2378 = vector.shape_cast %get3A_2371 : vector<128x50x128xf32> to vector<1x128x50x128xf32>
    tpu.vector_store %arg5[%swap3A_2372, %swap3A_2373, %swap3A_2374, %swap3A_2375], %swap3A_2378 {strides = array<i32>} : memref<4x128x51x128xf32, #tpu.memory_space<vmem>>, vector<1x128x50x128xf32>,
    %dma_start3A_2379 = arith.constant 3 : i32
    %dma_start3A_2380 = arith.constant 3 : i32
    %dma_start3A_2381 = tpu.memref_slice %arg8[%dma_start3A_2380] : memref<4x!tpu.dma_semaphore, #tpu.memory_space<semaphore_mem>> -> memref<1x!tpu.dma_semaphore, #tpu.memory_space<semaphore_mem>>
    %dma_start3A_2382 = tpu.memref_squeeze %dma_start3A_2381 : memref<1x!tpu.dma_semaphore, #tpu.memory_space<semaphore_mem>> -> memref<!tpu.dma_semaphore, #tpu.memory_space<semaphore_mem>>
    %dma_start3A_2383 = arith.constant 2944 : i32
    %dma_start3A_2384 = arith.constant 0 : i32
    %dma_start3A_2385 = arith.constant 0 : i32
    %dma_start3A_2386 = tpu.memref_slice %arg2[%dma_start3A_2383, %dma_start3A_2384, %dma_start3A_2385] : memref<4096x51x128xf32, #tpu.memory_space<any>> -> memref<128x51x128xf32, #tpu.memory_space<any>>
    %dma_start3A_2387 = arith.constant 0 : i32
    %dma_start3A_2388 = arith.constant 0 : i32
    %dma_start3A_2389 = arith.constant 0 : i32
    %dma_start3A_2390 = tpu.memref_slice %arg5[%dma_start3A_2379, %dma_start3A_2387, %dma_start3A_2388, %dma_start3A_2389] : memref<4x128x51x128xf32, #tpu.memory_space<vmem>> -> memref<1x128x51x128xf32, #tpu.memory_space<vmem>>
    %dma_start3A_2391 = tpu.memref_squeeze %dma_start3A_2390 : memref<1x128x51x128xf32, #tpu.memory_space<vmem>> -> memref<128x51x128xf32, #tpu.memory_space<vmem>>
    tpu.enqueue_dma source(%dma_start3A_2391 : memref<128x51x128xf32, #tpu.memory_space<vmem>>) target(%dma_start3A_2386 : memref<128x51x128xf32, #tpu.memory_space<any>>) target_semaphore(%dma_start3A_2382 : memref<!tpu.dma_semaphore, #tpu.memory_space<semaphore_mem>>)
    %dma_start3A_2392 = arith.constant 3 : i32
    %dma_start3A_2393 = arith.constant 3 : i32
    %dma_start3A_2394 = tpu.memref_slice %arg6[%dma_start3A_2393] : memref<4x!tpu.dma_semaphore, #tpu.memory_space<semaphore_mem>> -> memref<1x!tpu.dma_semaphore, #tpu.memory_space<semaphore_mem>>
    %dma_start3A_2395 = tpu.memref_squeeze %dma_start3A_2394 : memref<1x!tpu.dma_semaphore, #tpu.memory_space<semaphore_mem>> -> memref<!tpu.dma_semaphore, #tpu.memory_space<semaphore_mem>>
    %dma_start3A_2396 = arith.constant 0 : i32
    %dma_start3A_2397 = arith.constant 0 : i32
    %dma_start3A_2398 = arith.constant 0 : i32
    %dma_start3A_2399 = tpu.memref_slice %arg3[%dma_start3A_2392, %dma_start3A_2396, %dma_start3A_2397, %dma_start3A_2398] : memref<4x128x50x128xf32, #tpu.memory_space<vmem>> -> memref<1x128x50x128xf32, #tpu.memory_space<vmem>>
    %dma_start3A_2400 = tpu.memref_squeeze %dma_start3A_2399 : memref<1x128x50x128xf32, #tpu.memory_space<vmem>> -> memref<128x50x128xf32, #tpu.memory_space<vmem>>
    %dma_start3A_2401 = arith.constant 3456 : i32
    %dma_start3A_2402 = arith.constant 0 : i32
    %dma_start3A_2403 = arith.constant 0 : i32
    %dma_start3A_2404 = tpu.memref_slice %arg1[%dma_start3A_2401, %dma_start3A_2402, %dma_start3A_2403] : memref<4096x50x128xf32, #tpu.memory_space<any>> -> memref<128x50x128xf32, #tpu.memory_space<any>>
    tpu.enqueue_dma source(%dma_start3A_2404 : memref<128x50x128xf32, #tpu.memory_space<any>>) target(%dma_start3A_2400 : memref<128x50x128xf32, #tpu.memory_space<vmem>>) target_semaphore(%dma_start3A_2395 : memref<!tpu.dma_semaphore, #tpu.memory_space<semaphore_mem>>)
    %dma_start3A_2405 = arith.constant 3 : i32
    %dma_start3A_2406 = arith.constant 3 : i32
    %dma_start3A_2407 = tpu.memref_slice %arg7[%dma_start3A_2406] : memref<4x!tpu.dma_semaphore, #tpu.memory_space<semaphore_mem>> -> memref<1x!tpu.dma_semaphore, #tpu.memory_space<semaphore_mem>>
    %dma_start3A_2408 = tpu.memref_squeeze %dma_start3A_2407 : memref<1x!tpu.dma_semaphore, #tpu.memory_space<semaphore_mem>> -> memref<!tpu.dma_semaphore, #tpu.memory_space<semaphore_mem>>
    %dma_start3A_2409 = arith.constant 0 : i32
    %dma_start3A_2410 = arith.constant 0 : i32
    %dma_start3A_2411 = tpu.memref_slice %arg4[%dma_start3A_2405, %dma_start3A_2409, %dma_start3A_2410] : memref<4x128x128xf32, #tpu.memory_space<vmem>> -> memref<1x128x128xf32, #tpu.memory_space<vmem>>
    %dma_start3A_2412 = tpu.memref_squeeze %dma_start3A_2411 : memref<1x128x128xf32, #tpu.memory_space<vmem>> -> memref<128x128xf32, #tpu.memory_space<vmem>>
    %dma_start3A_2413 = arith.constant 3456 : i32
    %dma_start3A_2414 = arith.constant 0 : i32
    %dma_start3A_2415 = tpu.memref_slice %arg0[%dma_start3A_2413, %dma_start3A_2414] : memref<4096x128xf32, #tpu.memory_space<any>> -> memref<128x128xf32, #tpu.memory_space<any>>
    tpu.enqueue_dma source(%dma_start3A_2415 : memref<128x128xf32, #tpu.memory_space<any>>) target(%dma_start3A_2412 : memref<128x128xf32, #tpu.memory_space<vmem>>) target_semaphore(%dma_start3A_2408 : memref<!tpu.dma_semaphore, #tpu.memory_space<semaphore_mem>>)
    %dma_wait3A_2416 = arith.constant 0 : i32
    %dma_wait3A_2417 = arith.constant 0 : i32
    %dma_wait3A_2418 = tpu.memref_slice %arg6[%dma_wait3A_2417] : memref<4x!tpu.dma_semaphore, #tpu.memory_space<semaphore_mem>> -> memref<1x!tpu.dma_semaphore, #tpu.memory_space<semaphore_mem>>
    %dma_wait3A_2419 = tpu.memref_squeeze %dma_wait3A_2418 : memref<1x!tpu.dma_semaphore, #tpu.memory_space<semaphore_mem>> -> memref<!tpu.dma_semaphore, #tpu.memory_space<semaphore_mem>>
    %dma_wait3A_2420 = arith.constant 0 : i32
    %dma_wait3A_2421 = arith.constant 0 : i32
    %dma_wait3A_2422 = arith.constant 0 : i32
    %dma_wait3A_2423 = tpu.memref_slice %arg3[%dma_wait3A_2416, %dma_wait3A_2420, %dma_wait3A_2421, %dma_wait3A_2422] : memref<4x128x50x128xf32, #tpu.memory_space<vmem>> -> memref<1x128x50x128xf32, #tpu.memory_space<vmem>>
    %dma_wait3A_2424 = tpu.memref_squeeze %dma_wait3A_2423 : memref<1x128x50x128xf32, #tpu.memory_space<vmem>> -> memref<128x50x128xf32, #tpu.memory_space<vmem>>
    %dma_wait3A_2425 = arith.constant 3072 : i32
    %dma_wait3A_2426 = arith.constant 0 : i32
    %dma_wait3A_2427 = arith.constant 0 : i32
    %dma_wait3A_2428 = tpu.memref_slice %arg1[%dma_wait3A_2425, %dma_wait3A_2426, %dma_wait3A_2427] : memref<4096x50x128xf32, #tpu.memory_space<any>> -> memref<128x50x128xf32, #tpu.memory_space<any>>
    tpu.wait_dma2 semaphore(%dma_wait3A_2419 : memref<!tpu.dma_semaphore, #tpu.memory_space<semaphore_mem>>) src(%dma_wait3A_2428 : memref<128x50x128xf32, #tpu.memory_space<any>>) dst(%dma_wait3A_2424 : memref<128x50x128xf32, #tpu.memory_space<vmem>>)
    %dma_wait3A_2429 = arith.constant 0 : i32
    %dma_wait3A_2430 = arith.constant 0 : i32
    %dma_wait3A_2431 = tpu.memref_slice %arg7[%dma_wait3A_2430] : memref<4x!tpu.dma_semaphore, #tpu.memory_space<semaphore_mem>> -> memref<1x!tpu.dma_semaphore, #tpu.memory_space<semaphore_mem>>
    %dma_wait3A_2432 = tpu.memref_squeeze %dma_wait3A_2431 : memref<1x!tpu.dma_semaphore, #tpu.memory_space<semaphore_mem>> -> memref<!tpu.dma_semaphore, #tpu.memory_space<semaphore_mem>>
    %dma_wait3A_2433 = arith.constant 0 : i32
    %dma_wait3A_2434 = arith.constant 0 : i32
    %dma_wait3A_2435 = tpu.memref_slice %arg4[%dma_wait3A_2429, %dma_wait3A_2433, %dma_wait3A_2434] : memref<4x128x128xf32, #tpu.memory_space<vmem>> -> memref<1x128x128xf32, #tpu.memory_space<vmem>>
    %dma_wait3A_2436 = tpu.memref_squeeze %dma_wait3A_2435 : memref<1x128x128xf32, #tpu.memory_space<vmem>> -> memref<128x128xf32, #tpu.memory_space<vmem>>
    %dma_wait3A_2437 = arith.constant 3072 : i32
    %dma_wait3A_2438 = arith.constant 0 : i32
    %dma_wait3A_2439 = tpu.memref_slice %arg0[%dma_wait3A_2437, %dma_wait3A_2438] : memref<4096x128xf32, #tpu.memory_space<any>> -> memref<128x128xf32, #tpu.memory_space<any>>
    tpu.wait_dma2 semaphore(%dma_wait3A_2432 : memref<!tpu.dma_semaphore, #tpu.memory_space<semaphore_mem>>) src(%dma_wait3A_2439 : memref<128x128xf32, #tpu.memory_space<any>>) dst(%dma_wait3A_2436 : memref<128x128xf32, #tpu.memory_space<vmem>>)
    %dma_wait3A_2440 = arith.constant 0 : i32
    %dma_wait3A_2441 = arith.constant 0 : i32
    %dma_wait3A_2442 = tpu.memref_slice %arg8[%dma_wait3A_2441] : memref<4x!tpu.dma_semaphore, #tpu.memory_space<semaphore_mem>> -> memref<1x!tpu.dma_semaphore, #tpu.memory_space<semaphore_mem>>
    %dma_wait3A_2443 = tpu.memref_squeeze %dma_wait3A_2442 : memref<1x!tpu.dma_semaphore, #tpu.memory_space<semaphore_mem>> -> memref<!tpu.dma_semaphore, #tpu.memory_space<semaphore_mem>>
    %dma_wait3A_2444 = arith.constant 2560 : i32
    %dma_wait3A_2445 = arith.constant 0 : i32
    %dma_wait3A_2446 = arith.constant 0 : i32
    %dma_wait3A_2447 = tpu.memref_slice %arg2[%dma_wait3A_2444, %dma_wait3A_2445, %dma_wait3A_2446] : memref<4096x51x128xf32, #tpu.memory_space<any>> -> memref<128x51x128xf32, #tpu.memory_space<any>>
    %dma_wait3A_2448 = arith.constant 0 : i32
    %dma_wait3A_2449 = arith.constant 0 : i32
    %dma_wait3A_2450 = arith.constant 0 : i32
    %dma_wait3A_2451 = tpu.memref_slice %arg5[%dma_wait3A_2440, %dma_wait3A_2448, %dma_wait3A_2449, %dma_wait3A_2450] : memref<4x128x51x128xf32, #tpu.memory_space<vmem>> -> memref<1x128x51x128xf32, #tpu.memory_space<vmem>>
    %dma_wait3A_2452 = tpu.memref_squeeze %dma_wait3A_2451 : memref<1x128x51x128xf32, #tpu.memory_space<vmem>> -> memref<128x51x128xf32, #tpu.memory_space<vmem>>
    tpu.wait_dma2 semaphore(%dma_wait3A_2443 : memref<!tpu.dma_semaphore, #tpu.memory_space<semaphore_mem>>) src(%dma_wait3A_2452 : memref<128x51x128xf32, #tpu.memory_space<vmem>>) dst(%dma_wait3A_2447 : memref<128x51x128xf32, #tpu.memory_space<any>>)
    %get3A_2453 = arith.constant 0 : index
    %get3A_2454 = arith.constant 0 : index
    %get3A_2455 = arith.constant 0 : index
    %get3A_2456 = vector.load %arg4[%get3A_2453, %get3A_2454, %get3A_2455] : memref<4x128x128xf32, #tpu.memory_space<vmem>>, vector<1x128x128xf32>
    %get3A_2457 = vector.shape_cast %get3A_2456 : vector<1x128x128xf32> to vector<128x128xf32>
    %swap3A_2458 = arith.constant 0 : index
    %swap3A_2459 = arith.constant 0 : index
    %swap3A_2460 = arith.constant 0 : index
    %swap3A_2461 = arith.constant 0 : index
    %swap3A_2462 = vector.load %arg5[%swap3A_2458, %swap3A_2459, %swap3A_2460, %swap3A_2461] : memref<4x128x51x128xf32, #tpu.memory_space<vmem>>, vector<1x128x1x128xf32>
    %swap3A_2463 = vector.shape_cast %swap3A_2462 : vector<1x128x1x128xf32> to vector<128x128xf32>
    %swap3A_2464 = vector.shape_cast %get3A_2457 : vector<128x128xf32> to vector<1x128x1x128xf32>
    tpu.vector_store %arg5[%swap3A_2458, %swap3A_2459, %swap3A_2460, %swap3A_2461], %swap3A_2464 {strides = array<i32>} : memref<4x128x51x128xf32, #tpu.memory_space<vmem>>, vector<1x128x1x128xf32>,
    %get3A_2465 = arith.constant 0 : index
    %get3A_2466 = arith.constant 0 : index
    %get3A_2467 = arith.constant 0 : index
    %get3A_2468 = arith.constant 0 : index
    %get3A_2469 = vector.load %arg3[%get3A_2465, %get3A_2466, %get3A_2467, %get3A_2468] : memref<4x128x50x128xf32, #tpu.memory_space<vmem>>, vector<1x128x50x128xf32>
    %get3A_2470 = vector.shape_cast %get3A_2469 : vector<1x128x50x128xf32> to vector<128x50x128xf32>
    %swap3A_2471 = arith.constant 0 : index
    %swap3A_2472 = arith.constant 0 : index
    %swap3A_2473 = arith.constant 1 : index
    %swap3A_2474 = arith.constant 0 : index
    %swap3A_2475 = vector.load %arg5[%swap3A_2471, %swap3A_2472, %swap3A_2473, %swap3A_2474] : memref<4x128x51x128xf32, #tpu.memory_space<vmem>>, vector<1x128x50x128xf32>
    %swap3A_2476 = vector.shape_cast %swap3A_2475 : vector<1x128x50x128xf32> to vector<128x50x128xf32>
    %swap3A_2477 = vector.shape_cast %get3A_2470 : vector<128x50x128xf32> to vector<1x128x50x128xf32>
    tpu.vector_store %arg5[%swap3A_2471, %swap3A_2472, %swap3A_2473, %swap3A_2474], %swap3A_2477 {strides = array<i32>} : memref<4x128x51x128xf32, #tpu.memory_space<vmem>>, vector<1x128x50x128xf32>,
    %dma_start3A_2478 = arith.constant 0 : i32
    %dma_start3A_2479 = arith.constant 0 : i32
    %dma_start3A_2480 = tpu.memref_slice %arg8[%dma_start3A_2479] : memref<4x!tpu.dma_semaphore, #tpu.memory_space<semaphore_mem>> -> memref<1x!tpu.dma_semaphore, #tpu.memory_space<semaphore_mem>>
    %dma_start3A_2481 = tpu.memref_squeeze %dma_start3A_2480 : memref<1x!tpu.dma_semaphore, #tpu.memory_space<semaphore_mem>> -> memref<!tpu.dma_semaphore, #tpu.memory_space<semaphore_mem>>
    %dma_start3A_2482 = arith.constant 3072 : i32
    %dma_start3A_2483 = arith.constant 0 : i32
    %dma_start3A_2484 = arith.constant 0 : i32
    %dma_start3A_2485 = tpu.memref_slice %arg2[%dma_start3A_2482, %dma_start3A_2483, %dma_start3A_2484] : memref<4096x51x128xf32, #tpu.memory_space<any>> -> memref<128x51x128xf32, #tpu.memory_space<any>>
    %dma_start3A_2486 = arith.constant 0 : i32
    %dma_start3A_2487 = arith.constant 0 : i32
    %dma_start3A_2488 = arith.constant 0 : i32
    %dma_start3A_2489 = tpu.memref_slice %arg5[%dma_start3A_2478, %dma_start3A_2486, %dma_start3A_2487, %dma_start3A_2488] : memref<4x128x51x128xf32, #tpu.memory_space<vmem>> -> memref<1x128x51x128xf32, #tpu.memory_space<vmem>>
    %dma_start3A_2490 = tpu.memref_squeeze %dma_start3A_2489 : memref<1x128x51x128xf32, #tpu.memory_space<vmem>> -> memref<128x51x128xf32, #tpu.memory_space<vmem>>
    tpu.enqueue_dma source(%dma_start3A_2490 : memref<128x51x128xf32, #tpu.memory_space<vmem>>) target(%dma_start3A_2485 : memref<128x51x128xf32, #tpu.memory_space<any>>) target_semaphore(%dma_start3A_2481 : memref<!tpu.dma_semaphore, #tpu.memory_space<semaphore_mem>>)
    %dma_start3A_2491 = arith.constant 0 : i32
    %dma_start3A_2492 = arith.constant 0 : i32
    %dma_start3A_2493 = tpu.memref_slice %arg6[%dma_start3A_2492] : memref<4x!tpu.dma_semaphore, #tpu.memory_space<semaphore_mem>> -> memref<1x!tpu.dma_semaphore, #tpu.memory_space<semaphore_mem>>
    %dma_start3A_2494 = tpu.memref_squeeze %dma_start3A_2493 : memref<1x!tpu.dma_semaphore, #tpu.memory_space<semaphore_mem>> -> memref<!tpu.dma_semaphore, #tpu.memory_space<semaphore_mem>>
    %dma_start3A_2495 = arith.constant 0 : i32
    %dma_start3A_2496 = arith.constant 0 : i32
    %dma_start3A_2497 = arith.constant 0 : i32
    %dma_start3A_2498 = tpu.memref_slice %arg3[%dma_start3A_2491, %dma_start3A_2495, %dma_start3A_2496, %dma_start3A_2497] : memref<4x128x50x128xf32, #tpu.memory_space<vmem>> -> memref<1x128x50x128xf32, #tpu.memory_space<vmem>>
    %dma_start3A_2499 = tpu.memref_squeeze %dma_start3A_2498 : memref<1x128x50x128xf32, #tpu.memory_space<vmem>> -> memref<128x50x128xf32, #tpu.memory_space<vmem>>
    %dma_start3A_2500 = arith.constant 3584 : i32
    %dma_start3A_2501 = arith.constant 0 : i32
    %dma_start3A_2502 = arith.constant 0 : i32
    %dma_start3A_2503 = tpu.memref_slice %arg1[%dma_start3A_2500, %dma_start3A_2501, %dma_start3A_2502] : memref<4096x50x128xf32, #tpu.memory_space<any>> -> memref<128x50x128xf32, #tpu.memory_space<any>>
    tpu.enqueue_dma source(%dma_start3A_2503 : memref<128x50x128xf32, #tpu.memory_space<any>>) target(%dma_start3A_2499 : memref<128x50x128xf32, #tpu.memory_space<vmem>>) target_semaphore(%dma_start3A_2494 : memref<!tpu.dma_semaphore, #tpu.memory_space<semaphore_mem>>)
    %dma_start3A_2504 = arith.constant 0 : i32
    %dma_start3A_2505 = arith.constant 0 : i32
    %dma_start3A_2506 = tpu.memref_slice %arg7[%dma_start3A_2505] : memref<4x!tpu.dma_semaphore, #tpu.memory_space<semaphore_mem>> -> memref<1x!tpu.dma_semaphore, #tpu.memory_space<semaphore_mem>>
    %dma_start3A_2507 = tpu.memref_squeeze %dma_start3A_2506 : memref<1x!tpu.dma_semaphore, #tpu.memory_space<semaphore_mem>> -> memref<!tpu.dma_semaphore, #tpu.memory_space<semaphore_mem>>
    %dma_start3A_2508 = arith.constant 0 : i32
    %dma_start3A_2509 = arith.constant 0 : i32
    %dma_start3A_2510 = tpu.memref_slice %arg4[%dma_start3A_2504, %dma_start3A_2508, %dma_start3A_2509] : memref<4x128x128xf32, #tpu.memory_space<vmem>> -> memref<1x128x128xf32, #tpu.memory_space<vmem>>
    %dma_start3A_2511 = tpu.memref_squeeze %dma_start3A_2510 : memref<1x128x128xf32, #tpu.memory_space<vmem>> -> memref<128x128xf32, #tpu.memory_space<vmem>>
    %dma_start3A_2512 = arith.constant 3584 : i32
    %dma_start3A_2513 = arith.constant 0 : i32
    %dma_start3A_2514 = tpu.memref_slice %arg0[%dma_start3A_2512, %dma_start3A_2513] : memref<4096x128xf32, #tpu.memory_space<any>> -> memref<128x128xf32, #tpu.memory_space<any>>
    tpu.enqueue_dma source(%dma_start3A_2514 : memref<128x128xf32, #tpu.memory_space<any>>) target(%dma_start3A_2511 : memref<128x128xf32, #tpu.memory_space<vmem>>) target_semaphore(%dma_start3A_2507 : memref<!tpu.dma_semaphore, #tpu.memory_space<semaphore_mem>>)
    %dma_wait3A_2515 = arith.constant 1 : i32
    %dma_wait3A_2516 = arith.constant 1 : i32
    %dma_wait3A_2517 = tpu.memref_slice %arg6[%dma_wait3A_2516] : memref<4x!tpu.dma_semaphore, #tpu.memory_space<semaphore_mem>> -> memref<1x!tpu.dma_semaphore, #tpu.memory_space<semaphore_mem>>
    %dma_wait3A_2518 = tpu.memref_squeeze %dma_wait3A_2517 : memref<1x!tpu.dma_semaphore, #tpu.memory_space<semaphore_mem>> -> memref<!tpu.dma_semaphore, #tpu.memory_space<semaphore_mem>>
    %dma_wait3A_2519 = arith.constant 0 : i32
    %dma_wait3A_2520 = arith.constant 0 : i32
    %dma_wait3A_2521 = arith.constant 0 : i32
    %dma_wait3A_2522 = tpu.memref_slice %arg3[%dma_wait3A_2515, %dma_wait3A_2519, %dma_wait3A_2520, %dma_wait3A_2521] : memref<4x128x50x128xf32, #tpu.memory_space<vmem>> -> memref<1x128x50x128xf32, #tpu.memory_space<vmem>>
    %dma_wait3A_2523 = tpu.memref_squeeze %dma_wait3A_2522 : memref<1x128x50x128xf32, #tpu.memory_space<vmem>> -> memref<128x50x128xf32, #tpu.memory_space<vmem>>
    %dma_wait3A_2524 = arith.constant 3200 : i32
    %dma_wait3A_2525 = arith.constant 0 : i32
    %dma_wait3A_2526 = arith.constant 0 : i32
    %dma_wait3A_2527 = tpu.memref_slice %arg1[%dma_wait3A_2524, %dma_wait3A_2525, %dma_wait3A_2526] : memref<4096x50x128xf32, #tpu.memory_space<any>> -> memref<128x50x128xf32, #tpu.memory_space<any>>
    tpu.wait_dma2 semaphore(%dma_wait3A_2518 : memref<!tpu.dma_semaphore, #tpu.memory_space<semaphore_mem>>) src(%dma_wait3A_2527 : memref<128x50x128xf32, #tpu.memory_space<any>>) dst(%dma_wait3A_2523 : memref<128x50x128xf32, #tpu.memory_space<vmem>>)
    %dma_wait3A_2528 = arith.constant 1 : i32
    %dma_wait3A_2529 = arith.constant 1 : i32
    %dma_wait3A_2530 = tpu.memref_slice %arg7[%dma_wait3A_2529] : memref<4x!tpu.dma_semaphore, #tpu.memory_space<semaphore_mem>> -> memref<1x!tpu.dma_semaphore, #tpu.memory_space<semaphore_mem>>
    %dma_wait3A_2531 = tpu.memref_squeeze %dma_wait3A_2530 : memref<1x!tpu.dma_semaphore, #tpu.memory_space<semaphore_mem>> -> memref<!tpu.dma_semaphore, #tpu.memory_space<semaphore_mem>>
    %dma_wait3A_2532 = arith.constant 0 : i32
    %dma_wait3A_2533 = arith.constant 0 : i32
    %dma_wait3A_2534 = tpu.memref_slice %arg4[%dma_wait3A_2528, %dma_wait3A_2532, %dma_wait3A_2533] : memref<4x128x128xf32, #tpu.memory_space<vmem>> -> memref<1x128x128xf32, #tpu.memory_space<vmem>>
    %dma_wait3A_2535 = tpu.memref_squeeze %dma_wait3A_2534 : memref<1x128x128xf32, #tpu.memory_space<vmem>> -> memref<128x128xf32, #tpu.memory_space<vmem>>
    %dma_wait3A_2536 = arith.constant 3200 : i32
    %dma_wait3A_2537 = arith.constant 0 : i32
    %dma_wait3A_2538 = tpu.memref_slice %arg0[%dma_wait3A_2536, %dma_wait3A_2537] : memref<4096x128xf32, #tpu.memory_space<any>> -> memref<128x128xf32, #tpu.memory_space<any>>
    tpu.wait_dma2 semaphore(%dma_wait3A_2531 : memref<!tpu.dma_semaphore, #tpu.memory_space<semaphore_mem>>) src(%dma_wait3A_2538 : memref<128x128xf32, #tpu.memory_space<any>>) dst(%dma_wait3A_2535 : memref<128x128xf32, #tpu.memory_space<vmem>>)
    %dma_wait3A_2539 = arith.constant 1 : i32
    %dma_wait3A_2540 = arith.constant 1 : i32
    %dma_wait3A_2541 = tpu.memref_slice %arg8[%dma_wait3A_2540] : memref<4x!tpu.dma_semaphore, #tpu.memory_space<semaphore_mem>> -> memref<1x!tpu.dma_semaphore, #tpu.memory_space<semaphore_mem>>
    %dma_wait3A_2542 = tpu.memref_squeeze %dma_wait3A_2541 : memref<1x!tpu.dma_semaphore, #tpu.memory_space<semaphore_mem>> -> memref<!tpu.dma_semaphore, #tpu.memory_space<semaphore_mem>>
    %dma_wait3A_2543 = arith.constant 2688 : i32
    %dma_wait3A_2544 = arith.constant 0 : i32
    %dma_wait3A_2545 = arith.constant 0 : i32
    %dma_wait3A_2546 = tpu.memref_slice %arg2[%dma_wait3A_2543, %dma_wait3A_2544, %dma_wait3A_2545] : memref<4096x51x128xf32, #tpu.memory_space<any>> -> memref<128x51x128xf32, #tpu.memory_space<any>>
    %dma_wait3A_2547 = arith.constant 0 : i32
    %dma_wait3A_2548 = arith.constant 0 : i32
    %dma_wait3A_2549 = arith.constant 0 : i32
    %dma_wait3A_2550 = tpu.memref_slice %arg5[%dma_wait3A_2539, %dma_wait3A_2547, %dma_wait3A_2548, %dma_wait3A_2549] : memref<4x128x51x128xf32, #tpu.memory_space<vmem>> -> memref<1x128x51x128xf32, #tpu.memory_space<vmem>>
    %dma_wait3A_2551 = tpu.memref_squeeze %dma_wait3A_2550 : memref<1x128x51x128xf32, #tpu.memory_space<vmem>> -> memref<128x51x128xf32, #tpu.memory_space<vmem>>
    tpu.wait_dma2 semaphore(%dma_wait3A_2542 : memref<!tpu.dma_semaphore, #tpu.memory_space<semaphore_mem>>) src(%dma_wait3A_2551 : memref<128x51x128xf32, #tpu.memory_space<vmem>>) dst(%dma_wait3A_2546 : memref<128x51x128xf32, #tpu.memory_space<any>>)
    %get3A_2552 = arith.constant 1 : index
    %get3A_2553 = arith.constant 0 : index
    %get3A_2554 = arith.constant 0 : index
    %get3A_2555 = vector.load %arg4[%get3A_2552, %get3A_2553, %get3A_2554] : memref<4x128x128xf32, #tpu.memory_space<vmem>>, vector<1x128x128xf32>
    %get3A_2556 = vector.shape_cast %get3A_2555 : vector<1x128x128xf32> to vector<128x128xf32>
    %swap3A_2557 = arith.constant 1 : index
    %swap3A_2558 = arith.constant 0 : index
    %swap3A_2559 = arith.constant 0 : index
    %swap3A_2560 = arith.constant 0 : index
    %swap3A_2561 = vector.load %arg5[%swap3A_2557, %swap3A_2558, %swap3A_2559, %swap3A_2560] : memref<4x128x51x128xf32, #tpu.memory_space<vmem>>, vector<1x128x1x128xf32>
    %swap3A_2562 = vector.shape_cast %swap3A_2561 : vector<1x128x1x128xf32> to vector<128x128xf32>
    %swap3A_2563 = vector.shape_cast %get3A_2556 : vector<128x128xf32> to vector<1x128x1x128xf32>
    tpu.vector_store %arg5[%swap3A_2557, %swap3A_2558, %swap3A_2559, %swap3A_2560], %swap3A_2563 {strides = array<i32>} : memref<4x128x51x128xf32, #tpu.memory_space<vmem>>, vector<1x128x1x128xf32>,
    %get3A_2564 = arith.constant 1 : index
    %get3A_2565 = arith.constant 0 : index
    %get3A_2566 = arith.constant 0 : index
    %get3A_2567 = arith.constant 0 : index
    %get3A_2568 = vector.load %arg3[%get3A_2564, %get3A_2565, %get3A_2566, %get3A_2567] : memref<4x128x50x128xf32, #tpu.memory_space<vmem>>, vector<1x128x50x128xf32>
    %get3A_2569 = vector.shape_cast %get3A_2568 : vector<1x128x50x128xf32> to vector<128x50x128xf32>
    %swap3A_2570 = arith.constant 1 : index
    %swap3A_2571 = arith.constant 0 : index
    %swap3A_2572 = arith.constant 1 : index
    %swap3A_2573 = arith.constant 0 : index
    %swap3A_2574 = vector.load %arg5[%swap3A_2570, %swap3A_2571, %swap3A_2572, %swap3A_2573] : memref<4x128x51x128xf32, #tpu.memory_space<vmem>>, vector<1x128x50x128xf32>
    %swap3A_2575 = vector.shape_cast %swap3A_2574 : vector<1x128x50x128xf32> to vector<128x50x128xf32>
    %swap3A_2576 = vector.shape_cast %get3A_2569 : vector<128x50x128xf32> to vector<1x128x50x128xf32>
    tpu.vector_store %arg5[%swap3A_2570, %swap3A_2571, %swap3A_2572, %swap3A_2573], %swap3A_2576 {strides = array<i32>} : memref<4x128x51x128xf32, #tpu.memory_space<vmem>>, vector<1x128x50x128xf32>,
    %dma_start3A_2577 = arith.constant 1 : i32
    %dma_start3A_2578 = arith.constant 1 : i32
    %dma_start3A_2579 = tpu.memref_slice %arg8[%dma_start3A_2578] : memref<4x!tpu.dma_semaphore, #tpu.memory_space<semaphore_mem>> -> memref<1x!tpu.dma_semaphore, #tpu.memory_space<semaphore_mem>>
    %dma_start3A_2580 = tpu.memref_squeeze %dma_start3A_2579 : memref<1x!tpu.dma_semaphore, #tpu.memory_space<semaphore_mem>> -> memref<!tpu.dma_semaphore, #tpu.memory_space<semaphore_mem>>
    %dma_start3A_2581 = arith.constant 3200 : i32
    %dma_start3A_2582 = arith.constant 0 : i32
    %dma_start3A_2583 = arith.constant 0 : i32
    %dma_start3A_2584 = tpu.memref_slice %arg2[%dma_start3A_2581, %dma_start3A_2582, %dma_start3A_2583] : memref<4096x51x128xf32, #tpu.memory_space<any>> -> memref<128x51x128xf32, #tpu.memory_space<any>>
    %dma_start3A_2585 = arith.constant 0 : i32
    %dma_start3A_2586 = arith.constant 0 : i32
    %dma_start3A_2587 = arith.constant 0 : i32
    %dma_start3A_2588 = tpu.memref_slice %arg5[%dma_start3A_2577, %dma_start3A_2585, %dma_start3A_2586, %dma_start3A_2587] : memref<4x128x51x128xf32, #tpu.memory_space<vmem>> -> memref<1x128x51x128xf32, #tpu.memory_space<vmem>>
    %dma_start3A_2589 = tpu.memref_squeeze %dma_start3A_2588 : memref<1x128x51x128xf32, #tpu.memory_space<vmem>> -> memref<128x51x128xf32, #tpu.memory_space<vmem>>
    tpu.enqueue_dma source(%dma_start3A_2589 : memref<128x51x128xf32, #tpu.memory_space<vmem>>) target(%dma_start3A_2584 : memref<128x51x128xf32, #tpu.memory_space<any>>) target_semaphore(%dma_start3A_2580 : memref<!tpu.dma_semaphore, #tpu.memory_space<semaphore_mem>>)
    %dma_start3A_2590 = arith.constant 1 : i32
    %dma_start3A_2591 = arith.constant 1 : i32
    %dma_start3A_2592 = tpu.memref_slice %arg6[%dma_start3A_2591] : memref<4x!tpu.dma_semaphore, #tpu.memory_space<semaphore_mem>> -> memref<1x!tpu.dma_semaphore, #tpu.memory_space<semaphore_mem>>
    %dma_start3A_2593 = tpu.memref_squeeze %dma_start3A_2592 : memref<1x!tpu.dma_semaphore, #tpu.memory_space<semaphore_mem>> -> memref<!tpu.dma_semaphore, #tpu.memory_space<semaphore_mem>>
    %dma_start3A_2594 = arith.constant 0 : i32
    %dma_start3A_2595 = arith.constant 0 : i32
    %dma_start3A_2596 = arith.constant 0 : i32
    %dma_start3A_2597 = tpu.memref_slice %arg3[%dma_start3A_2590, %dma_start3A_2594, %dma_start3A_2595, %dma_start3A_2596] : memref<4x128x50x128xf32, #tpu.memory_space<vmem>> -> memref<1x128x50x128xf32, #tpu.memory_space<vmem>>
    %dma_start3A_2598 = tpu.memref_squeeze %dma_start3A_2597 : memref<1x128x50x128xf32, #tpu.memory_space<vmem>> -> memref<128x50x128xf32, #tpu.memory_space<vmem>>
    %dma_start3A_2599 = arith.constant 3712 : i32
    %dma_start3A_2600 = arith.constant 0 : i32
    %dma_start3A_2601 = arith.constant 0 : i32
    %dma_start3A_2602 = tpu.memref_slice %arg1[%dma_start3A_2599, %dma_start3A_2600, %dma_start3A_2601] : memref<4096x50x128xf32, #tpu.memory_space<any>> -> memref<128x50x128xf32, #tpu.memory_space<any>>
    tpu.enqueue_dma source(%dma_start3A_2602 : memref<128x50x128xf32, #tpu.memory_space<any>>) target(%dma_start3A_2598 : memref<128x50x128xf32, #tpu.memory_space<vmem>>) target_semaphore(%dma_start3A_2593 : memref<!tpu.dma_semaphore, #tpu.memory_space<semaphore_mem>>)
    %dma_start3A_2603 = arith.constant 1 : i32
    %dma_start3A_2604 = arith.constant 1 : i32
    %dma_start3A_2605 = tpu.memref_slice %arg7[%dma_start3A_2604] : memref<4x!tpu.dma_semaphore, #tpu.memory_space<semaphore_mem>> -> memref<1x!tpu.dma_semaphore, #tpu.memory_space<semaphore_mem>>
    %dma_start3A_2606 = tpu.memref_squeeze %dma_start3A_2605 : memref<1x!tpu.dma_semaphore, #tpu.memory_space<semaphore_mem>> -> memref<!tpu.dma_semaphore, #tpu.memory_space<semaphore_mem>>
    %dma_start3A_2607 = arith.constant 0 : i32
    %dma_start3A_2608 = arith.constant 0 : i32
    %dma_start3A_2609 = tpu.memref_slice %arg4[%dma_start3A_2603, %dma_start3A_2607, %dma_start3A_2608] : memref<4x128x128xf32, #tpu.memory_space<vmem>> -> memref<1x128x128xf32, #tpu.memory_space<vmem>>
    %dma_start3A_2610 = tpu.memref_squeeze %dma_start3A_2609 : memref<1x128x128xf32, #tpu.memory_space<vmem>> -> memref<128x128xf32, #tpu.memory_space<vmem>>
    %dma_start3A_2611 = arith.constant 3712 : i32
    %dma_start3A_2612 = arith.constant 0 : i32
    %dma_start3A_2613 = tpu.memref_slice %arg0[%dma_start3A_2611, %dma_start3A_2612] : memref<4096x128xf32, #tpu.memory_space<any>> -> memref<128x128xf32, #tpu.memory_space<any>>
    tpu.enqueue_dma source(%dma_start3A_2613 : memref<128x128xf32, #tpu.memory_space<any>>) target(%dma_start3A_2610 : memref<128x128xf32, #tpu.memory_space<vmem>>) target_semaphore(%dma_start3A_2606 : memref<!tpu.dma_semaphore, #tpu.memory_space<semaphore_mem>>)
    %dma_wait3A_2614 = arith.constant 2 : i32
    %dma_wait3A_2615 = arith.constant 2 : i32
    %dma_wait3A_2616 = tpu.memref_slice %arg6[%dma_wait3A_2615] : memref<4x!tpu.dma_semaphore, #tpu.memory_space<semaphore_mem>> -> memref<1x!tpu.dma_semaphore, #tpu.memory_space<semaphore_mem>>
    %dma_wait3A_2617 = tpu.memref_squeeze %dma_wait3A_2616 : memref<1x!tpu.dma_semaphore, #tpu.memory_space<semaphore_mem>> -> memref<!tpu.dma_semaphore, #tpu.memory_space<semaphore_mem>>
    %dma_wait3A_2618 = arith.constant 0 : i32
    %dma_wait3A_2619 = arith.constant 0 : i32
    %dma_wait3A_2620 = arith.constant 0 : i32
    %dma_wait3A_2621 = tpu.memref_slice %arg3[%dma_wait3A_2614, %dma_wait3A_2618, %dma_wait3A_2619, %dma_wait3A_2620] : memref<4x128x50x128xf32, #tpu.memory_space<vmem>> -> memref<1x128x50x128xf32, #tpu.memory_space<vmem>>
    %dma_wait3A_2622 = tpu.memref_squeeze %dma_wait3A_2621 : memref<1x128x50x128xf32, #tpu.memory_space<vmem>> -> memref<128x50x128xf32, #tpu.memory_space<vmem>>
    %dma_wait3A_2623 = arith.constant 3328 : i32
    %dma_wait3A_2624 = arith.constant 0 : i32
    %dma_wait3A_2625 = arith.constant 0 : i32
    %dma_wait3A_2626 = tpu.memref_slice %arg1[%dma_wait3A_2623, %dma_wait3A_2624, %dma_wait3A_2625] : memref<4096x50x128xf32, #tpu.memory_space<any>> -> memref<128x50x128xf32, #tpu.memory_space<any>>
    tpu.wait_dma2 semaphore(%dma_wait3A_2617 : memref<!tpu.dma_semaphore, #tpu.memory_space<semaphore_mem>>) src(%dma_wait3A_2626 : memref<128x50x128xf32, #tpu.memory_space<any>>) dst(%dma_wait3A_2622 : memref<128x50x128xf32, #tpu.memory_space<vmem>>)
    %dma_wait3A_2627 = arith.constant 2 : i32
    %dma_wait3A_2628 = arith.constant 2 : i32
    %dma_wait3A_2629 = tpu.memref_slice %arg7[%dma_wait3A_2628] : memref<4x!tpu.dma_semaphore, #tpu.memory_space<semaphore_mem>> -> memref<1x!tpu.dma_semaphore, #tpu.memory_space<semaphore_mem>>
    %dma_wait3A_2630 = tpu.memref_squeeze %dma_wait3A_2629 : memref<1x!tpu.dma_semaphore, #tpu.memory_space<semaphore_mem>> -> memref<!tpu.dma_semaphore, #tpu.memory_space<semaphore_mem>>
    %dma_wait3A_2631 = arith.constant 0 : i32
    %dma_wait3A_2632 = arith.constant 0 : i32
    %dma_wait3A_2633 = tpu.memref_slice %arg4[%dma_wait3A_2627, %dma_wait3A_2631, %dma_wait3A_2632] : memref<4x128x128xf32, #tpu.memory_space<vmem>> -> memref<1x128x128xf32, #tpu.memory_space<vmem>>
    %dma_wait3A_2634 = tpu.memref_squeeze %dma_wait3A_2633 : memref<1x128x128xf32, #tpu.memory_space<vmem>> -> memref<128x128xf32, #tpu.memory_space<vmem>>
    %dma_wait3A_2635 = arith.constant 3328 : i32
    %dma_wait3A_2636 = arith.constant 0 : i32
    %dma_wait3A_2637 = tpu.memref_slice %arg0[%dma_wait3A_2635, %dma_wait3A_2636] : memref<4096x128xf32, #tpu.memory_space<any>> -> memref<128x128xf32, #tpu.memory_space<any>>
    tpu.wait_dma2 semaphore(%dma_wait3A_2630 : memref<!tpu.dma_semaphore, #tpu.memory_space<semaphore_mem>>) src(%dma_wait3A_2637 : memref<128x128xf32, #tpu.memory_space<any>>) dst(%dma_wait3A_2634 : memref<128x128xf32, #tpu.memory_space<vmem>>)
    %dma_wait3A_2638 = arith.constant 2 : i32
    %dma_wait3A_2639 = arith.constant 2 : i32
    %dma_wait3A_2640 = tpu.memref_slice %arg8[%dma_wait3A_2639] : memref<4x!tpu.dma_semaphore, #tpu.memory_space<semaphore_mem>> -> memref<1x!tpu.dma_semaphore, #tpu.memory_space<semaphore_mem>>
    %dma_wait3A_2641 = tpu.memref_squeeze %dma_wait3A_2640 : memref<1x!tpu.dma_semaphore, #tpu.memory_space<semaphore_mem>> -> memref<!tpu.dma_semaphore, #tpu.memory_space<semaphore_mem>>
    %dma_wait3A_2642 = arith.constant 2816 : i32
    %dma_wait3A_2643 = arith.constant 0 : i32
    %dma_wait3A_2644 = arith.constant 0 : i32
    %dma_wait3A_2645 = tpu.memref_slice %arg2[%dma_wait3A_2642, %dma_wait3A_2643, %dma_wait3A_2644] : memref<4096x51x128xf32, #tpu.memory_space<any>> -> memref<128x51x128xf32, #tpu.memory_space<any>>
    %dma_wait3A_2646 = arith.constant 0 : i32
    %dma_wait3A_2647 = arith.constant 0 : i32
    %dma_wait3A_2648 = arith.constant 0 : i32
    %dma_wait3A_2649 = tpu.memref_slice %arg5[%dma_wait3A_2638, %dma_wait3A_2646, %dma_wait3A_2647, %dma_wait3A_2648] : memref<4x128x51x128xf32, #tpu.memory_space<vmem>> -> memref<1x128x51x128xf32, #tpu.memory_space<vmem>>
    %dma_wait3A_2650 = tpu.memref_squeeze %dma_wait3A_2649 : memref<1x128x51x128xf32, #tpu.memory_space<vmem>> -> memref<128x51x128xf32, #tpu.memory_space<vmem>>
    tpu.wait_dma2 semaphore(%dma_wait3A_2641 : memref<!tpu.dma_semaphore, #tpu.memory_space<semaphore_mem>>) src(%dma_wait3A_2650 : memref<128x51x128xf32, #tpu.memory_space<vmem>>) dst(%dma_wait3A_2645 : memref<128x51x128xf32, #tpu.memory_space<any>>)
    %get3A_2651 = arith.constant 2 : index
    %get3A_2652 = arith.constant 0 : index
    %get3A_2653 = arith.constant 0 : index
    %get3A_2654 = vector.load %arg4[%get3A_2651, %get3A_2652, %get3A_2653] : memref<4x128x128xf32, #tpu.memory_space<vmem>>, vector<1x128x128xf32>
    %get3A_2655 = vector.shape_cast %get3A_2654 : vector<1x128x128xf32> to vector<128x128xf32>
    %swap3A_2656 = arith.constant 2 : index
    %swap3A_2657 = arith.constant 0 : index
    %swap3A_2658 = arith.constant 0 : index
    %swap3A_2659 = arith.constant 0 : index
    %swap3A_2660 = vector.load %arg5[%swap3A_2656, %swap3A_2657, %swap3A_2658, %swap3A_2659] : memref<4x128x51x128xf32, #tpu.memory_space<vmem>>, vector<1x128x1x128xf32>
    %swap3A_2661 = vector.shape_cast %swap3A_2660 : vector<1x128x1x128xf32> to vector<128x128xf32>
    %swap3A_2662 = vector.shape_cast %get3A_2655 : vector<128x128xf32> to vector<1x128x1x128xf32>
    tpu.vector_store %arg5[%swap3A_2656, %swap3A_2657, %swap3A_2658, %swap3A_2659], %swap3A_2662 {strides = array<i32>} : memref<4x128x51x128xf32, #tpu.memory_space<vmem>>, vector<1x128x1x128xf32>,
    %get3A_2663 = arith.constant 2 : index
    %get3A_2664 = arith.constant 0 : index
    %get3A_2665 = arith.constant 0 : index
    %get3A_2666 = arith.constant 0 : index
    %get3A_2667 = vector.load %arg3[%get3A_2663, %get3A_2664, %get3A_2665, %get3A_2666] : memref<4x128x50x128xf32, #tpu.memory_space<vmem>>, vector<1x128x50x128xf32>
    %get3A_2668 = vector.shape_cast %get3A_2667 : vector<1x128x50x128xf32> to vector<128x50x128xf32>
    %swap3A_2669 = arith.constant 2 : index
    %swap3A_2670 = arith.constant 0 : index
    %swap3A_2671 = arith.constant 1 : index
    %swap3A_2672 = arith.constant 0 : index
    %swap3A_2673 = vector.load %arg5[%swap3A_2669, %swap3A_2670, %swap3A_2671, %swap3A_2672] : memref<4x128x51x128xf32, #tpu.memory_space<vmem>>, vector<1x128x50x128xf32>
    %swap3A_2674 = vector.shape_cast %swap3A_2673 : vector<1x128x50x128xf32> to vector<128x50x128xf32>
    %swap3A_2675 = vector.shape_cast %get3A_2668 : vector<128x50x128xf32> to vector<1x128x50x128xf32>
    tpu.vector_store %arg5[%swap3A_2669, %swap3A_2670, %swap3A_2671, %swap3A_2672], %swap3A_2675 {strides = array<i32>} : memref<4x128x51x128xf32, #tpu.memory_space<vmem>>, vector<1x128x50x128xf32>,
    %dma_start3A_2676 = arith.constant 2 : i32
    %dma_start3A_2677 = arith.constant 2 : i32
    %dma_start3A_2678 = tpu.memref_slice %arg8[%dma_start3A_2677] : memref<4x!tpu.dma_semaphore, #tpu.memory_space<semaphore_mem>> -> memref<1x!tpu.dma_semaphore, #tpu.memory_space<semaphore_mem>>
    %dma_start3A_2679 = tpu.memref_squeeze %dma_start3A_2678 : memref<1x!tpu.dma_semaphore, #tpu.memory_space<semaphore_mem>> -> memref<!tpu.dma_semaphore, #tpu.memory_space<semaphore_mem>>
    %dma_start3A_2680 = arith.constant 3328 : i32
    %dma_start3A_2681 = arith.constant 0 : i32
    %dma_start3A_2682 = arith.constant 0 : i32
    %dma_start3A_2683 = tpu.memref_slice %arg2[%dma_start3A_2680, %dma_start3A_2681, %dma_start3A_2682] : memref<4096x51x128xf32, #tpu.memory_space<any>> -> memref<128x51x128xf32, #tpu.memory_space<any>>
    %dma_start3A_2684 = arith.constant 0 : i32
    %dma_start3A_2685 = arith.constant 0 : i32
    %dma_start3A_2686 = arith.constant 0 : i32
    %dma_start3A_2687 = tpu.memref_slice %arg5[%dma_start3A_2676, %dma_start3A_2684, %dma_start3A_2685, %dma_start3A_2686] : memref<4x128x51x128xf32, #tpu.memory_space<vmem>> -> memref<1x128x51x128xf32, #tpu.memory_space<vmem>>
    %dma_start3A_2688 = tpu.memref_squeeze %dma_start3A_2687 : memref<1x128x51x128xf32, #tpu.memory_space<vmem>> -> memref<128x51x128xf32, #tpu.memory_space<vmem>>
    tpu.enqueue_dma source(%dma_start3A_2688 : memref<128x51x128xf32, #tpu.memory_space<vmem>>) target(%dma_start3A_2683 : memref<128x51x128xf32, #tpu.memory_space<any>>) target_semaphore(%dma_start3A_2679 : memref<!tpu.dma_semaphore, #tpu.memory_space<semaphore_mem>>)
    %dma_start3A_2689 = arith.constant 2 : i32
    %dma_start3A_2690 = arith.constant 2 : i32
    %dma_start3A_2691 = tpu.memref_slice %arg6[%dma_start3A_2690] : memref<4x!tpu.dma_semaphore, #tpu.memory_space<semaphore_mem>> -> memref<1x!tpu.dma_semaphore, #tpu.memory_space<semaphore_mem>>
    %dma_start3A_2692 = tpu.memref_squeeze %dma_start3A_2691 : memref<1x!tpu.dma_semaphore, #tpu.memory_space<semaphore_mem>> -> memref<!tpu.dma_semaphore, #tpu.memory_space<semaphore_mem>>
    %dma_start3A_2693 = arith.constant 0 : i32
    %dma_start3A_2694 = arith.constant 0 : i32
    %dma_start3A_2695 = arith.constant 0 : i32
    %dma_start3A_2696 = tpu.memref_slice %arg3[%dma_start3A_2689, %dma_start3A_2693, %dma_start3A_2694, %dma_start3A_2695] : memref<4x128x50x128xf32, #tpu.memory_space<vmem>> -> memref<1x128x50x128xf32, #tpu.memory_space<vmem>>
    %dma_start3A_2697 = tpu.memref_squeeze %dma_start3A_2696 : memref<1x128x50x128xf32, #tpu.memory_space<vmem>> -> memref<128x50x128xf32, #tpu.memory_space<vmem>>
    %dma_start3A_2698 = arith.constant 3840 : i32
    %dma_start3A_2699 = arith.constant 0 : i32
    %dma_start3A_2700 = arith.constant 0 : i32
    %dma_start3A_2701 = tpu.memref_slice %arg1[%dma_start3A_2698, %dma_start3A_2699, %dma_start3A_2700] : memref<4096x50x128xf32, #tpu.memory_space<any>> -> memref<128x50x128xf32, #tpu.memory_space<any>>
    tpu.enqueue_dma source(%dma_start3A_2701 : memref<128x50x128xf32, #tpu.memory_space<any>>) target(%dma_start3A_2697 : memref<128x50x128xf32, #tpu.memory_space<vmem>>) target_semaphore(%dma_start3A_2692 : memref<!tpu.dma_semaphore, #tpu.memory_space<semaphore_mem>>)
    %dma_start3A_2702 = arith.constant 2 : i32
    %dma_start3A_2703 = arith.constant 2 : i32
    %dma_start3A_2704 = tpu.memref_slice %arg7[%dma_start3A_2703] : memref<4x!tpu.dma_semaphore, #tpu.memory_space<semaphore_mem>> -> memref<1x!tpu.dma_semaphore, #tpu.memory_space<semaphore_mem>>
    %dma_start3A_2705 = tpu.memref_squeeze %dma_start3A_2704 : memref<1x!tpu.dma_semaphore, #tpu.memory_space<semaphore_mem>> -> memref<!tpu.dma_semaphore, #tpu.memory_space<semaphore_mem>>
    %dma_start3A_2706 = arith.constant 0 : i32
    %dma_start3A_2707 = arith.constant 0 : i32
    %dma_start3A_2708 = tpu.memref_slice %arg4[%dma_start3A_2702, %dma_start3A_2706, %dma_start3A_2707] : memref<4x128x128xf32, #tpu.memory_space<vmem>> -> memref<1x128x128xf32, #tpu.memory_space<vmem>>
    %dma_start3A_2709 = tpu.memref_squeeze %dma_start3A_2708 : memref<1x128x128xf32, #tpu.memory_space<vmem>> -> memref<128x128xf32, #tpu.memory_space<vmem>>
    %dma_start3A_2710 = arith.constant 3840 : i32
    %dma_start3A_2711 = arith.constant 0 : i32
    %dma_start3A_2712 = tpu.memref_slice %arg0[%dma_start3A_2710, %dma_start3A_2711] : memref<4096x128xf32, #tpu.memory_space<any>> -> memref<128x128xf32, #tpu.memory_space<any>>
    tpu.enqueue_dma source(%dma_start3A_2712 : memref<128x128xf32, #tpu.memory_space<any>>) target(%dma_start3A_2709 : memref<128x128xf32, #tpu.memory_space<vmem>>) target_semaphore(%dma_start3A_2705 : memref<!tpu.dma_semaphore, #tpu.memory_space<semaphore_mem>>)
    %dma_wait3A_2713 = arith.constant 3 : i32
    %dma_wait3A_2714 = arith.constant 3 : i32
    %dma_wait3A_2715 = tpu.memref_slice %arg6[%dma_wait3A_2714] : memref<4x!tpu.dma_semaphore, #tpu.memory_space<semaphore_mem>> -> memref<1x!tpu.dma_semaphore, #tpu.memory_space<semaphore_mem>>
    %dma_wait3A_2716 = tpu.memref_squeeze %dma_wait3A_2715 : memref<1x!tpu.dma_semaphore, #tpu.memory_space<semaphore_mem>> -> memref<!tpu.dma_semaphore, #tpu.memory_space<semaphore_mem>>
    %dma_wait3A_2717 = arith.constant 0 : i32
    %dma_wait3A_2718 = arith.constant 0 : i32
    %dma_wait3A_2719 = arith.constant 0 : i32
    %dma_wait3A_2720 = tpu.memref_slice %arg3[%dma_wait3A_2713, %dma_wait3A_2717, %dma_wait3A_2718, %dma_wait3A_2719] : memref<4x128x50x128xf32, #tpu.memory_space<vmem>> -> memref<1x128x50x128xf32, #tpu.memory_space<vmem>>
    %dma_wait3A_2721 = tpu.memref_squeeze %dma_wait3A_2720 : memref<1x128x50x128xf32, #tpu.memory_space<vmem>> -> memref<128x50x128xf32, #tpu.memory_space<vmem>>
    %dma_wait3A_2722 = arith.constant 3456 : i32
    %dma_wait3A_2723 = arith.constant 0 : i32
    %dma_wait3A_2724 = arith.constant 0 : i32
    %dma_wait3A_2725 = tpu.memref_slice %arg1[%dma_wait3A_2722, %dma_wait3A_2723, %dma_wait3A_2724] : memref<4096x50x128xf32, #tpu.memory_space<any>> -> memref<128x50x128xf32, #tpu.memory_space<any>>
    tpu.wait_dma2 semaphore(%dma_wait3A_2716 : memref<!tpu.dma_semaphore, #tpu.memory_space<semaphore_mem>>) src(%dma_wait3A_2725 : memref<128x50x128xf32, #tpu.memory_space<any>>) dst(%dma_wait3A_2721 : memref<128x50x128xf32, #tpu.memory_space<vmem>>)
    %dma_wait3A_2726 = arith.constant 3 : i32
    %dma_wait3A_2727 = arith.constant 3 : i32
    %dma_wait3A_2728 = tpu.memref_slice %arg7[%dma_wait3A_2727] : memref<4x!tpu.dma_semaphore, #tpu.memory_space<semaphore_mem>> -> memref<1x!tpu.dma_semaphore, #tpu.memory_space<semaphore_mem>>
    %dma_wait3A_2729 = tpu.memref_squeeze %dma_wait3A_2728 : memref<1x!tpu.dma_semaphore, #tpu.memory_space<semaphore_mem>> -> memref<!tpu.dma_semaphore, #tpu.memory_space<semaphore_mem>>
    %dma_wait3A_2730 = arith.constant 0 : i32
    %dma_wait3A_2731 = arith.constant 0 : i32
    %dma_wait3A_2732 = tpu.memref_slice %arg4[%dma_wait3A_2726, %dma_wait3A_2730, %dma_wait3A_2731] : memref<4x128x128xf32, #tpu.memory_space<vmem>> -> memref<1x128x128xf32, #tpu.memory_space<vmem>>
    %dma_wait3A_2733 = tpu.memref_squeeze %dma_wait3A_2732 : memref<1x128x128xf32, #tpu.memory_space<vmem>> -> memref<128x128xf32, #tpu.memory_space<vmem>>
    %dma_wait3A_2734 = arith.constant 3456 : i32
    %dma_wait3A_2735 = arith.constant 0 : i32
    %dma_wait3A_2736 = tpu.memref_slice %arg0[%dma_wait3A_2734, %dma_wait3A_2735] : memref<4096x128xf32, #tpu.memory_space<any>> -> memref<128x128xf32, #tpu.memory_space<any>>
    tpu.wait_dma2 semaphore(%dma_wait3A_2729 : memref<!tpu.dma_semaphore, #tpu.memory_space<semaphore_mem>>) src(%dma_wait3A_2736 : memref<128x128xf32, #tpu.memory_space<any>>) dst(%dma_wait3A_2733 : memref<128x128xf32, #tpu.memory_space<vmem>>)
    %dma_wait3A_2737 = arith.constant 3 : i32
    %dma_wait3A_2738 = arith.constant 3 : i32
    %dma_wait3A_2739 = tpu.memref_slice %arg8[%dma_wait3A_2738] : memref<4x!tpu.dma_semaphore, #tpu.memory_space<semaphore_mem>> -> memref<1x!tpu.dma_semaphore, #tpu.memory_space<semaphore_mem>>
    %dma_wait3A_2740 = tpu.memref_squeeze %dma_wait3A_2739 : memref<1x!tpu.dma_semaphore, #tpu.memory_space<semaphore_mem>> -> memref<!tpu.dma_semaphore, #tpu.memory_space<semaphore_mem>>
    %dma_wait3A_2741 = arith.constant 2944 : i32
    %dma_wait3A_2742 = arith.constant 0 : i32
    %dma_wait3A_2743 = arith.constant 0 : i32
    %dma_wait3A_2744 = tpu.memref_slice %arg2[%dma_wait3A_2741, %dma_wait3A_2742, %dma_wait3A_2743] : memref<4096x51x128xf32, #tpu.memory_space<any>> -> memref<128x51x128xf32, #tpu.memory_space<any>>
    %dma_wait3A_2745 = arith.constant 0 : i32
    %dma_wait3A_2746 = arith.constant 0 : i32
    %dma_wait3A_2747 = arith.constant 0 : i32
    %dma_wait3A_2748 = tpu.memref_slice %arg5[%dma_wait3A_2737, %dma_wait3A_2745, %dma_wait3A_2746, %dma_wait3A_2747] : memref<4x128x51x128xf32, #tpu.memory_space<vmem>> -> memref<1x128x51x128xf32, #tpu.memory_space<vmem>>
    %dma_wait3A_2749 = tpu.memref_squeeze %dma_wait3A_2748 : memref<1x128x51x128xf32, #tpu.memory_space<vmem>> -> memref<128x51x128xf32, #tpu.memory_space<vmem>>
    tpu.wait_dma2 semaphore(%dma_wait3A_2740 : memref<!tpu.dma_semaphore, #tpu.memory_space<semaphore_mem>>) src(%dma_wait3A_2749 : memref<128x51x128xf32, #tpu.memory_space<vmem>>) dst(%dma_wait3A_2744 : memref<128x51x128xf32, #tpu.memory_space<any>>)
    %get3A_2750 = arith.constant 3 : index
    %get3A_2751 = arith.constant 0 : index
    %get3A_2752 = arith.constant 0 : index
    %get3A_2753 = vector.load %arg4[%get3A_2750, %get3A_2751, %get3A_2752] : memref<4x128x128xf32, #tpu.memory_space<vmem>>, vector<1x128x128xf32>
    %get3A_2754 = vector.shape_cast %get3A_2753 : vector<1x128x128xf32> to vector<128x128xf32>
    %swap3A_2755 = arith.constant 3 : index
    %swap3A_2756 = arith.constant 0 : index
    %swap3A_2757 = arith.constant 0 : index
    %swap3A_2758 = arith.constant 0 : index
    %swap3A_2759 = vector.load %arg5[%swap3A_2755, %swap3A_2756, %swap3A_2757, %swap3A_2758] : memref<4x128x51x128xf32, #tpu.memory_space<vmem>>, vector<1x128x1x128xf32>
    %swap3A_2760 = vector.shape_cast %swap3A_2759 : vector<1x128x1x128xf32> to vector<128x128xf32>
    %swap3A_2761 = vector.shape_cast %get3A_2754 : vector<128x128xf32> to vector<1x128x1x128xf32>
    tpu.vector_store %arg5[%swap3A_2755, %swap3A_2756, %swap3A_2757, %swap3A_2758], %swap3A_2761 {strides = array<i32>} : memref<4x128x51x128xf32, #tpu.memory_space<vmem>>, vector<1x128x1x128xf32>,
    %get3A_2762 = arith.constant 3 : index
    %get3A_2763 = arith.constant 0 : index
    %get3A_2764 = arith.constant 0 : index
    %get3A_2765 = arith.constant 0 : index
    %get3A_2766 = vector.load %arg3[%get3A_2762, %get3A_2763, %get3A_2764, %get3A_2765] : memref<4x128x50x128xf32, #tpu.memory_space<vmem>>, vector<1x128x50x128xf32>
    %get3A_2767 = vector.shape_cast %get3A_2766 : vector<1x128x50x128xf32> to vector<128x50x128xf32>
    %swap3A_2768 = arith.constant 3 : index
    %swap3A_2769 = arith.constant 0 : index
    %swap3A_2770 = arith.constant 1 : index
    %swap3A_2771 = arith.constant 0 : index
    %swap3A_2772 = vector.load %arg5[%swap3A_2768, %swap3A_2769, %swap3A_2770, %swap3A_2771] : memref<4x128x51x128xf32, #tpu.memory_space<vmem>>, vector<1x128x50x128xf32>
    %swap3A_2773 = vector.shape_cast %swap3A_2772 : vector<1x128x50x128xf32> to vector<128x50x128xf32>
    %swap3A_2774 = vector.shape_cast %get3A_2767 : vector<128x50x128xf32> to vector<1x128x50x128xf32>
    tpu.vector_store %arg5[%swap3A_2768, %swap3A_2769, %swap3A_2770, %swap3A_2771], %swap3A_2774 {strides = array<i32>} : memref<4x128x51x128xf32, #tpu.memory_space<vmem>>, vector<1x128x50x128xf32>,
    %dma_start3A_2775 = arith.constant 3 : i32
    %dma_start3A_2776 = arith.constant 3 : i32
    %dma_start3A_2777 = tpu.memref_slice %arg8[%dma_start3A_2776] : memref<4x!tpu.dma_semaphore, #tpu.memory_space<semaphore_mem>> -> memref<1x!tpu.dma_semaphore, #tpu.memory_space<semaphore_mem>>
    %dma_start3A_2778 = tpu.memref_squeeze %dma_start3A_2777 : memref<1x!tpu.dma_semaphore, #tpu.memory_space<semaphore_mem>> -> memref<!tpu.dma_semaphore, #tpu.memory_space<semaphore_mem>>
    %dma_start3A_2779 = arith.constant 3456 : i32
    %dma_start3A_2780 = arith.constant 0 : i32
    %dma_start3A_2781 = arith.constant 0 : i32
    %dma_start3A_2782 = tpu.memref_slice %arg2[%dma_start3A_2779, %dma_start3A_2780, %dma_start3A_2781] : memref<4096x51x128xf32, #tpu.memory_space<any>> -> memref<128x51x128xf32, #tpu.memory_space<any>>
    %dma_start3A_2783 = arith.constant 0 : i32
    %dma_start3A_2784 = arith.constant 0 : i32
    %dma_start3A_2785 = arith.constant 0 : i32
    %dma_start3A_2786 = tpu.memref_slice %arg5[%dma_start3A_2775, %dma_start3A_2783, %dma_start3A_2784, %dma_start3A_2785] : memref<4x128x51x128xf32, #tpu.memory_space<vmem>> -> memref<1x128x51x128xf32, #tpu.memory_space<vmem>>
    %dma_start3A_2787 = tpu.memref_squeeze %dma_start3A_2786 : memref<1x128x51x128xf32, #tpu.memory_space<vmem>> -> memref<128x51x128xf32, #tpu.memory_space<vmem>>
    tpu.enqueue_dma source(%dma_start3A_2787 : memref<128x51x128xf32, #tpu.memory_space<vmem>>) target(%dma_start3A_2782 : memref<128x51x128xf32, #tpu.memory_space<any>>) target_semaphore(%dma_start3A_2778 : memref<!tpu.dma_semaphore, #tpu.memory_space<semaphore_mem>>)
    %dma_start3A_2788 = arith.constant 3 : i32
    %dma_start3A_2789 = arith.constant 3 : i32
    %dma_start3A_2790 = tpu.memref_slice %arg6[%dma_start3A_2789] : memref<4x!tpu.dma_semaphore, #tpu.memory_space<semaphore_mem>> -> memref<1x!tpu.dma_semaphore, #tpu.memory_space<semaphore_mem>>
    %dma_start3A_2791 = tpu.memref_squeeze %dma_start3A_2790 : memref<1x!tpu.dma_semaphore, #tpu.memory_space<semaphore_mem>> -> memref<!tpu.dma_semaphore, #tpu.memory_space<semaphore_mem>>
    %dma_start3A_2792 = arith.constant 0 : i32
    %dma_start3A_2793 = arith.constant 0 : i32
    %dma_start3A_2794 = arith.constant 0 : i32
    %dma_start3A_2795 = tpu.memref_slice %arg3[%dma_start3A_2788, %dma_start3A_2792, %dma_start3A_2793, %dma_start3A_2794] : memref<4x128x50x128xf32, #tpu.memory_space<vmem>> -> memref<1x128x50x128xf32, #tpu.memory_space<vmem>>
    %dma_start3A_2796 = tpu.memref_squeeze %dma_start3A_2795 : memref<1x128x50x128xf32, #tpu.memory_space<vmem>> -> memref<128x50x128xf32, #tpu.memory_space<vmem>>
    %dma_start3A_2797 = arith.constant 3968 : i32
    %dma_start3A_2798 = arith.constant 0 : i32
    %dma_start3A_2799 = arith.constant 0 : i32
    %dma_start3A_2800 = tpu.memref_slice %arg1[%dma_start3A_2797, %dma_start3A_2798, %dma_start3A_2799] : memref<4096x50x128xf32, #tpu.memory_space<any>> -> memref<128x50x128xf32, #tpu.memory_space<any>>
    tpu.enqueue_dma source(%dma_start3A_2800 : memref<128x50x128xf32, #tpu.memory_space<any>>) target(%dma_start3A_2796 : memref<128x50x128xf32, #tpu.memory_space<vmem>>) target_semaphore(%dma_start3A_2791 : memref<!tpu.dma_semaphore, #tpu.memory_space<semaphore_mem>>)
    %dma_start3A_2801 = arith.constant 3 : i32
    %dma_start3A_2802 = arith.constant 3 : i32
    %dma_start3A_2803 = tpu.memref_slice %arg7[%dma_start3A_2802] : memref<4x!tpu.dma_semaphore, #tpu.memory_space<semaphore_mem>> -> memref<1x!tpu.dma_semaphore, #tpu.memory_space<semaphore_mem>>
    %dma_start3A_2804 = tpu.memref_squeeze %dma_start3A_2803 : memref<1x!tpu.dma_semaphore, #tpu.memory_space<semaphore_mem>> -> memref<!tpu.dma_semaphore, #tpu.memory_space<semaphore_mem>>
    %dma_start3A_2805 = arith.constant 0 : i32
    %dma_start3A_2806 = arith.constant 0 : i32
    %dma_start3A_2807 = tpu.memref_slice %arg4[%dma_start3A_2801, %dma_start3A_2805, %dma_start3A_2806] : memref<4x128x128xf32, #tpu.memory_space<vmem>> -> memref<1x128x128xf32, #tpu.memory_space<vmem>>
    %dma_start3A_2808 = tpu.memref_squeeze %dma_start3A_2807 : memref<1x128x128xf32, #tpu.memory_space<vmem>> -> memref<128x128xf32, #tpu.memory_space<vmem>>
    %dma_start3A_2809 = arith.constant 3968 : i32
    %dma_start3A_2810 = arith.constant 0 : i32
    %dma_start3A_2811 = tpu.memref_slice %arg0[%dma_start3A_2809, %dma_start3A_2810] : memref<4096x128xf32, #tpu.memory_space<any>> -> memref<128x128xf32, #tpu.memory_space<any>>
    tpu.enqueue_dma source(%dma_start3A_2811 : memref<128x128xf32, #tpu.memory_space<any>>) target(%dma_start3A_2808 : memref<128x128xf32, #tpu.memory_space<vmem>>) target_semaphore(%dma_start3A_2804 : memref<!tpu.dma_semaphore, #tpu.memory_space<semaphore_mem>>)
    %dma_wait3A_2812 = arith.constant 0 : i32
    %dma_wait3A_2813 = arith.constant 0 : i32
    %dma_wait3A_2814 = tpu.memref_slice %arg6[%dma_wait3A_2813] : memref<4x!tpu.dma_semaphore, #tpu.memory_space<semaphore_mem>> -> memref<1x!tpu.dma_semaphore, #tpu.memory_space<semaphore_mem>>
    %dma_wait3A_2815 = tpu.memref_squeeze %dma_wait3A_2814 : memref<1x!tpu.dma_semaphore, #tpu.memory_space<semaphore_mem>> -> memref<!tpu.dma_semaphore, #tpu.memory_space<semaphore_mem>>
    %dma_wait3A_2816 = arith.constant 0 : i32
    %dma_wait3A_2817 = arith.constant 0 : i32
    %dma_wait3A_2818 = arith.constant 0 : i32
    %dma_wait3A_2819 = tpu.memref_slice %arg3[%dma_wait3A_2812, %dma_wait3A_2816, %dma_wait3A_2817, %dma_wait3A_2818] : memref<4x128x50x128xf32, #tpu.memory_space<vmem>> -> memref<1x128x50x128xf32, #tpu.memory_space<vmem>>
    %dma_wait3A_2820 = tpu.memref_squeeze %dma_wait3A_2819 : memref<1x128x50x128xf32, #tpu.memory_space<vmem>> -> memref<128x50x128xf32, #tpu.memory_space<vmem>>
    %dma_wait3A_2821 = arith.constant 3584 : i32
    %dma_wait3A_2822 = arith.constant 0 : i32
    %dma_wait3A_2823 = arith.constant 0 : i32
    %dma_wait3A_2824 = tpu.memref_slice %arg1[%dma_wait3A_2821, %dma_wait3A_2822, %dma_wait3A_2823] : memref<4096x50x128xf32, #tpu.memory_space<any>> -> memref<128x50x128xf32, #tpu.memory_space<any>>
    tpu.wait_dma2 semaphore(%dma_wait3A_2815 : memref<!tpu.dma_semaphore, #tpu.memory_space<semaphore_mem>>) src(%dma_wait3A_2824 : memref<128x50x128xf32, #tpu.memory_space<any>>) dst(%dma_wait3A_2820 : memref<128x50x128xf32, #tpu.memory_space<vmem>>)
    %dma_wait3A_2825 = arith.constant 0 : i32
    %dma_wait3A_2826 = arith.constant 0 : i32
    %dma_wait3A_2827 = tpu.memref_slice %arg7[%dma_wait3A_2826] : memref<4x!tpu.dma_semaphore, #tpu.memory_space<semaphore_mem>> -> memref<1x!tpu.dma_semaphore, #tpu.memory_space<semaphore_mem>>
    %dma_wait3A_2828 = tpu.memref_squeeze %dma_wait3A_2827 : memref<1x!tpu.dma_semaphore, #tpu.memory_space<semaphore_mem>> -> memref<!tpu.dma_semaphore, #tpu.memory_space<semaphore_mem>>
    %dma_wait3A_2829 = arith.constant 0 : i32
    %dma_wait3A_2830 = arith.constant 0 : i32
    %dma_wait3A_2831 = tpu.memref_slice %arg4[%dma_wait3A_2825, %dma_wait3A_2829, %dma_wait3A_2830] : memref<4x128x128xf32, #tpu.memory_space<vmem>> -> memref<1x128x128xf32, #tpu.memory_space<vmem>>
    %dma_wait3A_2832 = tpu.memref_squeeze %dma_wait3A_2831 : memref<1x128x128xf32, #tpu.memory_space<vmem>> -> memref<128x128xf32, #tpu.memory_space<vmem>>
    %dma_wait3A_2833 = arith.constant 3584 : i32
    %dma_wait3A_2834 = arith.constant 0 : i32
    %dma_wait3A_2835 = tpu.memref_slice %arg0[%dma_wait3A_2833, %dma_wait3A_2834] : memref<4096x128xf32, #tpu.memory_space<any>> -> memref<128x128xf32, #tpu.memory_space<any>>
    tpu.wait_dma2 semaphore(%dma_wait3A_2828 : memref<!tpu.dma_semaphore, #tpu.memory_space<semaphore_mem>>) src(%dma_wait3A_2835 : memref<128x128xf32, #tpu.memory_space<any>>) dst(%dma_wait3A_2832 : memref<128x128xf32, #tpu.memory_space<vmem>>)
    %dma_wait3A_2836 = arith.constant 0 : i32
    %dma_wait3A_2837 = arith.constant 0 : i32
    %dma_wait3A_2838 = tpu.memref_slice %arg8[%dma_wait3A_2837] : memref<4x!tpu.dma_semaphore, #tpu.memory_space<semaphore_mem>> -> memref<1x!tpu.dma_semaphore, #tpu.memory_space<semaphore_mem>>
    %dma_wait3A_2839 = tpu.memref_squeeze %dma_wait3A_2838 : memref<1x!tpu.dma_semaphore, #tpu.memory_space<semaphore_mem>> -> memref<!tpu.dma_semaphore, #tpu.memory_space<semaphore_mem>>
    %dma_wait3A_2840 = arith.constant 3072 : i32
    %dma_wait3A_2841 = arith.constant 0 : i32
    %dma_wait3A_2842 = arith.constant 0 : i32
    %dma_wait3A_2843 = tpu.memref_slice %arg2[%dma_wait3A_2840, %dma_wait3A_2841, %dma_wait3A_2842] : memref<4096x51x128xf32, #tpu.memory_space<any>> -> memref<128x51x128xf32, #tpu.memory_space<any>>
    %dma_wait3A_2844 = arith.constant 0 : i32
    %dma_wait3A_2845 = arith.constant 0 : i32
    %dma_wait3A_2846 = arith.constant 0 : i32
    %dma_wait3A_2847 = tpu.memref_slice %arg5[%dma_wait3A_2836, %dma_wait3A_2844, %dma_wait3A_2845, %dma_wait3A_2846] : memref<4x128x51x128xf32, #tpu.memory_space<vmem>> -> memref<1x128x51x128xf32, #tpu.memory_space<vmem>>
    %dma_wait3A_2848 = tpu.memref_squeeze %dma_wait3A_2847 : memref<1x128x51x128xf32, #tpu.memory_space<vmem>> -> memref<128x51x128xf32, #tpu.memory_space<vmem>>
    tpu.wait_dma2 semaphore(%dma_wait3A_2839 : memref<!tpu.dma_semaphore, #tpu.memory_space<semaphore_mem>>) src(%dma_wait3A_2848 : memref<128x51x128xf32, #tpu.memory_space<vmem>>) dst(%dma_wait3A_2843 : memref<128x51x128xf32, #tpu.memory_space<any>>)
    %get3A_2849 = arith.constant 0 : index
    %get3A_2850 = arith.constant 0 : index
    %get3A_2851 = arith.constant 0 : index
    %get3A_2852 = vector.load %arg4[%get3A_2849, %get3A_2850, %get3A_2851] : memref<4x128x128xf32, #tpu.memory_space<vmem>>, vector<1x128x128xf32>
    %get3A_2853 = vector.shape_cast %get3A_2852 : vector<1x128x128xf32> to vector<128x128xf32>
    %swap3A_2854 = arith.constant 0 : index
    %swap3A_2855 = arith.constant 0 : index
    %swap3A_2856 = arith.constant 0 : index
    %swap3A_2857 = arith.constant 0 : index
    %swap3A_2858 = vector.load %arg5[%swap3A_2854, %swap3A_2855, %swap3A_2856, %swap3A_2857] : memref<4x128x51x128xf32, #tpu.memory_space<vmem>>, vector<1x128x1x128xf32>
    %swap3A_2859 = vector.shape_cast %swap3A_2858 : vector<1x128x1x128xf32> to vector<128x128xf32>
    %swap3A_2860 = vector.shape_cast %get3A_2853 : vector<128x128xf32> to vector<1x128x1x128xf32>
    tpu.vector_store %arg5[%swap3A_2854, %swap3A_2855, %swap3A_2856, %swap3A_2857], %swap3A_2860 {strides = array<i32>} : memref<4x128x51x128xf32, #tpu.memory_space<vmem>>, vector<1x128x1x128xf32>,
    %get3A_2861 = arith.constant 0 : index
    %get3A_2862 = arith.constant 0 : index
    %get3A_2863 = arith.constant 0 : index
    %get3A_2864 = arith.constant 0 : index
    %get3A_2865 = vector.load %arg3[%get3A_2861, %get3A_2862, %get3A_2863, %get3A_2864] : memref<4x128x50x128xf32, #tpu.memory_space<vmem>>, vector<1x128x50x128xf32>
    %get3A_2866 = vector.shape_cast %get3A_2865 : vector<1x128x50x128xf32> to vector<128x50x128xf32>
    %swap3A_2867 = arith.constant 0 : index
    %swap3A_2868 = arith.constant 0 : index
    %swap3A_2869 = arith.constant 1 : index
    %swap3A_2870 = arith.constant 0 : index
    %swap3A_2871 = vector.load %arg5[%swap3A_2867, %swap3A_2868, %swap3A_2869, %swap3A_2870] : memref<4x128x51x128xf32, #tpu.memory_space<vmem>>, vector<1x128x50x128xf32>
    %swap3A_2872 = vector.shape_cast %swap3A_2871 : vector<1x128x50x128xf32> to vector<128x50x128xf32>
    %swap3A_2873 = vector.shape_cast %get3A_2866 : vector<128x50x128xf32> to vector<1x128x50x128xf32>
    tpu.vector_store %arg5[%swap3A_2867, %swap3A_2868, %swap3A_2869, %swap3A_2870], %swap3A_2873 {strides = array<i32>} : memref<4x128x51x128xf32, #tpu.memory_space<vmem>>, vector<1x128x50x128xf32>,
    %dma_start3A_2874 = arith.constant 0 : i32
    %dma_start3A_2875 = arith.constant 0 : i32
    %dma_start3A_2876 = tpu.memref_slice %arg8[%dma_start3A_2875] : memref<4x!tpu.dma_semaphore, #tpu.memory_space<semaphore_mem>> -> memref<1x!tpu.dma_semaphore, #tpu.memory_space<semaphore_mem>>
    %dma_start3A_2877 = tpu.memref_squeeze %dma_start3A_2876 : memref<1x!tpu.dma_semaphore, #tpu.memory_space<semaphore_mem>> -> memref<!tpu.dma_semaphore, #tpu.memory_space<semaphore_mem>>
    %dma_start3A_2878 = arith.constant 3584 : i32
    %dma_start3A_2879 = arith.constant 0 : i32
    %dma_start3A_2880 = arith.constant 0 : i32
    %dma_start3A_2881 = tpu.memref_slice %arg2[%dma_start3A_2878, %dma_start3A_2879, %dma_start3A_2880] : memref<4096x51x128xf32, #tpu.memory_space<any>> -> memref<128x51x128xf32, #tpu.memory_space<any>>
    %dma_start3A_2882 = arith.constant 0 : i32
    %dma_start3A_2883 = arith.constant 0 : i32
    %dma_start3A_2884 = arith.constant 0 : i32
    %dma_start3A_2885 = tpu.memref_slice %arg5[%dma_start3A_2874, %dma_start3A_2882, %dma_start3A_2883, %dma_start3A_2884] : memref<4x128x51x128xf32, #tpu.memory_space<vmem>> -> memref<1x128x51x128xf32, #tpu.memory_space<vmem>>
    %dma_start3A_2886 = tpu.memref_squeeze %dma_start3A_2885 : memref<1x128x51x128xf32, #tpu.memory_space<vmem>> -> memref<128x51x128xf32, #tpu.memory_space<vmem>>
    tpu.enqueue_dma source(%dma_start3A_2886 : memref<128x51x128xf32, #tpu.memory_space<vmem>>) target(%dma_start3A_2881 : memref<128x51x128xf32, #tpu.memory_space<any>>) target_semaphore(%dma_start3A_2877 : memref<!tpu.dma_semaphore, #tpu.memory_space<semaphore_mem>>)
    %dma_wait3A_2887 = arith.constant 1 : i32
    %dma_wait3A_2888 = arith.constant 1 : i32
    %dma_wait3A_2889 = tpu.memref_slice %arg6[%dma_wait3A_2888] : memref<4x!tpu.dma_semaphore, #tpu.memory_space<semaphore_mem>> -> memref<1x!tpu.dma_semaphore, #tpu.memory_space<semaphore_mem>>
    %dma_wait3A_2890 = tpu.memref_squeeze %dma_wait3A_2889 : memref<1x!tpu.dma_semaphore, #tpu.memory_space<semaphore_mem>> -> memref<!tpu.dma_semaphore, #tpu.memory_space<semaphore_mem>>
    %dma_wait3A_2891 = arith.constant 0 : i32
    %dma_wait3A_2892 = arith.constant 0 : i32
    %dma_wait3A_2893 = arith.constant 0 : i32
    %dma_wait3A_2894 = tpu.memref_slice %arg3[%dma_wait3A_2887, %dma_wait3A_2891, %dma_wait3A_2892, %dma_wait3A_2893] : memref<4x128x50x128xf32, #tpu.memory_space<vmem>> -> memref<1x128x50x128xf32, #tpu.memory_space<vmem>>
    %dma_wait3A_2895 = tpu.memref_squeeze %dma_wait3A_2894 : memref<1x128x50x128xf32, #tpu.memory_space<vmem>> -> memref<128x50x128xf32, #tpu.memory_space<vmem>>
    %dma_wait3A_2896 = arith.constant 3712 : i32
    %dma_wait3A_2897 = arith.constant 0 : i32
    %dma_wait3A_2898 = arith.constant 0 : i32
    %dma_wait3A_2899 = tpu.memref_slice %arg1[%dma_wait3A_2896, %dma_wait3A_2897, %dma_wait3A_2898] : memref<4096x50x128xf32, #tpu.memory_space<any>> -> memref<128x50x128xf32, #tpu.memory_space<any>>
    tpu.wait_dma2 semaphore(%dma_wait3A_2890 : memref<!tpu.dma_semaphore, #tpu.memory_space<semaphore_mem>>) src(%dma_wait3A_2899 : memref<128x50x128xf32, #tpu.memory_space<any>>) dst(%dma_wait3A_2895 : memref<128x50x128xf32, #tpu.memory_space<vmem>>)
    %dma_wait3A_2900 = arith.constant 1 : i32
    %dma_wait3A_2901 = arith.constant 1 : i32
    %dma_wait3A_2902 = tpu.memref_slice %arg7[%dma_wait3A_2901] : memref<4x!tpu.dma_semaphore, #tpu.memory_space<semaphore_mem>> -> memref<1x!tpu.dma_semaphore, #tpu.memory_space<semaphore_mem>>
    %dma_wait3A_2903 = tpu.memref_squeeze %dma_wait3A_2902 : memref<1x!tpu.dma_semaphore, #tpu.memory_space<semaphore_mem>> -> memref<!tpu.dma_semaphore, #tpu.memory_space<semaphore_mem>>
    %dma_wait3A_2904 = arith.constant 0 : i32
    %dma_wait3A_2905 = arith.constant 0 : i32
    %dma_wait3A_2906 = tpu.memref_slice %arg4[%dma_wait3A_2900, %dma_wait3A_2904, %dma_wait3A_2905] : memref<4x128x128xf32, #tpu.memory_space<vmem>> -> memref<1x128x128xf32, #tpu.memory_space<vmem>>
    %dma_wait3A_2907 = tpu.memref_squeeze %dma_wait3A_2906 : memref<1x128x128xf32, #tpu.memory_space<vmem>> -> memref<128x128xf32, #tpu.memory_space<vmem>>
    %dma_wait3A_2908 = arith.constant 3712 : i32
    %dma_wait3A_2909 = arith.constant 0 : i32
    %dma_wait3A_2910 = tpu.memref_slice %arg0[%dma_wait3A_2908, %dma_wait3A_2909] : memref<4096x128xf32, #tpu.memory_space<any>> -> memref<128x128xf32, #tpu.memory_space<any>>
    tpu.wait_dma2 semaphore(%dma_wait3A_2903 : memref<!tpu.dma_semaphore, #tpu.memory_space<semaphore_mem>>) src(%dma_wait3A_2910 : memref<128x128xf32, #tpu.memory_space<any>>) dst(%dma_wait3A_2907 : memref<128x128xf32, #tpu.memory_space<vmem>>)
    %dma_wait3A_2911 = arith.constant 1 : i32
    %dma_wait3A_2912 = arith.constant 1 : i32
    %dma_wait3A_2913 = tpu.memref_slice %arg8[%dma_wait3A_2912] : memref<4x!tpu.dma_semaphore, #tpu.memory_space<semaphore_mem>> -> memref<1x!tpu.dma_semaphore, #tpu.memory_space<semaphore_mem>>
    %dma_wait3A_2914 = tpu.memref_squeeze %dma_wait3A_2913 : memref<1x!tpu.dma_semaphore, #tpu.memory_space<semaphore_mem>> -> memref<!tpu.dma_semaphore, #tpu.memory_space<semaphore_mem>>
    %dma_wait3A_2915 = arith.constant 3200 : i32
    %dma_wait3A_2916 = arith.constant 0 : i32
    %dma_wait3A_2917 = arith.constant 0 : i32
    %dma_wait3A_2918 = tpu.memref_slice %arg2[%dma_wait3A_2915, %dma_wait3A_2916, %dma_wait3A_2917] : memref<4096x51x128xf32, #tpu.memory_space<any>> -> memref<128x51x128xf32, #tpu.memory_space<any>>
    %dma_wait3A_2919 = arith.constant 0 : i32
    %dma_wait3A_2920 = arith.constant 0 : i32
    %dma_wait3A_2921 = arith.constant 0 : i32
    %dma_wait3A_2922 = tpu.memref_slice %arg5[%dma_wait3A_2911, %dma_wait3A_2919, %dma_wait3A_2920, %dma_wait3A_2921] : memref<4x128x51x128xf32, #tpu.memory_space<vmem>> -> memref<1x128x51x128xf32, #tpu.memory_space<vmem>>
    %dma_wait3A_2923 = tpu.memref_squeeze %dma_wait3A_2922 : memref<1x128x51x128xf32, #tpu.memory_space<vmem>> -> memref<128x51x128xf32, #tpu.memory_space<vmem>>
    tpu.wait_dma2 semaphore(%dma_wait3A_2914 : memref<!tpu.dma_semaphore, #tpu.memory_space<semaphore_mem>>) src(%dma_wait3A_2923 : memref<128x51x128xf32, #tpu.memory_space<vmem>>) dst(%dma_wait3A_2918 : memref<128x51x128xf32, #tpu.memory_space<any>>)
    %get3A_2924 = arith.constant 1 : index
    %get3A_2925 = arith.constant 0 : index
    %get3A_2926 = arith.constant 0 : index
    %get3A_2927 = vector.load %arg4[%get3A_2924, %get3A_2925, %get3A_2926] : memref<4x128x128xf32, #tpu.memory_space<vmem>>, vector<1x128x128xf32>
    %get3A_2928 = vector.shape_cast %get3A_2927 : vector<1x128x128xf32> to vector<128x128xf32>
    %swap3A_2929 = arith.constant 1 : index
    %swap3A_2930 = arith.constant 0 : index
    %swap3A_2931 = arith.constant 0 : index
    %swap3A_2932 = arith.constant 0 : index
    %swap3A_2933 = vector.load %arg5[%swap3A_2929, %swap3A_2930, %swap3A_2931, %swap3A_2932] : memref<4x128x51x128xf32, #tpu.memory_space<vmem>>, vector<1x128x1x128xf32>
    %swap3A_2934 = vector.shape_cast %swap3A_2933 : vector<1x128x1x128xf32> to vector<128x128xf32>
    %swap3A_2935 = vector.shape_cast %get3A_2928 : vector<128x128xf32> to vector<1x128x1x128xf32>
    tpu.vector_store %arg5[%swap3A_2929, %swap3A_2930, %swap3A_2931, %swap3A_2932], %swap3A_2935 {strides = array<i32>} : memref<4x128x51x128xf32, #tpu.memory_space<vmem>>, vector<1x128x1x128xf32>,
    %get3A_2936 = arith.constant 1 : index
    %get3A_2937 = arith.constant 0 : index
    %get3A_2938 = arith.constant 0 : index
    %get3A_2939 = arith.constant 0 : index
    %get3A_2940 = vector.load %arg3[%get3A_2936, %get3A_2937, %get3A_2938, %get3A_2939] : memref<4x128x50x128xf32, #tpu.memory_space<vmem>>, vector<1x128x50x128xf32>
    %get3A_2941 = vector.shape_cast %get3A_2940 : vector<1x128x50x128xf32> to vector<128x50x128xf32>
    %swap3A_2942 = arith.constant 1 : index
    %swap3A_2943 = arith.constant 0 : index
    %swap3A_2944 = arith.constant 1 : index
    %swap3A_2945 = arith.constant 0 : index
    %swap3A_2946 = vector.load %arg5[%swap3A_2942, %swap3A_2943, %swap3A_2944, %swap3A_2945] : memref<4x128x51x128xf32, #tpu.memory_space<vmem>>, vector<1x128x50x128xf32>
    %swap3A_2947 = vector.shape_cast %swap3A_2946 : vector<1x128x50x128xf32> to vector<128x50x128xf32>
    %swap3A_2948 = vector.shape_cast %get3A_2941 : vector<128x50x128xf32> to vector<1x128x50x128xf32>
    tpu.vector_store %arg5[%swap3A_2942, %swap3A_2943, %swap3A_2944, %swap3A_2945], %swap3A_2948 {strides = array<i32>} : memref<4x128x51x128xf32, #tpu.memory_space<vmem>>, vector<1x128x50x128xf32>,
    %dma_start3A_2949 = arith.constant 1 : i32
    %dma_start3A_2950 = arith.constant 1 : i32
    %dma_start3A_2951 = tpu.memref_slice %arg8[%dma_start3A_2950] : memref<4x!tpu.dma_semaphore, #tpu.memory_space<semaphore_mem>> -> memref<1x!tpu.dma_semaphore, #tpu.memory_space<semaphore_mem>>
    %dma_start3A_2952 = tpu.memref_squeeze %dma_start3A_2951 : memref<1x!tpu.dma_semaphore, #tpu.memory_space<semaphore_mem>> -> memref<!tpu.dma_semaphore, #tpu.memory_space<semaphore_mem>>
    %dma_start3A_2953 = arith.constant 3712 : i32
    %dma_start3A_2954 = arith.constant 0 : i32
    %dma_start3A_2955 = arith.constant 0 : i32
    %dma_start3A_2956 = tpu.memref_slice %arg2[%dma_start3A_2953, %dma_start3A_2954, %dma_start3A_2955] : memref<4096x51x128xf32, #tpu.memory_space<any>> -> memref<128x51x128xf32, #tpu.memory_space<any>>
    %dma_start3A_2957 = arith.constant 0 : i32
    %dma_start3A_2958 = arith.constant 0 : i32
    %dma_start3A_2959 = arith.constant 0 : i32
    %dma_start3A_2960 = tpu.memref_slice %arg5[%dma_start3A_2949, %dma_start3A_2957, %dma_start3A_2958, %dma_start3A_2959] : memref<4x128x51x128xf32, #tpu.memory_space<vmem>> -> memref<1x128x51x128xf32, #tpu.memory_space<vmem>>
    %dma_start3A_2961 = tpu.memref_squeeze %dma_start3A_2960 : memref<1x128x51x128xf32, #tpu.memory_space<vmem>> -> memref<128x51x128xf32, #tpu.memory_space<vmem>>
    tpu.enqueue_dma source(%dma_start3A_2961 : memref<128x51x128xf32, #tpu.memory_space<vmem>>) target(%dma_start3A_2956 : memref<128x51x128xf32, #tpu.memory_space<any>>) target_semaphore(%dma_start3A_2952 : memref<!tpu.dma_semaphore, #tpu.memory_space<semaphore_mem>>)
    %dma_wait3A_2962 = arith.constant 2 : i32
    %dma_wait3A_2963 = arith.constant 2 : i32
    %dma_wait3A_2964 = tpu.memref_slice %arg6[%dma_wait3A_2963] : memref<4x!tpu.dma_semaphore, #tpu.memory_space<semaphore_mem>> -> memref<1x!tpu.dma_semaphore, #tpu.memory_space<semaphore_mem>>
    %dma_wait3A_2965 = tpu.memref_squeeze %dma_wait3A_2964 : memref<1x!tpu.dma_semaphore, #tpu.memory_space<semaphore_mem>> -> memref<!tpu.dma_semaphore, #tpu.memory_space<semaphore_mem>>
    %dma_wait3A_2966 = arith.constant 0 : i32
    %dma_wait3A_2967 = arith.constant 0 : i32
    %dma_wait3A_2968 = arith.constant 0 : i32
    %dma_wait3A_2969 = tpu.memref_slice %arg3[%dma_wait3A_2962, %dma_wait3A_2966, %dma_wait3A_2967, %dma_wait3A_2968] : memref<4x128x50x128xf32, #tpu.memory_space<vmem>> -> memref<1x128x50x128xf32, #tpu.memory_space<vmem>>
    %dma_wait3A_2970 = tpu.memref_squeeze %dma_wait3A_2969 : memref<1x128x50x128xf32, #tpu.memory_space<vmem>> -> memref<128x50x128xf32, #tpu.memory_space<vmem>>
    %dma_wait3A_2971 = arith.constant 3840 : i32
    %dma_wait3A_2972 = arith.constant 0 : i32
    %dma_wait3A_2973 = arith.constant 0 : i32
    %dma_wait3A_2974 = tpu.memref_slice %arg1[%dma_wait3A_2971, %dma_wait3A_2972, %dma_wait3A_2973] : memref<4096x50x128xf32, #tpu.memory_space<any>> -> memref<128x50x128xf32, #tpu.memory_space<any>>
    tpu.wait_dma2 semaphore(%dma_wait3A_2965 : memref<!tpu.dma_semaphore, #tpu.memory_space<semaphore_mem>>) src(%dma_wait3A_2974 : memref<128x50x128xf32, #tpu.memory_space<any>>) dst(%dma_wait3A_2970 : memref<128x50x128xf32, #tpu.memory_space<vmem>>)
    %dma_wait3A_2975 = arith.constant 2 : i32
    %dma_wait3A_2976 = arith.constant 2 : i32
    %dma_wait3A_2977 = tpu.memref_slice %arg7[%dma_wait3A_2976] : memref<4x!tpu.dma_semaphore, #tpu.memory_space<semaphore_mem>> -> memref<1x!tpu.dma_semaphore, #tpu.memory_space<semaphore_mem>>
    %dma_wait3A_2978 = tpu.memref_squeeze %dma_wait3A_2977 : memref<1x!tpu.dma_semaphore, #tpu.memory_space<semaphore_mem>> -> memref<!tpu.dma_semaphore, #tpu.memory_space<semaphore_mem>>
    %dma_wait3A_2979 = arith.constant 0 : i32
    %dma_wait3A_2980 = arith.constant 0 : i32
    %dma_wait3A_2981 = tpu.memref_slice %arg4[%dma_wait3A_2975, %dma_wait3A_2979, %dma_wait3A_2980] : memref<4x128x128xf32, #tpu.memory_space<vmem>> -> memref<1x128x128xf32, #tpu.memory_space<vmem>>
    %dma_wait3A_2982 = tpu.memref_squeeze %dma_wait3A_2981 : memref<1x128x128xf32, #tpu.memory_space<vmem>> -> memref<128x128xf32, #tpu.memory_space<vmem>>
    %dma_wait3A_2983 = arith.constant 3840 : i32
    %dma_wait3A_2984 = arith.constant 0 : i32
    %dma_wait3A_2985 = tpu.memref_slice %arg0[%dma_wait3A_2983, %dma_wait3A_2984] : memref<4096x128xf32, #tpu.memory_space<any>> -> memref<128x128xf32, #tpu.memory_space<any>>
    tpu.wait_dma2 semaphore(%dma_wait3A_2978 : memref<!tpu.dma_semaphore, #tpu.memory_space<semaphore_mem>>) src(%dma_wait3A_2985 : memref<128x128xf32, #tpu.memory_space<any>>) dst(%dma_wait3A_2982 : memref<128x128xf32, #tpu.memory_space<vmem>>)
    %dma_wait3A_2986 = arith.constant 2 : i32
    %dma_wait3A_2987 = arith.constant 2 : i32
    %dma_wait3A_2988 = tpu.memref_slice %arg8[%dma_wait3A_2987] : memref<4x!tpu.dma_semaphore, #tpu.memory_space<semaphore_mem>> -> memref<1x!tpu.dma_semaphore, #tpu.memory_space<semaphore_mem>>
    %dma_wait3A_2989 = tpu.memref_squeeze %dma_wait3A_2988 : memref<1x!tpu.dma_semaphore, #tpu.memory_space<semaphore_mem>> -> memref<!tpu.dma_semaphore, #tpu.memory_space<semaphore_mem>>
    %dma_wait3A_2990 = arith.constant 3328 : i32
    %dma_wait3A_2991 = arith.constant 0 : i32
    %dma_wait3A_2992 = arith.constant 0 : i32
    %dma_wait3A_2993 = tpu.memref_slice %arg2[%dma_wait3A_2990, %dma_wait3A_2991, %dma_wait3A_2992] : memref<4096x51x128xf32, #tpu.memory_space<any>> -> memref<128x51x128xf32, #tpu.memory_space<any>>
    %dma_wait3A_2994 = arith.constant 0 : i32
    %dma_wait3A_2995 = arith.constant 0 : i32
    %dma_wait3A_2996 = arith.constant 0 : i32
    %dma_wait3A_2997 = tpu.memref_slice %arg5[%dma_wait3A_2986, %dma_wait3A_2994, %dma_wait3A_2995, %dma_wait3A_2996] : memref<4x128x51x128xf32, #tpu.memory_space<vmem>> -> memref<1x128x51x128xf32, #tpu.memory_space<vmem>>
    %dma_wait3A_2998 = tpu.memref_squeeze %dma_wait3A_2997 : memref<1x128x51x128xf32, #tpu.memory_space<vmem>> -> memref<128x51x128xf32, #tpu.memory_space<vmem>>
    tpu.wait_dma2 semaphore(%dma_wait3A_2989 : memref<!tpu.dma_semaphore, #tpu.memory_space<semaphore_mem>>) src(%dma_wait3A_2998 : memref<128x51x128xf32, #tpu.memory_space<vmem>>) dst(%dma_wait3A_2993 : memref<128x51x128xf32, #tpu.memory_space<any>>)
    %get3A_2999 = arith.constant 2 : index
    %get3A_3000 = arith.constant 0 : index
    %get3A_3001 = arith.constant 0 : index
    %get3A_3002 = vector.load %arg4[%get3A_2999, %get3A_3000, %get3A_3001] : memref<4x128x128xf32, #tpu.memory_space<vmem>>, vector<1x128x128xf32>
    %get3A_3003 = vector.shape_cast %get3A_3002 : vector<1x128x128xf32> to vector<128x128xf32>
    %swap3A_3004 = arith.constant 2 : index
    %swap3A_3005 = arith.constant 0 : index
    %swap3A_3006 = arith.constant 0 : index
    %swap3A_3007 = arith.constant 0 : index
    %swap3A_3008 = vector.load %arg5[%swap3A_3004, %swap3A_3005, %swap3A_3006, %swap3A_3007] : memref<4x128x51x128xf32, #tpu.memory_space<vmem>>, vector<1x128x1x128xf32>
    %swap3A_3009 = vector.shape_cast %swap3A_3008 : vector<1x128x1x128xf32> to vector<128x128xf32>
    %swap3A_3010 = vector.shape_cast %get3A_3003 : vector<128x128xf32> to vector<1x128x1x128xf32>
    tpu.vector_store %arg5[%swap3A_3004, %swap3A_3005, %swap3A_3006, %swap3A_3007], %swap3A_3010 {strides = array<i32>} : memref<4x128x51x128xf32, #tpu.memory_space<vmem>>, vector<1x128x1x128xf32>,
    %get3A_3011 = arith.constant 2 : index
    %get3A_3012 = arith.constant 0 : index
    %get3A_3013 = arith.constant 0 : index
    %get3A_3014 = arith.constant 0 : index
    %get3A_3015 = vector.load %arg3[%get3A_3011, %get3A_3012, %get3A_3013, %get3A_3014] : memref<4x128x50x128xf32, #tpu.memory_space<vmem>>, vector<1x128x50x128xf32>
    %get3A_3016 = vector.shape_cast %get3A_3015 : vector<1x128x50x128xf32> to vector<128x50x128xf32>
    %swap3A_3017 = arith.constant 2 : index
    %swap3A_3018 = arith.constant 0 : index
    %swap3A_3019 = arith.constant 1 : index
    %swap3A_3020 = arith.constant 0 : index
    %swap3A_3021 = vector.load %arg5[%swap3A_3017, %swap3A_3018, %swap3A_3019, %swap3A_3020] : memref<4x128x51x128xf32, #tpu.memory_space<vmem>>, vector<1x128x50x128xf32>
    %swap3A_3022 = vector.shape_cast %swap3A_3021 : vector<1x128x50x128xf32> to vector<128x50x128xf32>
    %swap3A_3023 = vector.shape_cast %get3A_3016 : vector<128x50x128xf32> to vector<1x128x50x128xf32>
    tpu.vector_store %arg5[%swap3A_3017, %swap3A_3018, %swap3A_3019, %swap3A_3020], %swap3A_3023 {strides = array<i32>} : memref<4x128x51x128xf32, #tpu.memory_space<vmem>>, vector<1x128x50x128xf32>,
    %dma_start3A_3024 = arith.constant 2 : i32
    %dma_start3A_3025 = arith.constant 2 : i32
    %dma_start3A_3026 = tpu.memref_slice %arg8[%dma_start3A_3025] : memref<4x!tpu.dma_semaphore, #tpu.memory_space<semaphore_mem>> -> memref<1x!tpu.dma_semaphore, #tpu.memory_space<semaphore_mem>>
    %dma_start3A_3027 = tpu.memref_squeeze %dma_start3A_3026 : memref<1x!tpu.dma_semaphore, #tpu.memory_space<semaphore_mem>> -> memref<!tpu.dma_semaphore, #tpu.memory_space<semaphore_mem>>
    %dma_start3A_3028 = arith.constant 3840 : i32
    %dma_start3A_3029 = arith.constant 0 : i32
    %dma_start3A_3030 = arith.constant 0 : i32
    %dma_start3A_3031 = tpu.memref_slice %arg2[%dma_start3A_3028, %dma_start3A_3029, %dma_start3A_3030] : memref<4096x51x128xf32, #tpu.memory_space<any>> -> memref<128x51x128xf32, #tpu.memory_space<any>>
    %dma_start3A_3032 = arith.constant 0 : i32
    %dma_start3A_3033 = arith.constant 0 : i32
    %dma_start3A_3034 = arith.constant 0 : i32
    %dma_start3A_3035 = tpu.memref_slice %arg5[%dma_start3A_3024, %dma_start3A_3032, %dma_start3A_3033, %dma_start3A_3034] : memref<4x128x51x128xf32, #tpu.memory_space<vmem>> -> memref<1x128x51x128xf32, #tpu.memory_space<vmem>>
    %dma_start3A_3036 = tpu.memref_squeeze %dma_start3A_3035 : memref<1x128x51x128xf32, #tpu.memory_space<vmem>> -> memref<128x51x128xf32, #tpu.memory_space<vmem>>
    tpu.enqueue_dma source(%dma_start3A_3036 : memref<128x51x128xf32, #tpu.memory_space<vmem>>) target(%dma_start3A_3031 : memref<128x51x128xf32, #tpu.memory_space<any>>) target_semaphore(%dma_start3A_3027 : memref<!tpu.dma_semaphore, #tpu.memory_space<semaphore_mem>>)
    %dma_wait3A_3037 = arith.constant 3 : i32
    %dma_wait3A_3038 = arith.constant 3 : i32
    %dma_wait3A_3039 = tpu.memref_slice %arg6[%dma_wait3A_3038] : memref<4x!tpu.dma_semaphore, #tpu.memory_space<semaphore_mem>> -> memref<1x!tpu.dma_semaphore, #tpu.memory_space<semaphore_mem>>
    %dma_wait3A_3040 = tpu.memref_squeeze %dma_wait3A_3039 : memref<1x!tpu.dma_semaphore, #tpu.memory_space<semaphore_mem>> -> memref<!tpu.dma_semaphore, #tpu.memory_space<semaphore_mem>>
    %dma_wait3A_3041 = arith.constant 0 : i32
    %dma_wait3A_3042 = arith.constant 0 : i32
    %dma_wait3A_3043 = arith.constant 0 : i32
    %dma_wait3A_3044 = tpu.memref_slice %arg3[%dma_wait3A_3037, %dma_wait3A_3041, %dma_wait3A_3042, %dma_wait3A_3043] : memref<4x128x50x128xf32, #tpu.memory_space<vmem>> -> memref<1x128x50x128xf32, #tpu.memory_space<vmem>>
    %dma_wait3A_3045 = tpu.memref_squeeze %dma_wait3A_3044 : memref<1x128x50x128xf32, #tpu.memory_space<vmem>> -> memref<128x50x128xf32, #tpu.memory_space<vmem>>
    %dma_wait3A_3046 = arith.constant 3968 : i32
    %dma_wait3A_3047 = arith.constant 0 : i32
    %dma_wait3A_3048 = arith.constant 0 : i32
    %dma_wait3A_3049 = tpu.memref_slice %arg1[%dma_wait3A_3046, %dma_wait3A_3047, %dma_wait3A_3048] : memref<4096x50x128xf32, #tpu.memory_space<any>> -> memref<128x50x128xf32, #tpu.memory_space<any>>
    tpu.wait_dma2 semaphore(%dma_wait3A_3040 : memref<!tpu.dma_semaphore, #tpu.memory_space<semaphore_mem>>) src(%dma_wait3A_3049 : memref<128x50x128xf32, #tpu.memory_space<any>>) dst(%dma_wait3A_3045 : memref<128x50x128xf32, #tpu.memory_space<vmem>>)
    %dma_wait3A_3050 = arith.constant 3 : i32
    %dma_wait3A_3051 = arith.constant 3 : i32
    %dma_wait3A_3052 = tpu.memref_slice %arg7[%dma_wait3A_3051] : memref<4x!tpu.dma_semaphore, #tpu.memory_space<semaphore_mem>> -> memref<1x!tpu.dma_semaphore, #tpu.memory_space<semaphore_mem>>
    %dma_wait3A_3053 = tpu.memref_squeeze %dma_wait3A_3052 : memref<1x!tpu.dma_semaphore, #tpu.memory_space<semaphore_mem>> -> memref<!tpu.dma_semaphore, #tpu.memory_space<semaphore_mem>>
    %dma_wait3A_3054 = arith.constant 0 : i32
    %dma_wait3A_3055 = arith.constant 0 : i32
    %dma_wait3A_3056 = tpu.memref_slice %arg4[%dma_wait3A_3050, %dma_wait3A_3054, %dma_wait3A_3055] : memref<4x128x128xf32, #tpu.memory_space<vmem>> -> memref<1x128x128xf32, #tpu.memory_space<vmem>>
    %dma_wait3A_3057 = tpu.memref_squeeze %dma_wait3A_3056 : memref<1x128x128xf32, #tpu.memory_space<vmem>> -> memref<128x128xf32, #tpu.memory_space<vmem>>
    %dma_wait3A_3058 = arith.constant 3968 : i32
    %dma_wait3A_3059 = arith.constant 0 : i32
    %dma_wait3A_3060 = tpu.memref_slice %arg0[%dma_wait3A_3058, %dma_wait3A_3059] : memref<4096x128xf32, #tpu.memory_space<any>> -> memref<128x128xf32, #tpu.memory_space<any>>
    tpu.wait_dma2 semaphore(%dma_wait3A_3053 : memref<!tpu.dma_semaphore, #tpu.memory_space<semaphore_mem>>) src(%dma_wait3A_3060 : memref<128x128xf32, #tpu.memory_space<any>>) dst(%dma_wait3A_3057 : memref<128x128xf32, #tpu.memory_space<vmem>>)
    %dma_wait3A_3061 = arith.constant 3 : i32
    %dma_wait3A_3062 = arith.constant 3 : i32
    %dma_wait3A_3063 = tpu.memref_slice %arg8[%dma_wait3A_3062] : memref<4x!tpu.dma_semaphore, #tpu.memory_space<semaphore_mem>> -> memref<1x!tpu.dma_semaphore, #tpu.memory_space<semaphore_mem>>
    %dma_wait3A_3064 = tpu.memref_squeeze %dma_wait3A_3063 : memref<1x!tpu.dma_semaphore, #tpu.memory_space<semaphore_mem>> -> memref<!tpu.dma_semaphore, #tpu.memory_space<semaphore_mem>>
    %dma_wait3A_3065 = arith.constant 3456 : i32
    %dma_wait3A_3066 = arith.constant 0 : i32
    %dma_wait3A_3067 = arith.constant 0 : i32
    %dma_wait3A_3068 = tpu.memref_slice %arg2[%dma_wait3A_3065, %dma_wait3A_3066, %dma_wait3A_3067] : memref<4096x51x128xf32, #tpu.memory_space<any>> -> memref<128x51x128xf32, #tpu.memory_space<any>>
    %dma_wait3A_3069 = arith.constant 0 : i32
    %dma_wait3A_3070 = arith.constant 0 : i32
    %dma_wait3A_3071 = arith.constant 0 : i32
    %dma_wait3A_3072 = tpu.memref_slice %arg5[%dma_wait3A_3061, %dma_wait3A_3069, %dma_wait3A_3070, %dma_wait3A_3071] : memref<4x128x51x128xf32, #tpu.memory_space<vmem>> -> memref<1x128x51x128xf32, #tpu.memory_space<vmem>>
    %dma_wait3A_3073 = tpu.memref_squeeze %dma_wait3A_3072 : memref<1x128x51x128xf32, #tpu.memory_space<vmem>> -> memref<128x51x128xf32, #tpu.memory_space<vmem>>
    tpu.wait_dma2 semaphore(%dma_wait3A_3064 : memref<!tpu.dma_semaphore, #tpu.memory_space<semaphore_mem>>) src(%dma_wait3A_3073 : memref<128x51x128xf32, #tpu.memory_space<vmem>>) dst(%dma_wait3A_3068 : memref<128x51x128xf32, #tpu.memory_space<any>>)
    %get3A_3074 = arith.constant 3 : index
    %get3A_3075 = arith.constant 0 : index
    %get3A_3076 = arith.constant 0 : index
    %get3A_3077 = vector.load %arg4[%get3A_3074, %get3A_3075, %get3A_3076] : memref<4x128x128xf32, #tpu.memory_space<vmem>>, vector<1x128x128xf32>
    %get3A_3078 = vector.shape_cast %get3A_3077 : vector<1x128x128xf32> to vector<128x128xf32>
    %swap3A_3079 = arith.constant 3 : index
    %swap3A_3080 = arith.constant 0 : index
    %swap3A_3081 = arith.constant 0 : index
    %swap3A_3082 = arith.constant 0 : index
    %swap3A_3083 = vector.load %arg5[%swap3A_3079, %swap3A_3080, %swap3A_3081, %swap3A_3082] : memref<4x128x51x128xf32, #tpu.memory_space<vmem>>, vector<1x128x1x128xf32>
    %swap3A_3084 = vector.shape_cast %swap3A_3083 : vector<1x128x1x128xf32> to vector<128x128xf32>
    %swap3A_3085 = vector.shape_cast %get3A_3078 : vector<128x128xf32> to vector<1x128x1x128xf32>
    tpu.vector_store %arg5[%swap3A_3079, %swap3A_3080, %swap3A_3081, %swap3A_3082], %swap3A_3085 {strides = array<i32>} : memref<4x128x51x128xf32, #tpu.memory_space<vmem>>, vector<1x128x1x128xf32>,
    %get3A_3086 = arith.constant 3 : index
    %get3A_3087 = arith.constant 0 : index
    %get3A_3088 = arith.constant 0 : index
    %get3A_3089 = arith.constant 0 : index
    %get3A_3090 = vector.load %arg3[%get3A_3086, %get3A_3087, %get3A_3088, %get3A_3089] : memref<4x128x50x128xf32, #tpu.memory_space<vmem>>, vector<1x128x50x128xf32>
    %get3A_3091 = vector.shape_cast %get3A_3090 : vector<1x128x50x128xf32> to vector<128x50x128xf32>
    %swap3A_3092 = arith.constant 3 : index
    %swap3A_3093 = arith.constant 0 : index
    %swap3A_3094 = arith.constant 1 : index
    %swap3A_3095 = arith.constant 0 : index
    %swap3A_3096 = vector.load %arg5[%swap3A_3092, %swap3A_3093, %swap3A_3094, %swap3A_3095] : memref<4x128x51x128xf32, #tpu.memory_space<vmem>>, vector<1x128x50x128xf32>
    %swap3A_3097 = vector.shape_cast %swap3A_3096 : vector<1x128x50x128xf32> to vector<128x50x128xf32>
    %swap3A_3098 = vector.shape_cast %get3A_3091 : vector<128x50x128xf32> to vector<1x128x50x128xf32>
    tpu.vector_store %arg5[%swap3A_3092, %swap3A_3093, %swap3A_3094, %swap3A_3095], %swap3A_3098 {strides = array<i32>} : memref<4x128x51x128xf32, #tpu.memory_space<vmem>>, vector<1x128x50x128xf32>,
    %dma_start3A_3099 = arith.constant 3 : i32
    %dma_start3A_3100 = arith.constant 3 : i32
    %dma_start3A_3101 = tpu.memref_slice %arg8[%dma_start3A_3100] : memref<4x!tpu.dma_semaphore, #tpu.memory_space<semaphore_mem>> -> memref<1x!tpu.dma_semaphore, #tpu.memory_space<semaphore_mem>>
    %dma_start3A_3102 = tpu.memref_squeeze %dma_start3A_3101 : memref<1x!tpu.dma_semaphore, #tpu.memory_space<semaphore_mem>> -> memref<!tpu.dma_semaphore, #tpu.memory_space<semaphore_mem>>
    %dma_start3A_3103 = arith.constant 3968 : i32
    %dma_start3A_3104 = arith.constant 0 : i32
    %dma_start3A_3105 = arith.constant 0 : i32
    %dma_start3A_3106 = tpu.memref_slice %arg2[%dma_start3A_3103, %dma_start3A_3104, %dma_start3A_3105] : memref<4096x51x128xf32, #tpu.memory_space<any>> -> memref<128x51x128xf32, #tpu.memory_space<any>>
    %dma_start3A_3107 = arith.constant 0 : i32
    %dma_start3A_3108 = arith.constant 0 : i32
    %dma_start3A_3109 = arith.constant 0 : i32
    %dma_start3A_3110 = tpu.memref_slice %arg5[%dma_start3A_3099, %dma_start3A_3107, %dma_start3A_3108, %dma_start3A_3109] : memref<4x128x51x128xf32, #tpu.memory_space<vmem>> -> memref<1x128x51x128xf32, #tpu.memory_space<vmem>>
    %dma_start3A_3111 = tpu.memref_squeeze %dma_start3A_3110 : memref<1x128x51x128xf32, #tpu.memory_space<vmem>> -> memref<128x51x128xf32, #tpu.memory_space<vmem>>
    tpu.enqueue_dma source(%dma_start3A_3111 : memref<128x51x128xf32, #tpu.memory_space<vmem>>) target(%dma_start3A_3106 : memref<128x51x128xf32, #tpu.memory_space<any>>) target_semaphore(%dma_start3A_3102 : memref<!tpu.dma_semaphore, #tpu.memory_space<semaphore_mem>>)
    %dma_wait3A_3112 = arith.constant 0 : i32
    %dma_wait3A_3113 = arith.constant 0 : i32
    %dma_wait3A_3114 = tpu.memref_slice %arg8[%dma_wait3A_3113] : memref<4x!tpu.dma_semaphore, #tpu.memory_space<semaphore_mem>> -> memref<1x!tpu.dma_semaphore, #tpu.memory_space<semaphore_mem>>
    %dma_wait3A_3115 = tpu.memref_squeeze %dma_wait3A_3114 : memref<1x!tpu.dma_semaphore, #tpu.memory_space<semaphore_mem>> -> memref<!tpu.dma_semaphore, #tpu.memory_space<semaphore_mem>>
    %dma_wait3A_3116 = arith.constant 3584 : i32
    %dma_wait3A_3117 = arith.constant 0 : i32
    %dma_wait3A_3118 = arith.constant 0 : i32
    %dma_wait3A_3119 = tpu.memref_slice %arg2[%dma_wait3A_3116, %dma_wait3A_3117, %dma_wait3A_3118] : memref<4096x51x128xf32, #tpu.memory_space<any>> -> memref<128x51x128xf32, #tpu.memory_space<any>>
    %dma_wait3A_3120 = arith.constant 0 : i32
    %dma_wait3A_3121 = arith.constant 0 : i32
    %dma_wait3A_3122 = arith.constant 0 : i32
    %dma_wait3A_3123 = tpu.memref_slice %arg5[%dma_wait3A_3112, %dma_wait3A_3120, %dma_wait3A_3121, %dma_wait3A_3122] : memref<4x128x51x128xf32, #tpu.memory_space<vmem>> -> memref<1x128x51x128xf32, #tpu.memory_space<vmem>>
    %dma_wait3A_3124 = tpu.memref_squeeze %dma_wait3A_3123 : memref<1x128x51x128xf32, #tpu.memory_space<vmem>> -> memref<128x51x128xf32, #tpu.memory_space<vmem>>
    tpu.wait_dma2 semaphore(%dma_wait3A_3115 : memref<!tpu.dma_semaphore, #tpu.memory_space<semaphore_mem>>) src(%dma_wait3A_3124 : memref<128x51x128xf32, #tpu.memory_space<vmem>>) dst(%dma_wait3A_3119 : memref<128x51x128xf32, #tpu.memory_space<any>>)
    %dma_wait3A_3125 = arith.constant 1 : i32
    %dma_wait3A_3126 = arith.constant 1 : i32
    %dma_wait3A_3127 = tpu.memref_slice %arg8[%dma_wait3A_3126] : memref<4x!tpu.dma_semaphore, #tpu.memory_space<semaphore_mem>> -> memref<1x!tpu.dma_semaphore, #tpu.memory_space<semaphore_mem>>
    %dma_wait3A_3128 = tpu.memref_squeeze %dma_wait3A_3127 : memref<1x!tpu.dma_semaphore, #tpu.memory_space<semaphore_mem>> -> memref<!tpu.dma_semaphore, #tpu.memory_space<semaphore_mem>>
    %dma_wait3A_3129 = arith.constant 3712 : i32
    %dma_wait3A_3130 = arith.constant 0 : i32
    %dma_wait3A_3131 = arith.constant 0 : i32
    %dma_wait3A_3132 = tpu.memref_slice %arg2[%dma_wait3A_3129, %dma_wait3A_3130, %dma_wait3A_3131] : memref<4096x51x128xf32, #tpu.memory_space<any>> -> memref<128x51x128xf32, #tpu.memory_space<any>>
    %dma_wait3A_3133 = arith.constant 0 : i32
    %dma_wait3A_3134 = arith.constant 0 : i32
    %dma_wait3A_3135 = arith.constant 0 : i32
    %dma_wait3A_3136 = tpu.memref_slice %arg5[%dma_wait3A_3125, %dma_wait3A_3133, %dma_wait3A_3134, %dma_wait3A_3135] : memref<4x128x51x128xf32, #tpu.memory_space<vmem>> -> memref<1x128x51x128xf32, #tpu.memory_space<vmem>>
    %dma_wait3A_3137 = tpu.memref_squeeze %dma_wait3A_3136 : memref<1x128x51x128xf32, #tpu.memory_space<vmem>> -> memref<128x51x128xf32, #tpu.memory_space<vmem>>
    tpu.wait_dma2 semaphore(%dma_wait3A_3128 : memref<!tpu.dma_semaphore, #tpu.memory_space<semaphore_mem>>) src(%dma_wait3A_3137 : memref<128x51x128xf32, #tpu.memory_space<vmem>>) dst(%dma_wait3A_3132 : memref<128x51x128xf32, #tpu.memory_space<any>>)
    %dma_wait3A_3138 = arith.constant 2 : i32
    %dma_wait3A_3139 = arith.constant 2 : i32
    %dma_wait3A_3140 = tpu.memref_slice %arg8[%dma_wait3A_3139] : memref<4x!tpu.dma_semaphore, #tpu.memory_space<semaphore_mem>> -> memref<1x!tpu.dma_semaphore, #tpu.memory_space<semaphore_mem>>
    %dma_wait3A_3141 = tpu.memref_squeeze %dma_wait3A_3140 : memref<1x!tpu.dma_semaphore, #tpu.memory_space<semaphore_mem>> -> memref<!tpu.dma_semaphore, #tpu.memory_space<semaphore_mem>>
    %dma_wait3A_3142 = arith.constant 3840 : i32
    %dma_wait3A_3143 = arith.constant 0 : i32
    %dma_wait3A_3144 = arith.constant 0 : i32
    %dma_wait3A_3145 = tpu.memref_slice %arg2[%dma_wait3A_3142, %dma_wait3A_3143, %dma_wait3A_3144] : memref<4096x51x128xf32, #tpu.memory_space<any>> -> memref<128x51x128xf32, #tpu.memory_space<any>>
    %dma_wait3A_3146 = arith.constant 0 : i32
    %dma_wait3A_3147 = arith.constant 0 : i32
    %dma_wait3A_3148 = arith.constant 0 : i32
    %dma_wait3A_3149 = tpu.memref_slice %arg5[%dma_wait3A_3138, %dma_wait3A_3146, %dma_wait3A_3147, %dma_wait3A_3148] : memref<4x128x51x128xf32, #tpu.memory_space<vmem>> -> memref<1x128x51x128xf32, #tpu.memory_space<vmem>>
    %dma_wait3A_3150 = tpu.memref_squeeze %dma_wait3A_3149 : memref<1x128x51x128xf32, #tpu.memory_space<vmem>> -> memref<128x51x128xf32, #tpu.memory_space<vmem>>
    tpu.wait_dma2 semaphore(%dma_wait3A_3141 : memref<!tpu.dma_semaphore, #tpu.memory_space<semaphore_mem>>) src(%dma_wait3A_3150 : memref<128x51x128xf32, #tpu.memory_space<vmem>>) dst(%dma_wait3A_3145 : memref<128x51x128xf32, #tpu.memory_space<any>>)
    %dma_wait3A_3151 = arith.constant 3 : i32
    %dma_wait3A_3152 = arith.constant 3 : i32
    %dma_wait3A_3153 = tpu.memref_slice %arg8[%dma_wait3A_3152] : memref<4x!tpu.dma_semaphore, #tpu.memory_space<semaphore_mem>> -> memref<1x!tpu.dma_semaphore, #tpu.memory_space<semaphore_mem>>
    %dma_wait3A_3154 = tpu.memref_squeeze %dma_wait3A_3153 : memref<1x!tpu.dma_semaphore, #tpu.memory_space<semaphore_mem>> -> memref<!tpu.dma_semaphore, #tpu.memory_space<semaphore_mem>>
    %dma_wait3A_3155 = arith.constant 3968 : i32
    %dma_wait3A_3156 = arith.constant 0 : i32
    %dma_wait3A_3157 = arith.constant 0 : i32
    %dma_wait3A_3158 = tpu.memref_slice %arg2[%dma_wait3A_3155, %dma_wait3A_3156, %dma_wait3A_3157] : memref<4096x51x128xf32, #tpu.memory_space<any>> -> memref<128x51x128xf32, #tpu.memory_space<any>>
    %dma_wait3A_3159 = arith.constant 0 : i32
    %dma_wait3A_3160 = arith.constant 0 : i32
    %dma_wait3A_3161 = arith.constant 0 : i32
    %dma_wait3A_3162 = tpu.memref_slice %arg5[%dma_wait3A_3151, %dma_wait3A_3159, %dma_wait3A_3160, %dma_wait3A_3161] : memref<4x128x51x128xf32, #tpu.memory_space<vmem>> -> memref<1x128x51x128xf32, #tpu.memory_space<vmem>>
    %dma_wait3A_3163 = tpu.memref_squeeze %dma_wait3A_3162 : memref<1x128x51x128xf32, #tpu.memory_space<vmem>> -> memref<128x51x128xf32, #tpu.memory_space<vmem>>
    tpu.wait_dma2 semaphore(%dma_wait3A_3154 : memref<!tpu.dma_semaphore, #tpu.memory_space<semaphore_mem>>) src(%dma_wait3A_3163 : memref<128x51x128xf32, #tpu.memory_space<vmem>>) dst(%dma_wait3A_3158 : memref<128x51x128xf32, #tpu.memory_space<any>>)
    return
  }
}

</mosaic_0001>

<sc_bundles>
// kernel: _run.4.cloned.1.call-start
scs
__scs_entry_jumppad:
0x0: {  	(pc) =	sbr.rel $0x88, $3  }
0x1: {  	(tag) =	ssettag $0x0;
	lr =	simm.s32 $0x1  }
0x2: {  	[smem:$0x3F9E] =	sst lr;
	_ =	strace $0xD0000000  }
0x3: {  	_ = 	snop  }
0x4: {  	_ = 	snop  }
0x5: {  	_ = 	snop  }
0x6: {  	_ = 	snop  }
0x7: {  	_ = 	snop  }
__scs_overlays_trampoline_lowered:
0x8: {  	[smem:$0x3FAD] =	sst s0  }
0x9: {  	[smem:$0x3FAE] =	sst s1  }
0xa: {  	[smem:$0x3FAF] =	sst s2  }
0xb: {  	[smem:$0x3FB0] =	sst s3  }
0xc: {  	[smem:$0x3FB1] =	sst s4  }
0xd: {  	[smem:$0x3FB2] =	sst s5  }
0xe: {  	[smem:$0x3FB3] =	sst s6  }
0xf: {  	[smem:$0x3FB4] =	sst s7  }
0x10: {  	[smem:$0x3FB5] =	sst s8  }
0x11: {  	[smem:$0x3FB6] =	sst s9;
	s0 =	simm.s32 @!p0 $0x0  }
0x12: {  	s1 =	sld [smem:$0x3F9C];
	s0 =	simm.s32 @p0 $0x1  }
0x13: {  	[smem:$0x3FB7] =	sst s0;
	s0 =	simm.s32 @!p1 $0x0  }
0x14: {  	s2 =	sld [smem:$0x3F9B];
	s0 =	simm.s32 @p1 $0x1  }
0x15: {  	[smem:$0x3FB8] =	sst s0;
	s0 =	simm.s32 @!p2 $0x0  }
0x16: {  	s3 =	sld [smem:$0x3FDB];
	s0 =	simm.s32 @p2 $0x1  }
0x17: {  	s4 =	simm.s32 $0x1BF5;
	[smem:$0x3FBA] =	sst s0  }
0x18: {  	s0 =	sld [smem:$0x3F9D];
	_ =	swait.ge [sflag:s4], $0x0  }
0x19: {  	s7 =	sld [smem:$0x3F9E]  }
0x1a: {  	s8 =	sadd.s32 $0xFFFFE003, lr  }
0x1b: {  	s9 =	sadd.s32 $0xFFFFFEF7, lr;
	s5 =	simm.s32 $0xFFFFFFFF;
	p2 =	slt.u32 s8, $0xFFFFF086  }
0x1c: {  	p1 =	slt.u32 s9, $0xF7A;
	s5 =	simm.s32 @!p2 $0x0  }
0x1d: {  	s5 =	simm.s32 @p1 $0x1;
	p0 =	seq.s32 s7, s2  }
0x1e: {  	s7 =	smul.u32 @!p0 $0xF7A, s2;
	p2 =	seq.s32 @!p0 s5, $0x0  }
0x1f: {  	s9 =	smul.u32 $0xF7A, s1;
	s8 =	simm.s32 @!p0 $0x1BF5;
	p2 =	por !p2, p0  }
0x20: {  	[sflag:s8] =	ssyncset.s32 @!p0 $0xFFFFF086;
	s6 =	sadd.s32 @!p0 s3, s7;
	s7 =	simm.s32 @!p0 $0x108  }
0x21: {  	s3 =	sadd.s32 s3, s9;
	s6 =	sadd.s32 @!p0 $0x88, s6;
	s7 =	simm.s32 @p2 $0x1082  }
0x22: {  	[simem:s7], [sflag:s8] =	dma.local @!p0 [hbm:s6], $0xF7A  }
0x23: {  	s9 =	sor.u32 $0xD0000000, s2;
	s6 =	simm.s32 $0x108;
	_ =	swait.ge @!p0 [sflag:s8], $0x0  }
0x24: {  	s3 =	sadd.s32 $0x88, s3;
	s6 =	simm.s32 @!p1 $0x1082;
	[sflag:s4] =	ssyncset.s32 $0xFFFFF086  }
0x25: {  	[simem:s6], [sflag:s4] =	dma.local [hbm:s3], $0xF7A  }
0x26: {  	[smem:$0x3F9E] =	sst s1;
	(tag) =	ssettag s2;
	_ =	strace s9  }
0x27: {  	s1 =	sld [smem:$0x3FAE]  }
0x28: {  	s2 =	sld [smem:$0x3FAF]  }
0x29: {  	s4 =	sld [smem:$0x3FB1]  }
0x2a: {  	p0 =	seq.s32 s5, $0x0;
	s5 =	sld [smem:$0x3FB2]  }
0x2b: {  	s6 =	sld [smem:$0x3FB3]  }
0x2c: {  	s7 =	sld [smem:$0x3FB4]  }
0x2d: {  	s3 =	simm.s32 $0x108;
	s8 =	sld [smem:$0x3FB5]  }
0x2e: {  	s3 =	simm.s32 @!p0 $0x1082;
	s9 =	sld [smem:$0x3FB6]  }
0x2f: {  	lr =	sadd.s32 s0, s3;
	s0 =	sld [smem:$0x3FAD]  }
0x30: {  	s3 =	sld [smem:$0x3FB0]  }
0x31: {  	[smem:$0x3FB9] =	sst s10  }
0x32: {  	s10 =	sld [smem:$0x3FB7];
	_ =	sdelay $0x3  }
0x33: {  	p0 =	seq.s32 s10, $0x1;
	s10 =	sld [smem:$0x3FB9];
	_ =	sdelay $0x3  }
0x34: {  	[smem:$0x3FB9] =	sst s10  }
0x35: {  	s10 =	sld [smem:$0x3FB8];
	_ =	sdelay $0x3  }
0x36: {  	p1 =	seq.s32 s10, $0x1;
	s10 =	sld [smem:$0x3FB9];
	_ =	sdelay $0x3  }
0x37: {  	[smem:$0x3FB9] =	sst s10  }
0x38: {  	s10 =	sld [smem:$0x3FBA]  }
0x39: {  	_ = 	snop;
	(pc) =	sbr.ind lr, $3  }
0x3a: {  	_ = 	snop  }
0x3b: {  	_ = 	snop  }
0x3c: {  	p2 =	seq.s32 s10, $0x1;
	s10 =	sld [smem:$0x3FB9]  }
0x3d: {  	_ =	shalt  }
0x3e: {  	_ =	shalt  }
0x3f: {  	_ =	shalt  }
0x40: {  	_ =	shalt  }
0x41: {  	_ =	shalt  }
0x42: {  	_ =	shalt  }
0x43: {  	_ =	shalt  }
0x44: {  	_ =	shalt  }
0x45: {  	_ =	shalt  }
0x46: {  	_ =	shalt  }
0x47: {  	_ =	shalt  }
0x48: {  	_ =	shalt  }
0x49: {  	_ =	shalt  }
0x4a: {  	_ =	shalt  }
0x4b: {  	_ =	shalt  }
0x4c: {  	_ =	shalt  }
0x4d: {  	_ =	shalt  }
0x4e: {  	_ =	shalt  }
0x4f: {  	_ =	shalt  }
0x50: {  	_ =	shalt  }
0x51: {  	_ =	shalt  }
0x52: {  	_ =	shalt  }
0x53: {  	_ =	shalt  }
0x54: {  	_ =	shalt  }
0x55: {  	_ =	shalt  }
0x56: {  	_ =	shalt  }
0x57: {  	_ =	shalt  }
0x58: {  	_ =	shalt  }
0x59: {  	_ =	shalt  }
0x5a: {  	_ =	shalt  }
0x5b: {  	_ =	shalt  }
0x5c: {  	_ =	shalt  }
0x5d: {  	_ =	shalt  }
0x5e: {  	_ =	shalt  }
0x5f: {  	_ =	shalt  }
0x60: {  	_ =	shalt  }
0x61: {  	_ =	shalt  }
0x62: {  	_ =	shalt  }
0x63: {  	_ =	shalt  }
0x64: {  	_ =	shalt  }
0x65: {  	_ =	shalt  }
0x66: {  	_ =	shalt  }
0x67: {  	_ =	shalt  }
0x68: {  	_ =	shalt  }
0x69: {  	_ =	shalt  }
0x6a: {  	_ =	shalt  }
0x6b: {  	_ =	shalt  }
0x6c: {  	_ =	shalt  }
0x6d: {  	_ =	shalt  }
0x6e: {  	_ =	shalt  }
0x6f: {  	_ =	shalt  }
0x70: {  	_ =	shalt  }
0x71: {  	_ =	shalt  }
0x72: {  	_ =	shalt  }
0x73: {  	_ =	shalt  }
0x74: {  	_ =	shalt  }
0x75: {  	_ =	shalt  }
0x76: {  	_ =	shalt  }
0x77: {  	_ =	shalt  }
0x78: {  	_ =	shalt  }
0x79: {  	_ =	shalt  }
0x7a: {  	_ =	shalt  }
0x7b: {  	_ =	shalt  }
0x7c: {  	_ =	shalt  }
0x7d: {  	_ =	shalt  }
0x7e: {  	_ =	shalt  }
0x7f: {  	_ =	shalt  }
0x80: {  	_ =	shalt  }
0x81: {  	_ =	shalt  }
0x82: {  	_ =	shalt  }
0x83: {  	_ =	shalt  }
0x84: {  	_ =	shalt  }
0x85: {  	_ =	shalt  }
0x86: {  	_ =	shalt  }
0x87: {  	_ =	shalt  }
.Lfunc_end0:
.L_simem_size_0:
called_computation_lowered:
.L_overlay_start_0:
0x88: {  	s2 =	sld [smem:$0x3FD9]  }
0x89: {  	s3 =	sld [smem:$0x3FFE];
	_ =	sdelay $0x1  }
0x8a: {  	s1 =	srdreg.scid  }
0x8b: {  	s0 =	sand.u32 $0x1, s1  }
0x8c: {  	s18 =	sshll.u32 s0, $0xA;
	s2 =	sadd.s32 s3, s2  }
0x8d: {  	s2 =	sadd.s32 s2, s18  }
0x8e: {  	[smem:$0x3FC5] =	sst s2  }
0x8f: {  	_ = 	snop  }
0x90: {  	s2 =	sld [smem:$0x3FC8]  }
0x91: {  	s19 =	sld [smem:$0x3FC7]  }
0x92: {  	s4 =	sld [smem:$0x3FD0];
	(tm) =	ssettm $0x1  }
0x93: {  	s5 =	sld [smem:$0x3FFB];
	_ =	sdelay $0x3  }
0x94: {  	_ =	strace s5  }
0x95: {  	s5 =	sld [smem:$0x3FFC];
	_ =	sdelay $0x3  }
0x96: {  	_ =	strace s5  }
0x97: {  	s5 =	sld [smem:$0x3FFD];
	_ =	sdelay $0x3  }
0x98: {  	_ =	strace s5  }
0x99: {  	_ =	strace $0x8FFFFFFF  }
0x9a: {  	s20 =	sld [smem:$0x3FDB];
	_ =	sdelay $0x1  }
0x9b: {  	s6 =	simm.s32 $_scs_section_size  }
0x9c: {  	s7 =	simm.s32 $_size__tile_overlayer_lowered;
	s8 =	simm.s32 $_tile_overlayer_lowered  }
0x9d: {  	s23 =	simm.s32 $0x1BFF;
	s22 =	sshll.u32 s8, $0x1;
	s5 =	sadd.s32 s6, s20  }
0x9e: {  	s9 =	simm.s32 $0x0;
	s21 =	sshll.u32 s7, $0x1;
	s7 =	sadd.s32 s22, s5  }
0x9f: {  	[timem:s9], [sflag:s23] =	dma.local [hbm:s7], s21  }
0xa0: {  	_ =	swait.ge [sflag:s23], s21  }
0xa1: {  	s6 =	ssub.s32 $0x0, s21;
	[sflag:s23] =	ssyncset.done $0x0  }
0xa2: {  	[sflag:s23] =	ssyncadd.s32 s6;
	_ =	sdelay $0x1  }
0xa3: {  	s24 =	simm.s32 $0x1B8B  }
0xa4: {  	_ =	swait.ge [sflag:s24], $0x1  }
0xa5: {  	[sflag:s24] =	ssyncset.done $0x0  }
0xa6: {  	s25 =	simm.s32 $0x1B8E;
	[sflag:s24] =	ssyncadd.s32 $0xFFFFFFFF  }
0xa7: {  	s26 =	simm.s32 $execute0_lowered;
	[smem:$0x3FD2] =	sst s25  }
0xa8: {  	s6 =	sshll.u32 s26, $0x1;
	_ =	strace $0x80000046;
	[dreg:$0x1] =	wrdreg $0xFFFFFFFF  }
0xa9: {  	s28 =	simm.s32 $_size_execute0_lowered;
	s5 =	sadd.s32 s5, s6;
	[dreg:$0x0] =	wrdreg $0x0  }
0xaa: {  	s6 =	sshll.u32 s28, $0x1;
	[dreg:$0x2] =	wrdreg s5  }
0xab: {  	[dreg:$0x3] =	wrdreg s6  }
0xac: {  	[dreg:$0x4] =	wrdreg $0xC0  }
0xad: {  	_ =	task [dreg:s9], $0x5FFFF  }
0xae: {  	[dreg:$0x1] =	wrdreg $0xFFFFFFFF  }
0xaf: {  	[dreg:$0x0] =	wrdreg $0x60  }
0xb0: {  	[dreg:$0x2] =	wrdreg s2  }
0xb1: {  	[dreg:$0x3] =	wrdreg s19  }
0xb2: {  	[dreg:$0x4] =	wrdreg s4  }
0xb3: {  	[dreg:$0x5] =	wrdreg $0x9  }
0xb4: {  	_ =	task.clear_ibuf [dreg:s9], $0x6FFFF;
	_ =	strace $0x90000046  }
0xb5: {  	s29 =	simm.s32 $0x9;
	_ =	strace $0x80000048  }
0xb6: {  	_ =	swait.ge [sflag:s29], $0x1  }
0xb7: {  	[sflag:s29] =	ssyncadd.s32 $0xFFFFFFFF  }
0xb8: {  	_ =	strace $0x90000048  }
0xb9: {  	_ =	sfence  }
0xba: {  	s30 =	sld [smem:$0x0];
	_ =	sdelay $0x2  }
0xbb: {  	s31 =	sshll.u32 s1, $0xD;
	s1 =	sshrl.u32 s1, $0x2  }
0xbc: {  	s3 =	sand.u32 $0x4000, s31;
	s1 =	sadd.s32 s1, s30  }
0xbd: {  	s0 =	sor.u32 s3, s0;
	s1 =	sshll.u32 s1, $0x11  }
0xbe: {  	s0 =	sor.u32 s1, s0  }
0xbf: {  	s0 =	sadd.s32 $0x8F2B, s0  }
0xc0: {  	[sflag:s0] =	ssyncadd.remote.s32 $0x1  }
0xc1: {  	_ =	sfence.sel $0xFFFF  }
0xc2: {  	[dreg:$0x0] =	wrdreg $0xFFFFFFFF;
	(pc) =	sbr.abs _section_cstart, $3  }
0xc3: {  	[dreg:$0x1] =	wrdreg $0xFFFFFFFF  }
0xc4: {  	_ =	task.clear_ibuf [dreg:s9], $0x2FFFF;
	_ =	strace $0x9FFFFFFF  }
0xc5: {  	(tm) =	ssettm $0x7FFFFFFF  }
tec
execute0_lowered:
.L_overlay_start_1:
0x0: {  	(tag) =	ssettag $0x1  }
0x1: {  	s4 =	rddreg [dreg:$0x0]  }
0x2: {  	s1 =	srdreg.scid;
	s2 =	rddreg [dreg:$0x1]  }
0x3: {  	s0 =	stileid.u32;
	s8 =	rddreg [dreg:$0x2];
	s6 =	sand.u32 $0x1, s1  }
0x4: {  	s3 =	simm.s32 $0x0;
	s5 =	sshll.u32 s0, $0x8;
	s7 =	sshll.u32 s6, $0x7  }
0x5: {  	[smem:$0x7FF] =	sst s3;
	s9 =	sor.u32 s7, s5  }
0x6: {  	s1 =	rddreg [dreg:$0x3];
	_ =	strace $0x80000047;
	s5 =	sshrl.u32 s9, $0x3  }
0x7: {  	s10 =	ssub.s32 $0x2, s6;
	s5 =	sadd.s32 s4, s5;
	s4 =	simm.s32 $0x2  }
0x8: {  	[tilespmem:s3], [sflag:$0x2] =	stream.linear.gather [hbm4b:s5+s3], $0x80, $0x38;
	[tilespmem:$0x4080] =	vst v63  }
0x9: {  	s11 =	sshrl.u32 s10, $0x1;
	_ =	swait.ge [sflag:s4], $0x80  }
0xa: {  	s6 =	simm.s32 $0x80;
	s10 =	ssub.s32 s10, s11;
	[sflag:s4] =	ssyncset.done $0x0  }
0xb: {  	s7 =	simm.s32 $0x1;
	s31 =	smax.u32 s10, $0x1;
	[sflag:s4] =	ssyncadd.s32 $0xFFFFFF80  }
0xc: {  	[tilespmem:s6], [sflag:$0x1] =	stream.indirect.gather [hbm4b:s2+s6], $0x80, s3, s6, $0xb8;
	[tilespmem:$0x4080] =	vst v63  }
0xd: {  	p0 =	sne.s32 s31, $0x1;
	_ =	swait.ge [sflag:s7], $0x4000  }
.Ltmp0:
0xe: {  	s9 =	sshll.u32 s9, $0x4;
	[sflag:s7] =	ssyncset.done $0x0;
	(pc) =	sbr.rel @!p0 .LBB2_2-.Ltmp0, $4  }
0xf: {  	s8 =	sadd.s32 s8, s9;
	[sflag:s7] =	ssyncadd.s32 $0xFFFFC000  }
0x10: {  	[hbm4b:s8+s3] =	stream.linear.scatter [tilespmem:s6], [sflag:$0x2], $0x4000, $0x38;
	[tilespmem:$0x4080] =	vst v63  }
0x11: {  	_ =	swait.ge [sflag:s4], $0x4000  }
0x12: {  	s9 =	sadd.s32 $0xFFFFFFFF, s31;
	[sflag:s4] =	ssyncset.done $0x0  }
.LBB2_1:
0x13: {  	p0 =	sne.s32 s9, $0x1;
	s9 =	sadd.s32 $0xFFFFFFFF, s9;
	[sflag:s4] =	ssyncadd.s32 $0xFFFFC000  }
0x14: {  	[tilespmem:s3], [sflag:$0x2] =	stream.linear.gather [hbm4b:s5+s3], $0x80, $0x38;
	[tilespmem:$0x4080] =	vst v63  }
0x15: {  	_ =	swait.ge [sflag:s4], $0x80  }
0x16: {  	[sflag:s4] =	ssyncset.done $0x0  }
0x17: {  	[sflag:s4] =	ssyncadd.s32 $0xFFFFFF80  }
0x18: {  	[tilespmem:s6], [sflag:$0x1] =	stream.indirect.gather [hbm4b:s2+s6], $0x80, s3, s6, $0xb8;
	[tilespmem:$0x4080] =	vst v63  }
0x19: {  	_ =	swait.ge [sflag:s7], $0x4000  }
.Ltmp1:
0x1a: {  	[sflag:s7] =	ssyncset.done $0x0;
	(pc) =	sbr.rel @p0 .LBB2_1-.Ltmp1, $4  }
0x1b: {  	[sflag:s7] =	ssyncadd.s32 $0xFFFFC000  }
0x1c: {  	[hbm4b:s8+s3] =	stream.linear.scatter [tilespmem:s6], [sflag:$0x2], $0x4000, $0x38;
	[tilespmem:$0x4080] =	vst v63  }
0x1d: {  	_ =	swait.ge [sflag:s4], $0x4000  }
0x1e: {  	[sflag:s4] =	ssyncset.done $0x0  }
.LBB2_2:
0x1f: {  	[sflag:s4] =	ssyncadd.s32 $0xFFFFC000  }
0x20: {  	_ =	sfence.sel $0x180000  }
0x21: {  	[bflag:$0x0] =	sbarrier.arrive $0xFFFF  }
0x22: {  	p0 =	sne.s32 s0, $0x0;
	_ =	strace $0x90000047  }
0x23: {  	s0 =	sadd.s32 @!p0 $0x100000, s1;
	[bflag:$0x2] =	sbarrier.arrive $0xFFFF  }
0x24: {  	[sflag:s0] =	ssyncadd.tile.s32 @!p0 $0x1;
	_ =	shalt  }
.Lfunc_end2:
_tile_overlayer_lowered:
.L_overlay_start_2:
0x25: {  	(tag) =	ssettag $0x2  }
0x26: {  	s0 =	rddreg [dreg:$0x0];
	s2 =	stileid.u32  }
0x27: {  	s1 =	rddreg [dreg:$0x1];
	p0 =	sne.s32 s2, $0x0  }
0x28: {  	s3 =	rddreg [dreg:$0x2];
	[bflag:$0x3] =	sbarrier.arrive $0xFFFF;
	s2 =	simm.s32 @!p0 $0x1C02  }
0x29: {  	[timem:s3], [sflag:s2] =	dma.local @!p0 [hbm:s0], s1  }
0x2a: {  	s0 =	simm.s32 @!p0 $0x2  }
0x2b: {  	_ =	swait.ge @!p0 [sflag:s0], s1  }
0x2c: {  	s1 =	ssub.s32 @!p0 $0x0, s1;
	[sflag:s0] =	ssyncset.done @!p0 $0x0  }
0x2d: {  	[sflag:s0] =	ssyncadd.s32 @!p0 s1  }
0x2e: {  	[bflag:$0x3] =	sbarrier.arrive $0xFFFF  }
0x2f: {  	_ =	shalt  }

</sc_bundles>
